<compile_context>
chip_gen: v7x
topology: tpu7x:2x2x1
jax: 0.10.2.dev20260603
libtpu: 0.0.44.dev20260713+nightly
codegen_flags: <defaults>
</compile_context>

<pallas_src>
import jax
import jax.numpy as jnp
from jax import lax
from jax.experimental import pallas as pl
from jax.experimental.pallas import tpu as pltpu
from jax.experimental.pallas import tpu_sc as plsc

VOCAB = 1000000
DIM = 32
B = 4096
L = 200

_INFO = plsc.get_sparse_core_info()
_NC, _NS = _INFO.num_cores, _INFO.num_subcores
_NW = _NC * _NS
_BATCH = 128
_NCHUNK = 8
_LPC = L // _NCHUNK


def _gather_tr_body(ids_hbm, table_hbm, re_hbm, im_hbm, idx_v, rows_v, tr_v, sem):
    wid = lax.axis_index("s") * _NC + lax.axis_index("c")
    b0 = wid * _BATCH
    pltpu.sync_copy(ids_hbm.at[:, pl.ds(b0, _BATCH)], idx_v)

    def lstep(l, carry):
        pltpu.async_copy(table_hbm.at[idx_v.at[l]], rows_v, sem).wait()

        iota = lax.iota(jnp.int32, 16)

        @plsc.parallel_loop(0, 2 * DIM, unroll=4)
        def tstep(d):
            col_idx = iota * 0 + d
            for k in range(8):
                v = plsc.load_gather(rows_v, [k * 16 + iota, col_idx])
                tr_v[d, pl.ds(k * 16, 16)] = v

        pltpu.sync_copy(tr_v.at[pl.ds(0, DIM)], re_hbm.at[l, :, pl.ds(b0, _BATCH)])
        pltpu.sync_copy(tr_v.at[pl.ds(DIM, DIM)], im_hbm.at[l, :, pl.ds(b0, _BATCH)])
        return carry

    lax.fori_loop(0, _LPC, lstep, 0)


def _sc_chunk(ids_t_chunk, table):
    mesh = plsc.VectorSubcoreMesh(core_axis_name="c", subcore_axis_name="s")
    return pl.kernel(
        _gather_tr_body,
        out_type=(
            jax.ShapeDtypeStruct((_LPC, DIM, B), jnp.float32),
            jax.ShapeDtypeStruct((_LPC, DIM, B), jnp.float32),
        ),
        mesh=mesh,
        scratch_types=[
            pltpu.VMEM((_LPC, _BATCH), jnp.int32),
            pltpu.VMEM((_BATCH, 2 * DIM), jnp.float32),
            pltpu.VMEM((2 * DIM, _BATCH), jnp.float32),
            pltpu.SemaphoreType.DMA,
        ],
        compiler_params=pltpu.CompilerParams(use_tc_tiling_on_sc=False, needs_layout_passes=False),
    )(ids_t_chunk, table)


def kernel(ids, table):
    ids_t = ids.T
    outs = []
    for i in range(_NCHUNK):
        idc = ids_t[i * _LPC : (i + 1) * _LPC]
        if i >= 2:
            idc, _ = lax.optimization_barrier((idc, outs[i - 2]))
        re_t, im_t = _sc_chunk(idc, table)
        re = re_t.transpose(2, 0, 1)
        im = im_t.transpose(2, 0, 1)
        c = lax.complex(re, im)
        (c,) = lax.optimization_barrier((c,))
        outs.append(c)
    return jnp.concatenate(outs, axis=1)

# --- scband reference (transcript-rebuilt; emitter-appended) ---
"""Pipeline reference for scband-token-embedding-9938554323650 (READ-ONLY COPY).

The authoritative reference and input builder live on the scoring server;
editing this copy changes nothing except your own understanding.
"""

import jax, jax.numpy as jnp
import numpy as np

VOCAB = 1000000
DIM = 32
B = 4096
L = 200


def setup_inputs(seed: int = 0) -> dict:
    key = jax.random.key(seed)
    k_ids, k_tab = jax.random.split(key)
    ids = jax.random.randint(k_ids, (B, L), 0, VOCAB, dtype=jnp.int32)
    # nn.Embedding weight: [vocab_size, dim * 2]
    table = jax.random.normal(k_tab, (VOCAB, DIM * 2), dtype=jnp.float32) * 0.02
    return {"ids": ids, "table": table}


def reference(ids, table):
    # emb = self.embed(ids)
    emb = jnp.take(table, ids, axis=0)  # [B, L, 2*DIM]
    # return emb[..., :dim] + 1j * emb[..., dim:]
    out = emb[..., :DIM] + 1j * emb[..., DIM:]
    return out

if __name__ == "__main__":
    import jax
    _d = setup_inputs()
    print(jax.jit(kernel)(*tuple(_d.values())))

</pallas_src>

<mosaic_0001>
#map = affine_map<(d0, d1) -> (0, 0)>
#map1 = affine_map<(d0, d1) -> (0, 0, 0)>
module attributes {stable_mosaic.version = 14 : i64} {
  func.func @_gather_tr_body(%arg0: i32, %arg1: i32, %arg2: memref<25x4096xi32, #tpu.memory_space<hbm>>, %arg3: memref<1000000x64xf32, #tpu.memory_space<hbm>>, %arg4: memref<25x32x4096xf32, #tpu.memory_space<hbm>>, %arg5: memref<25x32x4096xf32, #tpu.memory_space<hbm>>, %arg6: memref<25x128xi32, #tpu.memory_space<vmem>>, %arg7: memref<128x64xf32, #tpu.memory_space<vmem>>, %arg8: memref<64x128xf32, #tpu.memory_space<vmem>>, %arg9: memref<!tpu.dma_semaphore, #tpu.memory_space<semaphore_mem>>) attributes {dimension_semantics = [#tpu.dimension_semantics<core_parallel>, #tpu.dimension_semantics<subcore_parallel>], iteration_bounds = array<i64: 2, 16>, scalar_prefetch = 0 : i64, scratch_operands = 4 : i64, tpu.core_type = #tpu.core_type<sc_vector_subcore>, window_params = [{transform_indices = #map}, {transform_indices = #map}, {transform_indices = #map1}, {transform_indices = #map1}]} {
    %mul3A = arith.constant 2 : i32
    %mul3A_0 = arith.muli %arg1, %mul3A : i32
    %add3A = arith.addi %mul3A_0, %arg0 : i32
    %mul3A_1 = arith.constant 128 : i32
    %mul3A_2 = arith.muli %add3A, %mul3A_1 : i32
    "tpu.region"() ({
      %run_scoped3A = tpu.sem_alloc : memref<!tpu.dma_semaphore, #tpu.memory_space<semaphore_mem>>
      %dma_start3A = arith.constant 0 : i32
      %dma_start3A_8 = tpu.memref_slice %arg2[%dma_start3A, %mul3A_2] : memref<25x4096xi32, #tpu.memory_space<hbm>> -> memref<25x128xi32, #tpu.memory_space<hbm>>
      %dma_start3A_9 = arith.constant 0 : i32
      %dma_start3A_10 = tpu.memref_slice %arg2[%dma_start3A_9, %mul3A_2] : memref<25x4096xi32, #tpu.memory_space<hbm>> -> memref<25x128xi32, #tpu.memory_space<hbm>>
      tpu.enqueue_dma source(%dma_start3A_10 : memref<25x128xi32, #tpu.memory_space<hbm>>) target(%arg6 : memref<25x128xi32, #tpu.memory_space<vmem>>) target_semaphore(%run_scoped3A : memref<!tpu.dma_semaphore, #tpu.memory_space<semaphore_mem>>)
      %dma_wait3A = arith.constant 0 : i32
      %dma_wait3A_11 = tpu.memref_slice %arg2[%dma_wait3A, %mul3A_2] : memref<25x4096xi32, #tpu.memory_space<hbm>> -> memref<25x128xi32, #tpu.memory_space<hbm>>
      %dma_wait3A_12 = arith.constant 0 : i32
      %dma_wait3A_13 = tpu.memref_slice %arg2[%dma_wait3A_12, %mul3A_2] : memref<25x4096xi32, #tpu.memory_space<hbm>> -> memref<25x128xi32, #tpu.memory_space<hbm>>
      tpu.wait_dma2 semaphore(%run_scoped3A : memref<!tpu.dma_semaphore, #tpu.memory_space<semaphore_mem>>) src(%dma_wait3A_13 : memref<25x128xi32, #tpu.memory_space<hbm>>) dst(%arg6 : memref<25x128xi32, #tpu.memory_space<vmem>>)
      tpu.yield
    }) : () -> ()
    %scan3A = arith.constant 0 : i32
    %scan3A_3 = arith.constant 0 : i32
    %scan3A_4 = arith.constant 25 : i32
    %scan3A_5 = arith.addi %scan3A_3, %scan3A_4 : i32
    %scan3A_6 = arith.constant 1 : i32
    scf.for %scan3A_8 = %scan3A_3 to %scan3A_5 step %scan3A_6  : i32 {
      %dma_start3A = arith.constant 0 : i32
      %dma_start3A_9 = tpu.memref_slice %arg6[%scan3A_8, %dma_start3A] : memref<25x128xi32, #tpu.memory_space<vmem>> -> memref<1x128xi32, #tpu.memory_space<vmem>>
      %dma_start3A_10 = tpu.memref_squeeze %dma_start3A_9 : memref<1x128xi32, #tpu.memory_space<vmem>> -> memref<128xi32, #tpu.memory_space<vmem>>
      %dma_start3A_11 = arith.constant 0 : i32
      %dma_start3A_12 = arith.constant 0 : i32
      %dma_start3A_13 = tpu.memref_slice %arg3[%dma_start3A_11, %dma_start3A_12] : memref<1000000x64xf32, #tpu.memory_space<hbm>> -> memref<1000000x64xf32, #tpu.memory_space<hbm>>
      tpu.enqueue_indirect_dma source(%dma_start3A_13 : memref<1000000x64xf32, #tpu.memory_space<hbm>>) target(%arg7 : memref<128x64xf32, #tpu.memory_space<vmem>>) offsets(%dma_start3A_10 : memref<128xi32, #tpu.memory_space<vmem>>) semaphore(%arg9 : memref<!tpu.dma_semaphore, #tpu.memory_space<semaphore_mem>>)
      %dma_wait3A = arith.constant 0 : i32
      %dma_wait3A_14 = tpu.memref_slice %arg6[%scan3A_8, %dma_wait3A] : memref<25x128xi32, #tpu.memory_space<vmem>> -> memref<1x128xi32, #tpu.memory_space<vmem>>
      %dma_wait3A_15 = tpu.memref_squeeze %dma_wait3A_14 : memref<1x128xi32, #tpu.memory_space<vmem>> -> memref<128xi32, #tpu.memory_space<vmem>>
      %dma_wait3A_16 = arith.constant 0 : i32
      %dma_wait3A_17 = arith.constant 0 : i32
      %dma_wait3A_18 = tpu.memref_slice %arg3[%dma_wait3A_16, %dma_wait3A_17] : memref<1000000x64xf32, #tpu.memory_space<hbm>> -> memref<1000000x64xf32, #tpu.memory_space<hbm>>
      tpu.wait_indirect_dma semaphore(%arg9 : memref<!tpu.dma_semaphore, #tpu.memory_space<semaphore_mem>>) src(%dma_wait3A_18 : memref<1000000x64xf32, #tpu.memory_space<hbm>>) dst(%arg7 : memref<128x64xf32, #tpu.memory_space<vmem>>)
      %iota3A = tpu.iota {dimensions = array<i32: 0>} : vector<16xi32>
      %parallel_loop3A = arith.constant 0 : i32
      %parallel_loop3A_19 = arith.constant 64 : i32
      %parallel_loop3A_20 = arith.constant 1 : i32
      scf.for %parallel_loop3A_21 = %parallel_loop3A to %parallel_loop3A_19 step %parallel_loop3A_20  : i32 {
        %parallel_loop3A_22 = arith.constant 0 : i32
        %parallel_loop3A_23 = vector.broadcast %parallel_loop3A_22 : i32 to vector<16xi32>
        %parallel_loop3A_24 = arith.muli %iota3A, %parallel_loop3A_23 : vector<16xi32>
        %parallel_loop3A_25 = vector.broadcast %parallel_loop3A_21 : i32 to vector<16xi32>
        %parallel_loop3A_26 = arith.addi %parallel_loop3A_24, %parallel_loop3A_25 : vector<16xi32>
        %parallel_loop3A_27 = arith.constant 0 : i32
        %parallel_loop3A_28 = vector.broadcast %parallel_loop3A_27 : i32 to vector<16xi32>
        %parallel_loop3A_29 = arith.addi %parallel_loop3A_28, %iota3A : vector<16xi32>
        %parallel_loop3A_30 = tpu.vector_load_idx %arg7[%parallel_loop3A_29, %parallel_loop3A_26] : memref<128x64xf32, #tpu.memory_space<vmem>>[vector<16xi32>, vector<16xi32>], vector<16xf32>,
        %parallel_loop3A_31 = arith.index_cast %parallel_loop3A_21 : i32 to index
        %parallel_loop3A_32 = arith.constant 0 : index
        %parallel_loop3A_33 = tpu.vector_load %arg8[%parallel_loop3A_31, %parallel_loop3A_32] {strides = array<i32>} : memref<64x128xf32, #tpu.memory_space<vmem>>, vector<16xf32>,
        tpu.vector_store %arg8[%parallel_loop3A_31, %parallel_loop3A_32], %parallel_loop3A_30 {strides = array<i32>} : memref<64x128xf32, #tpu.memory_space<vmem>>, vector<16xf32>,
        %parallel_loop3A_34 = arith.constant 16 : i32
        %parallel_loop3A_35 = vector.broadcast %parallel_loop3A_34 : i32 to vector<16xi32>
        %parallel_loop3A_36 = arith.addi %parallel_loop3A_35, %iota3A : vector<16xi32>
        %parallel_loop3A_37 = tpu.vector_load_idx %arg7[%parallel_loop3A_36, %parallel_loop3A_26] : memref<128x64xf32, #tpu.memory_space<vmem>>[vector<16xi32>, vector<16xi32>], vector<16xf32>,
        %parallel_loop3A_38 = arith.index_cast %parallel_loop3A_21 : i32 to index
        %parallel_loop3A_39 = arith.constant 16 : index
        %parallel_loop3A_40 = tpu.vector_load %arg8[%parallel_loop3A_38, %parallel_loop3A_39] {strides = array<i32>} : memref<64x128xf32, #tpu.memory_space<vmem>>, vector<16xf32>,
        tpu.vector_store %arg8[%parallel_loop3A_38, %parallel_loop3A_39], %parallel_loop3A_37 {strides = array<i32>} : memref<64x128xf32, #tpu.memory_space<vmem>>, vector<16xf32>,
        %parallel_loop3A_41 = arith.constant 32 : i32
        %parallel_loop3A_42 = vector.broadcast %parallel_loop3A_41 : i32 to vector<16xi32>
        %parallel_loop3A_43 = arith.addi %parallel_loop3A_42, %iota3A : vector<16xi32>
        %parallel_loop3A_44 = tpu.vector_load_idx %arg7[%parallel_loop3A_43, %parallel_loop3A_26] : memref<128x64xf32, #tpu.memory_space<vmem>>[vector<16xi32>, vector<16xi32>], vector<16xf32>,
        %parallel_loop3A_45 = arith.index_cast %parallel_loop3A_21 : i32 to index
        %parallel_loop3A_46 = arith.constant 32 : index
        %parallel_loop3A_47 = tpu.vector_load %arg8[%parallel_loop3A_45, %parallel_loop3A_46] {strides = array<i32>} : memref<64x128xf32, #tpu.memory_space<vmem>>, vector<16xf32>,
        tpu.vector_store %arg8[%parallel_loop3A_45, %parallel_loop3A_46], %parallel_loop3A_44 {strides = array<i32>} : memref<64x128xf32, #tpu.memory_space<vmem>>, vector<16xf32>,
        %parallel_loop3A_48 = arith.constant 48 : i32
        %parallel_loop3A_49 = vector.broadcast %parallel_loop3A_48 : i32 to vector<16xi32>
        %parallel_loop3A_50 = arith.addi %parallel_loop3A_49, %iota3A : vector<16xi32>
        %parallel_loop3A_51 = tpu.vector_load_idx %arg7[%parallel_loop3A_50, %parallel_loop3A_26] : memref<128x64xf32, #tpu.memory_space<vmem>>[vector<16xi32>, vector<16xi32>], vector<16xf32>,
        %parallel_loop3A_52 = arith.index_cast %parallel_loop3A_21 : i32 to index
        %parallel_loop3A_53 = arith.constant 48 : index
        %parallel_loop3A_54 = tpu.vector_load %arg8[%parallel_loop3A_52, %parallel_loop3A_53] {strides = array<i32>} : memref<64x128xf32, #tpu.memory_space<vmem>>, vector<16xf32>,
        tpu.vector_store %arg8[%parallel_loop3A_52, %parallel_loop3A_53], %parallel_loop3A_51 {strides = array<i32>} : memref<64x128xf32, #tpu.memory_space<vmem>>, vector<16xf32>,
        %parallel_loop3A_55 = arith.constant 64 : i32
        %parallel_loop3A_56 = vector.broadcast %parallel_loop3A_55 : i32 to vector<16xi32>
        %parallel_loop3A_57 = arith.addi %parallel_loop3A_56, %iota3A : vector<16xi32>
        %parallel_loop3A_58 = tpu.vector_load_idx %arg7[%parallel_loop3A_57, %parallel_loop3A_26] : memref<128x64xf32, #tpu.memory_space<vmem>>[vector<16xi32>, vector<16xi32>], vector<16xf32>,
        %parallel_loop3A_59 = arith.index_cast %parallel_loop3A_21 : i32 to index
        %parallel_loop3A_60 = arith.constant 64 : index
        %parallel_loop3A_61 = tpu.vector_load %arg8[%parallel_loop3A_59, %parallel_loop3A_60] {strides = array<i32>} : memref<64x128xf32, #tpu.memory_space<vmem>>, vector<16xf32>,
        tpu.vector_store %arg8[%parallel_loop3A_59, %parallel_loop3A_60], %parallel_loop3A_58 {strides = array<i32>} : memref<64x128xf32, #tpu.memory_space<vmem>>, vector<16xf32>,
        %parallel_loop3A_62 = arith.constant 80 : i32
        %parallel_loop3A_63 = vector.broadcast %parallel_loop3A_62 : i32 to vector<16xi32>
        %parallel_loop3A_64 = arith.addi %parallel_loop3A_63, %iota3A : vector<16xi32>
        %parallel_loop3A_65 = tpu.vector_load_idx %arg7[%parallel_loop3A_64, %parallel_loop3A_26] : memref<128x64xf32, #tpu.memory_space<vmem>>[vector<16xi32>, vector<16xi32>], vector<16xf32>,
        %parallel_loop3A_66 = arith.index_cast %parallel_loop3A_21 : i32 to index
        %parallel_loop3A_67 = arith.constant 80 : index
        %parallel_loop3A_68 = tpu.vector_load %arg8[%parallel_loop3A_66, %parallel_loop3A_67] {strides = array<i32>} : memref<64x128xf32, #tpu.memory_space<vmem>>, vector<16xf32>,
        tpu.vector_store %arg8[%parallel_loop3A_66, %parallel_loop3A_67], %parallel_loop3A_65 {strides = array<i32>} : memref<64x128xf32, #tpu.memory_space<vmem>>, vector<16xf32>,
        %parallel_loop3A_69 = arith.constant 96 : i32
        %parallel_loop3A_70 = vector.broadcast %parallel_loop3A_69 : i32 to vector<16xi32>
        %parallel_loop3A_71 = arith.addi %parallel_loop3A_70, %iota3A : vector<16xi32>
        %parallel_loop3A_72 = tpu.vector_load_idx %arg7[%parallel_loop3A_71, %parallel_loop3A_26] : memref<128x64xf32, #tpu.memory_space<vmem>>[vector<16xi32>, vector<16xi32>], vector<16xf32>,
        %parallel_loop3A_73 = arith.index_cast %parallel_loop3A_21 : i32 to index
        %parallel_loop3A_74 = arith.constant 96 : index
        %parallel_loop3A_75 = tpu.vector_load %arg8[%parallel_loop3A_73, %parallel_loop3A_74] {strides = array<i32>} : memref<64x128xf32, #tpu.memory_space<vmem>>, vector<16xf32>,
        tpu.vector_store %arg8[%parallel_loop3A_73, %parallel_loop3A_74], %parallel_loop3A_72 {strides = array<i32>} : memref<64x128xf32, #tpu.memory_space<vmem>>, vector<16xf32>,
        %parallel_loop3A_76 = arith.constant 112 : i32
        %parallel_loop3A_77 = vector.broadcast %parallel_loop3A_76 : i32 to vector<16xi32>
        %parallel_loop3A_78 = arith.addi %parallel_loop3A_77, %iota3A : vector<16xi32>
        %parallel_loop3A_79 = tpu.vector_load_idx %arg7[%parallel_loop3A_78, %parallel_loop3A_26] : memref<128x64xf32, #tpu.memory_space<vmem>>[vector<16xi32>, vector<16xi32>], vector<16xf32>,
        %parallel_loop3A_80 = arith.index_cast %parallel_loop3A_21 : i32 to index
        %parallel_loop3A_81 = arith.constant 112 : index
        %parallel_loop3A_82 = tpu.vector_load %arg8[%parallel_loop3A_80, %parallel_loop3A_81] {strides = array<i32>} : memref<64x128xf32, #tpu.memory_space<vmem>>, vector<16xf32>,
        tpu.vector_store %arg8[%parallel_loop3A_80, %parallel_loop3A_81], %parallel_loop3A_79 {strides = array<i32>} : memref<64x128xf32, #tpu.memory_space<vmem>>, vector<16xf32>,
      } {sc.loop_unroll_factor = 4 : i64, sc.parallel_access}
      "tpu.region"() ({
        %run_scoped3A = tpu.sem_alloc : memref<!tpu.dma_semaphore, #tpu.memory_space<semaphore_mem>>
        %dma_start3A_21 = arith.constant 0 : i32
        %dma_start3A_22 = arith.constant 0 : i32
        %dma_start3A_23 = tpu.memref_slice %arg8[%dma_start3A_21, %dma_start3A_22] : memref<64x128xf32, #tpu.memory_space<vmem>> -> memref<32x128xf32, #tpu.memory_space<vmem>>
        %dma_start3A_24 = arith.constant 0 : i32
        %dma_start3A_25 = tpu.memref_slice %arg4[%scan3A_8, %dma_start3A_24, %mul3A_2] : memref<25x32x4096xf32, #tpu.memory_space<hbm>> -> memref<1x32x128xf32, #tpu.memory_space<hbm>>
        %dma_start3A_26 = tpu.memref_squeeze %dma_start3A_25 : memref<1x32x128xf32, #tpu.memory_space<hbm>> -> memref<32x128xf32, #tpu.memory_space<hbm>>
        %dma_start3A_27 = arith.constant 0 : i32
        %dma_start3A_28 = tpu.memref_slice %arg4[%scan3A_8, %dma_start3A_27, %mul3A_2] : memref<25x32x4096xf32, #tpu.memory_space<hbm>> -> memref<1x32x128xf32, #tpu.memory_space<hbm>>
        %dma_start3A_29 = tpu.memref_squeeze %dma_start3A_28 : memref<1x32x128xf32, #tpu.memory_space<hbm>> -> memref<32x128xf32, #tpu.memory_space<hbm>>
        %dma_start3A_30 = arith.constant 0 : i32
        %dma_start3A_31 = arith.constant 0 : i32
        %dma_start3A_32 = tpu.memref_slice %arg8[%dma_start3A_30, %dma_start3A_31] : memref<64x128xf32, #tpu.memory_space<vmem>> -> memref<32x128xf32, #tpu.memory_space<vmem>>
        tpu.enqueue_dma source(%dma_start3A_32 : memref<32x128xf32, #tpu.memory_space<vmem>>) target(%dma_start3A_29 : memref<32x128xf32, #tpu.memory_space<hbm>>) target_semaphore(%run_scoped3A : memref<!tpu.dma_semaphore, #tpu.memory_space<semaphore_mem>>)
        %dma_wait3A_33 = arith.constant 0 : i32
        %dma_wait3A_34 = arith.constant 0 : i32
        %dma_wait3A_35 = tpu.memref_slice %arg8[%dma_wait3A_33, %dma_wait3A_34] : memref<64x128xf32, #tpu.memory_space<vmem>> -> memref<32x128xf32, #tpu.memory_space<vmem>>
        %dma_wait3A_36 = arith.constant 0 : i32
        %dma_wait3A_37 = tpu.memref_slice %arg4[%scan3A_8, %dma_wait3A_36, %mul3A_2] : memref<25x32x4096xf32, #tpu.memory_space<hbm>> -> memref<1x32x128xf32, #tpu.memory_space<hbm>>
        %dma_wait3A_38 = tpu.memref_squeeze %dma_wait3A_37 : memref<1x32x128xf32, #tpu.memory_space<hbm>> -> memref<32x128xf32, #tpu.memory_space<hbm>>
        %dma_wait3A_39 = arith.constant 0 : i32
        %dma_wait3A_40 = tpu.memref_slice %arg4[%scan3A_8, %dma_wait3A_39, %mul3A_2] : memref<25x32x4096xf32, #tpu.memory_space<hbm>> -> memref<1x32x128xf32, #tpu.memory_space<hbm>>
        %dma_wait3A_41 = tpu.memref_squeeze %dma_wait3A_40 : memref<1x32x128xf32, #tpu.memory_space<hbm>> -> memref<32x128xf32, #tpu.memory_space<hbm>>
        %dma_wait3A_42 = arith.constant 0 : i32
        %dma_wait3A_43 = arith.constant 0 : i32
        %dma_wait3A_44 = tpu.memref_slice %arg8[%dma_wait3A_42, %dma_wait3A_43] : memref<64x128xf32, #tpu.memory_space<vmem>> -> memref<32x128xf32, #tpu.memory_space<vmem>>
        tpu.wait_dma2 semaphore(%run_scoped3A : memref<!tpu.dma_semaphore, #tpu.memory_space<semaphore_mem>>) src(%dma_wait3A_44 : memref<32x128xf32, #tpu.memory_space<vmem>>) dst(%dma_wait3A_41 : memref<32x128xf32, #tpu.memory_space<hbm>>)
        tpu.yield
      }) : () -> ()
      "tpu.region"() ({
        %run_scoped3A = tpu.sem_alloc : memref<!tpu.dma_semaphore, #tpu.memory_space<semaphore_mem>>
        %dma_start3A_21 = arith.constant 32 : i32
        %dma_start3A_22 = arith.constant 0 : i32
        %dma_start3A_23 = tpu.memref_slice %arg8[%dma_start3A_21, %dma_start3A_22] : memref<64x128xf32, #tpu.memory_space<vmem>> -> memref<32x128xf32, #tpu.memory_space<vmem>>
        %dma_start3A_24 = arith.constant 0 : i32
        %dma_start3A_25 = tpu.memref_slice %arg5[%scan3A_8, %dma_start3A_24, %mul3A_2] : memref<25x32x4096xf32, #tpu.memory_space<hbm>> -> memref<1x32x128xf32, #tpu.memory_space<hbm>>
        %dma_start3A_26 = tpu.memref_squeeze %dma_start3A_25 : memref<1x32x128xf32, #tpu.memory_space<hbm>> -> memref<32x128xf32, #tpu.memory_space<hbm>>
        %dma_start3A_27 = arith.constant 0 : i32
        %dma_start3A_28 = tpu.memref_slice %arg5[%scan3A_8, %dma_start3A_27, %mul3A_2] : memref<25x32x4096xf32, #tpu.memory_space<hbm>> -> memref<1x32x128xf32, #tpu.memory_space<hbm>>
        %dma_start3A_29 = tpu.memref_squeeze %dma_start3A_28 : memref<1x32x128xf32, #tpu.memory_space<hbm>> -> memref<32x128xf32, #tpu.memory_space<hbm>>
        %dma_start3A_30 = arith.constant 32 : i32
        %dma_start3A_31 = arith.constant 0 : i32
        %dma_start3A_32 = tpu.memref_slice %arg8[%dma_start3A_30, %dma_start3A_31] : memref<64x128xf32, #tpu.memory_space<vmem>> -> memref<32x128xf32, #tpu.memory_space<vmem>>
        tpu.enqueue_dma source(%dma_start3A_32 : memref<32x128xf32, #tpu.memory_space<vmem>>) target(%dma_start3A_29 : memref<32x128xf32, #tpu.memory_space<hbm>>) target_semaphore(%run_scoped3A : memref<!tpu.dma_semaphore, #tpu.memory_space<semaphore_mem>>)
        %dma_wait3A_33 = arith.constant 32 : i32
        %dma_wait3A_34 = arith.constant 0 : i32
        %dma_wait3A_35 = tpu.memref_slice %arg8[%dma_wait3A_33, %dma_wait3A_34] : memref<64x128xf32, #tpu.memory_space<vmem>> -> memref<32x128xf32, #tpu.memory_space<vmem>>
        %dma_wait3A_36 = arith.constant 0 : i32
        %dma_wait3A_37 = tpu.memref_slice %arg5[%scan3A_8, %dma_wait3A_36, %mul3A_2] : memref<25x32x4096xf32, #tpu.memory_space<hbm>> -> memref<1x32x128xf32, #tpu.memory_space<hbm>>
        %dma_wait3A_38 = tpu.memref_squeeze %dma_wait3A_37 : memref<1x32x128xf32, #tpu.memory_space<hbm>> -> memref<32x128xf32, #tpu.memory_space<hbm>>
        %dma_wait3A_39 = arith.constant 0 : i32
        %dma_wait3A_40 = tpu.memref_slice %arg5[%scan3A_8, %dma_wait3A_39, %mul3A_2] : memref<25x32x4096xf32, #tpu.memory_space<hbm>> -> memref<1x32x128xf32, #tpu.memory_space<hbm>>
        %dma_wait3A_41 = tpu.memref_squeeze %dma_wait3A_40 : memref<1x32x128xf32, #tpu.memory_space<hbm>> -> memref<32x128xf32, #tpu.memory_space<hbm>>
        %dma_wait3A_42 = arith.constant 32 : i32
        %dma_wait3A_43 = arith.constant 0 : i32
        %dma_wait3A_44 = tpu.memref_slice %arg8[%dma_wait3A_42, %dma_wait3A_43] : memref<64x128xf32, #tpu.memory_space<vmem>> -> memref<32x128xf32, #tpu.memory_space<vmem>>
        tpu.wait_dma2 semaphore(%run_scoped3A : memref<!tpu.dma_semaphore, #tpu.memory_space<semaphore_mem>>) src(%dma_wait3A_44 : memref<32x128xf32, #tpu.memory_space<vmem>>) dst(%dma_wait3A_41 : memref<32x128xf32, #tpu.memory_space<hbm>>)
        tpu.yield
      }) : () -> ()
    }
    %scan3A_7 = arith.constant 25 : i32
    return
  }
}

#map = affine_map<(d0, d1) -> (0, 0)>
#map1 = affine_map<(d0, d1) -> (0, 0, 0)>
module attributes {stable_mosaic.version = 14 : i64} {
  func.func @_gather_tr_body(%arg0: i32, %arg1: i32, %arg2: memref<25x4096xi32, #tpu.memory_space<hbm>>, %arg3: memref<1000000x64xf32, #tpu.memory_space<hbm>>, %arg4: memref<25x32x4096xf32, #tpu.memory_space<hbm>>, %arg5: memref<25x32x4096xf32, #tpu.memory_space<hbm>>, %arg6: memref<25x128xi32, #tpu.memory_space<vmem>>, %arg7: memref<128x64xf32, #tpu.memory_space<vmem>>, %arg8: memref<64x128xf32, #tpu.memory_space<vmem>>, %arg9: memref<!tpu.dma_semaphore, #tpu.memory_space<semaphore_mem>>) attributes {dimension_semantics = [#tpu.dimension_semantics<core_parallel>, #tpu.dimension_semantics<subcore_parallel>], iteration_bounds = array<i64: 2, 16>, scalar_prefetch = 0 : i64, scratch_operands = 4 : i64, tpu.core_type = #tpu.core_type<sc_vector_subcore>, window_params = [{transform_indices = #map}, {transform_indices = #map}, {transform_indices = #map1}, {transform_indices = #map1}]} {
    %mul3A = arith.constant 2 : i32
    %mul3A_0 = arith.muli %arg1, %mul3A : i32
    %add3A = arith.addi %mul3A_0, %arg0 : i32
    %mul3A_1 = arith.constant 128 : i32
    %mul3A_2 = arith.muli %add3A, %mul3A_1 : i32
    "tpu.region"() ({
      %run_scoped3A = tpu.sem_alloc : memref<!tpu.dma_semaphore, #tpu.memory_space<semaphore_mem>>
      %dma_start3A = arith.constant 0 : i32
      %dma_start3A_8 = tpu.memref_slice %arg2[%dma_start3A, %mul3A_2] : memref<25x4096xi32, #tpu.memory_space<hbm>> -> memref<25x128xi32, #tpu.memory_space<hbm>>
      %dma_start3A_9 = arith.constant 0 : i32
      %dma_start3A_10 = tpu.memref_slice %arg2[%dma_start3A_9, %mul3A_2] : memref<25x4096xi32, #tpu.memory_space<hbm>> -> memref<25x128xi32, #tpu.memory_space<hbm>>
      tpu.enqueue_dma source(%dma_start3A_10 : memref<25x128xi32, #tpu.memory_space<hbm>>) target(%arg6 : memref<25x128xi32, #tpu.memory_space<vmem>>) target_semaphore(%run_scoped3A : memref<!tpu.dma_semaphore, #tpu.memory_space<semaphore_mem>>)
      %dma_wait3A = arith.constant 0 : i32
      %dma_wait3A_11 = tpu.memref_slice %arg2[%dma_wait3A, %mul3A_2] : memref<25x4096xi32, #tpu.memory_space<hbm>> -> memref<25x128xi32, #tpu.memory_space<hbm>>
      %dma_wait3A_12 = arith.constant 0 : i32
      %dma_wait3A_13 = tpu.memref_slice %arg2[%dma_wait3A_12, %mul3A_2] : memref<25x4096xi32, #tpu.memory_space<hbm>> -> memref<25x128xi32, #tpu.memory_space<hbm>>
      tpu.wait_dma2 semaphore(%run_scoped3A : memref<!tpu.dma_semaphore, #tpu.memory_space<semaphore_mem>>) src(%dma_wait3A_13 : memref<25x128xi32, #tpu.memory_space<hbm>>) dst(%arg6 : memref<25x128xi32, #tpu.memory_space<vmem>>)
      tpu.yield
    }) : () -> ()
    %scan3A = arith.constant 0 : i32
    %scan3A_3 = arith.constant 0 : i32
    %scan3A_4 = arith.constant 25 : i32
    %scan3A_5 = arith.addi %scan3A_3, %scan3A_4 : i32
    %scan3A_6 = arith.constant 1 : i32
    scf.for %scan3A_8 = %scan3A_3 to %scan3A_5 step %scan3A_6  : i32 {
      %dma_start3A = arith.constant 0 : i32
      %dma_start3A_9 = tpu.memref_slice %arg6[%scan3A_8, %dma_start3A] : memref<25x128xi32, #tpu.memory_space<vmem>> -> memref<1x128xi32, #tpu.memory_space<vmem>>
      %dma_start3A_10 = tpu.memref_squeeze %dma_start3A_9 : memref<1x128xi32, #tpu.memory_space<vmem>> -> memref<128xi32, #tpu.memory_space<vmem>>
      %dma_start3A_11 = arith.constant 0 : i32
      %dma_start3A_12 = arith.constant 0 : i32
      %dma_start3A_13 = tpu.memref_slice %arg3[%dma_start3A_11, %dma_start3A_12] : memref<1000000x64xf32, #tpu.memory_space<hbm>> -> memref<1000000x64xf32, #tpu.memory_space<hbm>>
      tpu.enqueue_indirect_dma source(%dma_start3A_13 : memref<1000000x64xf32, #tpu.memory_space<hbm>>) target(%arg7 : memref<128x64xf32, #tpu.memory_space<vmem>>) offsets(%dma_start3A_10 : memref<128xi32, #tpu.memory_space<vmem>>) semaphore(%arg9 : memref<!tpu.dma_semaphore, #tpu.memory_space<semaphore_mem>>)
      %dma_wait3A = arith.constant 0 : i32
      %dma_wait3A_14 = tpu.memref_slice %arg6[%scan3A_8, %dma_wait3A] : memref<25x128xi32, #tpu.memory_space<vmem>> -> memref<1x128xi32, #tpu.memory_space<vmem>>
      %dma_wait3A_15 = tpu.memref_squeeze %dma_wait3A_14 : memref<1x128xi32, #tpu.memory_space<vmem>> -> memref<128xi32, #tpu.memory_space<vmem>>
      %dma_wait3A_16 = arith.constant 0 : i32
      %dma_wait3A_17 = arith.constant 0 : i32
      %dma_wait3A_18 = tpu.memref_slice %arg3[%dma_wait3A_16, %dma_wait3A_17] : memref<1000000x64xf32, #tpu.memory_space<hbm>> -> memref<1000000x64xf32, #tpu.memory_space<hbm>>
      tpu.wait_indirect_dma semaphore(%arg9 : memref<!tpu.dma_semaphore, #tpu.memory_space<semaphore_mem>>) src(%dma_wait3A_18 : memref<1000000x64xf32, #tpu.memory_space<hbm>>) dst(%arg7 : memref<128x64xf32, #tpu.memory_space<vmem>>)
      %iota3A = tpu.iota {dimensions = array<i32: 0>} : vector<16xi32>
      %parallel_loop3A = arith.constant 0 : i32
      %parallel_loop3A_19 = arith.constant 64 : i32
      %parallel_loop3A_20 = arith.constant 1 : i32
      scf.for %parallel_loop3A_21 = %parallel_loop3A to %parallel_loop3A_19 step %parallel_loop3A_20  : i32 {
        %parallel_loop3A_22 = arith.constant 0 : i32
        %parallel_loop3A_23 = vector.broadcast %parallel_loop3A_22 : i32 to vector<16xi32>
        %parallel_loop3A_24 = arith.muli %iota3A, %parallel_loop3A_23 : vector<16xi32>
        %parallel_loop3A_25 = vector.broadcast %parallel_loop3A_21 : i32 to vector<16xi32>
        %parallel_loop3A_26 = arith.addi %parallel_loop3A_24, %parallel_loop3A_25 : vector<16xi32>
        %parallel_loop3A_27 = arith.constant 0 : i32
        %parallel_loop3A_28 = vector.broadcast %parallel_loop3A_27 : i32 to vector<16xi32>
        %parallel_loop3A_29 = arith.addi %parallel_loop3A_28, %iota3A : vector<16xi32>
        %parallel_loop3A_30 = tpu.vector_load_idx %arg7[%parallel_loop3A_29, %parallel_loop3A_26] : memref<128x64xf32, #tpu.memory_space<vmem>>[vector<16xi32>, vector<16xi32>], vector<16xf32>,
        %parallel_loop3A_31 = arith.index_cast %parallel_loop3A_21 : i32 to index
        %parallel_loop3A_32 = arith.constant 0 : index
        %parallel_loop3A_33 = tpu.vector_load %arg8[%parallel_loop3A_31, %parallel_loop3A_32] {strides = array<i32>} : memref<64x128xf32, #tpu.memory_space<vmem>>, vector<16xf32>,
        tpu.vector_store %arg8[%parallel_loop3A_31, %parallel_loop3A_32], %parallel_loop3A_30 {strides = array<i32>} : memref<64x128xf32, #tpu.memory_space<vmem>>, vector<16xf32>,
        %parallel_loop3A_34 = arith.constant 16 : i32
        %parallel_loop3A_35 = vector.broadcast %parallel_loop3A_34 : i32 to vector<16xi32>
        %parallel_loop3A_36 = arith.addi %parallel_loop3A_35, %iota3A : vector<16xi32>
        %parallel_loop3A_37 = tpu.vector_load_idx %arg7[%parallel_loop3A_36, %parallel_loop3A_26] : memref<128x64xf32, #tpu.memory_space<vmem>>[vector<16xi32>, vector<16xi32>], vector<16xf32>,
        %parallel_loop3A_38 = arith.index_cast %parallel_loop3A_21 : i32 to index
        %parallel_loop3A_39 = arith.constant 16 : index
        %parallel_loop3A_40 = tpu.vector_load %arg8[%parallel_loop3A_38, %parallel_loop3A_39] {strides = array<i32>} : memref<64x128xf32, #tpu.memory_space<vmem>>, vector<16xf32>,
        tpu.vector_store %arg8[%parallel_loop3A_38, %parallel_loop3A_39], %parallel_loop3A_37 {strides = array<i32>} : memref<64x128xf32, #tpu.memory_space<vmem>>, vector<16xf32>,
        %parallel_loop3A_41 = arith.constant 32 : i32
        %parallel_loop3A_42 = vector.broadcast %parallel_loop3A_41 : i32 to vector<16xi32>
        %parallel_loop3A_43 = arith.addi %parallel_loop3A_42, %iota3A : vector<16xi32>
        %parallel_loop3A_44 = tpu.vector_load_idx %arg7[%parallel_loop3A_43, %parallel_loop3A_26] : memref<128x64xf32, #tpu.memory_space<vmem>>[vector<16xi32>, vector<16xi32>], vector<16xf32>,
        %parallel_loop3A_45 = arith.index_cast %parallel_loop3A_21 : i32 to index
        %parallel_loop3A_46 = arith.constant 32 : index
        %parallel_loop3A_47 = tpu.vector_load %arg8[%parallel_loop3A_45, %parallel_loop3A_46] {strides = array<i32>} : memref<64x128xf32, #tpu.memory_space<vmem>>, vector<16xf32>,
        tpu.vector_store %arg8[%parallel_loop3A_45, %parallel_loop3A_46], %parallel_loop3A_44 {strides = array<i32>} : memref<64x128xf32, #tpu.memory_space<vmem>>, vector<16xf32>,
        %parallel_loop3A_48 = arith.constant 48 : i32
        %parallel_loop3A_49 = vector.broadcast %parallel_loop3A_48 : i32 to vector<16xi32>
        %parallel_loop3A_50 = arith.addi %parallel_loop3A_49, %iota3A : vector<16xi32>
        %parallel_loop3A_51 = tpu.vector_load_idx %arg7[%parallel_loop3A_50, %parallel_loop3A_26] : memref<128x64xf32, #tpu.memory_space<vmem>>[vector<16xi32>, vector<16xi32>], vector<16xf32>,
        %parallel_loop3A_52 = arith.index_cast %parallel_loop3A_21 : i32 to index
        %parallel_loop3A_53 = arith.constant 48 : index
        %parallel_loop3A_54 = tpu.vector_load %arg8[%parallel_loop3A_52, %parallel_loop3A_53] {strides = array<i32>} : memref<64x128xf32, #tpu.memory_space<vmem>>, vector<16xf32>,
        tpu.vector_store %arg8[%parallel_loop3A_52, %parallel_loop3A_53], %parallel_loop3A_51 {strides = array<i32>} : memref<64x128xf32, #tpu.memory_space<vmem>>, vector<16xf32>,
        %parallel_loop3A_55 = arith.constant 64 : i32
        %parallel_loop3A_56 = vector.broadcast %parallel_loop3A_55 : i32 to vector<16xi32>
        %parallel_loop3A_57 = arith.addi %parallel_loop3A_56, %iota3A : vector<16xi32>
        %parallel_loop3A_58 = tpu.vector_load_idx %arg7[%parallel_loop3A_57, %parallel_loop3A_26] : memref<128x64xf32, #tpu.memory_space<vmem>>[vector<16xi32>, vector<16xi32>], vector<16xf32>,
        %parallel_loop3A_59 = arith.index_cast %parallel_loop3A_21 : i32 to index
        %parallel_loop3A_60 = arith.constant 64 : index
        %parallel_loop3A_61 = tpu.vector_load %arg8[%parallel_loop3A_59, %parallel_loop3A_60] {strides = array<i32>} : memref<64x128xf32, #tpu.memory_space<vmem>>, vector<16xf32>,
        tpu.vector_store %arg8[%parallel_loop3A_59, %parallel_loop3A_60], %parallel_loop3A_58 {strides = array<i32>} : memref<64x128xf32, #tpu.memory_space<vmem>>, vector<16xf32>,
        %parallel_loop3A_62 = arith.constant 80 : i32
        %parallel_loop3A_63 = vector.broadcast %parallel_loop3A_62 : i32 to vector<16xi32>
        %parallel_loop3A_64 = arith.addi %parallel_loop3A_63, %iota3A : vector<16xi32>
        %parallel_loop3A_65 = tpu.vector_load_idx %arg7[%parallel_loop3A_64, %parallel_loop3A_26] : memref<128x64xf32, #tpu.memory_space<vmem>>[vector<16xi32>, vector<16xi32>], vector<16xf32>,
        %parallel_loop3A_66 = arith.index_cast %parallel_loop3A_21 : i32 to index
        %parallel_loop3A_67 = arith.constant 80 : index
        %parallel_loop3A_68 = tpu.vector_load %arg8[%parallel_loop3A_66, %parallel_loop3A_67] {strides = array<i32>} : memref<64x128xf32, #tpu.memory_space<vmem>>, vector<16xf32>,
        tpu.vector_store %arg8[%parallel_loop3A_66, %parallel_loop3A_67], %parallel_loop3A_65 {strides = array<i32>} : memref<64x128xf32, #tpu.memory_space<vmem>>, vector<16xf32>,
        %parallel_loop3A_69 = arith.constant 96 : i32
        %parallel_loop3A_70 = vector.broadcast %parallel_loop3A_69 : i32 to vector<16xi32>
        %parallel_loop3A_71 = arith.addi %parallel_loop3A_70, %iota3A : vector<16xi32>
        %parallel_loop3A_72 = tpu.vector_load_idx %arg7[%parallel_loop3A_71, %parallel_loop3A_26] : memref<128x64xf32, #tpu.memory_space<vmem>>[vector<16xi32>, vector<16xi32>], vector<16xf32>,
        %parallel_loop3A_73 = arith.index_cast %parallel_loop3A_21 : i32 to index
        %parallel_loop3A_74 = arith.constant 96 : index
        %parallel_loop3A_75 = tpu.vector_load %arg8[%parallel_loop3A_73, %parallel_loop3A_74] {strides = array<i32>} : memref<64x128xf32, #tpu.memory_space<vmem>>, vector<16xf32>,
        tpu.vector_store %arg8[%parallel_loop3A_73, %parallel_loop3A_74], %parallel_loop3A_72 {strides = array<i32>} : memref<64x128xf32, #tpu.memory_space<vmem>>, vector<16xf32>,
        %parallel_loop3A_76 = arith.constant 112 : i32
        %parallel_loop3A_77 = vector.broadcast %parallel_loop3A_76 : i32 to vector<16xi32>
        %parallel_loop3A_78 = arith.addi %parallel_loop3A_77, %iota3A : vector<16xi32>
        %parallel_loop3A_79 = tpu.vector_load_idx %arg7[%parallel_loop3A_78, %parallel_loop3A_26] : memref<128x64xf32, #tpu.memory_space<vmem>>[vector<16xi32>, vector<16xi32>], vector<16xf32>,
        %parallel_loop3A_80 = arith.index_cast %parallel_loop3A_21 : i32 to index
        %parallel_loop3A_81 = arith.constant 112 : index
        %parallel_loop3A_82 = tpu.vector_load %arg8[%parallel_loop3A_80, %parallel_loop3A_81] {strides = array<i32>} : memref<64x128xf32, #tpu.memory_space<vmem>>, vector<16xf32>,
        tpu.vector_store %arg8[%parallel_loop3A_80, %parallel_loop3A_81], %parallel_loop3A_79 {strides = array<i32>} : memref<64x128xf32, #tpu.memory_space<vmem>>, vector<16xf32>,
      } {sc.loop_unroll_factor = 4 : i64, sc.parallel_access}
      "tpu.region"() ({
        %run_scoped3A = tpu.sem_alloc : memref<!tpu.dma_semaphore, #tpu.memory_space<semaphore_mem>>
        %dma_start3A_21 = arith.constant 0 : i32
        %dma_start3A_22 = arith.constant 0 : i32
        %dma_start3A_23 = tpu.memref_slice %arg8[%dma_start3A_21, %dma_start3A_22] : memref<64x128xf32, #tpu.memory_space<vmem>> -> memref<32x128xf32, #tpu.memory_space<vmem>>
        %dma_start3A_24 = arith.constant 0 : i32
        %dma_start3A_25 = tpu.memref_slice %arg4[%scan3A_8, %dma_start3A_24, %mul3A_2] : memref<25x32x4096xf32, #tpu.memory_space<hbm>> -> memref<1x32x128xf32, #tpu.memory_space<hbm>>
        %dma_start3A_26 = tpu.memref_squeeze %dma_start3A_25 : memref<1x32x128xf32, #tpu.memory_space<hbm>> -> memref<32x128xf32, #tpu.memory_space<hbm>>
        %dma_start3A_27 = arith.constant 0 : i32
        %dma_start3A_28 = tpu.memref_slice %arg4[%scan3A_8, %dma_start3A_27, %mul3A_2] : memref<25x32x4096xf32, #tpu.memory_space<hbm>> -> memref<1x32x128xf32, #tpu.memory_space<hbm>>
        %dma_start3A_29 = tpu.memref_squeeze %dma_start3A_28 : memref<1x32x128xf32, #tpu.memory_space<hbm>> -> memref<32x128xf32, #tpu.memory_space<hbm>>
        %dma_start3A_30 = arith.constant 0 : i32
        %dma_start3A_31 = arith.constant 0 : i32
        %dma_start3A_32 = tpu.memref_slice %arg8[%dma_start3A_30, %dma_start3A_31] : memref<64x128xf32, #tpu.memory_space<vmem>> -> memref<32x128xf32, #tpu.memory_space<vmem>>
        tpu.enqueue_dma source(%dma_start3A_32 : memref<32x128xf32, #tpu.memory_space<vmem>>) target(%dma_start3A_29 : memref<32x128xf32, #tpu.memory_space<hbm>>) target_semaphore(%run_scoped3A : memref<!tpu.dma_semaphore, #tpu.memory_space<semaphore_mem>>)
        %dma_wait3A_33 = arith.constant 0 : i32
        %dma_wait3A_34 = arith.constant 0 : i32
        %dma_wait3A_35 = tpu.memref_slice %arg8[%dma_wait3A_33, %dma_wait3A_34] : memref<64x128xf32, #tpu.memory_space<vmem>> -> memref<32x128xf32, #tpu.memory_space<vmem>>
        %dma_wait3A_36 = arith.constant 0 : i32
        %dma_wait3A_37 = tpu.memref_slice %arg4[%scan3A_8, %dma_wait3A_36, %mul3A_2] : memref<25x32x4096xf32, #tpu.memory_space<hbm>> -> memref<1x32x128xf32, #tpu.memory_space<hbm>>
        %dma_wait3A_38 = tpu.memref_squeeze %dma_wait3A_37 : memref<1x32x128xf32, #tpu.memory_space<hbm>> -> memref<32x128xf32, #tpu.memory_space<hbm>>
        %dma_wait3A_39 = arith.constant 0 : i32
        %dma_wait3A_40 = tpu.memref_slice %arg4[%scan3A_8, %dma_wait3A_39, %mul3A_2] : memref<25x32x4096xf32, #tpu.memory_space<hbm>> -> memref<1x32x128xf32, #tpu.memory_space<hbm>>
        %dma_wait3A_41 = tpu.memref_squeeze %dma_wait3A_40 : memref<1x32x128xf32, #tpu.memory_space<hbm>> -> memref<32x128xf32, #tpu.memory_space<hbm>>
        %dma_wait3A_42 = arith.constant 0 : i32
        %dma_wait3A_43 = arith.constant 0 : i32
        %dma_wait3A_44 = tpu.memref_slice %arg8[%dma_wait3A_42, %dma_wait3A_43] : memref<64x128xf32, #tpu.memory_space<vmem>> -> memref<32x128xf32, #tpu.memory_space<vmem>>
        tpu.wait_dma2 semaphore(%run_scoped3A : memref<!tpu.dma_semaphore, #tpu.memory_space<semaphore_mem>>) src(%dma_wait3A_44 : memref<32x128xf32, #tpu.memory_space<vmem>>) dst(%dma_wait3A_41 : memref<32x128xf32, #tpu.memory_space<hbm>>)
        tpu.yield
      }) : () -> ()
      "tpu.region"() ({
        %run_scoped3A = tpu.sem_alloc : memref<!tpu.dma_semaphore, #tpu.memory_space<semaphore_mem>>
        %dma_start3A_21 = arith.constant 32 : i32
        %dma_start3A_22 = arith.constant 0 : i32
        %dma_start3A_23 = tpu.memref_slice %arg8[%dma_start3A_21, %dma_start3A_22] : memref<64x128xf32, #tpu.memory_space<vmem>> -> memref<32x128xf32, #tpu.memory_space<vmem>>
        %dma_start3A_24 = arith.constant 0 : i32
        %dma_start3A_25 = tpu.memref_slice %arg5[%scan3A_8, %dma_start3A_24, %mul3A_2] : memref<25x32x4096xf32, #tpu.memory_space<hbm>> -> memref<1x32x128xf32, #tpu.memory_space<hbm>>
        %dma_start3A_26 = tpu.memref_squeeze %dma_start3A_25 : memref<1x32x128xf32, #tpu.memory_space<hbm>> -> memref<32x128xf32, #tpu.memory_space<hbm>>
        %dma_start3A_27 = arith.constant 0 : i32
        %dma_start3A_28 = tpu.memref_slice %arg5[%scan3A_8, %dma_start3A_27, %mul3A_2] : memref<25x32x4096xf32, #tpu.memory_space<hbm>> -> memref<1x32x128xf32, #tpu.memory_space<hbm>>
        %dma_start3A_29 = tpu.memref_squeeze %dma_start3A_28 : memref<1x32x128xf32, #tpu.memory_space<hbm>> -> memref<32x128xf32, #tpu.memory_space<hbm>>
        %dma_start3A_30 = arith.constant 32 : i32
        %dma_start3A_31 = arith.constant 0 : i32
        %dma_start3A_32 = tpu.memref_slice %arg8[%dma_start3A_30, %dma_start3A_31] : memref<64x128xf32, #tpu.memory_space<vmem>> -> memref<32x128xf32, #tpu.memory_space<vmem>>
        tpu.enqueue_dma source(%dma_start3A_32 : memref<32x128xf32, #tpu.memory_space<vmem>>) target(%dma_start3A_29 : memref<32x128xf32, #tpu.memory_space<hbm>>) target_semaphore(%run_scoped3A : memref<!tpu.dma_semaphore, #tpu.memory_space<semaphore_mem>>)
        %dma_wait3A_33 = arith.constant 32 : i32
        %dma_wait3A_34 = arith.constant 0 : i32
        %dma_wait3A_35 = tpu.memref_slice %arg8[%dma_wait3A_33, %dma_wait3A_34] : memref<64x128xf32, #tpu.memory_space<vmem>> -> memref<32x128xf32, #tpu.memory_space<vmem>>
        %dma_wait3A_36 = arith.constant 0 : i32
        %dma_wait3A_37 = tpu.memref_slice %arg5[%scan3A_8, %dma_wait3A_36, %mul3A_2] : memref<25x32x4096xf32, #tpu.memory_space<hbm>> -> memref<1x32x128xf32, #tpu.memory_space<hbm>>
        %dma_wait3A_38 = tpu.memref_squeeze %dma_wait3A_37 : memref<1x32x128xf32, #tpu.memory_space<hbm>> -> memref<32x128xf32, #tpu.memory_space<hbm>>
        %dma_wait3A_39 = arith.constant 0 : i32
        %dma_wait3A_40 = tpu.memref_slice %arg5[%scan3A_8, %dma_wait3A_39, %mul3A_2] : memref<25x32x4096xf32, #tpu.memory_space<hbm>> -> memref<1x32x128xf32, #tpu.memory_space<hbm>>
        %dma_wait3A_41 = tpu.memref_squeeze %dma_wait3A_40 : memref<1x32x128xf32, #tpu.memory_space<hbm>> -> memref<32x128xf32, #tpu.memory_space<hbm>>
        %dma_wait3A_42 = arith.constant 32 : i32
        %dma_wait3A_43 = arith.constant 0 : i32
        %dma_wait3A_44 = tpu.memref_slice %arg8[%dma_wait3A_42, %dma_wait3A_43] : memref<64x128xf32, #tpu.memory_space<vmem>> -> memref<32x128xf32, #tpu.memory_space<vmem>>
        tpu.wait_dma2 semaphore(%run_scoped3A : memref<!tpu.dma_semaphore, #tpu.memory_space<semaphore_mem>>) src(%dma_wait3A_44 : memref<32x128xf32, #tpu.memory_space<vmem>>) dst(%dma_wait3A_41 : memref<32x128xf32, #tpu.memory_space<hbm>>)
        tpu.yield
      }) : () -> ()
    }
    %scan3A_7 = arith.constant 25 : i32
    return
  }
}

#map = affine_map<(d0, d1) -> (0, 0)>
#map1 = affine_map<(d0, d1) -> (0, 0, 0)>
module attributes {stable_mosaic.version = 14 : i64} {
  func.func @_gather_tr_body(%arg0: i32, %arg1: i32, %arg2: memref<25x4096xi32, #tpu.memory_space<hbm>>, %arg3: memref<1000000x64xf32, #tpu.memory_space<hbm>>, %arg4: memref<25x32x4096xf32, #tpu.memory_space<hbm>>, %arg5: memref<25x32x4096xf32, #tpu.memory_space<hbm>>, %arg6: memref<25x128xi32, #tpu.memory_space<vmem>>, %arg7: memref<128x64xf32, #tpu.memory_space<vmem>>, %arg8: memref<64x128xf32, #tpu.memory_space<vmem>>, %arg9: memref<!tpu.dma_semaphore, #tpu.memory_space<semaphore_mem>>) attributes {dimension_semantics = [#tpu.dimension_semantics<core_parallel>, #tpu.dimension_semantics<subcore_parallel>], iteration_bounds = array<i64: 2, 16>, scalar_prefetch = 0 : i64, scratch_operands = 4 : i64, tpu.core_type = #tpu.core_type<sc_vector_subcore>, window_params = [{transform_indices = #map}, {transform_indices = #map}, {transform_indices = #map1}, {transform_indices = #map1}]} {
    %mul3A = arith.constant 2 : i32
    %mul3A_0 = arith.muli %arg1, %mul3A : i32
    %add3A = arith.addi %mul3A_0, %arg0 : i32
    %mul3A_1 = arith.constant 128 : i32
    %mul3A_2 = arith.muli %add3A, %mul3A_1 : i32
    "tpu.region"() ({
      %run_scoped3A = tpu.sem_alloc : memref<!tpu.dma_semaphore, #tpu.memory_space<semaphore_mem>>
      %dma_start3A = arith.constant 0 : i32
      %dma_start3A_8 = tpu.memref_slice %arg2[%dma_start3A, %mul3A_2] : memref<25x4096xi32, #tpu.memory_space<hbm>> -> memref<25x128xi32, #tpu.memory_space<hbm>>
      %dma_start3A_9 = arith.constant 0 : i32
      %dma_start3A_10 = tpu.memref_slice %arg2[%dma_start3A_9, %mul3A_2] : memref<25x4096xi32, #tpu.memory_space<hbm>> -> memref<25x128xi32, #tpu.memory_space<hbm>>
      tpu.enqueue_dma source(%dma_start3A_10 : memref<25x128xi32, #tpu.memory_space<hbm>>) target(%arg6 : memref<25x128xi32, #tpu.memory_space<vmem>>) target_semaphore(%run_scoped3A : memref<!tpu.dma_semaphore, #tpu.memory_space<semaphore_mem>>)
      %dma_wait3A = arith.constant 0 : i32
      %dma_wait3A_11 = tpu.memref_slice %arg2[%dma_wait3A, %mul3A_2] : memref<25x4096xi32, #tpu.memory_space<hbm>> -> memref<25x128xi32, #tpu.memory_space<hbm>>
      %dma_wait3A_12 = arith.constant 0 : i32
      %dma_wait3A_13 = tpu.memref_slice %arg2[%dma_wait3A_12, %mul3A_2] : memref<25x4096xi32, #tpu.memory_space<hbm>> -> memref<25x128xi32, #tpu.memory_space<hbm>>
      tpu.wait_dma2 semaphore(%run_scoped3A : memref<!tpu.dma_semaphore, #tpu.memory_space<semaphore_mem>>) src(%dma_wait3A_13 : memref<25x128xi32, #tpu.memory_space<hbm>>) dst(%arg6 : memref<25x128xi32, #tpu.memory_space<vmem>>)
      tpu.yield
    }) : () -> ()
    %scan3A = arith.constant 0 : i32
    %scan3A_3 = arith.constant 0 : i32
    %scan3A_4 = arith.constant 25 : i32
    %scan3A_5 = arith.addi %scan3A_3, %scan3A_4 : i32
    %scan3A_6 = arith.constant 1 : i32
    scf.for %scan3A_8 = %scan3A_3 to %scan3A_5 step %scan3A_6  : i32 {
      %dma_start3A = arith.constant 0 : i32
      %dma_start3A_9 = tpu.memref_slice %arg6[%scan3A_8, %dma_start3A] : memref<25x128xi32, #tpu.memory_space<vmem>> -> memref<1x128xi32, #tpu.memory_space<vmem>>
      %dma_start3A_10 = tpu.memref_squeeze %dma_start3A_9 : memref<1x128xi32, #tpu.memory_space<vmem>> -> memref<128xi32, #tpu.memory_space<vmem>>
      %dma_start3A_11 = arith.constant 0 : i32
      %dma_start3A_12 = arith.constant 0 : i32
      %dma_start3A_13 = tpu.memref_slice %arg3[%dma_start3A_11, %dma_start3A_12] : memref<1000000x64xf32, #tpu.memory_space<hbm>> -> memref<1000000x64xf32, #tpu.memory_space<hbm>>
      tpu.enqueue_indirect_dma source(%dma_start3A_13 : memref<1000000x64xf32, #tpu.memory_space<hbm>>) target(%arg7 : memref<128x64xf32, #tpu.memory_space<vmem>>) offsets(%dma_start3A_10 : memref<128xi32, #tpu.memory_space<vmem>>) semaphore(%arg9 : memref<!tpu.dma_semaphore, #tpu.memory_space<semaphore_mem>>)
      %dma_wait3A = arith.constant 0 : i32
      %dma_wait3A_14 = tpu.memref_slice %arg6[%scan3A_8, %dma_wait3A] : memref<25x128xi32, #tpu.memory_space<vmem>> -> memref<1x128xi32, #tpu.memory_space<vmem>>
      %dma_wait3A_15 = tpu.memref_squeeze %dma_wait3A_14 : memref<1x128xi32, #tpu.memory_space<vmem>> -> memref<128xi32, #tpu.memory_space<vmem>>
      %dma_wait3A_16 = arith.constant 0 : i32
      %dma_wait3A_17 = arith.constant 0 : i32
      %dma_wait3A_18 = tpu.memref_slice %arg3[%dma_wait3A_16, %dma_wait3A_17] : memref<1000000x64xf32, #tpu.memory_space<hbm>> -> memref<1000000x64xf32, #tpu.memory_space<hbm>>
      tpu.wait_indirect_dma semaphore(%arg9 : memref<!tpu.dma_semaphore, #tpu.memory_space<semaphore_mem>>) src(%dma_wait3A_18 : memref<1000000x64xf32, #tpu.memory_space<hbm>>) dst(%arg7 : memref<128x64xf32, #tpu.memory_space<vmem>>)
      %iota3A = tpu.iota {dimensions = array<i32: 0>} : vector<16xi32>
      %parallel_loop3A = arith.constant 0 : i32
      %parallel_loop3A_19 = arith.constant 64 : i32
      %parallel_loop3A_20 = arith.constant 1 : i32
      scf.for %parallel_loop3A_21 = %parallel_loop3A to %parallel_loop3A_19 step %parallel_loop3A_20  : i32 {
        %parallel_loop3A_22 = arith.constant 0 : i32
        %parallel_loop3A_23 = vector.broadcast %parallel_loop3A_22 : i32 to vector<16xi32>
        %parallel_loop3A_24 = arith.muli %iota3A, %parallel_loop3A_23 : vector<16xi32>
        %parallel_loop3A_25 = vector.broadcast %parallel_loop3A_21 : i32 to vector<16xi32>
        %parallel_loop3A_26 = arith.addi %parallel_loop3A_24, %parallel_loop3A_25 : vector<16xi32>
        %parallel_loop3A_27 = arith.constant 0 : i32
        %parallel_loop3A_28 = vector.broadcast %parallel_loop3A_27 : i32 to vector<16xi32>
        %parallel_loop3A_29 = arith.addi %parallel_loop3A_28, %iota3A : vector<16xi32>
        %parallel_loop3A_30 = tpu.vector_load_idx %arg7[%parallel_loop3A_29, %parallel_loop3A_26] : memref<128x64xf32, #tpu.memory_space<vmem>>[vector<16xi32>, vector<16xi32>], vector<16xf32>,
        %parallel_loop3A_31 = arith.index_cast %parallel_loop3A_21 : i32 to index
        %parallel_loop3A_32 = arith.constant 0 : index
        %parallel_loop3A_33 = tpu.vector_load %arg8[%parallel_loop3A_31, %parallel_loop3A_32] {strides = array<i32>} : memref<64x128xf32, #tpu.memory_space<vmem>>, vector<16xf32>,
        tpu.vector_store %arg8[%parallel_loop3A_31, %parallel_loop3A_32], %parallel_loop3A_30 {strides = array<i32>} : memref<64x128xf32, #tpu.memory_space<vmem>>, vector<16xf32>,
        %parallel_loop3A_34 = arith.constant 16 : i32
        %parallel_loop3A_35 = vector.broadcast %parallel_loop3A_34 : i32 to vector<16xi32>
        %parallel_loop3A_36 = arith.addi %parallel_loop3A_35, %iota3A : vector<16xi32>
        %parallel_loop3A_37 = tpu.vector_load_idx %arg7[%parallel_loop3A_36, %parallel_loop3A_26] : memref<128x64xf32, #tpu.memory_space<vmem>>[vector<16xi32>, vector<16xi32>], vector<16xf32>,
        %parallel_loop3A_38 = arith.index_cast %parallel_loop3A_21 : i32 to index
        %parallel_loop3A_39 = arith.constant 16 : index
        %parallel_loop3A_40 = tpu.vector_load %arg8[%parallel_loop3A_38, %parallel_loop3A_39] {strides = array<i32>} : memref<64x128xf32, #tpu.memory_space<vmem>>, vector<16xf32>,
        tpu.vector_store %arg8[%parallel_loop3A_38, %parallel_loop3A_39], %parallel_loop3A_37 {strides = array<i32>} : memref<64x128xf32, #tpu.memory_space<vmem>>, vector<16xf32>,
        %parallel_loop3A_41 = arith.constant 32 : i32
        %parallel_loop3A_42 = vector.broadcast %parallel_loop3A_41 : i32 to vector<16xi32>
        %parallel_loop3A_43 = arith.addi %parallel_loop3A_42, %iota3A : vector<16xi32>
        %parallel_loop3A_44 = tpu.vector_load_idx %arg7[%parallel_loop3A_43, %parallel_loop3A_26] : memref<128x64xf32, #tpu.memory_space<vmem>>[vector<16xi32>, vector<16xi32>], vector<16xf32>,
        %parallel_loop3A_45 = arith.index_cast %parallel_loop3A_21 : i32 to index
        %parallel_loop3A_46 = arith.constant 32 : index
        %parallel_loop3A_47 = tpu.vector_load %arg8[%parallel_loop3A_45, %parallel_loop3A_46] {strides = array<i32>} : memref<64x128xf32, #tpu.memory_space<vmem>>, vector<16xf32>,
        tpu.vector_store %arg8[%parallel_loop3A_45, %parallel_loop3A_46], %parallel_loop3A_44 {strides = array<i32>} : memref<64x128xf32, #tpu.memory_space<vmem>>, vector<16xf32>,
        %parallel_loop3A_48 = arith.constant 48 : i32
        %parallel_loop3A_49 = vector.broadcast %parallel_loop3A_48 : i32 to vector<16xi32>
        %parallel_loop3A_50 = arith.addi %parallel_loop3A_49, %iota3A : vector<16xi32>
        %parallel_loop3A_51 = tpu.vector_load_idx %arg7[%parallel_loop3A_50, %parallel_loop3A_26] : memref<128x64xf32, #tpu.memory_space<vmem>>[vector<16xi32>, vector<16xi32>], vector<16xf32>,
        %parallel_loop3A_52 = arith.index_cast %parallel_loop3A_21 : i32 to index
        %parallel_loop3A_53 = arith.constant 48 : index
        %parallel_loop3A_54 = tpu.vector_load %arg8[%parallel_loop3A_52, %parallel_loop3A_53] {strides = array<i32>} : memref<64x128xf32, #tpu.memory_space<vmem>>, vector<16xf32>,
        tpu.vector_store %arg8[%parallel_loop3A_52, %parallel_loop3A_53], %parallel_loop3A_51 {strides = array<i32>} : memref<64x128xf32, #tpu.memory_space<vmem>>, vector<16xf32>,
        %parallel_loop3A_55 = arith.constant 64 : i32
        %parallel_loop3A_56 = vector.broadcast %parallel_loop3A_55 : i32 to vector<16xi32>
        %parallel_loop3A_57 = arith.addi %parallel_loop3A_56, %iota3A : vector<16xi32>
        %parallel_loop3A_58 = tpu.vector_load_idx %arg7[%parallel_loop3A_57, %parallel_loop3A_26] : memref<128x64xf32, #tpu.memory_space<vmem>>[vector<16xi32>, vector<16xi32>], vector<16xf32>,
        %parallel_loop3A_59 = arith.index_cast %parallel_loop3A_21 : i32 to index
        %parallel_loop3A_60 = arith.constant 64 : index
        %parallel_loop3A_61 = tpu.vector_load %arg8[%parallel_loop3A_59, %parallel_loop3A_60] {strides = array<i32>} : memref<64x128xf32, #tpu.memory_space<vmem>>, vector<16xf32>,
        tpu.vector_store %arg8[%parallel_loop3A_59, %parallel_loop3A_60], %parallel_loop3A_58 {strides = array<i32>} : memref<64x128xf32, #tpu.memory_space<vmem>>, vector<16xf32>,
        %parallel_loop3A_62 = arith.constant 80 : i32
        %parallel_loop3A_63 = vector.broadcast %parallel_loop3A_62 : i32 to vector<16xi32>
        %parallel_loop3A_64 = arith.addi %parallel_loop3A_63, %iota3A : vector<16xi32>
        %parallel_loop3A_65 = tpu.vector_load_idx %arg7[%parallel_loop3A_64, %parallel_loop3A_26] : memref<128x64xf32, #tpu.memory_space<vmem>>[vector<16xi32>, vector<16xi32>], vector<16xf32>,
        %parallel_loop3A_66 = arith.index_cast %parallel_loop3A_21 : i32 to index
        %parallel_loop3A_67 = arith.constant 80 : index
        %parallel_loop3A_68 = tpu.vector_load %arg8[%parallel_loop3A_66, %parallel_loop3A_67] {strides = array<i32>} : memref<64x128xf32, #tpu.memory_space<vmem>>, vector<16xf32>,
        tpu.vector_store %arg8[%parallel_loop3A_66, %parallel_loop3A_67], %parallel_loop3A_65 {strides = array<i32>} : memref<64x128xf32, #tpu.memory_space<vmem>>, vector<16xf32>,
        %parallel_loop3A_69 = arith.constant 96 : i32
        %parallel_loop3A_70 = vector.broadcast %parallel_loop3A_69 : i32 to vector<16xi32>
        %parallel_loop3A_71 = arith.addi %parallel_loop3A_70, %iota3A : vector<16xi32>
        %parallel_loop3A_72 = tpu.vector_load_idx %arg7[%parallel_loop3A_71, %parallel_loop3A_26] : memref<128x64xf32, #tpu.memory_space<vmem>>[vector<16xi32>, vector<16xi32>], vector<16xf32>,
        %parallel_loop3A_73 = arith.index_cast %parallel_loop3A_21 : i32 to index
        %parallel_loop3A_74 = arith.constant 96 : index
        %parallel_loop3A_75 = tpu.vector_load %arg8[%parallel_loop3A_73, %parallel_loop3A_74] {strides = array<i32>} : memref<64x128xf32, #tpu.memory_space<vmem>>, vector<16xf32>,
        tpu.vector_store %arg8[%parallel_loop3A_73, %parallel_loop3A_74], %parallel_loop3A_72 {strides = array<i32>} : memref<64x128xf32, #tpu.memory_space<vmem>>, vector<16xf32>,
        %parallel_loop3A_76 = arith.constant 112 : i32
        %parallel_loop3A_77 = vector.broadcast %parallel_loop3A_76 : i32 to vector<16xi32>
        %parallel_loop3A_78 = arith.addi %parallel_loop3A_77, %iota3A : vector<16xi32>
        %parallel_loop3A_79 = tpu.vector_load_idx %arg7[%parallel_loop3A_78, %parallel_loop3A_26] : memref<128x64xf32, #tpu.memory_space<vmem>>[vector<16xi32>, vector<16xi32>], vector<16xf32>,
        %parallel_loop3A_80 = arith.index_cast %parallel_loop3A_21 : i32 to index
        %parallel_loop3A_81 = arith.constant 112 : index
        %parallel_loop3A_82 = tpu.vector_load %arg8[%parallel_loop3A_80, %parallel_loop3A_81] {strides = array<i32>} : memref<64x128xf32, #tpu.memory_space<vmem>>, vector<16xf32>,
        tpu.vector_store %arg8[%parallel_loop3A_80, %parallel_loop3A_81], %parallel_loop3A_79 {strides = array<i32>} : memref<64x128xf32, #tpu.memory_space<vmem>>, vector<16xf32>,
      } {sc.loop_unroll_factor = 4 : i64, sc.parallel_access}
      "tpu.region"() ({
        %run_scoped3A = tpu.sem_alloc : memref<!tpu.dma_semaphore, #tpu.memory_space<semaphore_mem>>
        %dma_start3A_21 = arith.constant 0 : i32
        %dma_start3A_22 = arith.constant 0 : i32
        %dma_start3A_23 = tpu.memref_slice %arg8[%dma_start3A_21, %dma_start3A_22] : memref<64x128xf32, #tpu.memory_space<vmem>> -> memref<32x128xf32, #tpu.memory_space<vmem>>
        %dma_start3A_24 = arith.constant 0 : i32
        %dma_start3A_25 = tpu.memref_slice %arg4[%scan3A_8, %dma_start3A_24, %mul3A_2] : memref<25x32x4096xf32, #tpu.memory_space<hbm>> -> memref<1x32x128xf32, #tpu.memory_space<hbm>>
        %dma_start3A_26 = tpu.memref_squeeze %dma_start3A_25 : memref<1x32x128xf32, #tpu.memory_space<hbm>> -> memref<32x128xf32, #tpu.memory_space<hbm>>
        %dma_start3A_27 = arith.constant 0 : i32
        %dma_start3A_28 = tpu.memref_slice %arg4[%scan3A_8, %dma_start3A_27, %mul3A_2] : memref<25x32x4096xf32, #tpu.memory_space<hbm>> -> memref<1x32x128xf32, #tpu.memory_space<hbm>>
        %dma_start3A_29 = tpu.memref_squeeze %dma_start3A_28 : memref<1x32x128xf32, #tpu.memory_space<hbm>> -> memref<32x128xf32, #tpu.memory_space<hbm>>
        %dma_start3A_30 = arith.constant 0 : i32
        %dma_start3A_31 = arith.constant 0 : i32
        %dma_start3A_32 = tpu.memref_slice %arg8[%dma_start3A_30, %dma_start3A_31] : memref<64x128xf32, #tpu.memory_space<vmem>> -> memref<32x128xf32, #tpu.memory_space<vmem>>
        tpu.enqueue_dma source(%dma_start3A_32 : memref<32x128xf32, #tpu.memory_space<vmem>>) target(%dma_start3A_29 : memref<32x128xf32, #tpu.memory_space<hbm>>) target_semaphore(%run_scoped3A : memref<!tpu.dma_semaphore, #tpu.memory_space<semaphore_mem>>)
        %dma_wait3A_33 = arith.constant 0 : i32
        %dma_wait3A_34 = arith.constant 0 : i32
        %dma_wait3A_35 = tpu.memref_slice %arg8[%dma_wait3A_33, %dma_wait3A_34] : memref<64x128xf32, #tpu.memory_space<vmem>> -> memref<32x128xf32, #tpu.memory_space<vmem>>
        %dma_wait3A_36 = arith.constant 0 : i32
        %dma_wait3A_37 = tpu.memref_slice %arg4[%scan3A_8, %dma_wait3A_36, %mul3A_2] : memref<25x32x4096xf32, #tpu.memory_space<hbm>> -> memref<1x32x128xf32, #tpu.memory_space<hbm>>
        %dma_wait3A_38 = tpu.memref_squeeze %dma_wait3A_37 : memref<1x32x128xf32, #tpu.memory_space<hbm>> -> memref<32x128xf32, #tpu.memory_space<hbm>>
        %dma_wait3A_39 = arith.constant 0 : i32
        %dma_wait3A_40 = tpu.memref_slice %arg4[%scan3A_8, %dma_wait3A_39, %mul3A_2] : memref<25x32x4096xf32, #tpu.memory_space<hbm>> -> memref<1x32x128xf32, #tpu.memory_space<hbm>>
        %dma_wait3A_41 = tpu.memref_squeeze %dma_wait3A_40 : memref<1x32x128xf32, #tpu.memory_space<hbm>> -> memref<32x128xf32, #tpu.memory_space<hbm>>
        %dma_wait3A_42 = arith.constant 0 : i32
        %dma_wait3A_43 = arith.constant 0 : i32
        %dma_wait3A_44 = tpu.memref_slice %arg8[%dma_wait3A_42, %dma_wait3A_43] : memref<64x128xf32, #tpu.memory_space<vmem>> -> memref<32x128xf32, #tpu.memory_space<vmem>>
        tpu.wait_dma2 semaphore(%run_scoped3A : memref<!tpu.dma_semaphore, #tpu.memory_space<semaphore_mem>>) src(%dma_wait3A_44 : memref<32x128xf32, #tpu.memory_space<vmem>>) dst(%dma_wait3A_41 : memref<32x128xf32, #tpu.memory_space<hbm>>)
        tpu.yield
      }) : () -> ()
      "tpu.region"() ({
        %run_scoped3A = tpu.sem_alloc : memref<!tpu.dma_semaphore, #tpu.memory_space<semaphore_mem>>
        %dma_start3A_21 = arith.constant 32 : i32
        %dma_start3A_22 = arith.constant 0 : i32
        %dma_start3A_23 = tpu.memref_slice %arg8[%dma_start3A_21, %dma_start3A_22] : memref<64x128xf32, #tpu.memory_space<vmem>> -> memref<32x128xf32, #tpu.memory_space<vmem>>
        %dma_start3A_24 = arith.constant 0 : i32
        %dma_start3A_25 = tpu.memref_slice %arg5[%scan3A_8, %dma_start3A_24, %mul3A_2] : memref<25x32x4096xf32, #tpu.memory_space<hbm>> -> memref<1x32x128xf32, #tpu.memory_space<hbm>>
        %dma_start3A_26 = tpu.memref_squeeze %dma_start3A_25 : memref<1x32x128xf32, #tpu.memory_space<hbm>> -> memref<32x128xf32, #tpu.memory_space<hbm>>
        %dma_start3A_27 = arith.constant 0 : i32
        %dma_start3A_28 = tpu.memref_slice %arg5[%scan3A_8, %dma_start3A_27, %mul3A_2] : memref<25x32x4096xf32, #tpu.memory_space<hbm>> -> memref<1x32x128xf32, #tpu.memory_space<hbm>>
        %dma_start3A_29 = tpu.memref_squeeze %dma_start3A_28 : memref<1x32x128xf32, #tpu.memory_space<hbm>> -> memref<32x128xf32, #tpu.memory_space<hbm>>
        %dma_start3A_30 = arith.constant 32 : i32
        %dma_start3A_31 = arith.constant 0 : i32
        %dma_start3A_32 = tpu.memref_slice %arg8[%dma_start3A_30, %dma_start3A_31] : memref<64x128xf32, #tpu.memory_space<vmem>> -> memref<32x128xf32, #tpu.memory_space<vmem>>
        tpu.enqueue_dma source(%dma_start3A_32 : memref<32x128xf32, #tpu.memory_space<vmem>>) target(%dma_start3A_29 : memref<32x128xf32, #tpu.memory_space<hbm>>) target_semaphore(%run_scoped3A : memref<!tpu.dma_semaphore, #tpu.memory_space<semaphore_mem>>)
        %dma_wait3A_33 = arith.constant 32 : i32
        %dma_wait3A_34 = arith.constant 0 : i32
        %dma_wait3A_35 = tpu.memref_slice %arg8[%dma_wait3A_33, %dma_wait3A_34] : memref<64x128xf32, #tpu.memory_space<vmem>> -> memref<32x128xf32, #tpu.memory_space<vmem>>
        %dma_wait3A_36 = arith.constant 0 : i32
        %dma_wait3A_37 = tpu.memref_slice %arg5[%scan3A_8, %dma_wait3A_36, %mul3A_2] : memref<25x32x4096xf32, #tpu.memory_space<hbm>> -> memref<1x32x128xf32, #tpu.memory_space<hbm>>
        %dma_wait3A_38 = tpu.memref_squeeze %dma_wait3A_37 : memref<1x32x128xf32, #tpu.memory_space<hbm>> -> memref<32x128xf32, #tpu.memory_space<hbm>>
        %dma_wait3A_39 = arith.constant 0 : i32
        %dma_wait3A_40 = tpu.memref_slice %arg5[%scan3A_8, %dma_wait3A_39, %mul3A_2] : memref<25x32x4096xf32, #tpu.memory_space<hbm>> -> memref<1x32x128xf32, #tpu.memory_space<hbm>>
        %dma_wait3A_41 = tpu.memref_squeeze %dma_wait3A_40 : memref<1x32x128xf32, #tpu.memory_space<hbm>> -> memref<32x128xf32, #tpu.memory_space<hbm>>
        %dma_wait3A_42 = arith.constant 32 : i32
        %dma_wait3A_43 = arith.constant 0 : i32
        %dma_wait3A_44 = tpu.memref_slice %arg8[%dma_wait3A_42, %dma_wait3A_43] : memref<64x128xf32, #tpu.memory_space<vmem>> -> memref<32x128xf32, #tpu.memory_space<vmem>>
        tpu.wait_dma2 semaphore(%run_scoped3A : memref<!tpu.dma_semaphore, #tpu.memory_space<semaphore_mem>>) src(%dma_wait3A_44 : memref<32x128xf32, #tpu.memory_space<vmem>>) dst(%dma_wait3A_41 : memref<32x128xf32, #tpu.memory_space<hbm>>)
        tpu.yield
      }) : () -> ()
    }
    %scan3A_7 = arith.constant 25 : i32
    return
  }
}

#map = affine_map<(d0, d1) -> (0, 0)>
#map1 = affine_map<(d0, d1) -> (0, 0, 0)>
module attributes {stable_mosaic.version = 14 : i64} {
  func.func @_gather_tr_body(%arg0: i32, %arg1: i32, %arg2: memref<25x4096xi32, #tpu.memory_space<hbm>>, %arg3: memref<1000000x64xf32, #tpu.memory_space<hbm>>, %arg4: memref<25x32x4096xf32, #tpu.memory_space<hbm>>, %arg5: memref<25x32x4096xf32, #tpu.memory_space<hbm>>, %arg6: memref<25x128xi32, #tpu.memory_space<vmem>>, %arg7: memref<128x64xf32, #tpu.memory_space<vmem>>, %arg8: memref<64x128xf32, #tpu.memory_space<vmem>>, %arg9: memref<!tpu.dma_semaphore, #tpu.memory_space<semaphore_mem>>) attributes {dimension_semantics = [#tpu.dimension_semantics<core_parallel>, #tpu.dimension_semantics<subcore_parallel>], iteration_bounds = array<i64: 2, 16>, scalar_prefetch = 0 : i64, scratch_operands = 4 : i64, tpu.core_type = #tpu.core_type<sc_vector_subcore>, window_params = [{transform_indices = #map}, {transform_indices = #map}, {transform_indices = #map1}, {transform_indices = #map1}]} {
    %mul3A = arith.constant 2 : i32
    %mul3A_0 = arith.muli %arg1, %mul3A : i32
    %add3A = arith.addi %mul3A_0, %arg0 : i32
    %mul3A_1 = arith.constant 128 : i32
    %mul3A_2 = arith.muli %add3A, %mul3A_1 : i32
    "tpu.region"() ({
      %run_scoped3A = tpu.sem_alloc : memref<!tpu.dma_semaphore, #tpu.memory_space<semaphore_mem>>
      %dma_start3A = arith.constant 0 : i32
      %dma_start3A_8 = tpu.memref_slice %arg2[%dma_start3A, %mul3A_2] : memref<25x4096xi32, #tpu.memory_space<hbm>> -> memref<25x128xi32, #tpu.memory_space<hbm>>
      %dma_start3A_9 = arith.constant 0 : i32
      %dma_start3A_10 = tpu.memref_slice %arg2[%dma_start3A_9, %mul3A_2] : memref<25x4096xi32, #tpu.memory_space<hbm>> -> memref<25x128xi32, #tpu.memory_space<hbm>>
      tpu.enqueue_dma source(%dma_start3A_10 : memref<25x128xi32, #tpu.memory_space<hbm>>) target(%arg6 : memref<25x128xi32, #tpu.memory_space<vmem>>) target_semaphore(%run_scoped3A : memref<!tpu.dma_semaphore, #tpu.memory_space<semaphore_mem>>)
      %dma_wait3A = arith.constant 0 : i32
      %dma_wait3A_11 = tpu.memref_slice %arg2[%dma_wait3A, %mul3A_2] : memref<25x4096xi32, #tpu.memory_space<hbm>> -> memref<25x128xi32, #tpu.memory_space<hbm>>
      %dma_wait3A_12 = arith.constant 0 : i32
      %dma_wait3A_13 = tpu.memref_slice %arg2[%dma_wait3A_12, %mul3A_2] : memref<25x4096xi32, #tpu.memory_space<hbm>> -> memref<25x128xi32, #tpu.memory_space<hbm>>
      tpu.wait_dma2 semaphore(%run_scoped3A : memref<!tpu.dma_semaphore, #tpu.memory_space<semaphore_mem>>) src(%dma_wait3A_13 : memref<25x128xi32, #tpu.memory_space<hbm>>) dst(%arg6 : memref<25x128xi32, #tpu.memory_space<vmem>>)
      tpu.yield
    }) : () -> ()
    %scan3A = arith.constant 0 : i32
    %scan3A_3 = arith.constant 0 : i32
    %scan3A_4 = arith.constant 25 : i32
    %scan3A_5 = arith.addi %scan3A_3, %scan3A_4 : i32
    %scan3A_6 = arith.constant 1 : i32
    scf.for %scan3A_8 = %scan3A_3 to %scan3A_5 step %scan3A_6  : i32 {
      %dma_start3A = arith.constant 0 : i32
      %dma_start3A_9 = tpu.memref_slice %arg6[%scan3A_8, %dma_start3A] : memref<25x128xi32, #tpu.memory_space<vmem>> -> memref<1x128xi32, #tpu.memory_space<vmem>>
      %dma_start3A_10 = tpu.memref_squeeze %dma_start3A_9 : memref<1x128xi32, #tpu.memory_space<vmem>> -> memref<128xi32, #tpu.memory_space<vmem>>
      %dma_start3A_11 = arith.constant 0 : i32
      %dma_start3A_12 = arith.constant 0 : i32
      %dma_start3A_13 = tpu.memref_slice %arg3[%dma_start3A_11, %dma_start3A_12] : memref<1000000x64xf32, #tpu.memory_space<hbm>> -> memref<1000000x64xf32, #tpu.memory_space<hbm>>
      tpu.enqueue_indirect_dma source(%dma_start3A_13 : memref<1000000x64xf32, #tpu.memory_space<hbm>>) target(%arg7 : memref<128x64xf32, #tpu.memory_space<vmem>>) offsets(%dma_start3A_10 : memref<128xi32, #tpu.memory_space<vmem>>) semaphore(%arg9 : memref<!tpu.dma_semaphore, #tpu.memory_space<semaphore_mem>>)
      %dma_wait3A = arith.constant 0 : i32
      %dma_wait3A_14 = tpu.memref_slice %arg6[%scan3A_8, %dma_wait3A] : memref<25x128xi32, #tpu.memory_space<vmem>> -> memref<1x128xi32, #tpu.memory_space<vmem>>
      %dma_wait3A_15 = tpu.memref_squeeze %dma_wait3A_14 : memref<1x128xi32, #tpu.memory_space<vmem>> -> memref<128xi32, #tpu.memory_space<vmem>>
      %dma_wait3A_16 = arith.constant 0 : i32
      %dma_wait3A_17 = arith.constant 0 : i32
      %dma_wait3A_18 = tpu.memref_slice %arg3[%dma_wait3A_16, %dma_wait3A_17] : memref<1000000x64xf32, #tpu.memory_space<hbm>> -> memref<1000000x64xf32, #tpu.memory_space<hbm>>
      tpu.wait_indirect_dma semaphore(%arg9 : memref<!tpu.dma_semaphore, #tpu.memory_space<semaphore_mem>>) src(%dma_wait3A_18 : memref<1000000x64xf32, #tpu.memory_space<hbm>>) dst(%arg7 : memref<128x64xf32, #tpu.memory_space<vmem>>)
      %iota3A = tpu.iota {dimensions = array<i32: 0>} : vector<16xi32>
      %parallel_loop3A = arith.constant 0 : i32
      %parallel_loop3A_19 = arith.constant 64 : i32
      %parallel_loop3A_20 = arith.constant 1 : i32
      scf.for %parallel_loop3A_21 = %parallel_loop3A to %parallel_loop3A_19 step %parallel_loop3A_20  : i32 {
        %parallel_loop3A_22 = arith.constant 0 : i32
        %parallel_loop3A_23 = vector.broadcast %parallel_loop3A_22 : i32 to vector<16xi32>
        %parallel_loop3A_24 = arith.muli %iota3A, %parallel_loop3A_23 : vector<16xi32>
        %parallel_loop3A_25 = vector.broadcast %parallel_loop3A_21 : i32 to vector<16xi32>
        %parallel_loop3A_26 = arith.addi %parallel_loop3A_24, %parallel_loop3A_25 : vector<16xi32>
        %parallel_loop3A_27 = arith.constant 0 : i32
        %parallel_loop3A_28 = vector.broadcast %parallel_loop3A_27 : i32 to vector<16xi32>
        %parallel_loop3A_29 = arith.addi %parallel_loop3A_28, %iota3A : vector<16xi32>
        %parallel_loop3A_30 = tpu.vector_load_idx %arg7[%parallel_loop3A_29, %parallel_loop3A_26] : memref<128x64xf32, #tpu.memory_space<vmem>>[vector<16xi32>, vector<16xi32>], vector<16xf32>,
        %parallel_loop3A_31 = arith.index_cast %parallel_loop3A_21 : i32 to index
        %parallel_loop3A_32 = arith.constant 0 : index
        %parallel_loop3A_33 = tpu.vector_load %arg8[%parallel_loop3A_31, %parallel_loop3A_32] {strides = array<i32>} : memref<64x128xf32, #tpu.memory_space<vmem>>, vector<16xf32>,
        tpu.vector_store %arg8[%parallel_loop3A_31, %parallel_loop3A_32], %parallel_loop3A_30 {strides = array<i32>} : memref<64x128xf32, #tpu.memory_space<vmem>>, vector<16xf32>,
        %parallel_loop3A_34 = arith.constant 16 : i32
        %parallel_loop3A_35 = vector.broadcast %parallel_loop3A_34 : i32 to vector<16xi32>
        %parallel_loop3A_36 = arith.addi %parallel_loop3A_35, %iota3A : vector<16xi32>
        %parallel_loop3A_37 = tpu.vector_load_idx %arg7[%parallel_loop3A_36, %parallel_loop3A_26] : memref<128x64xf32, #tpu.memory_space<vmem>>[vector<16xi32>, vector<16xi32>], vector<16xf32>,
        %parallel_loop3A_38 = arith.index_cast %parallel_loop3A_21 : i32 to index
        %parallel_loop3A_39 = arith.constant 16 : index
        %parallel_loop3A_40 = tpu.vector_load %arg8[%parallel_loop3A_38, %parallel_loop3A_39] {strides = array<i32>} : memref<64x128xf32, #tpu.memory_space<vmem>>, vector<16xf32>,
        tpu.vector_store %arg8[%parallel_loop3A_38, %parallel_loop3A_39], %parallel_loop3A_37 {strides = array<i32>} : memref<64x128xf32, #tpu.memory_space<vmem>>, vector<16xf32>,
        %parallel_loop3A_41 = arith.constant 32 : i32
        %parallel_loop3A_42 = vector.broadcast %parallel_loop3A_41 : i32 to vector<16xi32>
        %parallel_loop3A_43 = arith.addi %parallel_loop3A_42, %iota3A : vector<16xi32>
        %parallel_loop3A_44 = tpu.vector_load_idx %arg7[%parallel_loop3A_43, %parallel_loop3A_26] : memref<128x64xf32, #tpu.memory_space<vmem>>[vector<16xi32>, vector<16xi32>], vector<16xf32>,
        %parallel_loop3A_45 = arith.index_cast %parallel_loop3A_21 : i32 to index
        %parallel_loop3A_46 = arith.constant 32 : index
        %parallel_loop3A_47 = tpu.vector_load %arg8[%parallel_loop3A_45, %parallel_loop3A_46] {strides = array<i32>} : memref<64x128xf32, #tpu.memory_space<vmem>>, vector<16xf32>,
        tpu.vector_store %arg8[%parallel_loop3A_45, %parallel_loop3A_46], %parallel_loop3A_44 {strides = array<i32>} : memref<64x128xf32, #tpu.memory_space<vmem>>, vector<16xf32>,
        %parallel_loop3A_48 = arith.constant 48 : i32
        %parallel_loop3A_49 = vector.broadcast %parallel_loop3A_48 : i32 to vector<16xi32>
        %parallel_loop3A_50 = arith.addi %parallel_loop3A_49, %iota3A : vector<16xi32>
        %parallel_loop3A_51 = tpu.vector_load_idx %arg7[%parallel_loop3A_50, %parallel_loop3A_26] : memref<128x64xf32, #tpu.memory_space<vmem>>[vector<16xi32>, vector<16xi32>], vector<16xf32>,
        %parallel_loop3A_52 = arith.index_cast %parallel_loop3A_21 : i32 to index
        %parallel_loop3A_53 = arith.constant 48 : index
        %parallel_loop3A_54 = tpu.vector_load %arg8[%parallel_loop3A_52, %parallel_loop3A_53] {strides = array<i32>} : memref<64x128xf32, #tpu.memory_space<vmem>>, vector<16xf32>,
        tpu.vector_store %arg8[%parallel_loop3A_52, %parallel_loop3A_53], %parallel_loop3A_51 {strides = array<i32>} : memref<64x128xf32, #tpu.memory_space<vmem>>, vector<16xf32>,
        %parallel_loop3A_55 = arith.constant 64 : i32
        %parallel_loop3A_56 = vector.broadcast %parallel_loop3A_55 : i32 to vector<16xi32>
        %parallel_loop3A_57 = arith.addi %parallel_loop3A_56, %iota3A : vector<16xi32>
        %parallel_loop3A_58 = tpu.vector_load_idx %arg7[%parallel_loop3A_57, %parallel_loop3A_26] : memref<128x64xf32, #tpu.memory_space<vmem>>[vector<16xi32>, vector<16xi32>], vector<16xf32>,
        %parallel_loop3A_59 = arith.index_cast %parallel_loop3A_21 : i32 to index
        %parallel_loop3A_60 = arith.constant 64 : index
        %parallel_loop3A_61 = tpu.vector_load %arg8[%parallel_loop3A_59, %parallel_loop3A_60] {strides = array<i32>} : memref<64x128xf32, #tpu.memory_space<vmem>>, vector<16xf32>,
        tpu.vector_store %arg8[%parallel_loop3A_59, %parallel_loop3A_60], %parallel_loop3A_58 {strides = array<i32>} : memref<64x128xf32, #tpu.memory_space<vmem>>, vector<16xf32>,
        %parallel_loop3A_62 = arith.constant 80 : i32
        %parallel_loop3A_63 = vector.broadcast %parallel_loop3A_62 : i32 to vector<16xi32>
        %parallel_loop3A_64 = arith.addi %parallel_loop3A_63, %iota3A : vector<16xi32>
        %parallel_loop3A_65 = tpu.vector_load_idx %arg7[%parallel_loop3A_64, %parallel_loop3A_26] : memref<128x64xf32, #tpu.memory_space<vmem>>[vector<16xi32>, vector<16xi32>], vector<16xf32>,
        %parallel_loop3A_66 = arith.index_cast %parallel_loop3A_21 : i32 to index
        %parallel_loop3A_67 = arith.constant 80 : index
        %parallel_loop3A_68 = tpu.vector_load %arg8[%parallel_loop3A_66, %parallel_loop3A_67] {strides = array<i32>} : memref<64x128xf32, #tpu.memory_space<vmem>>, vector<16xf32>,
        tpu.vector_store %arg8[%parallel_loop3A_66, %parallel_loop3A_67], %parallel_loop3A_65 {strides = array<i32>} : memref<64x128xf32, #tpu.memory_space<vmem>>, vector<16xf32>,
        %parallel_loop3A_69 = arith.constant 96 : i32
        %parallel_loop3A_70 = vector.broadcast %parallel_loop3A_69 : i32 to vector<16xi32>
        %parallel_loop3A_71 = arith.addi %parallel_loop3A_70, %iota3A : vector<16xi32>
        %parallel_loop3A_72 = tpu.vector_load_idx %arg7[%parallel_loop3A_71, %parallel_loop3A_26] : memref<128x64xf32, #tpu.memory_space<vmem>>[vector<16xi32>, vector<16xi32>], vector<16xf32>,
        %parallel_loop3A_73 = arith.index_cast %parallel_loop3A_21 : i32 to index
        %parallel_loop3A_74 = arith.constant 96 : index
        %parallel_loop3A_75 = tpu.vector_load %arg8[%parallel_loop3A_73, %parallel_loop3A_74] {strides = array<i32>} : memref<64x128xf32, #tpu.memory_space<vmem>>, vector<16xf32>,
        tpu.vector_store %arg8[%parallel_loop3A_73, %parallel_loop3A_74], %parallel_loop3A_72 {strides = array<i32>} : memref<64x128xf32, #tpu.memory_space<vmem>>, vector<16xf32>,
        %parallel_loop3A_76 = arith.constant 112 : i32
        %parallel_loop3A_77 = vector.broadcast %parallel_loop3A_76 : i32 to vector<16xi32>
        %parallel_loop3A_78 = arith.addi %parallel_loop3A_77, %iota3A : vector<16xi32>
        %parallel_loop3A_79 = tpu.vector_load_idx %arg7[%parallel_loop3A_78, %parallel_loop3A_26] : memref<128x64xf32, #tpu.memory_space<vmem>>[vector<16xi32>, vector<16xi32>], vector<16xf32>,
        %parallel_loop3A_80 = arith.index_cast %parallel_loop3A_21 : i32 to index
        %parallel_loop3A_81 = arith.constant 112 : index
        %parallel_loop3A_82 = tpu.vector_load %arg8[%parallel_loop3A_80, %parallel_loop3A_81] {strides = array<i32>} : memref<64x128xf32, #tpu.memory_space<vmem>>, vector<16xf32>,
        tpu.vector_store %arg8[%parallel_loop3A_80, %parallel_loop3A_81], %parallel_loop3A_79 {strides = array<i32>} : memref<64x128xf32, #tpu.memory_space<vmem>>, vector<16xf32>,
      } {sc.loop_unroll_factor = 4 : i64, sc.parallel_access}
      "tpu.region"() ({
        %run_scoped3A = tpu.sem_alloc : memref<!tpu.dma_semaphore, #tpu.memory_space<semaphore_mem>>
        %dma_start3A_21 = arith.constant 0 : i32
        %dma_start3A_22 = arith.constant 0 : i32
        %dma_start3A_23 = tpu.memref_slice %arg8[%dma_start3A_21, %dma_start3A_22] : memref<64x128xf32, #tpu.memory_space<vmem>> -> memref<32x128xf32, #tpu.memory_space<vmem>>
        %dma_start3A_24 = arith.constant 0 : i32
        %dma_start3A_25 = tpu.memref_slice %arg4[%scan3A_8, %dma_start3A_24, %mul3A_2] : memref<25x32x4096xf32, #tpu.memory_space<hbm>> -> memref<1x32x128xf32, #tpu.memory_space<hbm>>
        %dma_start3A_26 = tpu.memref_squeeze %dma_start3A_25 : memref<1x32x128xf32, #tpu.memory_space<hbm>> -> memref<32x128xf32, #tpu.memory_space<hbm>>
        %dma_start3A_27 = arith.constant 0 : i32
        %dma_start3A_28 = tpu.memref_slice %arg4[%scan3A_8, %dma_start3A_27, %mul3A_2] : memref<25x32x4096xf32, #tpu.memory_space<hbm>> -> memref<1x32x128xf32, #tpu.memory_space<hbm>>
        %dma_start3A_29 = tpu.memref_squeeze %dma_start3A_28 : memref<1x32x128xf32, #tpu.memory_space<hbm>> -> memref<32x128xf32, #tpu.memory_space<hbm>>
        %dma_start3A_30 = arith.constant 0 : i32
        %dma_start3A_31 = arith.constant 0 : i32
        %dma_start3A_32 = tpu.memref_slice %arg8[%dma_start3A_30, %dma_start3A_31] : memref<64x128xf32, #tpu.memory_space<vmem>> -> memref<32x128xf32, #tpu.memory_space<vmem>>
        tpu.enqueue_dma source(%dma_start3A_32 : memref<32x128xf32, #tpu.memory_space<vmem>>) target(%dma_start3A_29 : memref<32x128xf32, #tpu.memory_space<hbm>>) target_semaphore(%run_scoped3A : memref<!tpu.dma_semaphore, #tpu.memory_space<semaphore_mem>>)
        %dma_wait3A_33 = arith.constant 0 : i32
        %dma_wait3A_34 = arith.constant 0 : i32
        %dma_wait3A_35 = tpu.memref_slice %arg8[%dma_wait3A_33, %dma_wait3A_34] : memref<64x128xf32, #tpu.memory_space<vmem>> -> memref<32x128xf32, #tpu.memory_space<vmem>>
        %dma_wait3A_36 = arith.constant 0 : i32
        %dma_wait3A_37 = tpu.memref_slice %arg4[%scan3A_8, %dma_wait3A_36, %mul3A_2] : memref<25x32x4096xf32, #tpu.memory_space<hbm>> -> memref<1x32x128xf32, #tpu.memory_space<hbm>>
        %dma_wait3A_38 = tpu.memref_squeeze %dma_wait3A_37 : memref<1x32x128xf32, #tpu.memory_space<hbm>> -> memref<32x128xf32, #tpu.memory_space<hbm>>
        %dma_wait3A_39 = arith.constant 0 : i32
        %dma_wait3A_40 = tpu.memref_slice %arg4[%scan3A_8, %dma_wait3A_39, %mul3A_2] : memref<25x32x4096xf32, #tpu.memory_space<hbm>> -> memref<1x32x128xf32, #tpu.memory_space<hbm>>
        %dma_wait3A_41 = tpu.memref_squeeze %dma_wait3A_40 : memref<1x32x128xf32, #tpu.memory_space<hbm>> -> memref<32x128xf32, #tpu.memory_space<hbm>>
        %dma_wait3A_42 = arith.constant 0 : i32
        %dma_wait3A_43 = arith.constant 0 : i32
        %dma_wait3A_44 = tpu.memref_slice %arg8[%dma_wait3A_42, %dma_wait3A_43] : memref<64x128xf32, #tpu.memory_space<vmem>> -> memref<32x128xf32, #tpu.memory_space<vmem>>
        tpu.wait_dma2 semaphore(%run_scoped3A : memref<!tpu.dma_semaphore, #tpu.memory_space<semaphore_mem>>) src(%dma_wait3A_44 : memref<32x128xf32, #tpu.memory_space<vmem>>) dst(%dma_wait3A_41 : memref<32x128xf32, #tpu.memory_space<hbm>>)
        tpu.yield
      }) : () -> ()
      "tpu.region"() ({
        %run_scoped3A = tpu.sem_alloc : memref<!tpu.dma_semaphore, #tpu.memory_space<semaphore_mem>>
        %dma_start3A_21 = arith.constant 32 : i32
        %dma_start3A_22 = arith.constant 0 : i32
        %dma_start3A_23 = tpu.memref_slice %arg8[%dma_start3A_21, %dma_start3A_22] : memref<64x128xf32, #tpu.memory_space<vmem>> -> memref<32x128xf32, #tpu.memory_space<vmem>>
        %dma_start3A_24 = arith.constant 0 : i32
        %dma_start3A_25 = tpu.memref_slice %arg5[%scan3A_8, %dma_start3A_24, %mul3A_2] : memref<25x32x4096xf32, #tpu.memory_space<hbm>> -> memref<1x32x128xf32, #tpu.memory_space<hbm>>
        %dma_start3A_26 = tpu.memref_squeeze %dma_start3A_25 : memref<1x32x128xf32, #tpu.memory_space<hbm>> -> memref<32x128xf32, #tpu.memory_space<hbm>>
        %dma_start3A_27 = arith.constant 0 : i32
        %dma_start3A_28 = tpu.memref_slice %arg5[%scan3A_8, %dma_start3A_27, %mul3A_2] : memref<25x32x4096xf32, #tpu.memory_space<hbm>> -> memref<1x32x128xf32, #tpu.memory_space<hbm>>
        %dma_start3A_29 = tpu.memref_squeeze %dma_start3A_28 : memref<1x32x128xf32, #tpu.memory_space<hbm>> -> memref<32x128xf32, #tpu.memory_space<hbm>>
        %dma_start3A_30 = arith.constant 32 : i32
        %dma_start3A_31 = arith.constant 0 : i32
        %dma_start3A_32 = tpu.memref_slice %arg8[%dma_start3A_30, %dma_start3A_31] : memref<64x128xf32, #tpu.memory_space<vmem>> -> memref<32x128xf32, #tpu.memory_space<vmem>>
        tpu.enqueue_dma source(%dma_start3A_32 : memref<32x128xf32, #tpu.memory_space<vmem>>) target(%dma_start3A_29 : memref<32x128xf32, #tpu.memory_space<hbm>>) target_semaphore(%run_scoped3A : memref<!tpu.dma_semaphore, #tpu.memory_space<semaphore_mem>>)
        %dma_wait3A_33 = arith.constant 32 : i32
        %dma_wait3A_34 = arith.constant 0 : i32
        %dma_wait3A_35 = tpu.memref_slice %arg8[%dma_wait3A_33, %dma_wait3A_34] : memref<64x128xf32, #tpu.memory_space<vmem>> -> memref<32x128xf32, #tpu.memory_space<vmem>>
        %dma_wait3A_36 = arith.constant 0 : i32
        %dma_wait3A_37 = tpu.memref_slice %arg5[%scan3A_8, %dma_wait3A_36, %mul3A_2] : memref<25x32x4096xf32, #tpu.memory_space<hbm>> -> memref<1x32x128xf32, #tpu.memory_space<hbm>>
        %dma_wait3A_38 = tpu.memref_squeeze %dma_wait3A_37 : memref<1x32x128xf32, #tpu.memory_space<hbm>> -> memref<32x128xf32, #tpu.memory_space<hbm>>
        %dma_wait3A_39 = arith.constant 0 : i32
        %dma_wait3A_40 = tpu.memref_slice %arg5[%scan3A_8, %dma_wait3A_39, %mul3A_2] : memref<25x32x4096xf32, #tpu.memory_space<hbm>> -> memref<1x32x128xf32, #tpu.memory_space<hbm>>
        %dma_wait3A_41 = tpu.memref_squeeze %dma_wait3A_40 : memref<1x32x128xf32, #tpu.memory_space<hbm>> -> memref<32x128xf32, #tpu.memory_space<hbm>>
        %dma_wait3A_42 = arith.constant 32 : i32
        %dma_wait3A_43 = arith.constant 0 : i32
        %dma_wait3A_44 = tpu.memref_slice %arg8[%dma_wait3A_42, %dma_wait3A_43] : memref<64x128xf32, #tpu.memory_space<vmem>> -> memref<32x128xf32, #tpu.memory_space<vmem>>
        tpu.wait_dma2 semaphore(%run_scoped3A : memref<!tpu.dma_semaphore, #tpu.memory_space<semaphore_mem>>) src(%dma_wait3A_44 : memref<32x128xf32, #tpu.memory_space<vmem>>) dst(%dma_wait3A_41 : memref<32x128xf32, #tpu.memory_space<hbm>>)
        tpu.yield
      }) : () -> ()
    }
    %scan3A_7 = arith.constant 25 : i32
    return
  }
}

#map = affine_map<(d0, d1) -> (0, 0)>
#map1 = affine_map<(d0, d1) -> (0, 0, 0)>
module attributes {stable_mosaic.version = 14 : i64} {
  func.func @_gather_tr_body(%arg0: i32, %arg1: i32, %arg2: memref<25x4096xi32, #tpu.memory_space<hbm>>, %arg3: memref<1000000x64xf32, #tpu.memory_space<hbm>>, %arg4: memref<25x32x4096xf32, #tpu.memory_space<hbm>>, %arg5: memref<25x32x4096xf32, #tpu.memory_space<hbm>>, %arg6: memref<25x128xi32, #tpu.memory_space<vmem>>, %arg7: memref<128x64xf32, #tpu.memory_space<vmem>>, %arg8: memref<64x128xf32, #tpu.memory_space<vmem>>, %arg9: memref<!tpu.dma_semaphore, #tpu.memory_space<semaphore_mem>>) attributes {dimension_semantics = [#tpu.dimension_semantics<core_parallel>, #tpu.dimension_semantics<subcore_parallel>], iteration_bounds = array<i64: 2, 16>, scalar_prefetch = 0 : i64, scratch_operands = 4 : i64, tpu.core_type = #tpu.core_type<sc_vector_subcore>, window_params = [{transform_indices = #map}, {transform_indices = #map}, {transform_indices = #map1}, {transform_indices = #map1}]} {
    %mul3A = arith.constant 2 : i32
    %mul3A_0 = arith.muli %arg1, %mul3A : i32
    %add3A = arith.addi %mul3A_0, %arg0 : i32
    %mul3A_1 = arith.constant 128 : i32
    %mul3A_2 = arith.muli %add3A, %mul3A_1 : i32
    "tpu.region"() ({
      %run_scoped3A = tpu.sem_alloc : memref<!tpu.dma_semaphore, #tpu.memory_space<semaphore_mem>>
      %dma_start3A = arith.constant 0 : i32
      %dma_start3A_8 = tpu.memref_slice %arg2[%dma_start3A, %mul3A_2] : memref<25x4096xi32, #tpu.memory_space<hbm>> -> memref<25x128xi32, #tpu.memory_space<hbm>>
      %dma_start3A_9 = arith.constant 0 : i32
      %dma_start3A_10 = tpu.memref_slice %arg2[%dma_start3A_9, %mul3A_2] : memref<25x4096xi32, #tpu.memory_space<hbm>> -> memref<25x128xi32, #tpu.memory_space<hbm>>
      tpu.enqueue_dma source(%dma_start3A_10 : memref<25x128xi32, #tpu.memory_space<hbm>>) target(%arg6 : memref<25x128xi32, #tpu.memory_space<vmem>>) target_semaphore(%run_scoped3A : memref<!tpu.dma_semaphore, #tpu.memory_space<semaphore_mem>>)
      %dma_wait3A = arith.constant 0 : i32
      %dma_wait3A_11 = tpu.memref_slice %arg2[%dma_wait3A, %mul3A_2] : memref<25x4096xi32, #tpu.memory_space<hbm>> -> memref<25x128xi32, #tpu.memory_space<hbm>>
      %dma_wait3A_12 = arith.constant 0 : i32
      %dma_wait3A_13 = tpu.memref_slice %arg2[%dma_wait3A_12, %mul3A_2] : memref<25x4096xi32, #tpu.memory_space<hbm>> -> memref<25x128xi32, #tpu.memory_space<hbm>>
      tpu.wait_dma2 semaphore(%run_scoped3A : memref<!tpu.dma_semaphore, #tpu.memory_space<semaphore_mem>>) src(%dma_wait3A_13 : memref<25x128xi32, #tpu.memory_space<hbm>>) dst(%arg6 : memref<25x128xi32, #tpu.memory_space<vmem>>)
      tpu.yield
    }) : () -> ()
    %scan3A = arith.constant 0 : i32
    %scan3A_3 = arith.constant 0 : i32
    %scan3A_4 = arith.constant 25 : i32
    %scan3A_5 = arith.addi %scan3A_3, %scan3A_4 : i32
    %scan3A_6 = arith.constant 1 : i32
    scf.for %scan3A_8 = %scan3A_3 to %scan3A_5 step %scan3A_6  : i32 {
      %dma_start3A = arith.constant 0 : i32
      %dma_start3A_9 = tpu.memref_slice %arg6[%scan3A_8, %dma_start3A] : memref<25x128xi32, #tpu.memory_space<vmem>> -> memref<1x128xi32, #tpu.memory_space<vmem>>
      %dma_start3A_10 = tpu.memref_squeeze %dma_start3A_9 : memref<1x128xi32, #tpu.memory_space<vmem>> -> memref<128xi32, #tpu.memory_space<vmem>>
      %dma_start3A_11 = arith.constant 0 : i32
      %dma_start3A_12 = arith.constant 0 : i32
      %dma_start3A_13 = tpu.memref_slice %arg3[%dma_start3A_11, %dma_start3A_12] : memref<1000000x64xf32, #tpu.memory_space<hbm>> -> memref<1000000x64xf32, #tpu.memory_space<hbm>>
      tpu.enqueue_indirect_dma source(%dma_start3A_13 : memref<1000000x64xf32, #tpu.memory_space<hbm>>) target(%arg7 : memref<128x64xf32, #tpu.memory_space<vmem>>) offsets(%dma_start3A_10 : memref<128xi32, #tpu.memory_space<vmem>>) semaphore(%arg9 : memref<!tpu.dma_semaphore, #tpu.memory_space<semaphore_mem>>)
      %dma_wait3A = arith.constant 0 : i32
      %dma_wait3A_14 = tpu.memref_slice %arg6[%scan3A_8, %dma_wait3A] : memref<25x128xi32, #tpu.memory_space<vmem>> -> memref<1x128xi32, #tpu.memory_space<vmem>>
      %dma_wait3A_15 = tpu.memref_squeeze %dma_wait3A_14 : memref<1x128xi32, #tpu.memory_space<vmem>> -> memref<128xi32, #tpu.memory_space<vmem>>
      %dma_wait3A_16 = arith.constant 0 : i32
      %dma_wait3A_17 = arith.constant 0 : i32
      %dma_wait3A_18 = tpu.memref_slice %arg3[%dma_wait3A_16, %dma_wait3A_17] : memref<1000000x64xf32, #tpu.memory_space<hbm>> -> memref<1000000x64xf32, #tpu.memory_space<hbm>>
      tpu.wait_indirect_dma semaphore(%arg9 : memref<!tpu.dma_semaphore, #tpu.memory_space<semaphore_mem>>) src(%dma_wait3A_18 : memref<1000000x64xf32, #tpu.memory_space<hbm>>) dst(%arg7 : memref<128x64xf32, #tpu.memory_space<vmem>>)
      %iota3A = tpu.iota {dimensions = array<i32: 0>} : vector<16xi32>
      %parallel_loop3A = arith.constant 0 : i32
      %parallel_loop3A_19 = arith.constant 64 : i32
      %parallel_loop3A_20 = arith.constant 1 : i32
      scf.for %parallel_loop3A_21 = %parallel_loop3A to %parallel_loop3A_19 step %parallel_loop3A_20  : i32 {
        %parallel_loop3A_22 = arith.constant 0 : i32
        %parallel_loop3A_23 = vector.broadcast %parallel_loop3A_22 : i32 to vector<16xi32>
        %parallel_loop3A_24 = arith.muli %iota3A, %parallel_loop3A_23 : vector<16xi32>
        %parallel_loop3A_25 = vector.broadcast %parallel_loop3A_21 : i32 to vector<16xi32>
        %parallel_loop3A_26 = arith.addi %parallel_loop3A_24, %parallel_loop3A_25 : vector<16xi32>
        %parallel_loop3A_27 = arith.constant 0 : i32
        %parallel_loop3A_28 = vector.broadcast %parallel_loop3A_27 : i32 to vector<16xi32>
        %parallel_loop3A_29 = arith.addi %parallel_loop3A_28, %iota3A : vector<16xi32>
        %parallel_loop3A_30 = tpu.vector_load_idx %arg7[%parallel_loop3A_29, %parallel_loop3A_26] : memref<128x64xf32, #tpu.memory_space<vmem>>[vector<16xi32>, vector<16xi32>], vector<16xf32>,
        %parallel_loop3A_31 = arith.index_cast %parallel_loop3A_21 : i32 to index
        %parallel_loop3A_32 = arith.constant 0 : index
        %parallel_loop3A_33 = tpu.vector_load %arg8[%parallel_loop3A_31, %parallel_loop3A_32] {strides = array<i32>} : memref<64x128xf32, #tpu.memory_space<vmem>>, vector<16xf32>,
        tpu.vector_store %arg8[%parallel_loop3A_31, %parallel_loop3A_32], %parallel_loop3A_30 {strides = array<i32>} : memref<64x128xf32, #tpu.memory_space<vmem>>, vector<16xf32>,
        %parallel_loop3A_34 = arith.constant 16 : i32
        %parallel_loop3A_35 = vector.broadcast %parallel_loop3A_34 : i32 to vector<16xi32>
        %parallel_loop3A_36 = arith.addi %parallel_loop3A_35, %iota3A : vector<16xi32>
        %parallel_loop3A_37 = tpu.vector_load_idx %arg7[%parallel_loop3A_36, %parallel_loop3A_26] : memref<128x64xf32, #tpu.memory_space<vmem>>[vector<16xi32>, vector<16xi32>], vector<16xf32>,
        %parallel_loop3A_38 = arith.index_cast %parallel_loop3A_21 : i32 to index
        %parallel_loop3A_39 = arith.constant 16 : index
        %parallel_loop3A_40 = tpu.vector_load %arg8[%parallel_loop3A_38, %parallel_loop3A_39] {strides = array<i32>} : memref<64x128xf32, #tpu.memory_space<vmem>>, vector<16xf32>,
        tpu.vector_store %arg8[%parallel_loop3A_38, %parallel_loop3A_39], %parallel_loop3A_37 {strides = array<i32>} : memref<64x128xf32, #tpu.memory_space<vmem>>, vector<16xf32>,
        %parallel_loop3A_41 = arith.constant 32 : i32
        %parallel_loop3A_42 = vector.broadcast %parallel_loop3A_41 : i32 to vector<16xi32>
        %parallel_loop3A_43 = arith.addi %parallel_loop3A_42, %iota3A : vector<16xi32>
        %parallel_loop3A_44 = tpu.vector_load_idx %arg7[%parallel_loop3A_43, %parallel_loop3A_26] : memref<128x64xf32, #tpu.memory_space<vmem>>[vector<16xi32>, vector<16xi32>], vector<16xf32>,
        %parallel_loop3A_45 = arith.index_cast %parallel_loop3A_21 : i32 to index
        %parallel_loop3A_46 = arith.constant 32 : index
        %parallel_loop3A_47 = tpu.vector_load %arg8[%parallel_loop3A_45, %parallel_loop3A_46] {strides = array<i32>} : memref<64x128xf32, #tpu.memory_space<vmem>>, vector<16xf32>,
        tpu.vector_store %arg8[%parallel_loop3A_45, %parallel_loop3A_46], %parallel_loop3A_44 {strides = array<i32>} : memref<64x128xf32, #tpu.memory_space<vmem>>, vector<16xf32>,
        %parallel_loop3A_48 = arith.constant 48 : i32
        %parallel_loop3A_49 = vector.broadcast %parallel_loop3A_48 : i32 to vector<16xi32>
        %parallel_loop3A_50 = arith.addi %parallel_loop3A_49, %iota3A : vector<16xi32>
        %parallel_loop3A_51 = tpu.vector_load_idx %arg7[%parallel_loop3A_50, %parallel_loop3A_26] : memref<128x64xf32, #tpu.memory_space<vmem>>[vector<16xi32>, vector<16xi32>], vector<16xf32>,
        %parallel_loop3A_52 = arith.index_cast %parallel_loop3A_21 : i32 to index
        %parallel_loop3A_53 = arith.constant 48 : index
        %parallel_loop3A_54 = tpu.vector_load %arg8[%parallel_loop3A_52, %parallel_loop3A_53] {strides = array<i32>} : memref<64x128xf32, #tpu.memory_space<vmem>>, vector<16xf32>,
        tpu.vector_store %arg8[%parallel_loop3A_52, %parallel_loop3A_53], %parallel_loop3A_51 {strides = array<i32>} : memref<64x128xf32, #tpu.memory_space<vmem>>, vector<16xf32>,
        %parallel_loop3A_55 = arith.constant 64 : i32
        %parallel_loop3A_56 = vector.broadcast %parallel_loop3A_55 : i32 to vector<16xi32>
        %parallel_loop3A_57 = arith.addi %parallel_loop3A_56, %iota3A : vector<16xi32>
        %parallel_loop3A_58 = tpu.vector_load_idx %arg7[%parallel_loop3A_57, %parallel_loop3A_26] : memref<128x64xf32, #tpu.memory_space<vmem>>[vector<16xi32>, vector<16xi32>], vector<16xf32>,
        %parallel_loop3A_59 = arith.index_cast %parallel_loop3A_21 : i32 to index
        %parallel_loop3A_60 = arith.constant 64 : index
        %parallel_loop3A_61 = tpu.vector_load %arg8[%parallel_loop3A_59, %parallel_loop3A_60] {strides = array<i32>} : memref<64x128xf32, #tpu.memory_space<vmem>>, vector<16xf32>,
        tpu.vector_store %arg8[%parallel_loop3A_59, %parallel_loop3A_60], %parallel_loop3A_58 {strides = array<i32>} : memref<64x128xf32, #tpu.memory_space<vmem>>, vector<16xf32>,
        %parallel_loop3A_62 = arith.constant 80 : i32
        %parallel_loop3A_63 = vector.broadcast %parallel_loop3A_62 : i32 to vector<16xi32>
        %parallel_loop3A_64 = arith.addi %parallel_loop3A_63, %iota3A : vector<16xi32>
        %parallel_loop3A_65 = tpu.vector_load_idx %arg7[%parallel_loop3A_64, %parallel_loop3A_26] : memref<128x64xf32, #tpu.memory_space<vmem>>[vector<16xi32>, vector<16xi32>], vector<16xf32>,
        %parallel_loop3A_66 = arith.index_cast %parallel_loop3A_21 : i32 to index
        %parallel_loop3A_67 = arith.constant 80 : index
        %parallel_loop3A_68 = tpu.vector_load %arg8[%parallel_loop3A_66, %parallel_loop3A_67] {strides = array<i32>} : memref<64x128xf32, #tpu.memory_space<vmem>>, vector<16xf32>,
        tpu.vector_store %arg8[%parallel_loop3A_66, %parallel_loop3A_67], %parallel_loop3A_65 {strides = array<i32>} : memref<64x128xf32, #tpu.memory_space<vmem>>, vector<16xf32>,
        %parallel_loop3A_69 = arith.constant 96 : i32
        %parallel_loop3A_70 = vector.broadcast %parallel_loop3A_69 : i32 to vector<16xi32>
        %parallel_loop3A_71 = arith.addi %parallel_loop3A_70, %iota3A : vector<16xi32>
        %parallel_loop3A_72 = tpu.vector_load_idx %arg7[%parallel_loop3A_71, %parallel_loop3A_26] : memref<128x64xf32, #tpu.memory_space<vmem>>[vector<16xi32>, vector<16xi32>], vector<16xf32>,
        %parallel_loop3A_73 = arith.index_cast %parallel_loop3A_21 : i32 to index
        %parallel_loop3A_74 = arith.constant 96 : index
        %parallel_loop3A_75 = tpu.vector_load %arg8[%parallel_loop3A_73, %parallel_loop3A_74] {strides = array<i32>} : memref<64x128xf32, #tpu.memory_space<vmem>>, vector<16xf32>,
        tpu.vector_store %arg8[%parallel_loop3A_73, %parallel_loop3A_74], %parallel_loop3A_72 {strides = array<i32>} : memref<64x128xf32, #tpu.memory_space<vmem>>, vector<16xf32>,
        %parallel_loop3A_76 = arith.constant 112 : i32
        %parallel_loop3A_77 = vector.broadcast %parallel_loop3A_76 : i32 to vector<16xi32>
        %parallel_loop3A_78 = arith.addi %parallel_loop3A_77, %iota3A : vector<16xi32>
        %parallel_loop3A_79 = tpu.vector_load_idx %arg7[%parallel_loop3A_78, %parallel_loop3A_26] : memref<128x64xf32, #tpu.memory_space<vmem>>[vector<16xi32>, vector<16xi32>], vector<16xf32>,
        %parallel_loop3A_80 = arith.index_cast %parallel_loop3A_21 : i32 to index
        %parallel_loop3A_81 = arith.constant 112 : index
        %parallel_loop3A_82 = tpu.vector_load %arg8[%parallel_loop3A_80, %parallel_loop3A_81] {strides = array<i32>} : memref<64x128xf32, #tpu.memory_space<vmem>>, vector<16xf32>,
        tpu.vector_store %arg8[%parallel_loop3A_80, %parallel_loop3A_81], %parallel_loop3A_79 {strides = array<i32>} : memref<64x128xf32, #tpu.memory_space<vmem>>, vector<16xf32>,
      } {sc.loop_unroll_factor = 4 : i64, sc.parallel_access}
      "tpu.region"() ({
        %run_scoped3A = tpu.sem_alloc : memref<!tpu.dma_semaphore, #tpu.memory_space<semaphore_mem>>
        %dma_start3A_21 = arith.constant 0 : i32
        %dma_start3A_22 = arith.constant 0 : i32
        %dma_start3A_23 = tpu.memref_slice %arg8[%dma_start3A_21, %dma_start3A_22] : memref<64x128xf32, #tpu.memory_space<vmem>> -> memref<32x128xf32, #tpu.memory_space<vmem>>
        %dma_start3A_24 = arith.constant 0 : i32
        %dma_start3A_25 = tpu.memref_slice %arg4[%scan3A_8, %dma_start3A_24, %mul3A_2] : memref<25x32x4096xf32, #tpu.memory_space<hbm>> -> memref<1x32x128xf32, #tpu.memory_space<hbm>>
        %dma_start3A_26 = tpu.memref_squeeze %dma_start3A_25 : memref<1x32x128xf32, #tpu.memory_space<hbm>> -> memref<32x128xf32, #tpu.memory_space<hbm>>
        %dma_start3A_27 = arith.constant 0 : i32
        %dma_start3A_28 = tpu.memref_slice %arg4[%scan3A_8, %dma_start3A_27, %mul3A_2] : memref<25x32x4096xf32, #tpu.memory_space<hbm>> -> memref<1x32x128xf32, #tpu.memory_space<hbm>>
        %dma_start3A_29 = tpu.memref_squeeze %dma_start3A_28 : memref<1x32x128xf32, #tpu.memory_space<hbm>> -> memref<32x128xf32, #tpu.memory_space<hbm>>
        %dma_start3A_30 = arith.constant 0 : i32
        %dma_start3A_31 = arith.constant 0 : i32
        %dma_start3A_32 = tpu.memref_slice %arg8[%dma_start3A_30, %dma_start3A_31] : memref<64x128xf32, #tpu.memory_space<vmem>> -> memref<32x128xf32, #tpu.memory_space<vmem>>
        tpu.enqueue_dma source(%dma_start3A_32 : memref<32x128xf32, #tpu.memory_space<vmem>>) target(%dma_start3A_29 : memref<32x128xf32, #tpu.memory_space<hbm>>) target_semaphore(%run_scoped3A : memref<!tpu.dma_semaphore, #tpu.memory_space<semaphore_mem>>)
        %dma_wait3A_33 = arith.constant 0 : i32
        %dma_wait3A_34 = arith.constant 0 : i32
        %dma_wait3A_35 = tpu.memref_slice %arg8[%dma_wait3A_33, %dma_wait3A_34] : memref<64x128xf32, #tpu.memory_space<vmem>> -> memref<32x128xf32, #tpu.memory_space<vmem>>
        %dma_wait3A_36 = arith.constant 0 : i32
        %dma_wait3A_37 = tpu.memref_slice %arg4[%scan3A_8, %dma_wait3A_36, %mul3A_2] : memref<25x32x4096xf32, #tpu.memory_space<hbm>> -> memref<1x32x128xf32, #tpu.memory_space<hbm>>
        %dma_wait3A_38 = tpu.memref_squeeze %dma_wait3A_37 : memref<1x32x128xf32, #tpu.memory_space<hbm>> -> memref<32x128xf32, #tpu.memory_space<hbm>>
        %dma_wait3A_39 = arith.constant 0 : i32
        %dma_wait3A_40 = tpu.memref_slice %arg4[%scan3A_8, %dma_wait3A_39, %mul3A_2] : memref<25x32x4096xf32, #tpu.memory_space<hbm>> -> memref<1x32x128xf32, #tpu.memory_space<hbm>>
        %dma_wait3A_41 = tpu.memref_squeeze %dma_wait3A_40 : memref<1x32x128xf32, #tpu.memory_space<hbm>> -> memref<32x128xf32, #tpu.memory_space<hbm>>
        %dma_wait3A_42 = arith.constant 0 : i32
        %dma_wait3A_43 = arith.constant 0 : i32
        %dma_wait3A_44 = tpu.memref_slice %arg8[%dma_wait3A_42, %dma_wait3A_43] : memref<64x128xf32, #tpu.memory_space<vmem>> -> memref<32x128xf32, #tpu.memory_space<vmem>>
        tpu.wait_dma2 semaphore(%run_scoped3A : memref<!tpu.dma_semaphore, #tpu.memory_space<semaphore_mem>>) src(%dma_wait3A_44 : memref<32x128xf32, #tpu.memory_space<vmem>>) dst(%dma_wait3A_41 : memref<32x128xf32, #tpu.memory_space<hbm>>)
        tpu.yield
      }) : () -> ()
      "tpu.region"() ({
        %run_scoped3A = tpu.sem_alloc : memref<!tpu.dma_semaphore, #tpu.memory_space<semaphore_mem>>
        %dma_start3A_21 = arith.constant 32 : i32
        %dma_start3A_22 = arith.constant 0 : i32
        %dma_start3A_23 = tpu.memref_slice %arg8[%dma_start3A_21, %dma_start3A_22] : memref<64x128xf32, #tpu.memory_space<vmem>> -> memref<32x128xf32, #tpu.memory_space<vmem>>
        %dma_start3A_24 = arith.constant 0 : i32
        %dma_start3A_25 = tpu.memref_slice %arg5[%scan3A_8, %dma_start3A_24, %mul3A_2] : memref<25x32x4096xf32, #tpu.memory_space<hbm>> -> memref<1x32x128xf32, #tpu.memory_space<hbm>>
        %dma_start3A_26 = tpu.memref_squeeze %dma_start3A_25 : memref<1x32x128xf32, #tpu.memory_space<hbm>> -> memref<32x128xf32, #tpu.memory_space<hbm>>
        %dma_start3A_27 = arith.constant 0 : i32
        %dma_start3A_28 = tpu.memref_slice %arg5[%scan3A_8, %dma_start3A_27, %mul3A_2] : memref<25x32x4096xf32, #tpu.memory_space<hbm>> -> memref<1x32x128xf32, #tpu.memory_space<hbm>>
        %dma_start3A_29 = tpu.memref_squeeze %dma_start3A_28 : memref<1x32x128xf32, #tpu.memory_space<hbm>> -> memref<32x128xf32, #tpu.memory_space<hbm>>
        %dma_start3A_30 = arith.constant 32 : i32
        %dma_start3A_31 = arith.constant 0 : i32
        %dma_start3A_32 = tpu.memref_slice %arg8[%dma_start3A_30, %dma_start3A_31] : memref<64x128xf32, #tpu.memory_space<vmem>> -> memref<32x128xf32, #tpu.memory_space<vmem>>
        tpu.enqueue_dma source(%dma_start3A_32 : memref<32x128xf32, #tpu.memory_space<vmem>>) target(%dma_start3A_29 : memref<32x128xf32, #tpu.memory_space<hbm>>) target_semaphore(%run_scoped3A : memref<!tpu.dma_semaphore, #tpu.memory_space<semaphore_mem>>)
        %dma_wait3A_33 = arith.constant 32 : i32
        %dma_wait3A_34 = arith.constant 0 : i32
        %dma_wait3A_35 = tpu.memref_slice %arg8[%dma_wait3A_33, %dma_wait3A_34] : memref<64x128xf32, #tpu.memory_space<vmem>> -> memref<32x128xf32, #tpu.memory_space<vmem>>
        %dma_wait3A_36 = arith.constant 0 : i32
        %dma_wait3A_37 = tpu.memref_slice %arg5[%scan3A_8, %dma_wait3A_36, %mul3A_2] : memref<25x32x4096xf32, #tpu.memory_space<hbm>> -> memref<1x32x128xf32, #tpu.memory_space<hbm>>
        %dma_wait3A_38 = tpu.memref_squeeze %dma_wait3A_37 : memref<1x32x128xf32, #tpu.memory_space<hbm>> -> memref<32x128xf32, #tpu.memory_space<hbm>>
        %dma_wait3A_39 = arith.constant 0 : i32
        %dma_wait3A_40 = tpu.memref_slice %arg5[%scan3A_8, %dma_wait3A_39, %mul3A_2] : memref<25x32x4096xf32, #tpu.memory_space<hbm>> -> memref<1x32x128xf32, #tpu.memory_space<hbm>>
        %dma_wait3A_41 = tpu.memref_squeeze %dma_wait3A_40 : memref<1x32x128xf32, #tpu.memory_space<hbm>> -> memref<32x128xf32, #tpu.memory_space<hbm>>
        %dma_wait3A_42 = arith.constant 32 : i32
        %dma_wait3A_43 = arith.constant 0 : i32
        %dma_wait3A_44 = tpu.memref_slice %arg8[%dma_wait3A_42, %dma_wait3A_43] : memref<64x128xf32, #tpu.memory_space<vmem>> -> memref<32x128xf32, #tpu.memory_space<vmem>>
        tpu.wait_dma2 semaphore(%run_scoped3A : memref<!tpu.dma_semaphore, #tpu.memory_space<semaphore_mem>>) src(%dma_wait3A_44 : memref<32x128xf32, #tpu.memory_space<vmem>>) dst(%dma_wait3A_41 : memref<32x128xf32, #tpu.memory_space<hbm>>)
        tpu.yield
      }) : () -> ()
    }
    %scan3A_7 = arith.constant 25 : i32
    return
  }
}

#map = affine_map<(d0, d1) -> (0, 0)>
#map1 = affine_map<(d0, d1) -> (0, 0, 0)>
module attributes {stable_mosaic.version = 14 : i64} {
  func.func @_gather_tr_body(%arg0: i32, %arg1: i32, %arg2: memref<25x4096xi32, #tpu.memory_space<hbm>>, %arg3: memref<1000000x64xf32, #tpu.memory_space<hbm>>, %arg4: memref<25x32x4096xf32, #tpu.memory_space<hbm>>, %arg5: memref<25x32x4096xf32, #tpu.memory_space<hbm>>, %arg6: memref<25x128xi32, #tpu.memory_space<vmem>>, %arg7: memref<128x64xf32, #tpu.memory_space<vmem>>, %arg8: memref<64x128xf32, #tpu.memory_space<vmem>>, %arg9: memref<!tpu.dma_semaphore, #tpu.memory_space<semaphore_mem>>) attributes {dimension_semantics = [#tpu.dimension_semantics<core_parallel>, #tpu.dimension_semantics<subcore_parallel>], iteration_bounds = array<i64: 2, 16>, scalar_prefetch = 0 : i64, scratch_operands = 4 : i64, tpu.core_type = #tpu.core_type<sc_vector_subcore>, window_params = [{transform_indices = #map}, {transform_indices = #map}, {transform_indices = #map1}, {transform_indices = #map1}]} {
    %mul3A = arith.constant 2 : i32
    %mul3A_0 = arith.muli %arg1, %mul3A : i32
    %add3A = arith.addi %mul3A_0, %arg0 : i32
    %mul3A_1 = arith.constant 128 : i32
    %mul3A_2 = arith.muli %add3A, %mul3A_1 : i32
    "tpu.region"() ({
      %run_scoped3A = tpu.sem_alloc : memref<!tpu.dma_semaphore, #tpu.memory_space<semaphore_mem>>
      %dma_start3A = arith.constant 0 : i32
      %dma_start3A_8 = tpu.memref_slice %arg2[%dma_start3A, %mul3A_2] : memref<25x4096xi32, #tpu.memory_space<hbm>> -> memref<25x128xi32, #tpu.memory_space<hbm>>
      %dma_start3A_9 = arith.constant 0 : i32
      %dma_start3A_10 = tpu.memref_slice %arg2[%dma_start3A_9, %mul3A_2] : memref<25x4096xi32, #tpu.memory_space<hbm>> -> memref<25x128xi32, #tpu.memory_space<hbm>>
      tpu.enqueue_dma source(%dma_start3A_10 : memref<25x128xi32, #tpu.memory_space<hbm>>) target(%arg6 : memref<25x128xi32, #tpu.memory_space<vmem>>) target_semaphore(%run_scoped3A : memref<!tpu.dma_semaphore, #tpu.memory_space<semaphore_mem>>)
      %dma_wait3A = arith.constant 0 : i32
      %dma_wait3A_11 = tpu.memref_slice %arg2[%dma_wait3A, %mul3A_2] : memref<25x4096xi32, #tpu.memory_space<hbm>> -> memref<25x128xi32, #tpu.memory_space<hbm>>
      %dma_wait3A_12 = arith.constant 0 : i32
      %dma_wait3A_13 = tpu.memref_slice %arg2[%dma_wait3A_12, %mul3A_2] : memref<25x4096xi32, #tpu.memory_space<hbm>> -> memref<25x128xi32, #tpu.memory_space<hbm>>
      tpu.wait_dma2 semaphore(%run_scoped3A : memref<!tpu.dma_semaphore, #tpu.memory_space<semaphore_mem>>) src(%dma_wait3A_13 : memref<25x128xi32, #tpu.memory_space<hbm>>) dst(%arg6 : memref<25x128xi32, #tpu.memory_space<vmem>>)
      tpu.yield
    }) : () -> ()
    %scan3A = arith.constant 0 : i32
    %scan3A_3 = arith.constant 0 : i32
    %scan3A_4 = arith.constant 25 : i32
    %scan3A_5 = arith.addi %scan3A_3, %scan3A_4 : i32
    %scan3A_6 = arith.constant 1 : i32
    scf.for %scan3A_8 = %scan3A_3 to %scan3A_5 step %scan3A_6  : i32 {
      %dma_start3A = arith.constant 0 : i32
      %dma_start3A_9 = tpu.memref_slice %arg6[%scan3A_8, %dma_start3A] : memref<25x128xi32, #tpu.memory_space<vmem>> -> memref<1x128xi32, #tpu.memory_space<vmem>>
      %dma_start3A_10 = tpu.memref_squeeze %dma_start3A_9 : memref<1x128xi32, #tpu.memory_space<vmem>> -> memref<128xi32, #tpu.memory_space<vmem>>
      %dma_start3A_11 = arith.constant 0 : i32
      %dma_start3A_12 = arith.constant 0 : i32
      %dma_start3A_13 = tpu.memref_slice %arg3[%dma_start3A_11, %dma_start3A_12] : memref<1000000x64xf32, #tpu.memory_space<hbm>> -> memref<1000000x64xf32, #tpu.memory_space<hbm>>
      tpu.enqueue_indirect_dma source(%dma_start3A_13 : memref<1000000x64xf32, #tpu.memory_space<hbm>>) target(%arg7 : memref<128x64xf32, #tpu.memory_space<vmem>>) offsets(%dma_start3A_10 : memref<128xi32, #tpu.memory_space<vmem>>) semaphore(%arg9 : memref<!tpu.dma_semaphore, #tpu.memory_space<semaphore_mem>>)
      %dma_wait3A = arith.constant 0 : i32
      %dma_wait3A_14 = tpu.memref_slice %arg6[%scan3A_8, %dma_wait3A] : memref<25x128xi32, #tpu.memory_space<vmem>> -> memref<1x128xi32, #tpu.memory_space<vmem>>
      %dma_wait3A_15 = tpu.memref_squeeze %dma_wait3A_14 : memref<1x128xi32, #tpu.memory_space<vmem>> -> memref<128xi32, #tpu.memory_space<vmem>>
      %dma_wait3A_16 = arith.constant 0 : i32
      %dma_wait3A_17 = arith.constant 0 : i32
      %dma_wait3A_18 = tpu.memref_slice %arg3[%dma_wait3A_16, %dma_wait3A_17] : memref<1000000x64xf32, #tpu.memory_space<hbm>> -> memref<1000000x64xf32, #tpu.memory_space<hbm>>
      tpu.wait_indirect_dma semaphore(%arg9 : memref<!tpu.dma_semaphore, #tpu.memory_space<semaphore_mem>>) src(%dma_wait3A_18 : memref<1000000x64xf32, #tpu.memory_space<hbm>>) dst(%arg7 : memref<128x64xf32, #tpu.memory_space<vmem>>)
      %iota3A = tpu.iota {dimensions = array<i32: 0>} : vector<16xi32>
      %parallel_loop3A = arith.constant 0 : i32
      %parallel_loop3A_19 = arith.constant 64 : i32
      %parallel_loop3A_20 = arith.constant 1 : i32
      scf.for %parallel_loop3A_21 = %parallel_loop3A to %parallel_loop3A_19 step %parallel_loop3A_20  : i32 {
        %parallel_loop3A_22 = arith.constant 0 : i32
        %parallel_loop3A_23 = vector.broadcast %parallel_loop3A_22 : i32 to vector<16xi32>
        %parallel_loop3A_24 = arith.muli %iota3A, %parallel_loop3A_23 : vector<16xi32>
        %parallel_loop3A_25 = vector.broadcast %parallel_loop3A_21 : i32 to vector<16xi32>
        %parallel_loop3A_26 = arith.addi %parallel_loop3A_24, %parallel_loop3A_25 : vector<16xi32>
        %parallel_loop3A_27 = arith.constant 0 : i32
        %parallel_loop3A_28 = vector.broadcast %parallel_loop3A_27 : i32 to vector<16xi32>
        %parallel_loop3A_29 = arith.addi %parallel_loop3A_28, %iota3A : vector<16xi32>
        %parallel_loop3A_30 = tpu.vector_load_idx %arg7[%parallel_loop3A_29, %parallel_loop3A_26] : memref<128x64xf32, #tpu.memory_space<vmem>>[vector<16xi32>, vector<16xi32>], vector<16xf32>,
        %parallel_loop3A_31 = arith.index_cast %parallel_loop3A_21 : i32 to index
        %parallel_loop3A_32 = arith.constant 0 : index
        %parallel_loop3A_33 = tpu.vector_load %arg8[%parallel_loop3A_31, %parallel_loop3A_32] {strides = array<i32>} : memref<64x128xf32, #tpu.memory_space<vmem>>, vector<16xf32>,
        tpu.vector_store %arg8[%parallel_loop3A_31, %parallel_loop3A_32], %parallel_loop3A_30 {strides = array<i32>} : memref<64x128xf32, #tpu.memory_space<vmem>>, vector<16xf32>,
        %parallel_loop3A_34 = arith.constant 16 : i32
        %parallel_loop3A_35 = vector.broadcast %parallel_loop3A_34 : i32 to vector<16xi32>
        %parallel_loop3A_36 = arith.addi %parallel_loop3A_35, %iota3A : vector<16xi32>
        %parallel_loop3A_37 = tpu.vector_load_idx %arg7[%parallel_loop3A_36, %parallel_loop3A_26] : memref<128x64xf32, #tpu.memory_space<vmem>>[vector<16xi32>, vector<16xi32>], vector<16xf32>,
        %parallel_loop3A_38 = arith.index_cast %parallel_loop3A_21 : i32 to index
        %parallel_loop3A_39 = arith.constant 16 : index
        %parallel_loop3A_40 = tpu.vector_load %arg8[%parallel_loop3A_38, %parallel_loop3A_39] {strides = array<i32>} : memref<64x128xf32, #tpu.memory_space<vmem>>, vector<16xf32>,
        tpu.vector_store %arg8[%parallel_loop3A_38, %parallel_loop3A_39], %parallel_loop3A_37 {strides = array<i32>} : memref<64x128xf32, #tpu.memory_space<vmem>>, vector<16xf32>,
        %parallel_loop3A_41 = arith.constant 32 : i32
        %parallel_loop3A_42 = vector.broadcast %parallel_loop3A_41 : i32 to vector<16xi32>
        %parallel_loop3A_43 = arith.addi %parallel_loop3A_42, %iota3A : vector<16xi32>
        %parallel_loop3A_44 = tpu.vector_load_idx %arg7[%parallel_loop3A_43, %parallel_loop3A_26] : memref<128x64xf32, #tpu.memory_space<vmem>>[vector<16xi32>, vector<16xi32>], vector<16xf32>,
        %parallel_loop3A_45 = arith.index_cast %parallel_loop3A_21 : i32 to index
        %parallel_loop3A_46 = arith.constant 32 : index
        %parallel_loop3A_47 = tpu.vector_load %arg8[%parallel_loop3A_45, %parallel_loop3A_46] {strides = array<i32>} : memref<64x128xf32, #tpu.memory_space<vmem>>, vector<16xf32>,
        tpu.vector_store %arg8[%parallel_loop3A_45, %parallel_loop3A_46], %parallel_loop3A_44 {strides = array<i32>} : memref<64x128xf32, #tpu.memory_space<vmem>>, vector<16xf32>,
        %parallel_loop3A_48 = arith.constant 48 : i32
        %parallel_loop3A_49 = vector.broadcast %parallel_loop3A_48 : i32 to vector<16xi32>
        %parallel_loop3A_50 = arith.addi %parallel_loop3A_49, %iota3A : vector<16xi32>
        %parallel_loop3A_51 = tpu.vector_load_idx %arg7[%parallel_loop3A_50, %parallel_loop3A_26] : memref<128x64xf32, #tpu.memory_space<vmem>>[vector<16xi32>, vector<16xi32>], vector<16xf32>,
        %parallel_loop3A_52 = arith.index_cast %parallel_loop3A_21 : i32 to index
        %parallel_loop3A_53 = arith.constant 48 : index
        %parallel_loop3A_54 = tpu.vector_load %arg8[%parallel_loop3A_52, %parallel_loop3A_53] {strides = array<i32>} : memref<64x128xf32, #tpu.memory_space<vmem>>, vector<16xf32>,
        tpu.vector_store %arg8[%parallel_loop3A_52, %parallel_loop3A_53], %parallel_loop3A_51 {strides = array<i32>} : memref<64x128xf32, #tpu.memory_space<vmem>>, vector<16xf32>,
        %parallel_loop3A_55 = arith.constant 64 : i32
        %parallel_loop3A_56 = vector.broadcast %parallel_loop3A_55 : i32 to vector<16xi32>
        %parallel_loop3A_57 = arith.addi %parallel_loop3A_56, %iota3A : vector<16xi32>
        %parallel_loop3A_58 = tpu.vector_load_idx %arg7[%parallel_loop3A_57, %parallel_loop3A_26] : memref<128x64xf32, #tpu.memory_space<vmem>>[vector<16xi32>, vector<16xi32>], vector<16xf32>,
        %parallel_loop3A_59 = arith.index_cast %parallel_loop3A_21 : i32 to index
        %parallel_loop3A_60 = arith.constant 64 : index
        %parallel_loop3A_61 = tpu.vector_load %arg8[%parallel_loop3A_59, %parallel_loop3A_60] {strides = array<i32>} : memref<64x128xf32, #tpu.memory_space<vmem>>, vector<16xf32>,
        tpu.vector_store %arg8[%parallel_loop3A_59, %parallel_loop3A_60], %parallel_loop3A_58 {strides = array<i32>} : memref<64x128xf32, #tpu.memory_space<vmem>>, vector<16xf32>,
        %parallel_loop3A_62 = arith.constant 80 : i32
        %parallel_loop3A_63 = vector.broadcast %parallel_loop3A_62 : i32 to vector<16xi32>
        %parallel_loop3A_64 = arith.addi %parallel_loop3A_63, %iota3A : vector<16xi32>
        %parallel_loop3A_65 = tpu.vector_load_idx %arg7[%parallel_loop3A_64, %parallel_loop3A_26] : memref<128x64xf32, #tpu.memory_space<vmem>>[vector<16xi32>, vector<16xi32>], vector<16xf32>,
        %parallel_loop3A_66 = arith.index_cast %parallel_loop3A_21 : i32 to index
        %parallel_loop3A_67 = arith.constant 80 : index
        %parallel_loop3A_68 = tpu.vector_load %arg8[%parallel_loop3A_66, %parallel_loop3A_67] {strides = array<i32>} : memref<64x128xf32, #tpu.memory_space<vmem>>, vector<16xf32>,
        tpu.vector_store %arg8[%parallel_loop3A_66, %parallel_loop3A_67], %parallel_loop3A_65 {strides = array<i32>} : memref<64x128xf32, #tpu.memory_space<vmem>>, vector<16xf32>,
        %parallel_loop3A_69 = arith.constant 96 : i32
        %parallel_loop3A_70 = vector.broadcast %parallel_loop3A_69 : i32 to vector<16xi32>
        %parallel_loop3A_71 = arith.addi %parallel_loop3A_70, %iota3A : vector<16xi32>
        %parallel_loop3A_72 = tpu.vector_load_idx %arg7[%parallel_loop3A_71, %parallel_loop3A_26] : memref<128x64xf32, #tpu.memory_space<vmem>>[vector<16xi32>, vector<16xi32>], vector<16xf32>,
        %parallel_loop3A_73 = arith.index_cast %parallel_loop3A_21 : i32 to index
        %parallel_loop3A_74 = arith.constant 96 : index
        %parallel_loop3A_75 = tpu.vector_load %arg8[%parallel_loop3A_73, %parallel_loop3A_74] {strides = array<i32>} : memref<64x128xf32, #tpu.memory_space<vmem>>, vector<16xf32>,
        tpu.vector_store %arg8[%parallel_loop3A_73, %parallel_loop3A_74], %parallel_loop3A_72 {strides = array<i32>} : memref<64x128xf32, #tpu.memory_space<vmem>>, vector<16xf32>,
        %parallel_loop3A_76 = arith.constant 112 : i32
        %parallel_loop3A_77 = vector.broadcast %parallel_loop3A_76 : i32 to vector<16xi32>
        %parallel_loop3A_78 = arith.addi %parallel_loop3A_77, %iota3A : vector<16xi32>
        %parallel_loop3A_79 = tpu.vector_load_idx %arg7[%parallel_loop3A_78, %parallel_loop3A_26] : memref<128x64xf32, #tpu.memory_space<vmem>>[vector<16xi32>, vector<16xi32>], vector<16xf32>,
        %parallel_loop3A_80 = arith.index_cast %parallel_loop3A_21 : i32 to index
        %parallel_loop3A_81 = arith.constant 112 : index
        %parallel_loop3A_82 = tpu.vector_load %arg8[%parallel_loop3A_80, %parallel_loop3A_81] {strides = array<i32>} : memref<64x128xf32, #tpu.memory_space<vmem>>, vector<16xf32>,
        tpu.vector_store %arg8[%parallel_loop3A_80, %parallel_loop3A_81], %parallel_loop3A_79 {strides = array<i32>} : memref<64x128xf32, #tpu.memory_space<vmem>>, vector<16xf32>,
      } {sc.loop_unroll_factor = 4 : i64, sc.parallel_access}
      "tpu.region"() ({
        %run_scoped3A = tpu.sem_alloc : memref<!tpu.dma_semaphore, #tpu.memory_space<semaphore_mem>>
        %dma_start3A_21 = arith.constant 0 : i32
        %dma_start3A_22 = arith.constant 0 : i32
        %dma_start3A_23 = tpu.memref_slice %arg8[%dma_start3A_21, %dma_start3A_22] : memref<64x128xf32, #tpu.memory_space<vmem>> -> memref<32x128xf32, #tpu.memory_space<vmem>>
        %dma_start3A_24 = arith.constant 0 : i32
        %dma_start3A_25 = tpu.memref_slice %arg4[%scan3A_8, %dma_start3A_24, %mul3A_2] : memref<25x32x4096xf32, #tpu.memory_space<hbm>> -> memref<1x32x128xf32, #tpu.memory_space<hbm>>
        %dma_start3A_26 = tpu.memref_squeeze %dma_start3A_25 : memref<1x32x128xf32, #tpu.memory_space<hbm>> -> memref<32x128xf32, #tpu.memory_space<hbm>>
        %dma_start3A_27 = arith.constant 0 : i32
        %dma_start3A_28 = tpu.memref_slice %arg4[%scan3A_8, %dma_start3A_27, %mul3A_2] : memref<25x32x4096xf32, #tpu.memory_space<hbm>> -> memref<1x32x128xf32, #tpu.memory_space<hbm>>
        %dma_start3A_29 = tpu.memref_squeeze %dma_start3A_28 : memref<1x32x128xf32, #tpu.memory_space<hbm>> -> memref<32x128xf32, #tpu.memory_space<hbm>>
        %dma_start3A_30 = arith.constant 0 : i32
        %dma_start3A_31 = arith.constant 0 : i32
        %dma_start3A_32 = tpu.memref_slice %arg8[%dma_start3A_30, %dma_start3A_31] : memref<64x128xf32, #tpu.memory_space<vmem>> -> memref<32x128xf32, #tpu.memory_space<vmem>>
        tpu.enqueue_dma source(%dma_start3A_32 : memref<32x128xf32, #tpu.memory_space<vmem>>) target(%dma_start3A_29 : memref<32x128xf32, #tpu.memory_space<hbm>>) target_semaphore(%run_scoped3A : memref<!tpu.dma_semaphore, #tpu.memory_space<semaphore_mem>>)
        %dma_wait3A_33 = arith.constant 0 : i32
        %dma_wait3A_34 = arith.constant 0 : i32
        %dma_wait3A_35 = tpu.memref_slice %arg8[%dma_wait3A_33, %dma_wait3A_34] : memref<64x128xf32, #tpu.memory_space<vmem>> -> memref<32x128xf32, #tpu.memory_space<vmem>>
        %dma_wait3A_36 = arith.constant 0 : i32
        %dma_wait3A_37 = tpu.memref_slice %arg4[%scan3A_8, %dma_wait3A_36, %mul3A_2] : memref<25x32x4096xf32, #tpu.memory_space<hbm>> -> memref<1x32x128xf32, #tpu.memory_space<hbm>>
        %dma_wait3A_38 = tpu.memref_squeeze %dma_wait3A_37 : memref<1x32x128xf32, #tpu.memory_space<hbm>> -> memref<32x128xf32, #tpu.memory_space<hbm>>
        %dma_wait3A_39 = arith.constant 0 : i32
        %dma_wait3A_40 = tpu.memref_slice %arg4[%scan3A_8, %dma_wait3A_39, %mul3A_2] : memref<25x32x4096xf32, #tpu.memory_space<hbm>> -> memref<1x32x128xf32, #tpu.memory_space<hbm>>
        %dma_wait3A_41 = tpu.memref_squeeze %dma_wait3A_40 : memref<1x32x128xf32, #tpu.memory_space<hbm>> -> memref<32x128xf32, #tpu.memory_space<hbm>>
        %dma_wait3A_42 = arith.constant 0 : i32
        %dma_wait3A_43 = arith.constant 0 : i32
        %dma_wait3A_44 = tpu.memref_slice %arg8[%dma_wait3A_42, %dma_wait3A_43] : memref<64x128xf32, #tpu.memory_space<vmem>> -> memref<32x128xf32, #tpu.memory_space<vmem>>
        tpu.wait_dma2 semaphore(%run_scoped3A : memref<!tpu.dma_semaphore, #tpu.memory_space<semaphore_mem>>) src(%dma_wait3A_44 : memref<32x128xf32, #tpu.memory_space<vmem>>) dst(%dma_wait3A_41 : memref<32x128xf32, #tpu.memory_space<hbm>>)
        tpu.yield
      }) : () -> ()
      "tpu.region"() ({
        %run_scoped3A = tpu.sem_alloc : memref<!tpu.dma_semaphore, #tpu.memory_space<semaphore_mem>>
        %dma_start3A_21 = arith.constant 32 : i32
        %dma_start3A_22 = arith.constant 0 : i32
        %dma_start3A_23 = tpu.memref_slice %arg8[%dma_start3A_21, %dma_start3A_22] : memref<64x128xf32, #tpu.memory_space<vmem>> -> memref<32x128xf32, #tpu.memory_space<vmem>>
        %dma_start3A_24 = arith.constant 0 : i32
        %dma_start3A_25 = tpu.memref_slice %arg5[%scan3A_8, %dma_start3A_24, %mul3A_2] : memref<25x32x4096xf32, #tpu.memory_space<hbm>> -> memref<1x32x128xf32, #tpu.memory_space<hbm>>
        %dma_start3A_26 = tpu.memref_squeeze %dma_start3A_25 : memref<1x32x128xf32, #tpu.memory_space<hbm>> -> memref<32x128xf32, #tpu.memory_space<hbm>>
        %dma_start3A_27 = arith.constant 0 : i32
        %dma_start3A_28 = tpu.memref_slice %arg5[%scan3A_8, %dma_start3A_27, %mul3A_2] : memref<25x32x4096xf32, #tpu.memory_space<hbm>> -> memref<1x32x128xf32, #tpu.memory_space<hbm>>
        %dma_start3A_29 = tpu.memref_squeeze %dma_start3A_28 : memref<1x32x128xf32, #tpu.memory_space<hbm>> -> memref<32x128xf32, #tpu.memory_space<hbm>>
        %dma_start3A_30 = arith.constant 32 : i32
        %dma_start3A_31 = arith.constant 0 : i32
        %dma_start3A_32 = tpu.memref_slice %arg8[%dma_start3A_30, %dma_start3A_31] : memref<64x128xf32, #tpu.memory_space<vmem>> -> memref<32x128xf32, #tpu.memory_space<vmem>>
        tpu.enqueue_dma source(%dma_start3A_32 : memref<32x128xf32, #tpu.memory_space<vmem>>) target(%dma_start3A_29 : memref<32x128xf32, #tpu.memory_space<hbm>>) target_semaphore(%run_scoped3A : memref<!tpu.dma_semaphore, #tpu.memory_space<semaphore_mem>>)
        %dma_wait3A_33 = arith.constant 32 : i32
        %dma_wait3A_34 = arith.constant 0 : i32
        %dma_wait3A_35 = tpu.memref_slice %arg8[%dma_wait3A_33, %dma_wait3A_34] : memref<64x128xf32, #tpu.memory_space<vmem>> -> memref<32x128xf32, #tpu.memory_space<vmem>>
        %dma_wait3A_36 = arith.constant 0 : i32
        %dma_wait3A_37 = tpu.memref_slice %arg5[%scan3A_8, %dma_wait3A_36, %mul3A_2] : memref<25x32x4096xf32, #tpu.memory_space<hbm>> -> memref<1x32x128xf32, #tpu.memory_space<hbm>>
        %dma_wait3A_38 = tpu.memref_squeeze %dma_wait3A_37 : memref<1x32x128xf32, #tpu.memory_space<hbm>> -> memref<32x128xf32, #tpu.memory_space<hbm>>
        %dma_wait3A_39 = arith.constant 0 : i32
        %dma_wait3A_40 = tpu.memref_slice %arg5[%scan3A_8, %dma_wait3A_39, %mul3A_2] : memref<25x32x4096xf32, #tpu.memory_space<hbm>> -> memref<1x32x128xf32, #tpu.memory_space<hbm>>
        %dma_wait3A_41 = tpu.memref_squeeze %dma_wait3A_40 : memref<1x32x128xf32, #tpu.memory_space<hbm>> -> memref<32x128xf32, #tpu.memory_space<hbm>>
        %dma_wait3A_42 = arith.constant 32 : i32
        %dma_wait3A_43 = arith.constant 0 : i32
        %dma_wait3A_44 = tpu.memref_slice %arg8[%dma_wait3A_42, %dma_wait3A_43] : memref<64x128xf32, #tpu.memory_space<vmem>> -> memref<32x128xf32, #tpu.memory_space<vmem>>
        tpu.wait_dma2 semaphore(%run_scoped3A : memref<!tpu.dma_semaphore, #tpu.memory_space<semaphore_mem>>) src(%dma_wait3A_44 : memref<32x128xf32, #tpu.memory_space<vmem>>) dst(%dma_wait3A_41 : memref<32x128xf32, #tpu.memory_space<hbm>>)
        tpu.yield
      }) : () -> ()
    }
    %scan3A_7 = arith.constant 25 : i32
    return
  }
}

#map = affine_map<(d0, d1) -> (0, 0)>
#map1 = affine_map<(d0, d1) -> (0, 0, 0)>
module attributes {stable_mosaic.version = 14 : i64} {
  func.func @_gather_tr_body(%arg0: i32, %arg1: i32, %arg2: memref<25x4096xi32, #tpu.memory_space<hbm>>, %arg3: memref<1000000x64xf32, #tpu.memory_space<hbm>>, %arg4: memref<25x32x4096xf32, #tpu.memory_space<hbm>>, %arg5: memref<25x32x4096xf32, #tpu.memory_space<hbm>>, %arg6: memref<25x128xi32, #tpu.memory_space<vmem>>, %arg7: memref<128x64xf32, #tpu.memory_space<vmem>>, %arg8: memref<64x128xf32, #tpu.memory_space<vmem>>, %arg9: memref<!tpu.dma_semaphore, #tpu.memory_space<semaphore_mem>>) attributes {dimension_semantics = [#tpu.dimension_semantics<core_parallel>, #tpu.dimension_semantics<subcore_parallel>], iteration_bounds = array<i64: 2, 16>, scalar_prefetch = 0 : i64, scratch_operands = 4 : i64, tpu.core_type = #tpu.core_type<sc_vector_subcore>, window_params = [{transform_indices = #map}, {transform_indices = #map}, {transform_indices = #map1}, {transform_indices = #map1}]} {
    %mul3A = arith.constant 2 : i32
    %mul3A_0 = arith.muli %arg1, %mul3A : i32
    %add3A = arith.addi %mul3A_0, %arg0 : i32
    %mul3A_1 = arith.constant 128 : i32
    %mul3A_2 = arith.muli %add3A, %mul3A_1 : i32
    "tpu.region"() ({
      %run_scoped3A = tpu.sem_alloc : memref<!tpu.dma_semaphore, #tpu.memory_space<semaphore_mem>>
      %dma_start3A = arith.constant 0 : i32
      %dma_start3A_8 = tpu.memref_slice %arg2[%dma_start3A, %mul3A_2] : memref<25x4096xi32, #tpu.memory_space<hbm>> -> memref<25x128xi32, #tpu.memory_space<hbm>>
      %dma_start3A_9 = arith.constant 0 : i32
      %dma_start3A_10 = tpu.memref_slice %arg2[%dma_start3A_9, %mul3A_2] : memref<25x4096xi32, #tpu.memory_space<hbm>> -> memref<25x128xi32, #tpu.memory_space<hbm>>
      tpu.enqueue_dma source(%dma_start3A_10 : memref<25x128xi32, #tpu.memory_space<hbm>>) target(%arg6 : memref<25x128xi32, #tpu.memory_space<vmem>>) target_semaphore(%run_scoped3A : memref<!tpu.dma_semaphore, #tpu.memory_space<semaphore_mem>>)
      %dma_wait3A = arith.constant 0 : i32
      %dma_wait3A_11 = tpu.memref_slice %arg2[%dma_wait3A, %mul3A_2] : memref<25x4096xi32, #tpu.memory_space<hbm>> -> memref<25x128xi32, #tpu.memory_space<hbm>>
      %dma_wait3A_12 = arith.constant 0 : i32
      %dma_wait3A_13 = tpu.memref_slice %arg2[%dma_wait3A_12, %mul3A_2] : memref<25x4096xi32, #tpu.memory_space<hbm>> -> memref<25x128xi32, #tpu.memory_space<hbm>>
      tpu.wait_dma2 semaphore(%run_scoped3A : memref<!tpu.dma_semaphore, #tpu.memory_space<semaphore_mem>>) src(%dma_wait3A_13 : memref<25x128xi32, #tpu.memory_space<hbm>>) dst(%arg6 : memref<25x128xi32, #tpu.memory_space<vmem>>)
      tpu.yield
    }) : () -> ()
    %scan3A = arith.constant 0 : i32
    %scan3A_3 = arith.constant 0 : i32
    %scan3A_4 = arith.constant 25 : i32
    %scan3A_5 = arith.addi %scan3A_3, %scan3A_4 : i32
    %scan3A_6 = arith.constant 1 : i32
    scf.for %scan3A_8 = %scan3A_3 to %scan3A_5 step %scan3A_6  : i32 {
      %dma_start3A = arith.constant 0 : i32
      %dma_start3A_9 = tpu.memref_slice %arg6[%scan3A_8, %dma_start3A] : memref<25x128xi32, #tpu.memory_space<vmem>> -> memref<1x128xi32, #tpu.memory_space<vmem>>
      %dma_start3A_10 = tpu.memref_squeeze %dma_start3A_9 : memref<1x128xi32, #tpu.memory_space<vmem>> -> memref<128xi32, #tpu.memory_space<vmem>>
      %dma_start3A_11 = arith.constant 0 : i32
      %dma_start3A_12 = arith.constant 0 : i32
      %dma_start3A_13 = tpu.memref_slice %arg3[%dma_start3A_11, %dma_start3A_12] : memref<1000000x64xf32, #tpu.memory_space<hbm>> -> memref<1000000x64xf32, #tpu.memory_space<hbm>>
      tpu.enqueue_indirect_dma source(%dma_start3A_13 : memref<1000000x64xf32, #tpu.memory_space<hbm>>) target(%arg7 : memref<128x64xf32, #tpu.memory_space<vmem>>) offsets(%dma_start3A_10 : memref<128xi32, #tpu.memory_space<vmem>>) semaphore(%arg9 : memref<!tpu.dma_semaphore, #tpu.memory_space<semaphore_mem>>)
      %dma_wait3A = arith.constant 0 : i32
      %dma_wait3A_14 = tpu.memref_slice %arg6[%scan3A_8, %dma_wait3A] : memref<25x128xi32, #tpu.memory_space<vmem>> -> memref<1x128xi32, #tpu.memory_space<vmem>>
      %dma_wait3A_15 = tpu.memref_squeeze %dma_wait3A_14 : memref<1x128xi32, #tpu.memory_space<vmem>> -> memref<128xi32, #tpu.memory_space<vmem>>
      %dma_wait3A_16 = arith.constant 0 : i32
      %dma_wait3A_17 = arith.constant 0 : i32
      %dma_wait3A_18 = tpu.memref_slice %arg3[%dma_wait3A_16, %dma_wait3A_17] : memref<1000000x64xf32, #tpu.memory_space<hbm>> -> memref<1000000x64xf32, #tpu.memory_space<hbm>>
      tpu.wait_indirect_dma semaphore(%arg9 : memref<!tpu.dma_semaphore, #tpu.memory_space<semaphore_mem>>) src(%dma_wait3A_18 : memref<1000000x64xf32, #tpu.memory_space<hbm>>) dst(%arg7 : memref<128x64xf32, #tpu.memory_space<vmem>>)
      %iota3A = tpu.iota {dimensions = array<i32: 0>} : vector<16xi32>
      %parallel_loop3A = arith.constant 0 : i32
      %parallel_loop3A_19 = arith.constant 64 : i32
      %parallel_loop3A_20 = arith.constant 1 : i32
      scf.for %parallel_loop3A_21 = %parallel_loop3A to %parallel_loop3A_19 step %parallel_loop3A_20  : i32 {
        %parallel_loop3A_22 = arith.constant 0 : i32
        %parallel_loop3A_23 = vector.broadcast %parallel_loop3A_22 : i32 to vector<16xi32>
        %parallel_loop3A_24 = arith.muli %iota3A, %parallel_loop3A_23 : vector<16xi32>
        %parallel_loop3A_25 = vector.broadcast %parallel_loop3A_21 : i32 to vector<16xi32>
        %parallel_loop3A_26 = arith.addi %parallel_loop3A_24, %parallel_loop3A_25 : vector<16xi32>
        %parallel_loop3A_27 = arith.constant 0 : i32
        %parallel_loop3A_28 = vector.broadcast %parallel_loop3A_27 : i32 to vector<16xi32>
        %parallel_loop3A_29 = arith.addi %parallel_loop3A_28, %iota3A : vector<16xi32>
        %parallel_loop3A_30 = tpu.vector_load_idx %arg7[%parallel_loop3A_29, %parallel_loop3A_26] : memref<128x64xf32, #tpu.memory_space<vmem>>[vector<16xi32>, vector<16xi32>], vector<16xf32>,
        %parallel_loop3A_31 = arith.index_cast %parallel_loop3A_21 : i32 to index
        %parallel_loop3A_32 = arith.constant 0 : index
        %parallel_loop3A_33 = tpu.vector_load %arg8[%parallel_loop3A_31, %parallel_loop3A_32] {strides = array<i32>} : memref<64x128xf32, #tpu.memory_space<vmem>>, vector<16xf32>,
        tpu.vector_store %arg8[%parallel_loop3A_31, %parallel_loop3A_32], %parallel_loop3A_30 {strides = array<i32>} : memref<64x128xf32, #tpu.memory_space<vmem>>, vector<16xf32>,
        %parallel_loop3A_34 = arith.constant 16 : i32
        %parallel_loop3A_35 = vector.broadcast %parallel_loop3A_34 : i32 to vector<16xi32>
        %parallel_loop3A_36 = arith.addi %parallel_loop3A_35, %iota3A : vector<16xi32>
        %parallel_loop3A_37 = tpu.vector_load_idx %arg7[%parallel_loop3A_36, %parallel_loop3A_26] : memref<128x64xf32, #tpu.memory_space<vmem>>[vector<16xi32>, vector<16xi32>], vector<16xf32>,
        %parallel_loop3A_38 = arith.index_cast %parallel_loop3A_21 : i32 to index
        %parallel_loop3A_39 = arith.constant 16 : index
        %parallel_loop3A_40 = tpu.vector_load %arg8[%parallel_loop3A_38, %parallel_loop3A_39] {strides = array<i32>} : memref<64x128xf32, #tpu.memory_space<vmem>>, vector<16xf32>,
        tpu.vector_store %arg8[%parallel_loop3A_38, %parallel_loop3A_39], %parallel_loop3A_37 {strides = array<i32>} : memref<64x128xf32, #tpu.memory_space<vmem>>, vector<16xf32>,
        %parallel_loop3A_41 = arith.constant 32 : i32
        %parallel_loop3A_42 = vector.broadcast %parallel_loop3A_41 : i32 to vector<16xi32>
        %parallel_loop3A_43 = arith.addi %parallel_loop3A_42, %iota3A : vector<16xi32>
        %parallel_loop3A_44 = tpu.vector_load_idx %arg7[%parallel_loop3A_43, %parallel_loop3A_26] : memref<128x64xf32, #tpu.memory_space<vmem>>[vector<16xi32>, vector<16xi32>], vector<16xf32>,
        %parallel_loop3A_45 = arith.index_cast %parallel_loop3A_21 : i32 to index
        %parallel_loop3A_46 = arith.constant 32 : index
        %parallel_loop3A_47 = tpu.vector_load %arg8[%parallel_loop3A_45, %parallel_loop3A_46] {strides = array<i32>} : memref<64x128xf32, #tpu.memory_space<vmem>>, vector<16xf32>,
        tpu.vector_store %arg8[%parallel_loop3A_45, %parallel_loop3A_46], %parallel_loop3A_44 {strides = array<i32>} : memref<64x128xf32, #tpu.memory_space<vmem>>, vector<16xf32>,
        %parallel_loop3A_48 = arith.constant 48 : i32
        %parallel_loop3A_49 = vector.broadcast %parallel_loop3A_48 : i32 to vector<16xi32>
        %parallel_loop3A_50 = arith.addi %parallel_loop3A_49, %iota3A : vector<16xi32>
        %parallel_loop3A_51 = tpu.vector_load_idx %arg7[%parallel_loop3A_50, %parallel_loop3A_26] : memref<128x64xf32, #tpu.memory_space<vmem>>[vector<16xi32>, vector<16xi32>], vector<16xf32>,
        %parallel_loop3A_52 = arith.index_cast %parallel_loop3A_21 : i32 to index
        %parallel_loop3A_53 = arith.constant 48 : index
        %parallel_loop3A_54 = tpu.vector_load %arg8[%parallel_loop3A_52, %parallel_loop3A_53] {strides = array<i32>} : memref<64x128xf32, #tpu.memory_space<vmem>>, vector<16xf32>,
        tpu.vector_store %arg8[%parallel_loop3A_52, %parallel_loop3A_53], %parallel_loop3A_51 {strides = array<i32>} : memref<64x128xf32, #tpu.memory_space<vmem>>, vector<16xf32>,
        %parallel_loop3A_55 = arith.constant 64 : i32
        %parallel_loop3A_56 = vector.broadcast %parallel_loop3A_55 : i32 to vector<16xi32>
        %parallel_loop3A_57 = arith.addi %parallel_loop3A_56, %iota3A : vector<16xi32>
        %parallel_loop3A_58 = tpu.vector_load_idx %arg7[%parallel_loop3A_57, %parallel_loop3A_26] : memref<128x64xf32, #tpu.memory_space<vmem>>[vector<16xi32>, vector<16xi32>], vector<16xf32>,
        %parallel_loop3A_59 = arith.index_cast %parallel_loop3A_21 : i32 to index
        %parallel_loop3A_60 = arith.constant 64 : index
        %parallel_loop3A_61 = tpu.vector_load %arg8[%parallel_loop3A_59, %parallel_loop3A_60] {strides = array<i32>} : memref<64x128xf32, #tpu.memory_space<vmem>>, vector<16xf32>,
        tpu.vector_store %arg8[%parallel_loop3A_59, %parallel_loop3A_60], %parallel_loop3A_58 {strides = array<i32>} : memref<64x128xf32, #tpu.memory_space<vmem>>, vector<16xf32>,
        %parallel_loop3A_62 = arith.constant 80 : i32
        %parallel_loop3A_63 = vector.broadcast %parallel_loop3A_62 : i32 to vector<16xi32>
        %parallel_loop3A_64 = arith.addi %parallel_loop3A_63, %iota3A : vector<16xi32>
        %parallel_loop3A_65 = tpu.vector_load_idx %arg7[%parallel_loop3A_64, %parallel_loop3A_26] : memref<128x64xf32, #tpu.memory_space<vmem>>[vector<16xi32>, vector<16xi32>], vector<16xf32>,
        %parallel_loop3A_66 = arith.index_cast %parallel_loop3A_21 : i32 to index
        %parallel_loop3A_67 = arith.constant 80 : index
        %parallel_loop3A_68 = tpu.vector_load %arg8[%parallel_loop3A_66, %parallel_loop3A_67] {strides = array<i32>} : memref<64x128xf32, #tpu.memory_space<vmem>>, vector<16xf32>,
        tpu.vector_store %arg8[%parallel_loop3A_66, %parallel_loop3A_67], %parallel_loop3A_65 {strides = array<i32>} : memref<64x128xf32, #tpu.memory_space<vmem>>, vector<16xf32>,
        %parallel_loop3A_69 = arith.constant 96 : i32
        %parallel_loop3A_70 = vector.broadcast %parallel_loop3A_69 : i32 to vector<16xi32>
        %parallel_loop3A_71 = arith.addi %parallel_loop3A_70, %iota3A : vector<16xi32>
        %parallel_loop3A_72 = tpu.vector_load_idx %arg7[%parallel_loop3A_71, %parallel_loop3A_26] : memref<128x64xf32, #tpu.memory_space<vmem>>[vector<16xi32>, vector<16xi32>], vector<16xf32>,
        %parallel_loop3A_73 = arith.index_cast %parallel_loop3A_21 : i32 to index
        %parallel_loop3A_74 = arith.constant 96 : index
        %parallel_loop3A_75 = tpu.vector_load %arg8[%parallel_loop3A_73, %parallel_loop3A_74] {strides = array<i32>} : memref<64x128xf32, #tpu.memory_space<vmem>>, vector<16xf32>,
        tpu.vector_store %arg8[%parallel_loop3A_73, %parallel_loop3A_74], %parallel_loop3A_72 {strides = array<i32>} : memref<64x128xf32, #tpu.memory_space<vmem>>, vector<16xf32>,
        %parallel_loop3A_76 = arith.constant 112 : i32
        %parallel_loop3A_77 = vector.broadcast %parallel_loop3A_76 : i32 to vector<16xi32>
        %parallel_loop3A_78 = arith.addi %parallel_loop3A_77, %iota3A : vector<16xi32>
        %parallel_loop3A_79 = tpu.vector_load_idx %arg7[%parallel_loop3A_78, %parallel_loop3A_26] : memref<128x64xf32, #tpu.memory_space<vmem>>[vector<16xi32>, vector<16xi32>], vector<16xf32>,
        %parallel_loop3A_80 = arith.index_cast %parallel_loop3A_21 : i32 to index
        %parallel_loop3A_81 = arith.constant 112 : index
        %parallel_loop3A_82 = tpu.vector_load %arg8[%parallel_loop3A_80, %parallel_loop3A_81] {strides = array<i32>} : memref<64x128xf32, #tpu.memory_space<vmem>>, vector<16xf32>,
        tpu.vector_store %arg8[%parallel_loop3A_80, %parallel_loop3A_81], %parallel_loop3A_79 {strides = array<i32>} : memref<64x128xf32, #tpu.memory_space<vmem>>, vector<16xf32>,
      } {sc.loop_unroll_factor = 4 : i64, sc.parallel_access}
      "tpu.region"() ({
        %run_scoped3A = tpu.sem_alloc : memref<!tpu.dma_semaphore, #tpu.memory_space<semaphore_mem>>
        %dma_start3A_21 = arith.constant 0 : i32
        %dma_start3A_22 = arith.constant 0 : i32
        %dma_start3A_23 = tpu.memref_slice %arg8[%dma_start3A_21, %dma_start3A_22] : memref<64x128xf32, #tpu.memory_space<vmem>> -> memref<32x128xf32, #tpu.memory_space<vmem>>
        %dma_start3A_24 = arith.constant 0 : i32
        %dma_start3A_25 = tpu.memref_slice %arg4[%scan3A_8, %dma_start3A_24, %mul3A_2] : memref<25x32x4096xf32, #tpu.memory_space<hbm>> -> memref<1x32x128xf32, #tpu.memory_space<hbm>>
        %dma_start3A_26 = tpu.memref_squeeze %dma_start3A_25 : memref<1x32x128xf32, #tpu.memory_space<hbm>> -> memref<32x128xf32, #tpu.memory_space<hbm>>
        %dma_start3A_27 = arith.constant 0 : i32
        %dma_start3A_28 = tpu.memref_slice %arg4[%scan3A_8, %dma_start3A_27, %mul3A_2] : memref<25x32x4096xf32, #tpu.memory_space<hbm>> -> memref<1x32x128xf32, #tpu.memory_space<hbm>>
        %dma_start3A_29 = tpu.memref_squeeze %dma_start3A_28 : memref<1x32x128xf32, #tpu.memory_space<hbm>> -> memref<32x128xf32, #tpu.memory_space<hbm>>
        %dma_start3A_30 = arith.constant 0 : i32
        %dma_start3A_31 = arith.constant 0 : i32
        %dma_start3A_32 = tpu.memref_slice %arg8[%dma_start3A_30, %dma_start3A_31] : memref<64x128xf32, #tpu.memory_space<vmem>> -> memref<32x128xf32, #tpu.memory_space<vmem>>
        tpu.enqueue_dma source(%dma_start3A_32 : memref<32x128xf32, #tpu.memory_space<vmem>>) target(%dma_start3A_29 : memref<32x128xf32, #tpu.memory_space<hbm>>) target_semaphore(%run_scoped3A : memref<!tpu.dma_semaphore, #tpu.memory_space<semaphore_mem>>)
        %dma_wait3A_33 = arith.constant 0 : i32
        %dma_wait3A_34 = arith.constant 0 : i32
        %dma_wait3A_35 = tpu.memref_slice %arg8[%dma_wait3A_33, %dma_wait3A_34] : memref<64x128xf32, #tpu.memory_space<vmem>> -> memref<32x128xf32, #tpu.memory_space<vmem>>
        %dma_wait3A_36 = arith.constant 0 : i32
        %dma_wait3A_37 = tpu.memref_slice %arg4[%scan3A_8, %dma_wait3A_36, %mul3A_2] : memref<25x32x4096xf32, #tpu.memory_space<hbm>> -> memref<1x32x128xf32, #tpu.memory_space<hbm>>
        %dma_wait3A_38 = tpu.memref_squeeze %dma_wait3A_37 : memref<1x32x128xf32, #tpu.memory_space<hbm>> -> memref<32x128xf32, #tpu.memory_space<hbm>>
        %dma_wait3A_39 = arith.constant 0 : i32
        %dma_wait3A_40 = tpu.memref_slice %arg4[%scan3A_8, %dma_wait3A_39, %mul3A_2] : memref<25x32x4096xf32, #tpu.memory_space<hbm>> -> memref<1x32x128xf32, #tpu.memory_space<hbm>>
        %dma_wait3A_41 = tpu.memref_squeeze %dma_wait3A_40 : memref<1x32x128xf32, #tpu.memory_space<hbm>> -> memref<32x128xf32, #tpu.memory_space<hbm>>
        %dma_wait3A_42 = arith.constant 0 : i32
        %dma_wait3A_43 = arith.constant 0 : i32
        %dma_wait3A_44 = tpu.memref_slice %arg8[%dma_wait3A_42, %dma_wait3A_43] : memref<64x128xf32, #tpu.memory_space<vmem>> -> memref<32x128xf32, #tpu.memory_space<vmem>>
        tpu.wait_dma2 semaphore(%run_scoped3A : memref<!tpu.dma_semaphore, #tpu.memory_space<semaphore_mem>>) src(%dma_wait3A_44 : memref<32x128xf32, #tpu.memory_space<vmem>>) dst(%dma_wait3A_41 : memref<32x128xf32, #tpu.memory_space<hbm>>)
        tpu.yield
      }) : () -> ()
      "tpu.region"() ({
        %run_scoped3A = tpu.sem_alloc : memref<!tpu.dma_semaphore, #tpu.memory_space<semaphore_mem>>
        %dma_start3A_21 = arith.constant 32 : i32
        %dma_start3A_22 = arith.constant 0 : i32
        %dma_start3A_23 = tpu.memref_slice %arg8[%dma_start3A_21, %dma_start3A_22] : memref<64x128xf32, #tpu.memory_space<vmem>> -> memref<32x128xf32, #tpu.memory_space<vmem>>
        %dma_start3A_24 = arith.constant 0 : i32
        %dma_start3A_25 = tpu.memref_slice %arg5[%scan3A_8, %dma_start3A_24, %mul3A_2] : memref<25x32x4096xf32, #tpu.memory_space<hbm>> -> memref<1x32x128xf32, #tpu.memory_space<hbm>>
        %dma_start3A_26 = tpu.memref_squeeze %dma_start3A_25 : memref<1x32x128xf32, #tpu.memory_space<hbm>> -> memref<32x128xf32, #tpu.memory_space<hbm>>
        %dma_start3A_27 = arith.constant 0 : i32
        %dma_start3A_28 = tpu.memref_slice %arg5[%scan3A_8, %dma_start3A_27, %mul3A_2] : memref<25x32x4096xf32, #tpu.memory_space<hbm>> -> memref<1x32x128xf32, #tpu.memory_space<hbm>>
        %dma_start3A_29 = tpu.memref_squeeze %dma_start3A_28 : memref<1x32x128xf32, #tpu.memory_space<hbm>> -> memref<32x128xf32, #tpu.memory_space<hbm>>
        %dma_start3A_30 = arith.constant 32 : i32
        %dma_start3A_31 = arith.constant 0 : i32
        %dma_start3A_32 = tpu.memref_slice %arg8[%dma_start3A_30, %dma_start3A_31] : memref<64x128xf32, #tpu.memory_space<vmem>> -> memref<32x128xf32, #tpu.memory_space<vmem>>
        tpu.enqueue_dma source(%dma_start3A_32 : memref<32x128xf32, #tpu.memory_space<vmem>>) target(%dma_start3A_29 : memref<32x128xf32, #tpu.memory_space<hbm>>) target_semaphore(%run_scoped3A : memref<!tpu.dma_semaphore, #tpu.memory_space<semaphore_mem>>)
        %dma_wait3A_33 = arith.constant 32 : i32
        %dma_wait3A_34 = arith.constant 0 : i32
        %dma_wait3A_35 = tpu.memref_slice %arg8[%dma_wait3A_33, %dma_wait3A_34] : memref<64x128xf32, #tpu.memory_space<vmem>> -> memref<32x128xf32, #tpu.memory_space<vmem>>
        %dma_wait3A_36 = arith.constant 0 : i32
        %dma_wait3A_37 = tpu.memref_slice %arg5[%scan3A_8, %dma_wait3A_36, %mul3A_2] : memref<25x32x4096xf32, #tpu.memory_space<hbm>> -> memref<1x32x128xf32, #tpu.memory_space<hbm>>
        %dma_wait3A_38 = tpu.memref_squeeze %dma_wait3A_37 : memref<1x32x128xf32, #tpu.memory_space<hbm>> -> memref<32x128xf32, #tpu.memory_space<hbm>>
        %dma_wait3A_39 = arith.constant 0 : i32
        %dma_wait3A_40 = tpu.memref_slice %arg5[%scan3A_8, %dma_wait3A_39, %mul3A_2] : memref<25x32x4096xf32, #tpu.memory_space<hbm>> -> memref<1x32x128xf32, #tpu.memory_space<hbm>>
        %dma_wait3A_41 = tpu.memref_squeeze %dma_wait3A_40 : memref<1x32x128xf32, #tpu.memory_space<hbm>> -> memref<32x128xf32, #tpu.memory_space<hbm>>
        %dma_wait3A_42 = arith.constant 32 : i32
        %dma_wait3A_43 = arith.constant 0 : i32
        %dma_wait3A_44 = tpu.memref_slice %arg8[%dma_wait3A_42, %dma_wait3A_43] : memref<64x128xf32, #tpu.memory_space<vmem>> -> memref<32x128xf32, #tpu.memory_space<vmem>>
        tpu.wait_dma2 semaphore(%run_scoped3A : memref<!tpu.dma_semaphore, #tpu.memory_space<semaphore_mem>>) src(%dma_wait3A_44 : memref<32x128xf32, #tpu.memory_space<vmem>>) dst(%dma_wait3A_41 : memref<32x128xf32, #tpu.memory_space<hbm>>)
        tpu.yield
      }) : () -> ()
    }
    %scan3A_7 = arith.constant 25 : i32
    return
  }
}

#map = affine_map<(d0, d1) -> (0, 0)>
#map1 = affine_map<(d0, d1) -> (0, 0, 0)>
module attributes {stable_mosaic.version = 14 : i64} {
  func.func @_gather_tr_body(%arg0: i32, %arg1: i32, %arg2: memref<25x4096xi32, #tpu.memory_space<hbm>>, %arg3: memref<1000000x64xf32, #tpu.memory_space<hbm>>, %arg4: memref<25x32x4096xf32, #tpu.memory_space<hbm>>, %arg5: memref<25x32x4096xf32, #tpu.memory_space<hbm>>, %arg6: memref<25x128xi32, #tpu.memory_space<vmem>>, %arg7: memref<128x64xf32, #tpu.memory_space<vmem>>, %arg8: memref<64x128xf32, #tpu.memory_space<vmem>>, %arg9: memref<!tpu.dma_semaphore, #tpu.memory_space<semaphore_mem>>) attributes {dimension_semantics = [#tpu.dimension_semantics<core_parallel>, #tpu.dimension_semantics<subcore_parallel>], iteration_bounds = array<i64: 2, 16>, scalar_prefetch = 0 : i64, scratch_operands = 4 : i64, tpu.core_type = #tpu.core_type<sc_vector_subcore>, window_params = [{transform_indices = #map}, {transform_indices = #map}, {transform_indices = #map1}, {transform_indices = #map1}]} {
    %mul3A = arith.constant 2 : i32
    %mul3A_0 = arith.muli %arg1, %mul3A : i32
    %add3A = arith.addi %mul3A_0, %arg0 : i32
    %mul3A_1 = arith.constant 128 : i32
    %mul3A_2 = arith.muli %add3A, %mul3A_1 : i32
    "tpu.region"() ({
      %run_scoped3A = tpu.sem_alloc : memref<!tpu.dma_semaphore, #tpu.memory_space<semaphore_mem>>
      %dma_start3A = arith.constant 0 : i32
      %dma_start3A_8 = tpu.memref_slice %arg2[%dma_start3A, %mul3A_2] : memref<25x4096xi32, #tpu.memory_space<hbm>> -> memref<25x128xi32, #tpu.memory_space<hbm>>
      %dma_start3A_9 = arith.constant 0 : i32
      %dma_start3A_10 = tpu.memref_slice %arg2[%dma_start3A_9, %mul3A_2] : memref<25x4096xi32, #tpu.memory_space<hbm>> -> memref<25x128xi32, #tpu.memory_space<hbm>>
      tpu.enqueue_dma source(%dma_start3A_10 : memref<25x128xi32, #tpu.memory_space<hbm>>) target(%arg6 : memref<25x128xi32, #tpu.memory_space<vmem>>) target_semaphore(%run_scoped3A : memref<!tpu.dma_semaphore, #tpu.memory_space<semaphore_mem>>)
      %dma_wait3A = arith.constant 0 : i32
      %dma_wait3A_11 = tpu.memref_slice %arg2[%dma_wait3A, %mul3A_2] : memref<25x4096xi32, #tpu.memory_space<hbm>> -> memref<25x128xi32, #tpu.memory_space<hbm>>
      %dma_wait3A_12 = arith.constant 0 : i32
      %dma_wait3A_13 = tpu.memref_slice %arg2[%dma_wait3A_12, %mul3A_2] : memref<25x4096xi32, #tpu.memory_space<hbm>> -> memref<25x128xi32, #tpu.memory_space<hbm>>
      tpu.wait_dma2 semaphore(%run_scoped3A : memref<!tpu.dma_semaphore, #tpu.memory_space<semaphore_mem>>) src(%dma_wait3A_13 : memref<25x128xi32, #tpu.memory_space<hbm>>) dst(%arg6 : memref<25x128xi32, #tpu.memory_space<vmem>>)
      tpu.yield
    }) : () -> ()
    %scan3A = arith.constant 0 : i32
    %scan3A_3 = arith.constant 0 : i32
    %scan3A_4 = arith.constant 25 : i32
    %scan3A_5 = arith.addi %scan3A_3, %scan3A_4 : i32
    %scan3A_6 = arith.constant 1 : i32
    scf.for %scan3A_8 = %scan3A_3 to %scan3A_5 step %scan3A_6  : i32 {
      %dma_start3A = arith.constant 0 : i32
      %dma_start3A_9 = tpu.memref_slice %arg6[%scan3A_8, %dma_start3A] : memref<25x128xi32, #tpu.memory_space<vmem>> -> memref<1x128xi32, #tpu.memory_space<vmem>>
      %dma_start3A_10 = tpu.memref_squeeze %dma_start3A_9 : memref<1x128xi32, #tpu.memory_space<vmem>> -> memref<128xi32, #tpu.memory_space<vmem>>
      %dma_start3A_11 = arith.constant 0 : i32
      %dma_start3A_12 = arith.constant 0 : i32
      %dma_start3A_13 = tpu.memref_slice %arg3[%dma_start3A_11, %dma_start3A_12] : memref<1000000x64xf32, #tpu.memory_space<hbm>> -> memref<1000000x64xf32, #tpu.memory_space<hbm>>
      tpu.enqueue_indirect_dma source(%dma_start3A_13 : memref<1000000x64xf32, #tpu.memory_space<hbm>>) target(%arg7 : memref<128x64xf32, #tpu.memory_space<vmem>>) offsets(%dma_start3A_10 : memref<128xi32, #tpu.memory_space<vmem>>) semaphore(%arg9 : memref<!tpu.dma_semaphore, #tpu.memory_space<semaphore_mem>>)
      %dma_wait3A = arith.constant 0 : i32
      %dma_wait3A_14 = tpu.memref_slice %arg6[%scan3A_8, %dma_wait3A] : memref<25x128xi32, #tpu.memory_space<vmem>> -> memref<1x128xi32, #tpu.memory_space<vmem>>
      %dma_wait3A_15 = tpu.memref_squeeze %dma_wait3A_14 : memref<1x128xi32, #tpu.memory_space<vmem>> -> memref<128xi32, #tpu.memory_space<vmem>>
      %dma_wait3A_16 = arith.constant 0 : i32
      %dma_wait3A_17 = arith.constant 0 : i32
      %dma_wait3A_18 = tpu.memref_slice %arg3[%dma_wait3A_16, %dma_wait3A_17] : memref<1000000x64xf32, #tpu.memory_space<hbm>> -> memref<1000000x64xf32, #tpu.memory_space<hbm>>
      tpu.wait_indirect_dma semaphore(%arg9 : memref<!tpu.dma_semaphore, #tpu.memory_space<semaphore_mem>>) src(%dma_wait3A_18 : memref<1000000x64xf32, #tpu.memory_space<hbm>>) dst(%arg7 : memref<128x64xf32, #tpu.memory_space<vmem>>)
      %iota3A = tpu.iota {dimensions = array<i32: 0>} : vector<16xi32>
      %parallel_loop3A = arith.constant 0 : i32
      %parallel_loop3A_19 = arith.constant 64 : i32
      %parallel_loop3A_20 = arith.constant 1 : i32
      scf.for %parallel_loop3A_21 = %parallel_loop3A to %parallel_loop3A_19 step %parallel_loop3A_20  : i32 {
        %parallel_loop3A_22 = arith.constant 0 : i32
        %parallel_loop3A_23 = vector.broadcast %parallel_loop3A_22 : i32 to vector<16xi32>
        %parallel_loop3A_24 = arith.muli %iota3A, %parallel_loop3A_23 : vector<16xi32>
        %parallel_loop3A_25 = vector.broadcast %parallel_loop3A_21 : i32 to vector<16xi32>
        %parallel_loop3A_26 = arith.addi %parallel_loop3A_24, %parallel_loop3A_25 : vector<16xi32>
        %parallel_loop3A_27 = arith.constant 0 : i32
        %parallel_loop3A_28 = vector.broadcast %parallel_loop3A_27 : i32 to vector<16xi32>
        %parallel_loop3A_29 = arith.addi %parallel_loop3A_28, %iota3A : vector<16xi32>
        %parallel_loop3A_30 = tpu.vector_load_idx %arg7[%parallel_loop3A_29, %parallel_loop3A_26] : memref<128x64xf32, #tpu.memory_space<vmem>>[vector<16xi32>, vector<16xi32>], vector<16xf32>,
        %parallel_loop3A_31 = arith.index_cast %parallel_loop3A_21 : i32 to index
        %parallel_loop3A_32 = arith.constant 0 : index
        %parallel_loop3A_33 = tpu.vector_load %arg8[%parallel_loop3A_31, %parallel_loop3A_32] {strides = array<i32>} : memref<64x128xf32, #tpu.memory_space<vmem>>, vector<16xf32>,
        tpu.vector_store %arg8[%parallel_loop3A_31, %parallel_loop3A_32], %parallel_loop3A_30 {strides = array<i32>} : memref<64x128xf32, #tpu.memory_space<vmem>>, vector<16xf32>,
        %parallel_loop3A_34 = arith.constant 16 : i32
        %parallel_loop3A_35 = vector.broadcast %parallel_loop3A_34 : i32 to vector<16xi32>
        %parallel_loop3A_36 = arith.addi %parallel_loop3A_35, %iota3A : vector<16xi32>
        %parallel_loop3A_37 = tpu.vector_load_idx %arg7[%parallel_loop3A_36, %parallel_loop3A_26] : memref<128x64xf32, #tpu.memory_space<vmem>>[vector<16xi32>, vector<16xi32>], vector<16xf32>,
        %parallel_loop3A_38 = arith.index_cast %parallel_loop3A_21 : i32 to index
        %parallel_loop3A_39 = arith.constant 16 : index
        %parallel_loop3A_40 = tpu.vector_load %arg8[%parallel_loop3A_38, %parallel_loop3A_39] {strides = array<i32>} : memref<64x128xf32, #tpu.memory_space<vmem>>, vector<16xf32>,
        tpu.vector_store %arg8[%parallel_loop3A_38, %parallel_loop3A_39], %parallel_loop3A_37 {strides = array<i32>} : memref<64x128xf32, #tpu.memory_space<vmem>>, vector<16xf32>,
        %parallel_loop3A_41 = arith.constant 32 : i32
        %parallel_loop3A_42 = vector.broadcast %parallel_loop3A_41 : i32 to vector<16xi32>
        %parallel_loop3A_43 = arith.addi %parallel_loop3A_42, %iota3A : vector<16xi32>
        %parallel_loop3A_44 = tpu.vector_load_idx %arg7[%parallel_loop3A_43, %parallel_loop3A_26] : memref<128x64xf32, #tpu.memory_space<vmem>>[vector<16xi32>, vector<16xi32>], vector<16xf32>,
        %parallel_loop3A_45 = arith.index_cast %parallel_loop3A_21 : i32 to index
        %parallel_loop3A_46 = arith.constant 32 : index
        %parallel_loop3A_47 = tpu.vector_load %arg8[%parallel_loop3A_45, %parallel_loop3A_46] {strides = array<i32>} : memref<64x128xf32, #tpu.memory_space<vmem>>, vector<16xf32>,
        tpu.vector_store %arg8[%parallel_loop3A_45, %parallel_loop3A_46], %parallel_loop3A_44 {strides = array<i32>} : memref<64x128xf32, #tpu.memory_space<vmem>>, vector<16xf32>,
        %parallel_loop3A_48 = arith.constant 48 : i32
        %parallel_loop3A_49 = vector.broadcast %parallel_loop3A_48 : i32 to vector<16xi32>
        %parallel_loop3A_50 = arith.addi %parallel_loop3A_49, %iota3A : vector<16xi32>
        %parallel_loop3A_51 = tpu.vector_load_idx %arg7[%parallel_loop3A_50, %parallel_loop3A_26] : memref<128x64xf32, #tpu.memory_space<vmem>>[vector<16xi32>, vector<16xi32>], vector<16xf32>,
        %parallel_loop3A_52 = arith.index_cast %parallel_loop3A_21 : i32 to index
        %parallel_loop3A_53 = arith.constant 48 : index
        %parallel_loop3A_54 = tpu.vector_load %arg8[%parallel_loop3A_52, %parallel_loop3A_53] {strides = array<i32>} : memref<64x128xf32, #tpu.memory_space<vmem>>, vector<16xf32>,
        tpu.vector_store %arg8[%parallel_loop3A_52, %parallel_loop3A_53], %parallel_loop3A_51 {strides = array<i32>} : memref<64x128xf32, #tpu.memory_space<vmem>>, vector<16xf32>,
        %parallel_loop3A_55 = arith.constant 64 : i32
        %parallel_loop3A_56 = vector.broadcast %parallel_loop3A_55 : i32 to vector<16xi32>
        %parallel_loop3A_57 = arith.addi %parallel_loop3A_56, %iota3A : vector<16xi32>
        %parallel_loop3A_58 = tpu.vector_load_idx %arg7[%parallel_loop3A_57, %parallel_loop3A_26] : memref<128x64xf32, #tpu.memory_space<vmem>>[vector<16xi32>, vector<16xi32>], vector<16xf32>,
        %parallel_loop3A_59 = arith.index_cast %parallel_loop3A_21 : i32 to index
        %parallel_loop3A_60 = arith.constant 64 : index
        %parallel_loop3A_61 = tpu.vector_load %arg8[%parallel_loop3A_59, %parallel_loop3A_60] {strides = array<i32>} : memref<64x128xf32, #tpu.memory_space<vmem>>, vector<16xf32>,
        tpu.vector_store %arg8[%parallel_loop3A_59, %parallel_loop3A_60], %parallel_loop3A_58 {strides = array<i32>} : memref<64x128xf32, #tpu.memory_space<vmem>>, vector<16xf32>,
        %parallel_loop3A_62 = arith.constant 80 : i32
        %parallel_loop3A_63 = vector.broadcast %parallel_loop3A_62 : i32 to vector<16xi32>
        %parallel_loop3A_64 = arith.addi %parallel_loop3A_63, %iota3A : vector<16xi32>
        %parallel_loop3A_65 = tpu.vector_load_idx %arg7[%parallel_loop3A_64, %parallel_loop3A_26] : memref<128x64xf32, #tpu.memory_space<vmem>>[vector<16xi32>, vector<16xi32>], vector<16xf32>,
        %parallel_loop3A_66 = arith.index_cast %parallel_loop3A_21 : i32 to index
        %parallel_loop3A_67 = arith.constant 80 : index
        %parallel_loop3A_68 = tpu.vector_load %arg8[%parallel_loop3A_66, %parallel_loop3A_67] {strides = array<i32>} : memref<64x128xf32, #tpu.memory_space<vmem>>, vector<16xf32>,
        tpu.vector_store %arg8[%parallel_loop3A_66, %parallel_loop3A_67], %parallel_loop3A_65 {strides = array<i32>} : memref<64x128xf32, #tpu.memory_space<vmem>>, vector<16xf32>,
        %parallel_loop3A_69 = arith.constant 96 : i32
        %parallel_loop3A_70 = vector.broadcast %parallel_loop3A_69 : i32 to vector<16xi32>
        %parallel_loop3A_71 = arith.addi %parallel_loop3A_70, %iota3A : vector<16xi32>
        %parallel_loop3A_72 = tpu.vector_load_idx %arg7[%parallel_loop3A_71, %parallel_loop3A_26] : memref<128x64xf32, #tpu.memory_space<vmem>>[vector<16xi32>, vector<16xi32>], vector<16xf32>,
        %parallel_loop3A_73 = arith.index_cast %parallel_loop3A_21 : i32 to index
        %parallel_loop3A_74 = arith.constant 96 : index
        %parallel_loop3A_75 = tpu.vector_load %arg8[%parallel_loop3A_73, %parallel_loop3A_74] {strides = array<i32>} : memref<64x128xf32, #tpu.memory_space<vmem>>, vector<16xf32>,
        tpu.vector_store %arg8[%parallel_loop3A_73, %parallel_loop3A_74], %parallel_loop3A_72 {strides = array<i32>} : memref<64x128xf32, #tpu.memory_space<vmem>>, vector<16xf32>,
        %parallel_loop3A_76 = arith.constant 112 : i32
        %parallel_loop3A_77 = vector.broadcast %parallel_loop3A_76 : i32 to vector<16xi32>
        %parallel_loop3A_78 = arith.addi %parallel_loop3A_77, %iota3A : vector<16xi32>
        %parallel_loop3A_79 = tpu.vector_load_idx %arg7[%parallel_loop3A_78, %parallel_loop3A_26] : memref<128x64xf32, #tpu.memory_space<vmem>>[vector<16xi32>, vector<16xi32>], vector<16xf32>,
        %parallel_loop3A_80 = arith.index_cast %parallel_loop3A_21 : i32 to index
        %parallel_loop3A_81 = arith.constant 112 : index
        %parallel_loop3A_82 = tpu.vector_load %arg8[%parallel_loop3A_80, %parallel_loop3A_81] {strides = array<i32>} : memref<64x128xf32, #tpu.memory_space<vmem>>, vector<16xf32>,
        tpu.vector_store %arg8[%parallel_loop3A_80, %parallel_loop3A_81], %parallel_loop3A_79 {strides = array<i32>} : memref<64x128xf32, #tpu.memory_space<vmem>>, vector<16xf32>,
      } {sc.loop_unroll_factor = 4 : i64, sc.parallel_access}
      "tpu.region"() ({
        %run_scoped3A = tpu.sem_alloc : memref<!tpu.dma_semaphore, #tpu.memory_space<semaphore_mem>>
        %dma_start3A_21 = arith.constant 0 : i32
        %dma_start3A_22 = arith.constant 0 : i32
        %dma_start3A_23 = tpu.memref_slice %arg8[%dma_start3A_21, %dma_start3A_22] : memref<64x128xf32, #tpu.memory_space<vmem>> -> memref<32x128xf32, #tpu.memory_space<vmem>>
        %dma_start3A_24 = arith.constant 0 : i32
        %dma_start3A_25 = tpu.memref_slice %arg4[%scan3A_8, %dma_start3A_24, %mul3A_2] : memref<25x32x4096xf32, #tpu.memory_space<hbm>> -> memref<1x32x128xf32, #tpu.memory_space<hbm>>
        %dma_start3A_26 = tpu.memref_squeeze %dma_start3A_25 : memref<1x32x128xf32, #tpu.memory_space<hbm>> -> memref<32x128xf32, #tpu.memory_space<hbm>>
        %dma_start3A_27 = arith.constant 0 : i32
        %dma_start3A_28 = tpu.memref_slice %arg4[%scan3A_8, %dma_start3A_27, %mul3A_2] : memref<25x32x4096xf32, #tpu.memory_space<hbm>> -> memref<1x32x128xf32, #tpu.memory_space<hbm>>
        %dma_start3A_29 = tpu.memref_squeeze %dma_start3A_28 : memref<1x32x128xf32, #tpu.memory_space<hbm>> -> memref<32x128xf32, #tpu.memory_space<hbm>>
        %dma_start3A_30 = arith.constant 0 : i32
        %dma_start3A_31 = arith.constant 0 : i32
        %dma_start3A_32 = tpu.memref_slice %arg8[%dma_start3A_30, %dma_start3A_31] : memref<64x128xf32, #tpu.memory_space<vmem>> -> memref<32x128xf32, #tpu.memory_space<vmem>>
        tpu.enqueue_dma source(%dma_start3A_32 : memref<32x128xf32, #tpu.memory_space<vmem>>) target(%dma_start3A_29 : memref<32x128xf32, #tpu.memory_space<hbm>>) target_semaphore(%run_scoped3A : memref<!tpu.dma_semaphore, #tpu.memory_space<semaphore_mem>>)
        %dma_wait3A_33 = arith.constant 0 : i32
        %dma_wait3A_34 = arith.constant 0 : i32
        %dma_wait3A_35 = tpu.memref_slice %arg8[%dma_wait3A_33, %dma_wait3A_34] : memref<64x128xf32, #tpu.memory_space<vmem>> -> memref<32x128xf32, #tpu.memory_space<vmem>>
        %dma_wait3A_36 = arith.constant 0 : i32
        %dma_wait3A_37 = tpu.memref_slice %arg4[%scan3A_8, %dma_wait3A_36, %mul3A_2] : memref<25x32x4096xf32, #tpu.memory_space<hbm>> -> memref<1x32x128xf32, #tpu.memory_space<hbm>>
        %dma_wait3A_38 = tpu.memref_squeeze %dma_wait3A_37 : memref<1x32x128xf32, #tpu.memory_space<hbm>> -> memref<32x128xf32, #tpu.memory_space<hbm>>
        %dma_wait3A_39 = arith.constant 0 : i32
        %dma_wait3A_40 = tpu.memref_slice %arg4[%scan3A_8, %dma_wait3A_39, %mul3A_2] : memref<25x32x4096xf32, #tpu.memory_space<hbm>> -> memref<1x32x128xf32, #tpu.memory_space<hbm>>
        %dma_wait3A_41 = tpu.memref_squeeze %dma_wait3A_40 : memref<1x32x128xf32, #tpu.memory_space<hbm>> -> memref<32x128xf32, #tpu.memory_space<hbm>>
        %dma_wait3A_42 = arith.constant 0 : i32
        %dma_wait3A_43 = arith.constant 0 : i32
        %dma_wait3A_44 = tpu.memref_slice %arg8[%dma_wait3A_42, %dma_wait3A_43] : memref<64x128xf32, #tpu.memory_space<vmem>> -> memref<32x128xf32, #tpu.memory_space<vmem>>
        tpu.wait_dma2 semaphore(%run_scoped3A : memref<!tpu.dma_semaphore, #tpu.memory_space<semaphore_mem>>) src(%dma_wait3A_44 : memref<32x128xf32, #tpu.memory_space<vmem>>) dst(%dma_wait3A_41 : memref<32x128xf32, #tpu.memory_space<hbm>>)
        tpu.yield
      }) : () -> ()
      "tpu.region"() ({
        %run_scoped3A = tpu.sem_alloc : memref<!tpu.dma_semaphore, #tpu.memory_space<semaphore_mem>>
        %dma_start3A_21 = arith.constant 32 : i32
        %dma_start3A_22 = arith.constant 0 : i32
        %dma_start3A_23 = tpu.memref_slice %arg8[%dma_start3A_21, %dma_start3A_22] : memref<64x128xf32, #tpu.memory_space<vmem>> -> memref<32x128xf32, #tpu.memory_space<vmem>>
        %dma_start3A_24 = arith.constant 0 : i32
        %dma_start3A_25 = tpu.memref_slice %arg5[%scan3A_8, %dma_start3A_24, %mul3A_2] : memref<25x32x4096xf32, #tpu.memory_space<hbm>> -> memref<1x32x128xf32, #tpu.memory_space<hbm>>
        %dma_start3A_26 = tpu.memref_squeeze %dma_start3A_25 : memref<1x32x128xf32, #tpu.memory_space<hbm>> -> memref<32x128xf32, #tpu.memory_space<hbm>>
        %dma_start3A_27 = arith.constant 0 : i32
        %dma_start3A_28 = tpu.memref_slice %arg5[%scan3A_8, %dma_start3A_27, %mul3A_2] : memref<25x32x4096xf32, #tpu.memory_space<hbm>> -> memref<1x32x128xf32, #tpu.memory_space<hbm>>
        %dma_start3A_29 = tpu.memref_squeeze %dma_start3A_28 : memref<1x32x128xf32, #tpu.memory_space<hbm>> -> memref<32x128xf32, #tpu.memory_space<hbm>>
        %dma_start3A_30 = arith.constant 32 : i32
        %dma_start3A_31 = arith.constant 0 : i32
        %dma_start3A_32 = tpu.memref_slice %arg8[%dma_start3A_30, %dma_start3A_31] : memref<64x128xf32, #tpu.memory_space<vmem>> -> memref<32x128xf32, #tpu.memory_space<vmem>>
        tpu.enqueue_dma source(%dma_start3A_32 : memref<32x128xf32, #tpu.memory_space<vmem>>) target(%dma_start3A_29 : memref<32x128xf32, #tpu.memory_space<hbm>>) target_semaphore(%run_scoped3A : memref<!tpu.dma_semaphore, #tpu.memory_space<semaphore_mem>>)
        %dma_wait3A_33 = arith.constant 32 : i32
        %dma_wait3A_34 = arith.constant 0 : i32
        %dma_wait3A_35 = tpu.memref_slice %arg8[%dma_wait3A_33, %dma_wait3A_34] : memref<64x128xf32, #tpu.memory_space<vmem>> -> memref<32x128xf32, #tpu.memory_space<vmem>>
        %dma_wait3A_36 = arith.constant 0 : i32
        %dma_wait3A_37 = tpu.memref_slice %arg5[%scan3A_8, %dma_wait3A_36, %mul3A_2] : memref<25x32x4096xf32, #tpu.memory_space<hbm>> -> memref<1x32x128xf32, #tpu.memory_space<hbm>>
        %dma_wait3A_38 = tpu.memref_squeeze %dma_wait3A_37 : memref<1x32x128xf32, #tpu.memory_space<hbm>> -> memref<32x128xf32, #tpu.memory_space<hbm>>
        %dma_wait3A_39 = arith.constant 0 : i32
        %dma_wait3A_40 = tpu.memref_slice %arg5[%scan3A_8, %dma_wait3A_39, %mul3A_2] : memref<25x32x4096xf32, #tpu.memory_space<hbm>> -> memref<1x32x128xf32, #tpu.memory_space<hbm>>
        %dma_wait3A_41 = tpu.memref_squeeze %dma_wait3A_40 : memref<1x32x128xf32, #tpu.memory_space<hbm>> -> memref<32x128xf32, #tpu.memory_space<hbm>>
        %dma_wait3A_42 = arith.constant 32 : i32
        %dma_wait3A_43 = arith.constant 0 : i32
        %dma_wait3A_44 = tpu.memref_slice %arg8[%dma_wait3A_42, %dma_wait3A_43] : memref<64x128xf32, #tpu.memory_space<vmem>> -> memref<32x128xf32, #tpu.memory_space<vmem>>
        tpu.wait_dma2 semaphore(%run_scoped3A : memref<!tpu.dma_semaphore, #tpu.memory_space<semaphore_mem>>) src(%dma_wait3A_44 : memref<32x128xf32, #tpu.memory_space<vmem>>) dst(%dma_wait3A_41 : memref<32x128xf32, #tpu.memory_space<hbm>>)
        tpu.yield
      }) : () -> ()
    }
    %scan3A_7 = arith.constant 25 : i32
    return
  }
}

</mosaic_0001>

<sc_bundles>
// kernel: kernel.10.cloned.1.call-start
scs
__scs_entry_jumppad:
0x0: {  	(pc) =	sbr.rel $0x88, $3  }
0x1: {  	(tag) =	ssettag $0x0;
	lr =	simm.s32 $0x1  }
0x2: {  	[smem:$0x3F9F] =	sst lr;
	_ =	strace $0xD0000000  }
0x3: {  	_ = 	snop  }
0x4: {  	_ = 	snop  }
0x5: {  	_ = 	snop  }
0x6: {  	_ = 	snop  }
0x7: {  	_ = 	snop  }
__scs_overlays_trampoline_lowered:
0x8: {  	[smem:$0x3FAE] =	sst s0  }
0x9: {  	[smem:$0x3FAF] =	sst s1  }
0xa: {  	[smem:$0x3FB0] =	sst s2  }
0xb: {  	[smem:$0x3FB1] =	sst s3  }
0xc: {  	[smem:$0x3FB2] =	sst s4  }
0xd: {  	[smem:$0x3FB3] =	sst s5  }
0xe: {  	[smem:$0x3FB4] =	sst s6  }
0xf: {  	[smem:$0x3FB5] =	sst s7  }
0x10: {  	[smem:$0x3FB6] =	sst s8  }
0x11: {  	[smem:$0x3FB7] =	sst s9;
	s0 =	simm.s32 @!p0 $0x0  }
0x12: {  	s1 =	sld [smem:$0x3F9D];
	s0 =	simm.s32 @p0 $0x1  }
0x13: {  	[smem:$0x3FB8] =	sst s0;
	s0 =	simm.s32 @!p1 $0x0  }
0x14: {  	s2 =	sld [smem:$0x3F9C];
	s0 =	simm.s32 @p1 $0x1  }
0x15: {  	[smem:$0x3FB9] =	sst s0;
	s0 =	simm.s32 @!p2 $0x0  }
0x16: {  	s3 =	sld [smem:$0x3FDB];
	s0 =	simm.s32 @p2 $0x1  }
0x17: {  	s4 =	simm.s32 $0x1BF5;
	[smem:$0x3FBB] =	sst s0  }
0x18: {  	s0 =	sld [smem:$0x3F9E];
	_ =	swait.ge [sflag:s4], $0x0  }
0x19: {  	s7 =	sld [smem:$0x3F9F]  }
0x1a: {  	s8 =	sadd.s32 $0xFFFFE003, lr  }
0x1b: {  	s9 =	sadd.s32 $0xFFFFFEF7, lr;
	s5 =	simm.s32 $0xFFFFFFFF;
	p2 =	slt.u32 s8, $0xFFFFF086  }
0x1c: {  	p1 =	slt.u32 s9, $0xF7A;
	s5 =	simm.s32 @!p2 $0x0  }
0x1d: {  	s5 =	simm.s32 @p1 $0x1;
	p0 =	seq.s32 s7, s2  }
0x1e: {  	s7 =	smul.u32 @!p0 $0xF7A, s2;
	p2 =	seq.s32 @!p0 s5, $0x0  }
0x1f: {  	s9 =	smul.u32 $0xF7A, s1;
	s8 =	simm.s32 @!p0 $0x1BF5;
	p2 =	por !p2, p0  }
0x20: {  	[sflag:s8] =	ssyncset.s32 @!p0 $0xFFFFF086;
	s6 =	sadd.s32 @!p0 s3, s7;
	s7 =	simm.s32 @!p0 $0x108  }
0x21: {  	s3 =	sadd.s32 s3, s9;
	s6 =	sadd.s32 @!p0 $0x88, s6;
	s7 =	simm.s32 @p2 $0x1082  }
0x22: {  	[simem:s7], [sflag:s8] =	dma.local @!p0 [hbm:s6], $0xF7A  }
0x23: {  	s9 =	sor.u32 $0xD0000000, s2;
	s6 =	simm.s32 $0x108;
	_ =	swait.ge @!p0 [sflag:s8], $0x0  }
0x24: {  	s3 =	sadd.s32 $0x88, s3;
	s6 =	simm.s32 @!p1 $0x1082;
	[sflag:s4] =	ssyncset.s32 $0xFFFFF086  }
0x25: {  	[simem:s6], [sflag:s4] =	dma.local [hbm:s3], $0xF7A  }
0x26: {  	[smem:$0x3F9F] =	sst s1;
	(tag) =	ssettag s2;
	_ =	strace s9  }
0x27: {  	s1 =	sld [smem:$0x3FAF]  }
0x28: {  	s2 =	sld [smem:$0x3FB0]  }
0x29: {  	s4 =	sld [smem:$0x3FB2]  }
0x2a: {  	p0 =	seq.s32 s5, $0x0;
	s5 =	sld [smem:$0x3FB3]  }
0x2b: {  	s6 =	sld [smem:$0x3FB4]  }
0x2c: {  	s7 =	sld [smem:$0x3FB5]  }
0x2d: {  	s3 =	simm.s32 $0x108;
	s8 =	sld [smem:$0x3FB6]  }
0x2e: {  	s3 =	simm.s32 @!p0 $0x1082;
	s9 =	sld [smem:$0x3FB7]  }
0x2f: {  	lr =	sadd.s32 s0, s3;
	s0 =	sld [smem:$0x3FAE]  }
0x30: {  	s3 =	sld [smem:$0x3FB1]  }
0x31: {  	[smem:$0x3FBA] =	sst s10  }
0x32: {  	s10 =	sld [smem:$0x3FB8];
	_ =	sdelay $0x3  }
0x33: {  	p0 =	seq.s32 s10, $0x1;
	s10 =	sld [smem:$0x3FBA];
	_ =	sdelay $0x3  }
0x34: {  	[smem:$0x3FBA] =	sst s10  }
0x35: {  	s10 =	sld [smem:$0x3FB9];
	_ =	sdelay $0x3  }
0x36: {  	p1 =	seq.s32 s10, $0x1;
	s10 =	sld [smem:$0x3FBA];
	_ =	sdelay $0x3  }
0x37: {  	[smem:$0x3FBA] =	sst s10  }
0x38: {  	s10 =	sld [smem:$0x3FBB]  }
0x39: {  	_ = 	snop;
	(pc) =	sbr.ind lr, $3  }
0x3a: {  	_ = 	snop  }
0x3b: {  	_ = 	snop  }
0x3c: {  	p2 =	seq.s32 s10, $0x1;
	s10 =	sld [smem:$0x3FBA]  }
0x3d: {  	_ =	shalt  }
0x3e: {  	_ =	shalt  }
0x3f: {  	_ =	shalt  }
0x40: {  	_ =	shalt  }
0x41: {  	_ =	shalt  }
0x42: {  	_ =	shalt  }
0x43: {  	_ =	shalt  }
0x44: {  	_ =	shalt  }
0x45: {  	_ =	shalt  }
0x46: {  	_ =	shalt  }
0x47: {  	_ =	shalt  }
0x48: {  	_ =	shalt  }
0x49: {  	_ =	shalt  }
0x4a: {  	_ =	shalt  }
0x4b: {  	_ =	shalt  }
0x4c: {  	_ =	shalt  }
0x4d: {  	_ =	shalt  }
0x4e: {  	_ =	shalt  }
0x4f: {  	_ =	shalt  }
0x50: {  	_ =	shalt  }
0x51: {  	_ =	shalt  }
0x52: {  	_ =	shalt  }
0x53: {  	_ =	shalt  }
0x54: {  	_ =	shalt  }
0x55: {  	_ =	shalt  }
0x56: {  	_ =	shalt  }
0x57: {  	_ =	shalt  }
0x58: {  	_ =	shalt  }
0x59: {  	_ =	shalt  }
0x5a: {  	_ =	shalt  }
0x5b: {  	_ =	shalt  }
0x5c: {  	_ =	shalt  }
0x5d: {  	_ =	shalt  }
0x5e: {  	_ =	shalt  }
0x5f: {  	_ =	shalt  }
0x60: {  	_ =	shalt  }
0x61: {  	_ =	shalt  }
0x62: {  	_ =	shalt  }
0x63: {  	_ =	shalt  }
0x64: {  	_ =	shalt  }
0x65: {  	_ =	shalt  }
0x66: {  	_ =	shalt  }
0x67: {  	_ =	shalt  }
0x68: {  	_ =	shalt  }
0x69: {  	_ =	shalt  }
0x6a: {  	_ =	shalt  }
0x6b: {  	_ =	shalt  }
0x6c: {  	_ =	shalt  }
0x6d: {  	_ =	shalt  }
0x6e: {  	_ =	shalt  }
0x6f: {  	_ =	shalt  }
0x70: {  	_ =	shalt  }
0x71: {  	_ =	shalt  }
0x72: {  	_ =	shalt  }
0x73: {  	_ =	shalt  }
0x74: {  	_ =	shalt  }
0x75: {  	_ =	shalt  }
0x76: {  	_ =	shalt  }
0x77: {  	_ =	shalt  }
0x78: {  	_ =	shalt  }
0x79: {  	_ =	shalt  }
0x7a: {  	_ =	shalt  }
0x7b: {  	_ =	shalt  }
0x7c: {  	_ =	shalt  }
0x7d: {  	_ =	shalt  }
0x7e: {  	_ =	shalt  }
0x7f: {  	_ =	shalt  }
0x80: {  	_ =	shalt  }
0x81: {  	_ =	shalt  }
0x82: {  	_ =	shalt  }
0x83: {  	_ =	shalt  }
0x84: {  	_ =	shalt  }
0x85: {  	_ =	shalt  }
0x86: {  	_ =	shalt  }
0x87: {  	_ =	shalt  }
.Lfunc_end0:
.L_simem_size_0:
called_computation_lowered:
.L_overlay_start_0:
0x88: {  	s2 =	sld [smem:$0x3FD9]  }
0x89: {  	s3 =	sld [smem:$0x3FFE];
	_ =	sdelay $0x1  }
0x8a: {  	s1 =	srdreg.scid  }
0x8b: {  	s0 =	sand.u32 $0x1, s1  }
0x8c: {  	s16 =	sshll.u32 s0, $0xA;
	s2 =	sadd.s32 s3, s2  }
0x8d: {  	s2 =	sadd.s32 s2, s16  }
0x8e: {  	[smem:$0x3FC6] =	sst s2  }
0x8f: {  	_ = 	snop  }
0x90: {  	(tm) =	ssettm $0x1  }
0x91: {  	s17 =	sld [smem:$0x3FFB];
	_ =	sdelay $0x3  }
0x92: {  	_ =	strace s17  }
0x93: {  	s2 =	sld [smem:$0x3FFC];
	_ =	sdelay $0x3  }
0x94: {  	_ =	strace s2  }
0x95: {  	s2 =	sld [smem:$0x3FFD];
	_ =	sdelay $0x3  }
0x96: {  	_ =	strace s2  }
0x97: {  	_ =	strace $0x8FFFFFFF  }
0x98: {  	s18 =	sld [smem:$0x3FDB];
	_ =	sdelay $0x1  }
0x99: {  	s19 =	simm.s32 $_scs_section_size  }
0x9a: {  	s4 =	simm.s32 $_size__tile_overlayer_lowered;
	s5 =	simm.s32 $_tile_overlayer_lowered  }
0x9b: {  	s22 =	simm.s32 $0x1BFF;
	s21 =	sshll.u32 s5, $0x1;
	s2 =	sadd.s32 s19, s18  }
0x9c: {  	s6 =	simm.s32 $0x0;
	s20 =	sshll.u32 s4, $0x1;
	s4 =	sadd.s32 s21, s2  }
0x9d: {  	[timem:s6], [sflag:s22] =	dma.local [hbm:s4], s20  }
0x9e: {  	_ =	swait.ge [sflag:s22], s20  }
0x9f: {  	s3 =	ssub.s32 $0x0, s20;
	[sflag:s22] =	ssyncset.done $0x0  }
0xa0: {  	[sflag:s22] =	ssyncadd.s32 s3;
	_ =	sdelay $0x1  }
0xa1: {  	s23 =	simm.s32 $0x1B8B  }
0xa2: {  	_ =	swait.ge [sflag:s23], $0x1  }
0xa3: {  	[sflag:s23] =	ssyncset.done $0x0  }
0xa4: {  	s25 =	simm.s32 $0x1B8E;
	s24 =	sld [smem:$0x3FFE];
	[sflag:s23] =	ssyncadd.s32 $0xFFFFFFFF  }
0xa5: {  	s26 =	simm.s32 $execute0_lowered;
	[smem:$0x3FD2] =	sst s25  }
0xa6: {  	s4 =	sshll.u32 s26, $0x1;
	_ =	strace $0x80000046;
	[dreg:$0x1] =	wrdreg $0xFFFFFFFF  }
0xa7: {  	s28 =	simm.s32 $_size_execute0_lowered;
	s2 =	sadd.s32 s2, s4;
	[dreg:$0x0] =	wrdreg $0x0  }
0xa8: {  	s4 =	sshll.u32 s28, $0x1;
	[dreg:$0x2] =	wrdreg s2  }
0xa9: {  	[dreg:$0x3] =	wrdreg s4  }
0xaa: {  	[dreg:$0x4] =	wrdreg $0xC0  }
0xab: {  	_ =	task [dreg:s6], $0x5FFFF  }
0xac: {  	[dreg:$0x1] =	wrdreg $0xFFFFFFFF  }
0xad: {  	[dreg:$0x0] =	wrdreg $0x60  }
0xae: {  	[dreg:$0x2] =	wrdreg s24  }
0xaf: {  	[dreg:$0x3] =	wrdreg $0xA  }
0xb0: {  	_ =	task.clear_ibuf [dreg:s6], $0x4FFFF;
	_ =	strace $0x90000046  }
0xb1: {  	s29 =	simm.s32 $0xA;
	_ =	strace $0x80000048  }
0xb2: {  	_ =	swait.ge [sflag:s29], $0x1  }
0xb3: {  	[sflag:s29] =	ssyncadd.s32 $0xFFFFFFFF  }
0xb4: {  	_ =	strace $0x90000048  }
0xb5: {  	_ =	sfence  }
0xb6: {  	s30 =	sld [smem:$0x0];
	_ =	sdelay $0x2  }
0xb7: {  	s31 =	sshll.u32 s1, $0xD;
	s1 =	sshrl.u32 s1, $0x2  }
0xb8: {  	s3 =	sand.u32 $0x4000, s31;
	s1 =	sadd.s32 s1, s30  }
0xb9: {  	s0 =	sor.u32 s3, s0;
	s1 =	sshll.u32 s1, $0x11  }
0xba: {  	s0 =	sor.u32 s1, s0  }
0xbb: {  	s0 =	sadd.s32 $0x8F2B, s0  }
0xbc: {  	[sflag:s0] =	ssyncadd.remote.s32 $0x1  }
0xbd: {  	_ =	sfence.sel $0xFFFF  }
0xbe: {  	[dreg:$0x0] =	wrdreg $0xFFFFFFFF;
	(pc) =	sbr.abs _section_cstart, $3  }
0xbf: {  	[dreg:$0x1] =	wrdreg $0xFFFFFFFF  }
0xc0: {  	_ =	task.clear_ibuf [dreg:s6], $0x2FFFF;
	_ =	strace $0x9FFFFFFF  }
0xc1: {  	(tm) =	ssettm $0x7FFFFFFF  }
tec
execute0_lowered:
.L_overlay_start_1:
0x0: {  	(tag) =	ssettag $0x1  }
0x1: {  	s1 =	srdreg.scid;
	s0 =	stileid.u32  }
0x2: {  	s6 =	rddreg [dreg:$0x0];
	s2 =	simm.s32 $0x0;
	s10 =	simm.s32 $0x1000  }
0x3: {  	s11 =	simm.s32 $0x2;
	s12 =	simm.s32 $0xC80;
	s13 =	simm.s32 $0x1  }
0x4: {  	s14 =	simm.s32 $0x2C80;
	s15 =	simm.s32 $0x3C80;
	s16 =	simm.s32 $0x0  }
0x5: {  	v0 =	vlaneseq.u32;
	s4 =	sand.u32 $0x1, s1;
	s3 =	sshll.u32 s0, $0x8;
	s1 =	rddreg [dreg:$0x1]  }
0x6: {  	[smem:$0x7FF] =	sst s2;
	v0 =	vmul.u32 $0x40, v0;
	s5 =	sshll.u32 s4, $0x7;
	s8 =	ssub.s32 $0x2, s4  }
0x7: {  	_ =	strace $0x80000047;
	s3 =	sor.u32 s5, s3;
	s9 =	sshrl.u32 s8, $0x1  }
0x8: {  	s4 =	sadd.s32 $0xF4AC00, s6;
	v1 =	vor.u32 $0x400, v0;
	s5 =	sshrl.u32 s3, $0x3;
	s8 =	ssub.s32 s8, s9  }
0x9: {  	v2 =	vor.u32 $0x800, v0;
	v3 =	vor.u32 $0xC00, v0;
	v4 =	vor.u32 $0x1000, v0;
	s9 =	simm.s32 $0x80;
	s7 =	sadd.s32 s5, s6;
	s5 =	sadd.s32 $0x23A00, s6  }
0xa: {  	v5 =	vor.u32 $0x1400, v0;
	v6 =	vor.u32 $0x1800, v0;
	v7 =	vor.u32 $0x1C00, v0;
	s6 =	sadd.s32 $0x87A00, s6;
	s8 =	smax.u32 s8, $0x1;
	s7 =	sadd.s32 $0x20800, s7  }
.LBB2_1:
0xb: {  	[tilespmem:s2], [sflag:$0x2] =	stream.strided.gather [hbm4b:s7+s9], $0xC80, s10, s9, $0x38;
	[tilespmem:$0x4C80] =	vst v63  }
0xc: {  	_ =	swait.ge [sflag:s11], $0xC80  }
0xd: {  	[sflag:s11] =	ssyncset.done $0x0  }
0xe: {  	s17 =	simm.s32 $0x0;
	[sflag:s11] =	ssyncadd.s32 $0xFFFFF380  }
.LBB2_2:
0xf: {  	s18 =	simm.s32 $0x3  }
0x10: {  	s19 =	simm.s32 $0x1;
	v8 =	vmov s18  }
0x11: {  	s24 =	simm.s32 $0x2;
	v9 =	vmov s19;
	v8 =	vand.u32 $0x3F, v8  }
0x12: {  	v10 =	vmov s24;
	v9 =	vand.u32 $0x3D, v9;
	v14 =	vbroadcast v8, $0x0  }
0x13: {  	s25 =	sshll.u32 s17, $0x7;
	s26 =	simm.s32 $0x0;
	v17 =	vbroadcast v9, $0x0;
	v8 =	vand.u32 $0x3E, v10  }
0x14: {  	s18 =	sand.u32 $0x3FFFFF80, s25;
	v9 =	vmov s26;
	v16 =	vbroadcast v8, $0x0;
	v8 =	vor.u32 v0, v14  }
0x15: {  	[tilespmem:s12], [sflag:$0x1] =	stream.indirect.gather [hbm4b:s4+s9], $0x40, s18, s9, $0xb8;
	v9 =	vand.u32 $0x3C, v9;
	v10 =	vor.u32 v0, v17;
	[tilespmem:$0x4C80] =	vst v63  }
0x16: {  	_ =	swait.ge [sflag:s13], $0x2000;
	v12 =	vbroadcast v9, $0x0;
	v9 =	vor.u32 v0, v16  }
0x17: {  	[sflag:s13] =	ssyncset.done $0x0  }
0x18: {  	[sflag:s13] =	ssyncadd.s32 $0xFFFFE000;
	v11 =	vor.u32 v0, v12  }
0x19: {  	v8 =	vld.idx.msk [tilespmem:v8+s12+$0x0], $0xffff  }
0x1a: {  	v13 =	vor.u32 v1, v14;
	v10 =	vld.idx.msk [tilespmem:v10+s12+$0x0], $0xffff  }
0x1b: {  	v15 =	vor.u32 v1, v17;
	v9 =	vld.idx.msk [tilespmem:v9+s12+$0x0], $0xffff  }
0x1c: {  	v18 =	vor.u32 v1, v16  }
0x1d: {  	s19 =	simm.s32 $0x2D80;
	v11 =	vld.idx.msk [tilespmem:v11+s12+$0x0], $0xffff  }
0x1e: {  	v19 =	vor.u32 v1, v12;
	[tilespmem:s19+$0x80] =	vst v8  }
0x1f: {  	[tilespmem:s19+$0xFFFFFF80] =	vst v10;
	v8 =	vld.idx.msk [tilespmem:v13+s12+$0x0], $0xffff  }
0x20: {  	v10 =	vld.idx.msk [tilespmem:v15+s12+$0x0], $0xffff;
	[tilespmem:s19+$0x0] =	vst v9;
	v9 =	vor.u32 v2, v14  }
0x21: {  	v15 =	vor.u32 v2, v17;
	v13 =	vld.idx.msk [tilespmem:v18+s12+$0x0], $0xffff  }
0x22: {  	[tilespmem:s19+$0xFFFFFF00] =	vst v11;
	v11 =	vor.u32 v2, v16  }
0x23: {  	v18 =	vld.idx.msk [tilespmem:v19+s12+$0x0], $0xffff  }
0x24: {  	s28 =	simm.s32 $0x4;
	v19 =	vor.u32 v2, v12;
	[tilespmem:s19+$0x90] =	vst v8  }
0x25: {  	v8 =	vmov s28;
	[tilespmem:s19+$0xFFFFFF90] =	vst v10;
	v10 =	vld.idx.msk [tilespmem:v9+s12+$0x0], $0xffff  }
0x26: {  	s29 =	simm.s32 $0x5;
	v8 =	vand.u32 $0x3C, v8;
	v15 =	vld.idx.msk [tilespmem:v15+s12+$0x0], $0xffff;
	[tilespmem:s19+$0x10] =	vst v13;
	v13 =	vor.u32 v3, v14  }
0x27: {  	v20 =	vor.u32 v3, v17;
	v9 =	vmov s29;
	v8 =	vbroadcast v8, $0x0;
	v11 =	vld.idx.msk [tilespmem:v11+s12+$0x0], $0xffff  }
0x28: {  	v9 =	vand.u32 $0x3D, v9;
	[tilespmem:s19+$0xFFFFFF10] =	vst v18;
	v18 =	vor.u32 v3, v16  }
0x29: {  	v9 =	vbroadcast v9, $0x0;
	v19 =	vld.idx.msk [tilespmem:v19+s12+$0x0], $0xffff;
	v21 =	vor.u32 v0, v8  }
0x2a: {  	s30 =	simm.s32 $0x7;
	v22 =	vor.u32 v3, v12;
	[tilespmem:s19+$0xA0] =	vst v10  }
0x2b: {  	s31 =	simm.s32 $0x6;
	v23 =	vor.u32 v0, v9;
	[tilespmem:s19+$0xFFFFFFA0] =	vst v15;
	v10 =	vmov s30;
	v15 =	vld.idx.msk [tilespmem:v13+s12+$0x0], $0xffff  }
0x2c: {  	v25 =	vmov s31;
	v20 =	vld.idx.msk [tilespmem:v20+s12+$0x0], $0xffff;
	[tilespmem:s19+$0x20] =	vst v11;
	v11 =	vor.u32 v4, v14;
	v10 =	vand.u32 $0x3F, v10  }
0x2d: {  	v24 =	vor.u32 v4, v17;
	v18 =	vld.idx.msk [tilespmem:v18+s12+$0x0], $0xffff;
	v13 =	vbroadcast v10, $0x0;
	v10 =	vand.u32 $0x3E, v25  }
0x2e: {  	[tilespmem:s19+$0xFFFFFF20] =	vst v19;
	v19 =	vor.u32 v4, v16;
	v21 =	vld.idx.msk [tilespmem:v21+s12+$0x0], $0xffff;
	v10 =	vbroadcast v10, $0x0  }
0x2f: {  	v22 =	vld.idx.msk [tilespmem:v22+s12+$0x0], $0xffff;
	v25 =	vor.u32 v0, v13  }
0x30: {  	v23 =	vld.idx.msk [tilespmem:v23+s12+$0x0], $0xffff;
	v26 =	vor.u32 v0, v10;
	[tilespmem:s19+$0xB0] =	vst v15  }
0x31: {  	s20 =	simm.s32 $0x8;
	v15 =	vor.u32 v4, v12;
	[tilespmem:s19+$0xFFFFFFB0] =	vst v20;
	v20 =	vld.idx.msk [tilespmem:v11+s12+$0x0], $0xffff  }
0x32: {  	v11 =	vmov s20;
	v24 =	vld.idx.msk [tilespmem:v24+s12+$0x0], $0xffff;
	[tilespmem:s19+$0x30] =	vst v18;
	v18 =	vor.u32 v5, v14  }
0x33: {  	v27 =	vor.u32 v5, v17;
	v11 =	vand.u32 $0x3C, v11;
	v19 =	vld.idx.msk [tilespmem:v19+s12+$0x0], $0xffff  }
0x34: {  	[tilespmem:s19+$0xFFFFFF30] =	vst v22;
	v11 =	vbroadcast v11, $0x0;
	v22 =	vld.idx.msk [tilespmem:v25+s12+$0x0], $0xffff;
	v25 =	vor.u32 v5, v16  }
0x35: {  	v30 =	vor.u32 v1, v13;
	v26 =	vld.idx.msk [tilespmem:v26+s12+$0x0], $0xffff  }
0x36: {  	v28 =	vor.u32 v0, v11;
	v29 =	vld.idx.msk [tilespmem:v15+s12+$0x0], $0xffff;
	[tilespmem:s19+$0xC0] =	vst v20  }
0x37: {  	v20 =	vor.u32 v1, v9;
	[tilespmem:s19+$0xFFFFFFC0] =	vst v24;
	v18 =	vld.idx.msk [tilespmem:v18+s12+$0x0], $0xffff  }
0x38: {  	s18 =	simm.s32 $0x2F80;
	v24 =	vor.u32 v1, v10;
	v27 =	vld.idx.msk [tilespmem:v27+s12+$0x0], $0xffff;
	[tilespmem:s19+$0x40] =	vst v19  }
0x39: {  	v19 =	vld.idx.msk [tilespmem:v25+s12+$0x0], $0xffff;
	v25 =	vor.u32 v6, v14;
	[tilespmem:s18+$0x80] =	vst v22  }
0x3a: {  	[tilespmem:s18+$0xFFFFFF80] =	vst v23;
	v23 =	vor.u32 v5, v12;
	v22 =	vld.idx.msk [tilespmem:v30+s12+$0x0], $0xffff  }
0x3b: {  	[tilespmem:s18+$0xFFFFFF00] =	vst v21;
	v15 =	vld.idx.msk [tilespmem:v28+s12+$0x0], $0xffff;
	v28 =	vor.u32 v1, v8  }
0x3c: {  	[tilespmem:s18+$0x0] =	vst v26;
	v26 =	vor.u32 v6, v17;
	v20 =	vld.idx.msk [tilespmem:v20+s12+$0x0], $0xffff  }
0x3d: {  	v30 =	vor.u32 v2, v13;
	v24 =	vld.idx.msk [tilespmem:v24+s12+$0x0], $0xffff;
	[tilespmem:s19+$0xD0] =	vst v18  }
0x3e: {  	v21 =	vor.u32 v2, v9;
	[tilespmem:s19+$0xFFFFFF40] =	vst v29;
	v25 =	vld.idx.msk [tilespmem:v25+s12+$0x0], $0xffff  }
0x3f: {  	v14 =	vor.u32 v7, v14;
	v23 =	vld.idx.msk [tilespmem:v23+s12+$0x0], $0xffff;
	[tilespmem:s19+$0xFFFFFFD0] =	vst v27  }
0x40: {  	v31 =	vor.u32 v2, v10;
	[tilespmem:s18+$0x90] =	vst v22;
	v28 =	vld.idx.msk [tilespmem:v28+s12+$0x0], $0xffff  }
0x41: {  	v32 =	vor.u32 v6, v12;
	v18 =	vld.idx.msk [tilespmem:v26+s12+$0x0], $0xffff;
	[tilespmem:s18+$0xFFFFFF90] =	vst v20  }
0x42: {  	s21 =	simm.s32 $0x9;
	v27 =	vor.u32 v2, v8;
	v20 =	vld.idx.msk [tilespmem:v30+s12+$0x0], $0xffff;
	[tilespmem:s18+$0x10] =	vst v24  }
0x43: {  	v22 =	vor.u32 v6, v16;
	v30 =	vld.idx.msk [tilespmem:v21+s12+$0x0], $0xffff;
	v21 =	vmov s21;
	[tilespmem:s19+$0xE0] =	vst v25  }
0x44: {  	v33 =	vor.u32 v3, v13;
	[tilespmem:s19+$0xFFFFFF50] =	vst v23;
	v26 =	vld.idx.msk [tilespmem:v14+s12+$0x0], $0xffff;
	v14 =	vand.u32 $0x3D, v21  }
0x45: {  	v31 =	vld.idx.msk [tilespmem:v31+s12+$0x0], $0xffff;
	[tilespmem:s18+$0xFFFFFF10] =	vst v28;
	v28 =	vor.u32 v3, v9;
	v14 =	vbroadcast v14, $0x0  }
0x46: {  	v29 =	vor.u32 v3, v10;
	[tilespmem:s19+$0x50] =	vst v19;
	v19 =	vld.idx.msk [tilespmem:v32+s12+$0x0], $0xffff  }
0x47: {  	v24 =	vld.idx.msk [tilespmem:v27+s12+$0x0], $0xffff;
	[tilespmem:s18+$0xA0] =	vst v20;
	v20 =	vor.u32 v0, v14  }
0x48: {  	v21 =	vld.idx.msk [tilespmem:v22+s12+$0x0], $0xffff;
	v27 =	vor.u32 v3, v8  }
0x49: {  	v25 =	vor.u32 v7, v17;
	[tilespmem:s18+$0xFFFFFFA0] =	vst v30;
	v22 =	vld.idx.msk [tilespmem:v33+s12+$0x0], $0xffff  }
0x4a: {  	s22 =	simm.s32 $0xB;
	s21 =	simm.s32 $0xC;
	[tilespmem:s18+$0x20] =	vst v31;
	v23 =	vld.idx.msk [tilespmem:v28+s12+$0x0], $0xffff;
	v28 =	vor.u32 v7, v16  }
.LBB2_3:
0x4b: {  	p0 =	slt.u32 s21, $0x3C;
	v16 =	vmov s22;
	v17 =	vld.idx.msk [tilespmem:v29+s12+$0x0], $0xffff;
	v29 =	vor.u32 v4, v13;
	[tilespmem:s19+$0xF0] =	vst v26  }
0x4c: {  	s22 =	sadd.s32 $0x2, s20;
	s20 =	smov.u32 s21;
	v20 =	vld.idx.msk [tilespmem:v20+s12+$0x0], $0xffff;
	v16 =	vand.u32 $0x3F, v16;
	[tilespmem:s18+$0xFFFFFF20] =	vst v24;
	v24 =	vor.u32 v4, v9  }
0x4d: {  	v30 =	vor.u32 v4, v10;
	v26 =	vmov s22;
	v16 =	vbroadcast v16, $0x0;
	v27 =	vld.idx.msk [tilespmem:v27+s12+$0x0], $0xffff;
	[tilespmem:s19+$0xFFFFFFE0] =	vst v18  }
0x4e: {  	v18 =	vand.u32 $0x3E, v26;
	v26 =	vor.u32 v7, v12;
	v12 =	vmovc v8;
	v8 =	vmov v11;
	v25 =	vld.idx.msk [tilespmem:v25+s12+$0x0], $0xffff;
	[tilespmem:s19+$0x60] =	vst v21  }
0x4f: {  	v31 =	vbroadcast v18, $0x0;
	v18 =	vor.u32 v0, v16;
	[tilespmem:s18+$0xB0] =	vst v22;
	v21 =	vld.idx.msk [tilespmem:v28+s12+$0x0], $0xffff  }
0x50: {  	v22 =	vor.u32 v4, v12;
	[tilespmem:s18+$0xFFFFFFB0] =	vst v23;
	v23 =	vld.idx.msk [tilespmem:v29+s12+$0x0], $0xffff  }
0x51: {  	v11 =	vmov s21;
	v28 =	vor.u32 v0, v31;
	v24 =	vld.idx.msk [tilespmem:v24+s12+$0x0], $0xffff;
	[tilespmem:s18+$0x30] =	vst v17  }
0x52: {  	v11 =	vand.u32 $0x3C, v11;
	v29 =	vor.u32 v5, v13;
	v17 =	vld.idx.msk [tilespmem:v30+s12+$0x0], $0xffff;
	[tilespmem:s19+$0xFFFFFF60] =	vst v19  }
0x53: {  	v11 =	vbroadcast v11, $0x0;
	v19 =	vor.u32 v5, v9;
	[tilespmem:s18+$0xFFFFFF30] =	vst v27;
	v26 =	vld.idx.msk [tilespmem:v26+s12+$0x0], $0xffff  }
0x54: {  	v27 =	vor.u32 v5, v10;
	v18 =	vld.idx.msk [tilespmem:v18+s12+$0x0], $0xffff;
	[tilespmem:s19+$0xFFFFFFF0] =	vst v25  }
0x55: {  	v25 =	vor.u32 v0, v11;
	v22 =	vld.idx.msk [tilespmem:v22+s12+$0x0], $0xffff;
	[tilespmem:s19+$0x70] =	vst v21  }
0x56: {  	v21 =	vld.idx.msk [tilespmem:v28+s12+$0x0], $0xffff;
	v28 =	vor.u32 v1, v16;
	[tilespmem:s18+$0xC0] =	vst v23  }
0x57: {  	v23 =	vor.u32 v1, v14;
	[tilespmem:s18+$0xFFFFFFC0] =	vst v24;
	v24 =	vld.idx.msk [tilespmem:v29+s12+$0x0], $0xffff  }
0x58: {  	v29 =	vor.u32 v1, v31;
	v19 =	vld.idx.msk [tilespmem:v19+s12+$0x0], $0xffff;
	[tilespmem:s18+$0x40] =	vst v17  }
0x59: {  	v17 =	vld.idx.msk [tilespmem:v27+s12+$0x0], $0xffff;
	v27 =	vor.u32 v6, v13;
	[tilespmem:s19+$0xFFFFFF70] =	vst v26;
	s19 =	smov.u32 s18;
	s18 =	sadd.s32 $0x200, s18  }
0x5a: {  	v26 =	vor.u32 v1, v8;
	v25 =	vld.idx.msk [tilespmem:v25+s12+$0x0], $0xffff;
	[tilespmem:s18+$0x80] =	vst v18  }
0x5b: {  	[tilespmem:s18+$0xFFFFFF80] =	vst v20;
	v18 =	vld.idx.msk [tilespmem:v28+s12+$0x0], $0xffff;
	v20 =	vor.u32 v5, v12  }
0x5c: {  	v23 =	vld.idx.msk [tilespmem:v23+s12+$0x0], $0xffff;
	[tilespmem:s18+$0x0] =	vst v21;
	v21 =	vor.u32 v6, v9  }
0x5d: {  	v28 =	vld.idx.msk [tilespmem:v29+s12+$0x0], $0xffff;
	v29 =	vor.u32 v2, v16;
	[tilespmem:s19+$0xD0] =	vst v24  }
0x5e: {  	v24 =	vor.u32 v2, v14;
	[tilespmem:s18+$0xFFFFFF00] =	vst v15;
	v27 =	vld.idx.msk [tilespmem:v27+s12+$0x0], $0xffff  }
0x5f: {  	v30 =	vor.u32 v2, v31;
	v26 =	vld.idx.msk [tilespmem:v26+s12+$0x0], $0xffff;
	[tilespmem:s19+$0xFFFFFF40] =	vst v22  }
0x60: {  	v15 =	vmov v25;
	v22 =	vld.idx.msk [tilespmem:v20+s12+$0x0], $0xffff;
	[tilespmem:s19+$0xFFFFFFD0] =	vst v19;
	v19 =	vor.u32 v7, v13;
	v13 =	vmov v16  }
0x61: {  	v16 =	vor.u32 v2, v8;
	[tilespmem:s18+$0x90] =	vst v18;
	v18 =	vld.idx.msk [tilespmem:v21+s12+$0x0], $0xffff  }
0x62: {  	s22 =	sadd.s32 $0x1, s21;
	v21 =	vor.u32 v6, v10;
	[tilespmem:s18+$0xFFFFFF90] =	vst v23;
	v23 =	vld.idx.msk [tilespmem:v29+s12+$0x0], $0xffff  }
0x63: {  	v20 =	vmov s22;
	v25 =	vld.idx.msk [tilespmem:v24+s12+$0x0], $0xffff;
	[tilespmem:s18+$0x10] =	vst v28;
	v28 =	vor.u32 v6, v12  }
0x64: {  	v20 =	vand.u32 $0x3D, v20;
	v32 =	vor.u32 v3, v13;
	v30 =	vld.idx.msk [tilespmem:v30+s12+$0x0], $0xffff;
	[tilespmem:s19+$0xE0] =	vst v27  }
0x65: {  	v34 =	vor.u32 v3, v14;
	v33 =	vbroadcast v20, $0x0;
	[tilespmem:s18+$0xFFFFFF10] =	vst v26;
	v26 =	vld.idx.msk [tilespmem:v19+s12+$0x0], $0xffff  }
.Ltmp0:
0x66: {  	v29 =	vor.u32 v3, v31;
	v24 =	vld.idx.msk [tilespmem:v16+s12+$0x0], $0xffff;
	[tilespmem:s19+$0x50] =	vst v17;
	(pc) =	sbr.rel @p0 .LBB2_3-.Ltmp0, $4  }
0x67: {  	v20 =	vor.u32 v0, v33;
	[tilespmem:s19+$0xFFFFFF50] =	vst v22;
	v21 =	vld.idx.msk [tilespmem:v21+s12+$0x0], $0xffff  }
0x68: {  	v27 =	vor.u32 v3, v8;
	[tilespmem:s18+$0xA0] =	vst v23;
	v19 =	vld.idx.msk [tilespmem:v28+s12+$0x0], $0xffff  }
0x69: {  	[tilespmem:s18+$0xFFFFFFA0] =	vst v25;
	v22 =	vld.idx.msk [tilespmem:v32+s12+$0x0], $0xffff;
	v25 =	vor.u32 v7, v9;
	v9 =	vmov v14;
	v14 =	vmov v33  }
0x6a: {  	s21 =	sadd.s32 $0x4, s21;
	s22 =	sadd.s32 $0x3, s20;
	v28 =	vor.u32 v7, v10;
	v10 =	vmov v31;
	v23 =	vld.idx.msk [tilespmem:v34+s12+$0x0], $0xffff;
	[tilespmem:s18+$0x20] =	vst v30  }
0x6b: {  	_ = 	snop  }
0x6c: {  	[tilespmem:s19+$0xF0] =	vst v26  }
0x6d: {  	[tilespmem:s18+$0xFFFFFF20] =	vst v24  }
0x6e: {  	v16 =	vmov s22;
	s20 =	sadd.s32 $0x2, s20;
	[tilespmem:s19+$0xFFFFFFE0] =	vst v18  }
0x6f: {  	v63 =	vld.idx.msk [tilespmem:v29+s12+$0x0], $0xffff;
	v33 =	vor.u32 v4, v13;
	s29 =	sadd.s32 $0x200, s18;
	v16 =	vand.u32 $0x3F, v16;
	v30 =	vmov s20;
	[tilespmem:s19+$0x60] =	vst v21  }
0x70: {  	v34 =	vor.u32 v4, v9;
	v20 =	vld.idx.msk [tilespmem:v20+s12+$0x0], $0xffff;
	[tilespmem:s29+$0xFFFFFF00] =	vst v15;
	v17 =	vbroadcast v16, $0x0;
	v37 =	vand.u32 $0x3E, v30  }
0x71: {  	v12 =	vor.u32 v7, v12;
	v35 =	vld.idx.msk [tilespmem:v27+s12+$0x0], $0xffff;
	[tilespmem:s19+$0xFFFFFF60] =	vst v19;
	v16 =	vbroadcast v37, $0x0  }
0x72: {  	v38 =	vld.idx.msk [tilespmem:v25+s12+$0x0], $0xffff;
	[tilespmem:s18+$0xB0] =	vst v22;
	v39 =	vor.u32 v0, v17  }
0x73: {  	v40 =	vld.idx.msk [tilespmem:v28+s12+$0x0], $0xffff;
	[tilespmem:s18+$0xFFFFFFB0] =	vst v23;
	v42 =	vor.u32 v0, v16  }
0x74: {  	v49 =	vor.u32 v1, v11;
	v41 =	vld.idx.msk [tilespmem:v33+s12+$0x0], $0xffff;
	[tilespmem:s18+$0x30] =	vst v63  }
0x75: {  	v47 =	vor.u32 v1, v14;
	v24 =	vld.idx.msk [tilespmem:v34+s12+$0x0], $0xffff;
	[tilespmem:s29+$0xFFFFFF80] =	vst v20  }
0x76: {  	v36 =	vor.u32 v4, v10;
	v12 =	vld.idx.msk [tilespmem:v12+s12+$0x0], $0xffff;
	[tilespmem:s18+$0xFFFFFF30] =	vst v35  }
0x77: {  	v44 =	vor.u32 v5, v13;
	[tilespmem:s19+$0xFFFFFFF0] =	vst v38;
	v25 =	vld.idx.msk [tilespmem:v39+s12+$0x0], $0xffff  }
0x78: {  	v45 =	vor.u32 v1, v17;
	[tilespmem:s19+$0x70] =	vst v40;
	v46 =	vld.idx.msk [tilespmem:v42+s12+$0x0], $0xffff  }
0x79: {  	v48 =	vor.u32 v1, v16;
	v57 =	vld.idx.msk [tilespmem:v49+s12+$0x0], $0xffff;
	[tilespmem:s18+$0xC0] =	vst v41  }
0x7a: {  	v50 =	vor.u32 v4, v8;
	v53 =	vld.idx.msk [tilespmem:v47+s12+$0x0], $0xffff;
	[tilespmem:s18+$0xFFFFFFC0] =	vst v24  }
0x7b: {  	v56 =	vor.u32 v2, v14;
	v43 =	vld.idx.msk [tilespmem:v36+s12+$0x0], $0xffff;
	[tilespmem:s19+$0xFFFFFF70] =	vst v12  }
0x7c: {  	v62 =	vor.u32 v5, v10;
	v18 =	vld.idx.msk [tilespmem:v44+s12+$0x0], $0xffff;
	[tilespmem:s29+$0x80] =	vst v25  }
0x7d: {  	v60 =	vor.u32 v2, v11;
	v52 =	vld.idx.msk [tilespmem:v45+s12+$0x0], $0xffff;
	[tilespmem:s29+$0x0] =	vst v46  }
0x7e: {  	v54 =	vor.u32 v2, v17;
	[tilespmem:s29+$0xFFFFFF10] =	vst v57;
	v55 =	vld.idx.msk [tilespmem:v48+s12+$0x0], $0xffff  }
0x7f: {  	v58 =	vor.u32 v2, v16;
	v59 =	vld.idx.msk [tilespmem:v50+s12+$0x0], $0xffff;
	[tilespmem:s29+$0xFFFFFF90] =	vst v53  }
0x80: {  	v33 =	vor.u32 v5, v8;
	[tilespmem:s18+$0x40] =	vst v43;
	v15 =	vld.idx.msk [tilespmem:v56+s12+$0x0], $0xffff  }
0x81: {  	v61 =	vor.u32 v6, v13;
	v20 =	vld.idx.msk [tilespmem:v62+s12+$0x0], $0xffff;
	[tilespmem:s18+$0xD0] =	vst v18  }
0x82: {  	v29 =	vor.u32 v3, v14;
	v18 =	vld.idx.msk [tilespmem:v60+s12+$0x0], $0xffff;
	[tilespmem:s29+$0x90] =	vst v52  }
0x83: {  	v32 =	vor.u32 v3, v11;
	v63 =	vld.idx.msk [tilespmem:v54+s12+$0x0], $0xffff;
	[tilespmem:s29+$0x10] =	vst v55  }
0x84: {  	v28 =	vor.u32 v3, v17;
	[tilespmem:s18+$0xFFFFFF40] =	vst v59;
	v19 =	vld.idx.msk [tilespmem:v58+s12+$0x0], $0xffff  }
0x85: {  	v30 =	vor.u32 v3, v16;
	v41 =	vld.idx.msk [tilespmem:v33+s12+$0x0], $0xffff;
	[tilespmem:s29+$0xFFFFFFA0] =	vst v15  }
0x86: {  	v51 =	vor.u32 v5, v9;
	v31 =	vld.idx.msk [tilespmem:v61+s12+$0x0], $0xffff;
	[tilespmem:s18+$0x50] =	vst v20  }
0x87: {  	v34 =	vor.u32 v7, v13;
	v12 =	vld.idx.msk [tilespmem:v29+s12+$0x0], $0xffff;
	[tilespmem:s29+$0xFFFFFF20] =	vst v18  }
0x88: {  	v38 =	vor.u32 v4, v14;
	v39 =	vld.idx.msk [tilespmem:v32+s12+$0x0], $0xffff;
	[tilespmem:s29+$0xA0] =	vst v63  }
0x89: {  	v42 =	vor.u32 v4, v11;
	v35 =	vld.idx.msk [tilespmem:v28+s12+$0x0], $0xffff;
	[tilespmem:s29+$0x20] =	vst v19  }
0x8a: {  	v36 =	vor.u32 v4, v17;
	[tilespmem:s18+$0xFFFFFF50] =	vst v41;
	v37 =	vld.idx.msk [tilespmem:v30+s12+$0x0], $0xffff  }
0x8b: {  	v40 =	vor.u32 v4, v16;
	v25 =	vld.idx.msk [tilespmem:v51+s12+$0x0], $0xffff;
	[tilespmem:s18+$0xE0] =	vst v31  }
0x8c: {  	v44 =	vor.u32 v6, v10;
	v13 =	vld.idx.msk [tilespmem:v34+s12+$0x0], $0xffff;
	[tilespmem:s29+$0xFFFFFFB0] =	vst v12  }
0x8d: {  	v43 =	vor.u32 v6, v9;
	v18 =	vld.idx.msk [tilespmem:v38+s12+$0x0], $0xffff;
	[tilespmem:s29+$0xFFFFFF30] =	vst v39  }
0x8e: {  	v47 =	vor.u32 v5, v14;
	v20 =	vld.idx.msk [tilespmem:v42+s12+$0x0], $0xffff;
	[tilespmem:s29+$0xB0] =	vst v35  }
0x8f: {  	v50 =	vor.u32 v5, v11;
	v45 =	vld.idx.msk [tilespmem:v36+s12+$0x0], $0xffff;
	[tilespmem:s29+$0x30] =	vst v37  }
0x90: {  	v46 =	vor.u32 v5, v17;
	[tilespmem:s18+$0xFFFFFFD0] =	vst v25;
	v21 =	vld.idx.msk [tilespmem:v40+s12+$0x0], $0xffff  }
0x91: {  	v48 =	vor.u32 v5, v16;
	v15 =	vld.idx.msk [tilespmem:v44+s12+$0x0], $0xffff;
	[tilespmem:s18+$0xF0] =	vst v13  }
0x92: {  	v51 =	vor.u32 v6, v8;
	v49 =	vld.idx.msk [tilespmem:v43+s12+$0x0], $0xffff;
	[tilespmem:s29+$0xFFFFFFC0] =	vst v18  }
0x93: {  	v52 =	vor.u32 v7, v9;
	v18 =	vld.idx.msk [tilespmem:v47+s12+$0x0], $0xffff;
	[tilespmem:s29+$0xFFFFFF40] =	vst v20  }
0x94: {  	v54 =	vor.u32 v6, v14;
	v13 =	vld.idx.msk [tilespmem:v50+s12+$0x0], $0xffff;
	[tilespmem:s29+$0xC0] =	vst v45  }
0x95: {  	v57 =	vor.u32 v6, v11;
	v12 =	vld.idx.msk [tilespmem:v46+s12+$0x0], $0xffff;
	[tilespmem:s29+$0x40] =	vst v21  }
0x96: {  	v53 =	vor.u32 v6, v17;
	[tilespmem:s18+$0x60] =	vst v15;
	v21 =	vld.idx.msk [tilespmem:v48+s12+$0x0], $0xffff  }
0x97: {  	v56 =	vld.idx.msk [tilespmem:v51+s12+$0x0], $0xffff;
	v55 =	vor.u32 v6, v16;
	[tilespmem:s18+$0xFFFFFFE0] =	vst v49  }
0x98: {  	v8 =	vor.u32 v7, v8;
	v9 =	vld.idx.msk [tilespmem:v52+s12+$0x0], $0xffff;
	[tilespmem:s29+$0xFFFFFFD0] =	vst v18  }
0x99: {  	v58 =	vor.u32 v7, v10;
	v18 =	vld.idx.msk [tilespmem:v54+s12+$0x0], $0xffff;
	[tilespmem:s29+$0xFFFFFF50] =	vst v13  }
0x9a: {  	v60 =	vor.u32 v7, v14;
	v15 =	vld.idx.msk [tilespmem:v57+s12+$0x0], $0xffff;
	[tilespmem:s29+$0xD0] =	vst v12  }
0x9b: {  	v61 =	vor.u32 v7, v11;
	v12 =	vld.idx.msk [tilespmem:v53+s12+$0x0], $0xffff;
	[tilespmem:s29+$0x50] =	vst v21  }
0x9c: {  	v17 =	vor.u32 v7, v17;
	[tilespmem:s18+$0xFFFFFF60] =	vst v56;
	v59 =	vld.idx.msk [tilespmem:v55+s12+$0x0], $0xffff  }
0x9d: {  	v16 =	vor.u32 v7, v16;
	v8 =	vld.idx.msk [tilespmem:v8+s12+$0x0], $0xffff;
	[tilespmem:s18+$0xFFFFFFF0] =	vst v9  }
0x9e: {  	v10 =	vld.idx.msk [tilespmem:v58+s12+$0x0], $0xffff;
	[tilespmem:s29+$0xFFFFFFE0] =	vst v18  }
0x9f: {  	v63 =	vld.idx.msk [tilespmem:v60+s12+$0x0], $0xffff;
	[tilespmem:s29+$0xFFFFFF60] =	vst v15  }
0xa0: {  	v9 =	vld.idx.msk [tilespmem:v61+s12+$0x0], $0xffff;
	[tilespmem:s29+$0xE0] =	vst v12  }
0xa1: {  	v62 =	vld.idx.msk [tilespmem:v17+s12+$0x0], $0xffff;
	[tilespmem:s29+$0x60] =	vst v59  }
0xa2: {  	[tilespmem:s18+$0xFFFFFF70] =	vst v8;
	v13 =	vld.idx.msk [tilespmem:v16+s12+$0x0], $0xffff  }
0xa3: {  	[tilespmem:s18+$0x70] =	vst v10  }
0xa4: {  	s30 =	sshll.u32 s17, $0x11;
	[tilespmem:s29+$0xFFFFFFF0] =	vst v63  }
0xa5: {  	s18 =	sor.u32 s3, s30;
	[tilespmem:s29+$0xFFFFFF70] =	vst v9  }
0xa6: {  	s18 =	sshrl.u32 s18, $0x3;
	[tilespmem:s29+$0xF0] =	vst v62  }
0xa7: {  	s31 =	sadd.s32 s5, s18;
	[tilespmem:s29+$0x70] =	vst v13  }
0xa8: {  	[hbm4b:s31+s9] =	stream.strided.scatter [tilespmem:s14], [sflag:$0x2], $0x1000, s10, s9, $0x38;
	[tilespmem:$0x4C80] =	vst v63  }
0xa9: {  	s17 =	sadd.s32 $0x1, s17;
	_ =	swait.ge [sflag:s11], $0x1000  }
0xaa: {  	p0 =	sne.s32 s17, $0x19;
	[sflag:s11] =	ssyncset.done $0x0  }
.Ltmp1:
0xab: {  	s18 =	sadd.s32 s6, s18;
	[sflag:s11] =	ssyncadd.s32 $0xFFFFF000;
	(pc) =	sbr.rel @p0 .LBB2_2-.Ltmp1, $4  }
0xac: {  	[hbm4b:s18+s9] =	stream.strided.scatter [tilespmem:s15], [sflag:$0x2], $0x1000, s10, s9, $0x38;
	[tilespmem:$0x4C80] =	vst v63  }
0xad: {  	_ =	swait.ge [sflag:s11], $0x1000  }
0xae: {  	[sflag:s11] =	ssyncset.done $0x0  }
0xaf: {  	[sflag:s11] =	ssyncadd.s32 $0xFFFFF000  }
0xb0: {  	s16 =	sadd.s32 $0x1, s16  }
0xb1: {  	p0 =	sne.s32 s16, s8  }
.Ltmp2:
0xb2: {  	_ = 	snop;
	(pc) =	sbr.rel @p0 .LBB2_1-.Ltmp2, $1  }
0xb3: {  	_ =	sdelay $0x3  }
0xb4: {  	_ =	sfence.sel $0x180000  }
0xb5: {  	[bflag:$0x0] =	sbarrier.arrive $0xFFFF  }
0xb6: {  	p0 =	sne.s32 s0, $0x0;
	_ =	strace $0x90000047  }
0xb7: {  	s0 =	sadd.s32 @!p0 $0x100000, s1;
	[bflag:$0x2] =	sbarrier.arrive $0xFFFF  }
0xb8: {  	[sflag:s0] =	ssyncadd.tile.s32 @!p0 $0x1;
	_ =	shalt  }
.Lfunc_end2:
_tile_overlayer_lowered:
.L_overlay_start_2:
0xb9: {  	(tag) =	ssettag $0x2  }
0xba: {  	s0 =	rddreg [dreg:$0x0];
	s2 =	stileid.u32  }
0xbb: {  	s1 =	rddreg [dreg:$0x1];
	p0 =	sne.s32 s2, $0x0  }
0xbc: {  	s3 =	rddreg [dreg:$0x2];
	[bflag:$0x3] =	sbarrier.arrive $0xFFFF;
	s2 =	simm.s32 @!p0 $0x1C02  }
0xbd: {  	[timem:s3], [sflag:s2] =	dma.local @!p0 [hbm:s0], s1  }
0xbe: {  	s0 =	simm.s32 @!p0 $0x2  }
0xbf: {  	_ =	swait.ge @!p0 [sflag:s0], s1  }
0xc0: {  	s1 =	ssub.s32 @!p0 $0x0, s1;
	[sflag:s0] =	ssyncset.done @!p0 $0x0  }
0xc1: {  	[sflag:s0] =	ssyncadd.s32 @!p0 s1  }
0xc2: {  	[bflag:$0x3] =	sbarrier.arrive $0xFFFF  }
0xc3: {  	_ =	shalt  }

// kernel: kernel.13.cloned.1.call-start
scs
__scs_entry_jumppad:
0x0: {  	(pc) =	sbr.rel $0x88, $3  }
0x1: {  	(tag) =	ssettag $0x0;
	lr =	simm.s32 $0x1  }
0x2: {  	[smem:$0x3F9F] =	sst lr;
	_ =	strace $0xD0000000  }
0x3: {  	_ = 	snop  }
0x4: {  	_ = 	snop  }
0x5: {  	_ = 	snop  }
0x6: {  	_ = 	snop  }
0x7: {  	_ = 	snop  }
__scs_overlays_trampoline_lowered:
0x8: {  	[smem:$0x3FAE] =	sst s0  }
0x9: {  	[smem:$0x3FAF] =	sst s1  }
0xa: {  	[smem:$0x3FB0] =	sst s2  }
0xb: {  	[smem:$0x3FB1] =	sst s3  }
0xc: {  	[smem:$0x3FB2] =	sst s4  }
0xd: {  	[smem:$0x3FB3] =	sst s5  }
0xe: {  	[smem:$0x3FB4] =	sst s6  }
0xf: {  	[smem:$0x3FB5] =	sst s7  }
0x10: {  	[smem:$0x3FB6] =	sst s8  }
0x11: {  	[smem:$0x3FB7] =	sst s9;
	s0 =	simm.s32 @!p0 $0x0  }
0x12: {  	s1 =	sld [smem:$0x3F9D];
	s0 =	simm.s32 @p0 $0x1  }
0x13: {  	[smem:$0x3FB8] =	sst s0;
	s0 =	simm.s32 @!p1 $0x0  }
0x14: {  	s2 =	sld [smem:$0x3F9C];
	s0 =	simm.s32 @p1 $0x1  }
0x15: {  	[smem:$0x3FB9] =	sst s0;
	s0 =	simm.s32 @!p2 $0x0  }
0x16: {  	s3 =	sld [smem:$0x3FDB];
	s0 =	simm.s32 @p2 $0x1  }
0x17: {  	s4 =	simm.s32 $0x1BF5;
	[smem:$0x3FBB] =	sst s0  }
0x18: {  	s0 =	sld [smem:$0x3F9E];
	_ =	swait.ge [sflag:s4], $0x0  }
0x19: {  	s7 =	sld [smem:$0x3F9F]  }
0x1a: {  	s8 =	sadd.s32 $0xFFFFE003, lr  }
0x1b: {  	s9 =	sadd.s32 $0xFFFFFEF7, lr;
	s5 =	simm.s32 $0xFFFFFFFF;
	p2 =	slt.u32 s8, $0xFFFFF086  }
0x1c: {  	p1 =	slt.u32 s9, $0xF7A;
	s5 =	simm.s32 @!p2 $0x0  }
0x1d: {  	s5 =	simm.s32 @p1 $0x1;
	p0 =	seq.s32 s7, s2  }
0x1e: {  	s7 =	smul.u32 @!p0 $0xF7A, s2;
	p2 =	seq.s32 @!p0 s5, $0x0  }
0x1f: {  	s9 =	smul.u32 $0xF7A, s1;
	s8 =	simm.s32 @!p0 $0x1BF5;
	p2 =	por !p2, p0  }
0x20: {  	[sflag:s8] =	ssyncset.s32 @!p0 $0xFFFFF086;
	s6 =	sadd.s32 @!p0 s3, s7;
	s7 =	simm.s32 @!p0 $0x108  }
0x21: {  	s3 =	sadd.s32 s3, s9;
	s6 =	sadd.s32 @!p0 $0x88, s6;
	s7 =	simm.s32 @p2 $0x1082  }
0x22: {  	[simem:s7], [sflag:s8] =	dma.local @!p0 [hbm:s6], $0xF7A  }
0x23: {  	s9 =	sor.u32 $0xD0000000, s2;
	s6 =	simm.s32 $0x108;
	_ =	swait.ge @!p0 [sflag:s8], $0x0  }
0x24: {  	s3 =	sadd.s32 $0x88, s3;
	s6 =	simm.s32 @!p1 $0x1082;
	[sflag:s4] =	ssyncset.s32 $0xFFFFF086  }
0x25: {  	[simem:s6], [sflag:s4] =	dma.local [hbm:s3], $0xF7A  }
0x26: {  	[smem:$0x3F9F] =	sst s1;
	(tag) =	ssettag s2;
	_ =	strace s9  }
0x27: {  	s1 =	sld [smem:$0x3FAF]  }
0x28: {  	s2 =	sld [smem:$0x3FB0]  }
0x29: {  	s4 =	sld [smem:$0x3FB2]  }
0x2a: {  	p0 =	seq.s32 s5, $0x0;
	s5 =	sld [smem:$0x3FB3]  }
0x2b: {  	s6 =	sld [smem:$0x3FB4]  }
0x2c: {  	s7 =	sld [smem:$0x3FB5]  }
0x2d: {  	s3 =	simm.s32 $0x108;
	s8 =	sld [smem:$0x3FB6]  }
0x2e: {  	s3 =	simm.s32 @!p0 $0x1082;
	s9 =	sld [smem:$0x3FB7]  }
0x2f: {  	lr =	sadd.s32 s0, s3;
	s0 =	sld [smem:$0x3FAE]  }
0x30: {  	s3 =	sld [smem:$0x3FB1]  }
0x31: {  	[smem:$0x3FBA] =	sst s10  }
0x32: {  	s10 =	sld [smem:$0x3FB8];
	_ =	sdelay $0x3  }
0x33: {  	p0 =	seq.s32 s10, $0x1;
	s10 =	sld [smem:$0x3FBA];
	_ =	sdelay $0x3  }
0x34: {  	[smem:$0x3FBA] =	sst s10  }
0x35: {  	s10 =	sld [smem:$0x3FB9];
	_ =	sdelay $0x3  }
0x36: {  	p1 =	seq.s32 s10, $0x1;
	s10 =	sld [smem:$0x3FBA];
	_ =	sdelay $0x3  }
0x37: {  	[smem:$0x3FBA] =	sst s10  }
0x38: {  	s10 =	sld [smem:$0x3FBB]  }
0x39: {  	_ = 	snop;
	(pc) =	sbr.ind lr, $3  }
0x3a: {  	_ = 	snop  }
0x3b: {  	_ = 	snop  }
0x3c: {  	p2 =	seq.s32 s10, $0x1;
	s10 =	sld [smem:$0x3FBA]  }
0x3d: {  	_ =	shalt  }
0x3e: {  	_ =	shalt  }
0x3f: {  	_ =	shalt  }
0x40: {  	_ =	shalt  }
0x41: {  	_ =	shalt  }
0x42: {  	_ =	shalt  }
0x43: {  	_ =	shalt  }
0x44: {  	_ =	shalt  }
0x45: {  	_ =	shalt  }
0x46: {  	_ =	shalt  }
0x47: {  	_ =	shalt  }
0x48: {  	_ =	shalt  }
0x49: {  	_ =	shalt  }
0x4a: {  	_ =	shalt  }
0x4b: {  	_ =	shalt  }
0x4c: {  	_ =	shalt  }
0x4d: {  	_ =	shalt  }
0x4e: {  	_ =	shalt  }
0x4f: {  	_ =	shalt  }
0x50: {  	_ =	shalt  }
0x51: {  	_ =	shalt  }
0x52: {  	_ =	shalt  }
0x53: {  	_ =	shalt  }
0x54: {  	_ =	shalt  }
0x55: {  	_ =	shalt  }
0x56: {  	_ =	shalt  }
0x57: {  	_ =	shalt  }
0x58: {  	_ =	shalt  }
0x59: {  	_ =	shalt  }
0x5a: {  	_ =	shalt  }
0x5b: {  	_ =	shalt  }
0x5c: {  	_ =	shalt  }
0x5d: {  	_ =	shalt  }
0x5e: {  	_ =	shalt  }
0x5f: {  	_ =	shalt  }
0x60: {  	_ =	shalt  }
0x61: {  	_ =	shalt  }
0x62: {  	_ =	shalt  }
0x63: {  	_ =	shalt  }
0x64: {  	_ =	shalt  }
0x65: {  	_ =	shalt  }
0x66: {  	_ =	shalt  }
0x67: {  	_ =	shalt  }
0x68: {  	_ =	shalt  }
0x69: {  	_ =	shalt  }
0x6a: {  	_ =	shalt  }
0x6b: {  	_ =	shalt  }
0x6c: {  	_ =	shalt  }
0x6d: {  	_ =	shalt  }
0x6e: {  	_ =	shalt  }
0x6f: {  	_ =	shalt  }
0x70: {  	_ =	shalt  }
0x71: {  	_ =	shalt  }
0x72: {  	_ =	shalt  }
0x73: {  	_ =	shalt  }
0x74: {  	_ =	shalt  }
0x75: {  	_ =	shalt  }
0x76: {  	_ =	shalt  }
0x77: {  	_ =	shalt  }
0x78: {  	_ =	shalt  }
0x79: {  	_ =	shalt  }
0x7a: {  	_ =	shalt  }
0x7b: {  	_ =	shalt  }
0x7c: {  	_ =	shalt  }
0x7d: {  	_ =	shalt  }
0x7e: {  	_ =	shalt  }
0x7f: {  	_ =	shalt  }
0x80: {  	_ =	shalt  }
0x81: {  	_ =	shalt  }
0x82: {  	_ =	shalt  }
0x83: {  	_ =	shalt  }
0x84: {  	_ =	shalt  }
0x85: {  	_ =	shalt  }
0x86: {  	_ =	shalt  }
0x87: {  	_ =	shalt  }
.Lfunc_end0:
.L_simem_size_0:
called_computation.1_lowered:
.L_overlay_start_0:
0x88: {  	s2 =	sld [smem:$0x3FD9]  }
0x89: {  	s3 =	sld [smem:$0x3FFE];
	_ =	sdelay $0x1  }
0x8a: {  	s1 =	srdreg.scid  }
0x8b: {  	s0 =	sand.u32 $0x1, s1  }
0x8c: {  	s17 =	sshll.u32 s0, $0xA;
	s2 =	sadd.s32 s3, s2  }
0x8d: {  	s2 =	sadd.s32 s2, s17  }
0x8e: {  	[smem:$0x3FC6] =	sst s2  }
0x8f: {  	_ = 	snop  }
0x90: {  	(tm) =	ssettm $0x1  }
0x91: {  	s18 =	sld [smem:$0x3FFB];
	_ =	sdelay $0x3  }
0x92: {  	_ =	strace s18  }
0x93: {  	s2 =	sld [smem:$0x3FFC];
	_ =	sdelay $0x3  }
0x94: {  	_ =	strace s2  }
0x95: {  	s2 =	sld [smem:$0x3FFD];
	_ =	sdelay $0x3  }
0x96: {  	_ =	strace s2  }
0x97: {  	_ =	strace $0x8FFFFFFF  }
0x98: {  	s19 =	sld [smem:$0x3FDB];
	_ =	sdelay $0x1  }
0x99: {  	s20 =	simm.s32 $_scs_section_size  }
0x9a: {  	s4 =	simm.s32 $_size__tile_overlayer_lowered;
	s5 =	simm.s32 $_tile_overlayer_lowered  }
0x9b: {  	s6 =	simm.s32 $0x1BFF;
	s21 =	sshll.u32 s5, $0x1;
	s3 =	sadd.s32 s20, s19  }
0x9c: {  	s22 =	simm.s32 $0x0;
	s4 =	sshll.u32 s4, $0x1;
	s5 =	sadd.s32 s21, s3  }
0x9d: {  	[timem:s22], [sflag:s6] =	dma.local [hbm:s5], s4  }
0x9e: {  	_ =	swait.ge [sflag:s6], s4  }
0x9f: {  	s4 =	ssub.s32 $0x0, s4;
	[sflag:s6] =	ssyncset.done $0x0  }
0xa0: {  	[sflag:s6] =	ssyncadd.s32 s4;
	_ =	sdelay $0x1  }
0xa1: {  	s23 =	simm.s32 $0x1B8B  }
0xa2: {  	_ =	swait.ge [sflag:s23], $0x1  }
0xa3: {  	[sflag:s23] =	ssyncset.done $0x0  }
0xa4: {  	[sflag:s23] =	ssyncadd.s32 $0xFFFFFFFF  }
0xa5: {  	s4 =	sld [smem:$0x0]  }
0xa6: {  	s5 =	sand.u32 $0xFFFFFFFE, s1  }
0xa7: {  	p0 =	sne.s32 s1, s5  }
0xa8: {  	s5 =	sshll.u32 @p0 s5, $0xE  }
0xa9: {  	s5 =	sadd.s32 @p0 $0x11B8D, s5;
	s6 =	sshll.u32 @p0 s4, $0x11  }
0xaa: {  	s5 =	sor.u32 @p0 s6, s5  }
0xab: {  	[sflag:s5] =	ssyncadd.remote.s32 @p0 $0x1;
	_ =	sdelay $0x1  }
0xac: {  	s5 =	simm.s32 @p0 $0x1B8D  }
0xad: {  	_ =	swait.eq @p0 [sflag:s5], $0x1  }
0xae: {  	[sflag:s5] =	ssyncadd.s32 @p0 $0xFFFFFFFF  }
0xaf: {  	s6 =	sshll.u32 @!p0 s1, $0xE  }
0xb0: {  	s6 =	sor.u32 @!p0 $0x4000, s6;
	s5 =	simm.s32 @!p0 $0x1B8D  }
0xb1: {  	s4 =	sshll.u32 @!p0 s4, $0x11;
	s6 =	sadd.s32 @!p0 $0x11B8D, s6;
	_ =	swait.eq @!p0 [sflag:s5], $0x1  }
0xb2: {  	s4 =	sor.u32 @!p0 s4, s6;
	[sflag:s5] =	ssyncadd.s32 @!p0 $0xFFFFFFFF  }
0xb3: {  	s25 =	simm.s32 $0x1B8E;
	s24 =	sld [smem:$0x3FFE];
	[sflag:s4] =	ssyncadd.remote.s32 @!p0 $0x1  }
0xb4: {  	s26 =	simm.s32 $execute0_lowered;
	[smem:$0x3FD2] =	sst s25  }
0xb5: {  	s5 =	sshll.u32 s26, $0x1;
	_ =	strace $0x80000049;
	[dreg:$0x1] =	wrdreg $0xFFFFFFFF  }
0xb6: {  	s28 =	simm.s32 $_size_execute0_lowered;
	s3 =	sadd.s32 s3, s5;
	[dreg:$0x0] =	wrdreg $0x0  }
0xb7: {  	s5 =	sshll.u32 s28, $0x1;
	[dreg:$0x2] =	wrdreg s3  }
0xb8: {  	[dreg:$0x3] =	wrdreg s5  }
0xb9: {  	[dreg:$0x4] =	wrdreg $0xC0  }
0xba: {  	_ =	task [dreg:s22], $0x5FFFF  }
0xbb: {  	[dreg:$0x1] =	wrdreg $0xFFFFFFFF  }
0xbc: {  	[dreg:$0x0] =	wrdreg $0x60  }
0xbd: {  	[dreg:$0x2] =	wrdreg s24  }
0xbe: {  	[dreg:$0x3] =	wrdreg $0x9  }
0xbf: {  	_ =	task.clear_ibuf [dreg:s22], $0x4FFFF;
	_ =	strace $0x90000049  }
0xc0: {  	s29 =	simm.s32 $0x9;
	_ =	strace $0x8000004B  }
0xc1: {  	_ =	swait.ge [sflag:s29], $0x1  }
0xc2: {  	[sflag:s29] =	ssyncadd.s32 $0xFFFFFFFF  }
0xc3: {  	_ =	strace $0x9000004B  }
0xc4: {  	_ =	sfence  }
0xc5: {  	s30 =	sld [smem:$0x0];
	_ =	sdelay $0x2  }
0xc6: {  	s31 =	sshll.u32 s1, $0xD;
	s1 =	sshrl.u32 s1, $0x2  }
0xc7: {  	s4 =	sand.u32 $0x4000, s31;
	s1 =	sadd.s32 s1, s30  }
0xc8: {  	s0 =	sor.u32 s4, s0;
	s1 =	sshll.u32 s1, $0x11  }
0xc9: {  	s0 =	sor.u32 s1, s0  }
0xca: {  	s0 =	sadd.s32 $0x8F2B, s0  }
0xcb: {  	[sflag:s0] =	ssyncadd.remote.s32 $0x1  }
0xcc: {  	_ =	sfence.sel $0xFFFF  }
0xcd: {  	[dreg:$0x0] =	wrdreg $0xFFFFFFFF;
	(pc) =	sbr.abs _section_cstart, $3  }
0xce: {  	[dreg:$0x1] =	wrdreg $0xFFFFFFFF  }
0xcf: {  	_ =	task.clear_ibuf [dreg:s22], $0x2FFFF;
	_ =	strace $0x9FFFFFFF  }
0xd0: {  	(tm) =	ssettm $0x7FFFFFFF  }
0xd1: {  	_ =	shalt  }
tec
execute0_lowered:
.L_overlay_start_1:
0x0: {  	(tag) =	ssettag $0x1  }
0x1: {  	s1 =	srdreg.scid;
	s0 =	stileid.u32  }
0x2: {  	s6 =	rddreg [dreg:$0x0];
	s2 =	simm.s32 $0x0;
	s10 =	simm.s32 $0x1000  }
0x3: {  	s11 =	simm.s32 $0x2;
	s12 =	simm.s32 $0xC80;
	s13 =	simm.s32 $0x1  }
0x4: {  	s14 =	simm.s32 $0x2C80;
	s15 =	simm.s32 $0x3C80;
	s16 =	simm.s32 $0x0  }
0x5: {  	v0 =	vlaneseq.u32;
	s4 =	sand.u32 $0x1, s1;
	s3 =	sshll.u32 s0, $0x8;
	s1 =	rddreg [dreg:$0x1]  }
0x6: {  	[smem:$0x7FF] =	sst s2;
	v0 =	vmul.u32 $0x40, v0;
	s5 =	sshll.u32 s4, $0x7;
	s8 =	ssub.s32 $0x2, s4  }
0x7: {  	_ =	strace $0x8000004A;
	s3 =	sor.u32 s5, s3;
	s9 =	sshrl.u32 s8, $0x1  }
0x8: {  	s4 =	sadd.s32 $0xF4AC00, s6;
	v1 =	vor.u32 $0x400, v0;
	s5 =	sshrl.u32 s3, $0x3;
	s8 =	ssub.s32 s8, s9  }
0x9: {  	v2 =	vor.u32 $0x800, v0;
	v3 =	vor.u32 $0xC00, v0;
	v4 =	vor.u32 $0x1000, v0;
	s9 =	simm.s32 $0x80;
	s7 =	sadd.s32 s5, s6;
	s5 =	sadd.s32 $0xEEC00, s6  }
0xa: {  	v5 =	vor.u32 $0x1400, v0;
	v6 =	vor.u32 $0x1800, v0;
	v7 =	vor.u32 $0x1C00, v0;
	s6 =	sadd.s32 $0x152C00, s6;
	s8 =	smax.u32 s8, $0x1;
	s7 =	sadd.s32 $0xEBA00, s7  }
.LBB2_1:
0xb: {  	[tilespmem:s2], [sflag:$0x2] =	stream.strided.gather [hbm4b:s7+s9], $0xC80, s10, s9, $0x38;
	[tilespmem:$0x4C80] =	vst v63  }
0xc: {  	_ =	swait.ge [sflag:s11], $0xC80  }
0xd: {  	[sflag:s11] =	ssyncset.done $0x0  }
0xe: {  	s17 =	simm.s32 $0x0;
	[sflag:s11] =	ssyncadd.s32 $0xFFFFF380  }
.LBB2_2:
0xf: {  	s18 =	simm.s32 $0x3  }
0x10: {  	s19 =	simm.s32 $0x1;
	v8 =	vmov s18  }
0x11: {  	s24 =	simm.s32 $0x2;
	v9 =	vmov s19;
	v8 =	vand.u32 $0x3F, v8  }
0x12: {  	v10 =	vmov s24;
	v9 =	vand.u32 $0x3D, v9;
	v14 =	vbroadcast v8, $0x0  }
0x13: {  	s25 =	sshll.u32 s17, $0x7;
	s26 =	simm.s32 $0x0;
	v17 =	vbroadcast v9, $0x0;
	v8 =	vand.u32 $0x3E, v10  }
0x14: {  	s18 =	sand.u32 $0x3FFFFF80, s25;
	v9 =	vmov s26;
	v16 =	vbroadcast v8, $0x0;
	v8 =	vor.u32 v0, v14  }
0x15: {  	[tilespmem:s12], [sflag:$0x1] =	stream.indirect.gather [hbm4b:s4+s9], $0x40, s18, s9, $0xb8;
	v9 =	vand.u32 $0x3C, v9;
	v10 =	vor.u32 v0, v17;
	[tilespmem:$0x4C80] =	vst v63  }
0x16: {  	_ =	swait.ge [sflag:s13], $0x2000;
	v12 =	vbroadcast v9, $0x0;
	v9 =	vor.u32 v0, v16  }
0x17: {  	[sflag:s13] =	ssyncset.done $0x0  }
0x18: {  	[sflag:s13] =	ssyncadd.s32 $0xFFFFE000;
	v11 =	vor.u32 v0, v12  }
0x19: {  	v8 =	vld.idx.msk [tilespmem:v8+s12+$0x0], $0xffff  }
0x1a: {  	v13 =	vor.u32 v1, v14;
	v10 =	vld.idx.msk [tilespmem:v10+s12+$0x0], $0xffff  }
0x1b: {  	v15 =	vor.u32 v1, v17;
	v9 =	vld.idx.msk [tilespmem:v9+s12+$0x0], $0xffff  }
0x1c: {  	v18 =	vor.u32 v1, v16  }
0x1d: {  	s19 =	simm.s32 $0x2D80;
	v11 =	vld.idx.msk [tilespmem:v11+s12+$0x0], $0xffff  }
0x1e: {  	v19 =	vor.u32 v1, v12;
	[tilespmem:s19+$0x80] =	vst v8  }
0x1f: {  	[tilespmem:s19+$0xFFFFFF80] =	vst v10;
	v8 =	vld.idx.msk [tilespmem:v13+s12+$0x0], $0xffff  }
0x20: {  	v10 =	vld.idx.msk [tilespmem:v15+s12+$0x0], $0xffff;
	[tilespmem:s19+$0x0] =	vst v9;
	v9 =	vor.u32 v2, v14  }
0x21: {  	v15 =	vor.u32 v2, v17;
	v13 =	vld.idx.msk [tilespmem:v18+s12+$0x0], $0xffff  }
0x22: {  	[tilespmem:s19+$0xFFFFFF00] =	vst v11;
	v11 =	vor.u32 v2, v16  }
0x23: {  	v18 =	vld.idx.msk [tilespmem:v19+s12+$0x0], $0xffff  }
0x24: {  	s28 =	simm.s32 $0x4;
	v19 =	vor.u32 v2, v12;
	[tilespmem:s19+$0x90] =	vst v8  }
0x25: {  	v8 =	vmov s28;
	[tilespmem:s19+$0xFFFFFF90] =	vst v10;
	v10 =	vld.idx.msk [tilespmem:v9+s12+$0x0], $0xffff  }
0x26: {  	s29 =	simm.s32 $0x5;
	v8 =	vand.u32 $0x3C, v8;
	v15 =	vld.idx.msk [tilespmem:v15+s12+$0x0], $0xffff;
	[tilespmem:s19+$0x10] =	vst v13;
	v13 =	vor.u32 v3, v14  }
0x27: {  	v20 =	vor.u32 v3, v17;
	v9 =	vmov s29;
	v8 =	vbroadcast v8, $0x0;
	v11 =	vld.idx.msk [tilespmem:v11+s12+$0x0], $0xffff  }
0x28: {  	v9 =	vand.u32 $0x3D, v9;
	[tilespmem:s19+$0xFFFFFF10] =	vst v18;
	v18 =	vor.u32 v3, v16  }
0x29: {  	v9 =	vbroadcast v9, $0x0;
	v19 =	vld.idx.msk [tilespmem:v19+s12+$0x0], $0xffff;
	v21 =	vor.u32 v0, v8  }
0x2a: {  	s30 =	simm.s32 $0x7;
	v22 =	vor.u32 v3, v12;
	[tilespmem:s19+$0xA0] =	vst v10  }
0x2b: {  	s31 =	simm.s32 $0x6;
	v23 =	vor.u32 v0, v9;
	[tilespmem:s19+$0xFFFFFFA0] =	vst v15;
	v10 =	vmov s30;
	v15 =	vld.idx.msk [tilespmem:v13+s12+$0x0], $0xffff  }
0x2c: {  	v25 =	vmov s31;
	v20 =	vld.idx.msk [tilespmem:v20+s12+$0x0], $0xffff;
	[tilespmem:s19+$0x20] =	vst v11;
	v11 =	vor.u32 v4, v14;
	v10 =	vand.u32 $0x3F, v10  }
0x2d: {  	v24 =	vor.u32 v4, v17;
	v18 =	vld.idx.msk [tilespmem:v18+s12+$0x0], $0xffff;
	v13 =	vbroadcast v10, $0x0;
	v10 =	vand.u32 $0x3E, v25  }
0x2e: {  	[tilespmem:s19+$0xFFFFFF20] =	vst v19;
	v19 =	vor.u32 v4, v16;
	v21 =	vld.idx.msk [tilespmem:v21+s12+$0x0], $0xffff;
	v10 =	vbroadcast v10, $0x0  }
0x2f: {  	v22 =	vld.idx.msk [tilespmem:v22+s12+$0x0], $0xffff;
	v25 =	vor.u32 v0, v13  }
0x30: {  	v23 =	vld.idx.msk [tilespmem:v23+s12+$0x0], $0xffff;
	v26 =	vor.u32 v0, v10;
	[tilespmem:s19+$0xB0] =	vst v15  }
0x31: {  	s20 =	simm.s32 $0x8;
	v15 =	vor.u32 v4, v12;
	[tilespmem:s19+$0xFFFFFFB0] =	vst v20;
	v20 =	vld.idx.msk [tilespmem:v11+s12+$0x0], $0xffff  }
0x32: {  	v11 =	vmov s20;
	v24 =	vld.idx.msk [tilespmem:v24+s12+$0x0], $0xffff;
	[tilespmem:s19+$0x30] =	vst v18;
	v18 =	vor.u32 v5, v14  }
0x33: {  	v27 =	vor.u32 v5, v17;
	v11 =	vand.u32 $0x3C, v11;
	v19 =	vld.idx.msk [tilespmem:v19+s12+$0x0], $0xffff  }
0x34: {  	[tilespmem:s19+$0xFFFFFF30] =	vst v22;
	v11 =	vbroadcast v11, $0x0;
	v22 =	vld.idx.msk [tilespmem:v25+s12+$0x0], $0xffff;
	v25 =	vor.u32 v5, v16  }
0x35: {  	v30 =	vor.u32 v1, v13;
	v26 =	vld.idx.msk [tilespmem:v26+s12+$0x0], $0xffff  }
0x36: {  	v28 =	vor.u32 v0, v11;
	v29 =	vld.idx.msk [tilespmem:v15+s12+$0x0], $0xffff;
	[tilespmem:s19+$0xC0] =	vst v20  }
0x37: {  	v20 =	vor.u32 v1, v9;
	[tilespmem:s19+$0xFFFFFFC0] =	vst v24;
	v18 =	vld.idx.msk [tilespmem:v18+s12+$0x0], $0xffff  }
0x38: {  	s18 =	simm.s32 $0x2F80;
	v24 =	vor.u32 v1, v10;
	v27 =	vld.idx.msk [tilespmem:v27+s12+$0x0], $0xffff;
	[tilespmem:s19+$0x40] =	vst v19  }
0x39: {  	v19 =	vld.idx.msk [tilespmem:v25+s12+$0x0], $0xffff;
	v25 =	vor.u32 v6, v14;
	[tilespmem:s18+$0x80] =	vst v22  }
0x3a: {  	[tilespmem:s18+$0xFFFFFF80] =	vst v23;
	v23 =	vor.u32 v5, v12;
	v22 =	vld.idx.msk [tilespmem:v30+s12+$0x0], $0xffff  }
0x3b: {  	[tilespmem:s18+$0xFFFFFF00] =	vst v21;
	v15 =	vld.idx.msk [tilespmem:v28+s12+$0x0], $0xffff;
	v28 =	vor.u32 v1, v8  }
0x3c: {  	[tilespmem:s18+$0x0] =	vst v26;
	v26 =	vor.u32 v6, v17;
	v20 =	vld.idx.msk [tilespmem:v20+s12+$0x0], $0xffff  }
0x3d: {  	v30 =	vor.u32 v2, v13;
	v24 =	vld.idx.msk [tilespmem:v24+s12+$0x0], $0xffff;
	[tilespmem:s19+$0xD0] =	vst v18  }
0x3e: {  	v21 =	vor.u32 v2, v9;
	[tilespmem:s19+$0xFFFFFF40] =	vst v29;
	v25 =	vld.idx.msk [tilespmem:v25+s12+$0x0], $0xffff  }
0x3f: {  	v14 =	vor.u32 v7, v14;
	v23 =	vld.idx.msk [tilespmem:v23+s12+$0x0], $0xffff;
	[tilespmem:s19+$0xFFFFFFD0] =	vst v27  }
0x40: {  	v31 =	vor.u32 v2, v10;
	[tilespmem:s18+$0x90] =	vst v22;
	v28 =	vld.idx.msk [tilespmem:v28+s12+$0x0], $0xffff  }
0x41: {  	v32 =	vor.u32 v6, v12;
	v18 =	vld.idx.msk [tilespmem:v26+s12+$0x0], $0xffff;
	[tilespmem:s18+$0xFFFFFF90] =	vst v20  }
0x42: {  	s21 =	simm.s32 $0x9;
	v27 =	vor.u32 v2, v8;
	v20 =	vld.idx.msk [tilespmem:v30+s12+$0x0], $0xffff;
	[tilespmem:s18+$0x10] =	vst v24  }
0x43: {  	v22 =	vor.u32 v6, v16;
	v30 =	vld.idx.msk [tilespmem:v21+s12+$0x0], $0xffff;
	v21 =	vmov s21;
	[tilespmem:s19+$0xE0] =	vst v25  }
0x44: {  	v33 =	vor.u32 v3, v13;
	[tilespmem:s19+$0xFFFFFF50] =	vst v23;
	v26 =	vld.idx.msk [tilespmem:v14+s12+$0x0], $0xffff;
	v14 =	vand.u32 $0x3D, v21  }
0x45: {  	v31 =	vld.idx.msk [tilespmem:v31+s12+$0x0], $0xffff;
	[tilespmem:s18+$0xFFFFFF10] =	vst v28;
	v28 =	vor.u32 v3, v9;
	v14 =	vbroadcast v14, $0x0  }
0x46: {  	v29 =	vor.u32 v3, v10;
	[tilespmem:s19+$0x50] =	vst v19;
	v19 =	vld.idx.msk [tilespmem:v32+s12+$0x0], $0xffff  }
0x47: {  	v24 =	vld.idx.msk [tilespmem:v27+s12+$0x0], $0xffff;
	[tilespmem:s18+$0xA0] =	vst v20;
	v20 =	vor.u32 v0, v14  }
0x48: {  	v21 =	vld.idx.msk [tilespmem:v22+s12+$0x0], $0xffff;
	v27 =	vor.u32 v3, v8  }
0x49: {  	v25 =	vor.u32 v7, v17;
	[tilespmem:s18+$0xFFFFFFA0] =	vst v30;
	v22 =	vld.idx.msk [tilespmem:v33+s12+$0x0], $0xffff  }
0x4a: {  	s22 =	simm.s32 $0xB;
	s21 =	simm.s32 $0xC;
	[tilespmem:s18+$0x20] =	vst v31;
	v23 =	vld.idx.msk [tilespmem:v28+s12+$0x0], $0xffff;
	v28 =	vor.u32 v7, v16  }
.LBB2_3:
0x4b: {  	p0 =	slt.u32 s21, $0x3C;
	v16 =	vmov s22;
	v17 =	vld.idx.msk [tilespmem:v29+s12+$0x0], $0xffff;
	v29 =	vor.u32 v4, v13;
	[tilespmem:s19+$0xF0] =	vst v26  }
0x4c: {  	s22 =	sadd.s32 $0x2, s20;
	s20 =	smov.u32 s21;
	v20 =	vld.idx.msk [tilespmem:v20+s12+$0x0], $0xffff;
	v16 =	vand.u32 $0x3F, v16;
	[tilespmem:s18+$0xFFFFFF20] =	vst v24;
	v24 =	vor.u32 v4, v9  }
0x4d: {  	v30 =	vor.u32 v4, v10;
	v26 =	vmov s22;
	v16 =	vbroadcast v16, $0x0;
	v27 =	vld.idx.msk [tilespmem:v27+s12+$0x0], $0xffff;
	[tilespmem:s19+$0xFFFFFFE0] =	vst v18  }
0x4e: {  	v18 =	vand.u32 $0x3E, v26;
	v26 =	vor.u32 v7, v12;
	v12 =	vmovc v8;
	v8 =	vmov v11;
	v25 =	vld.idx.msk [tilespmem:v25+s12+$0x0], $0xffff;
	[tilespmem:s19+$0x60] =	vst v21  }
0x4f: {  	v31 =	vbroadcast v18, $0x0;
	v18 =	vor.u32 v0, v16;
	[tilespmem:s18+$0xB0] =	vst v22;
	v21 =	vld.idx.msk [tilespmem:v28+s12+$0x0], $0xffff  }
0x50: {  	v22 =	vor.u32 v4, v12;
	[tilespmem:s18+$0xFFFFFFB0] =	vst v23;
	v23 =	vld.idx.msk [tilespmem:v29+s12+$0x0], $0xffff  }
0x51: {  	v11 =	vmov s21;
	v28 =	vor.u32 v0, v31;
	v24 =	vld.idx.msk [tilespmem:v24+s12+$0x0], $0xffff;
	[tilespmem:s18+$0x30] =	vst v17  }
0x52: {  	v11 =	vand.u32 $0x3C, v11;
	v29 =	vor.u32 v5, v13;
	v17 =	vld.idx.msk [tilespmem:v30+s12+$0x0], $0xffff;
	[tilespmem:s19+$0xFFFFFF60] =	vst v19  }
0x53: {  	v11 =	vbroadcast v11, $0x0;
	v19 =	vor.u32 v5, v9;
	[tilespmem:s18+$0xFFFFFF30] =	vst v27;
	v26 =	vld.idx.msk [tilespmem:v26+s12+$0x0], $0xffff  }
0x54: {  	v27 =	vor.u32 v5, v10;
	v18 =	vld.idx.msk [tilespmem:v18+s12+$0x0], $0xffff;
	[tilespmem:s19+$0xFFFFFFF0] =	vst v25  }
0x55: {  	v25 =	vor.u32 v0, v11;
	v22 =	vld.idx.msk [tilespmem:v22+s12+$0x0], $0xffff;
	[tilespmem:s19+$0x70] =	vst v21  }
0x56: {  	v21 =	vld.idx.msk [tilespmem:v28+s12+$0x0], $0xffff;
	v28 =	vor.u32 v1, v16;
	[tilespmem:s18+$0xC0] =	vst v23  }
0x57: {  	v23 =	vor.u32 v1, v14;
	[tilespmem:s18+$0xFFFFFFC0] =	vst v24;
	v24 =	vld.idx.msk [tilespmem:v29+s12+$0x0], $0xffff  }
0x58: {  	v29 =	vor.u32 v1, v31;
	v19 =	vld.idx.msk [tilespmem:v19+s12+$0x0], $0xffff;
	[tilespmem:s18+$0x40] =	vst v17  }
0x59: {  	v17 =	vld.idx.msk [tilespmem:v27+s12+$0x0], $0xffff;
	v27 =	vor.u32 v6, v13;
	[tilespmem:s19+$0xFFFFFF70] =	vst v26;
	s19 =	smov.u32 s18;
	s18 =	sadd.s32 $0x200, s18  }
0x5a: {  	v26 =	vor.u32 v1, v8;
	v25 =	vld.idx.msk [tilespmem:v25+s12+$0x0], $0xffff;
	[tilespmem:s18+$0x80] =	vst v18  }
0x5b: {  	[tilespmem:s18+$0xFFFFFF80] =	vst v20;
	v18 =	vld.idx.msk [tilespmem:v28+s12+$0x0], $0xffff;
	v20 =	vor.u32 v5, v12  }
0x5c: {  	v23 =	vld.idx.msk [tilespmem:v23+s12+$0x0], $0xffff;
	[tilespmem:s18+$0x0] =	vst v21;
	v21 =	vor.u32 v6, v9  }
0x5d: {  	v28 =	vld.idx.msk [tilespmem:v29+s12+$0x0], $0xffff;
	v29 =	vor.u32 v2, v16;
	[tilespmem:s19+$0xD0] =	vst v24  }
0x5e: {  	v24 =	vor.u32 v2, v14;
	[tilespmem:s18+$0xFFFFFF00] =	vst v15;
	v27 =	vld.idx.msk [tilespmem:v27+s12+$0x0], $0xffff  }
0x5f: {  	v30 =	vor.u32 v2, v31;
	v26 =	vld.idx.msk [tilespmem:v26+s12+$0x0], $0xffff;
	[tilespmem:s19+$0xFFFFFF40] =	vst v22  }
0x60: {  	v15 =	vmov v25;
	v22 =	vld.idx.msk [tilespmem:v20+s12+$0x0], $0xffff;
	[tilespmem:s19+$0xFFFFFFD0] =	vst v19;
	v19 =	vor.u32 v7, v13;
	v13 =	vmov v16  }
0x61: {  	v16 =	vor.u32 v2, v8;
	[tilespmem:s18+$0x90] =	vst v18;
	v18 =	vld.idx.msk [tilespmem:v21+s12+$0x0], $0xffff  }
0x62: {  	s22 =	sadd.s32 $0x1, s21;
	v21 =	vor.u32 v6, v10;
	[tilespmem:s18+$0xFFFFFF90] =	vst v23;
	v23 =	vld.idx.msk [tilespmem:v29+s12+$0x0], $0xffff  }
0x63: {  	v20 =	vmov s22;
	v25 =	vld.idx.msk [tilespmem:v24+s12+$0x0], $0xffff;
	[tilespmem:s18+$0x10] =	vst v28;
	v28 =	vor.u32 v6, v12  }
0x64: {  	v20 =	vand.u32 $0x3D, v20;
	v32 =	vor.u32 v3, v13;
	v30 =	vld.idx.msk [tilespmem:v30+s12+$0x0], $0xffff;
	[tilespmem:s19+$0xE0] =	vst v27  }
0x65: {  	v34 =	vor.u32 v3, v14;
	v33 =	vbroadcast v20, $0x0;
	[tilespmem:s18+$0xFFFFFF10] =	vst v26;
	v26 =	vld.idx.msk [tilespmem:v19+s12+$0x0], $0xffff  }
.Ltmp0:
0x66: {  	v29 =	vor.u32 v3, v31;
	v24 =	vld.idx.msk [tilespmem:v16+s12+$0x0], $0xffff;
	[tilespmem:s19+$0x50] =	vst v17;
	(pc) =	sbr.rel @p0 .LBB2_3-.Ltmp0, $4  }
0x67: {  	v20 =	vor.u32 v0, v33;
	[tilespmem:s19+$0xFFFFFF50] =	vst v22;
	v21 =	vld.idx.msk [tilespmem:v21+s12+$0x0], $0xffff  }
0x68: {  	v27 =	vor.u32 v3, v8;
	[tilespmem:s18+$0xA0] =	vst v23;
	v19 =	vld.idx.msk [tilespmem:v28+s12+$0x0], $0xffff  }
0x69: {  	[tilespmem:s18+$0xFFFFFFA0] =	vst v25;
	v22 =	vld.idx.msk [tilespmem:v32+s12+$0x0], $0xffff;
	v25 =	vor.u32 v7, v9;
	v9 =	vmov v14;
	v14 =	vmov v33  }
0x6a: {  	s21 =	sadd.s32 $0x4, s21;
	s22 =	sadd.s32 $0x3, s20;
	v28 =	vor.u32 v7, v10;
	v10 =	vmov v31;
	v23 =	vld.idx.msk [tilespmem:v34+s12+$0x0], $0xffff;
	[tilespmem:s18+$0x20] =	vst v30  }
0x6b: {  	_ = 	snop  }
0x6c: {  	[tilespmem:s19+$0xF0] =	vst v26  }
0x6d: {  	[tilespmem:s18+$0xFFFFFF20] =	vst v24  }
0x6e: {  	v16 =	vmov s22;
	s20 =	sadd.s32 $0x2, s20;
	[tilespmem:s19+$0xFFFFFFE0] =	vst v18  }
0x6f: {  	v63 =	vld.idx.msk [tilespmem:v29+s12+$0x0], $0xffff;
	v33 =	vor.u32 v4, v13;
	s29 =	sadd.s32 $0x200, s18;
	v16 =	vand.u32 $0x3F, v16;
	v30 =	vmov s20;
	[tilespmem:s19+$0x60] =	vst v21  }
0x70: {  	v34 =	vor.u32 v4, v9;
	v20 =	vld.idx.msk [tilespmem:v20+s12+$0x0], $0xffff;
	[tilespmem:s29+$0xFFFFFF00] =	vst v15;
	v17 =	vbroadcast v16, $0x0;
	v37 =	vand.u32 $0x3E, v30  }
0x71: {  	v12 =	vor.u32 v7, v12;
	v35 =	vld.idx.msk [tilespmem:v27+s12+$0x0], $0xffff;
	[tilespmem:s19+$0xFFFFFF60] =	vst v19;
	v16 =	vbroadcast v37, $0x0  }
0x72: {  	v38 =	vld.idx.msk [tilespmem:v25+s12+$0x0], $0xffff;
	[tilespmem:s18+$0xB0] =	vst v22;
	v39 =	vor.u32 v0, v17  }
0x73: {  	v40 =	vld.idx.msk [tilespmem:v28+s12+$0x0], $0xffff;
	[tilespmem:s18+$0xFFFFFFB0] =	vst v23;
	v42 =	vor.u32 v0, v16  }
0x74: {  	v49 =	vor.u32 v1, v11;
	v41 =	vld.idx.msk [tilespmem:v33+s12+$0x0], $0xffff;
	[tilespmem:s18+$0x30] =	vst v63  }
0x75: {  	v47 =	vor.u32 v1, v14;
	v24 =	vld.idx.msk [tilespmem:v34+s12+$0x0], $0xffff;
	[tilespmem:s29+$0xFFFFFF80] =	vst v20  }
0x76: {  	v36 =	vor.u32 v4, v10;
	v12 =	vld.idx.msk [tilespmem:v12+s12+$0x0], $0xffff;
	[tilespmem:s18+$0xFFFFFF30] =	vst v35  }
0x77: {  	v44 =	vor.u32 v5, v13;
	[tilespmem:s19+$0xFFFFFFF0] =	vst v38;
	v25 =	vld.idx.msk [tilespmem:v39+s12+$0x0], $0xffff  }
0x78: {  	v45 =	vor.u32 v1, v17;
	[tilespmem:s19+$0x70] =	vst v40;
	v46 =	vld.idx.msk [tilespmem:v42+s12+$0x0], $0xffff  }
0x79: {  	v48 =	vor.u32 v1, v16;
	v57 =	vld.idx.msk [tilespmem:v49+s12+$0x0], $0xffff;
	[tilespmem:s18+$0xC0] =	vst v41  }
0x7a: {  	v50 =	vor.u32 v4, v8;
	v53 =	vld.idx.msk [tilespmem:v47+s12+$0x0], $0xffff;
	[tilespmem:s18+$0xFFFFFFC0] =	vst v24  }
0x7b: {  	v56 =	vor.u32 v2, v14;
	v43 =	vld.idx.msk [tilespmem:v36+s12+$0x0], $0xffff;
	[tilespmem:s19+$0xFFFFFF70] =	vst v12  }
0x7c: {  	v62 =	vor.u32 v5, v10;
	v18 =	vld.idx.msk [tilespmem:v44+s12+$0x0], $0xffff;
	[tilespmem:s29+$0x80] =	vst v25  }
0x7d: {  	v60 =	vor.u32 v2, v11;
	v52 =	vld.idx.msk [tilespmem:v45+s12+$0x0], $0xffff;
	[tilespmem:s29+$0x0] =	vst v46  }
0x7e: {  	v54 =	vor.u32 v2, v17;
	[tilespmem:s29+$0xFFFFFF10] =	vst v57;
	v55 =	vld.idx.msk [tilespmem:v48+s12+$0x0], $0xffff  }
0x7f: {  	v58 =	vor.u32 v2, v16;
	v59 =	vld.idx.msk [tilespmem:v50+s12+$0x0], $0xffff;
	[tilespmem:s29+$0xFFFFFF90] =	vst v53  }
0x80: {  	v33 =	vor.u32 v5, v8;
	[tilespmem:s18+$0x40] =	vst v43;
	v15 =	vld.idx.msk [tilespmem:v56+s12+$0x0], $0xffff  }
0x81: {  	v61 =	vor.u32 v6, v13;
	v20 =	vld.idx.msk [tilespmem:v62+s12+$0x0], $0xffff;
	[tilespmem:s18+$0xD0] =	vst v18  }
0x82: {  	v29 =	vor.u32 v3, v14;
	v18 =	vld.idx.msk [tilespmem:v60+s12+$0x0], $0xffff;
	[tilespmem:s29+$0x90] =	vst v52  }
0x83: {  	v32 =	vor.u32 v3, v11;
	v63 =	vld.idx.msk [tilespmem:v54+s12+$0x0], $0xffff;
	[tilespmem:s29+$0x10] =	vst v55  }
0x84: {  	v28 =	vor.u32 v3, v17;
	[tilespmem:s18+$0xFFFFFF40] =	vst v59;
	v19 =	vld.idx.msk [tilespmem:v58+s12+$0x0], $0xffff  }
0x85: {  	v30 =	vor.u32 v3, v16;
	v41 =	vld.idx.msk [tilespmem:v33+s12+$0x0], $0xffff;
	[tilespmem:s29+$0xFFFFFFA0] =	vst v15  }
0x86: {  	v51 =	vor.u32 v5, v9;
	v31 =	vld.idx.msk [tilespmem:v61+s12+$0x0], $0xffff;
	[tilespmem:s18+$0x50] =	vst v20  }
0x87: {  	v34 =	vor.u32 v7, v13;
	v12 =	vld.idx.msk [tilespmem:v29+s12+$0x0], $0xffff;
	[tilespmem:s29+$0xFFFFFF20] =	vst v18  }
0x88: {  	v38 =	vor.u32 v4, v14;
	v39 =	vld.idx.msk [tilespmem:v32+s12+$0x0], $0xffff;
	[tilespmem:s29+$0xA0] =	vst v63  }
0x89: {  	v42 =	vor.u32 v4, v11;
	v35 =	vld.idx.msk [tilespmem:v28+s12+$0x0], $0xffff;
	[tilespmem:s29+$0x20] =	vst v19  }
0x8a: {  	v36 =	vor.u32 v4, v17;
	[tilespmem:s18+$0xFFFFFF50] =	vst v41;
	v37 =	vld.idx.msk [tilespmem:v30+s12+$0x0], $0xffff  }
0x8b: {  	v40 =	vor.u32 v4, v16;
	v25 =	vld.idx.msk [tilespmem:v51+s12+$0x0], $0xffff;
	[tilespmem:s18+$0xE0] =	vst v31  }
0x8c: {  	v44 =	vor.u32 v6, v10;
	v13 =	vld.idx.msk [tilespmem:v34+s12+$0x0], $0xffff;
	[tilespmem:s29+$0xFFFFFFB0] =	vst v12  }
0x8d: {  	v43 =	vor.u32 v6, v9;
	v18 =	vld.idx.msk [tilespmem:v38+s12+$0x0], $0xffff;
	[tilespmem:s29+$0xFFFFFF30] =	vst v39  }
0x8e: {  	v47 =	vor.u32 v5, v14;
	v20 =	vld.idx.msk [tilespmem:v42+s12+$0x0], $0xffff;
	[tilespmem:s29+$0xB0] =	vst v35  }
0x8f: {  	v50 =	vor.u32 v5, v11;
	v45 =	vld.idx.msk [tilespmem:v36+s12+$0x0], $0xffff;
	[tilespmem:s29+$0x30] =	vst v37  }
0x90: {  	v46 =	vor.u32 v5, v17;
	[tilespmem:s18+$0xFFFFFFD0] =	vst v25;
	v21 =	vld.idx.msk [tilespmem:v40+s12+$0x0], $0xffff  }
0x91: {  	v48 =	vor.u32 v5, v16;
	v15 =	vld.idx.msk [tilespmem:v44+s12+$0x0], $0xffff;
	[tilespmem:s18+$0xF0] =	vst v13  }
0x92: {  	v51 =	vor.u32 v6, v8;
	v49 =	vld.idx.msk [tilespmem:v43+s12+$0x0], $0xffff;
	[tilespmem:s29+$0xFFFFFFC0] =	vst v18  }
0x93: {  	v52 =	vor.u32 v7, v9;
	v18 =	vld.idx.msk [tilespmem:v47+s12+$0x0], $0xffff;
	[tilespmem:s29+$0xFFFFFF40] =	vst v20  }
0x94: {  	v54 =	vor.u32 v6, v14;
	v13 =	vld.idx.msk [tilespmem:v50+s12+$0x0], $0xffff;
	[tilespmem:s29+$0xC0] =	vst v45  }
0x95: {  	v57 =	vor.u32 v6, v11;
	v12 =	vld.idx.msk [tilespmem:v46+s12+$0x0], $0xffff;
	[tilespmem:s29+$0x40] =	vst v21  }
0x96: {  	v53 =	vor.u32 v6, v17;
	[tilespmem:s18+$0x60] =	vst v15;
	v21 =	vld.idx.msk [tilespmem:v48+s12+$0x0], $0xffff  }
0x97: {  	v56 =	vld.idx.msk [tilespmem:v51+s12+$0x0], $0xffff;
	v55 =	vor.u32 v6, v16;
	[tilespmem:s18+$0xFFFFFFE0] =	vst v49  }
0x98: {  	v8 =	vor.u32 v7, v8;
	v9 =	vld.idx.msk [tilespmem:v52+s12+$0x0], $0xffff;
	[tilespmem:s29+$0xFFFFFFD0] =	vst v18  }
0x99: {  	v58 =	vor.u32 v7, v10;
	v18 =	vld.idx.msk [tilespmem:v54+s12+$0x0], $0xffff;
	[tilespmem:s29+$0xFFFFFF50] =	vst v13  }
0x9a: {  	v60 =	vor.u32 v7, v14;
	v15 =	vld.idx.msk [tilespmem:v57+s12+$0x0], $0xffff;
	[tilespmem:s29+$0xD0] =	vst v12  }
0x9b: {  	v61 =	vor.u32 v7, v11;
	v12 =	vld.idx.msk [tilespmem:v53+s12+$0x0], $0xffff;
	[tilespmem:s29+$0x50] =	vst v21  }
0x9c: {  	v17 =	vor.u32 v7, v17;
	[tilespmem:s18+$0xFFFFFF60] =	vst v56;
	v59 =	vld.idx.msk [tilespmem:v55+s12+$0x0], $0xffff  }
0x9d: {  	v16 =	vor.u32 v7, v16;
	v8 =	vld.idx.msk [tilespmem:v8+s12+$0x0], $0xffff;
	[tilespmem:s18+$0xFFFFFFF0] =	vst v9  }
0x9e: {  	v10 =	vld.idx.msk [tilespmem:v58+s12+$0x0], $0xffff;
	[tilespmem:s29+$0xFFFFFFE0] =	vst v18  }
0x9f: {  	v63 =	vld.idx.msk [tilespmem:v60+s12+$0x0], $0xffff;
	[tilespmem:s29+$0xFFFFFF60] =	vst v15  }
0xa0: {  	v9 =	vld.idx.msk [tilespmem:v61+s12+$0x0], $0xffff;
	[tilespmem:s29+$0xE0] =	vst v12  }
0xa1: {  	v62 =	vld.idx.msk [tilespmem:v17+s12+$0x0], $0xffff;
	[tilespmem:s29+$0x60] =	vst v59  }
0xa2: {  	[tilespmem:s18+$0xFFFFFF70] =	vst v8;
	v13 =	vld.idx.msk [tilespmem:v16+s12+$0x0], $0xffff  }
0xa3: {  	[tilespmem:s18+$0x70] =	vst v10  }
0xa4: {  	s30 =	sshll.u32 s17, $0x11;
	[tilespmem:s29+$0xFFFFFFF0] =	vst v63  }
0xa5: {  	s18 =	sor.u32 s3, s30;
	[tilespmem:s29+$0xFFFFFF70] =	vst v9  }
0xa6: {  	s18 =	sshrl.u32 s18, $0x3;
	[tilespmem:s29+$0xF0] =	vst v62  }
0xa7: {  	s31 =	sadd.s32 s5, s18;
	[tilespmem:s29+$0x70] =	vst v13  }
0xa8: {  	[hbm4b:s31+s9] =	stream.strided.scatter [tilespmem:s14], [sflag:$0x2], $0x1000, s10, s9, $0x38;
	[tilespmem:$0x4C80] =	vst v63  }
0xa9: {  	s17 =	sadd.s32 $0x1, s17;
	_ =	swait.ge [sflag:s11], $0x1000  }
0xaa: {  	p0 =	sne.s32 s17, $0x19;
	[sflag:s11] =	ssyncset.done $0x0  }
.Ltmp1:
0xab: {  	s18 =	sadd.s32 s6, s18;
	[sflag:s11] =	ssyncadd.s32 $0xFFFFF000;
	(pc) =	sbr.rel @p0 .LBB2_2-.Ltmp1, $4  }
0xac: {  	[hbm4b:s18+s9] =	stream.strided.scatter [tilespmem:s15], [sflag:$0x2], $0x1000, s10, s9, $0x38;
	[tilespmem:$0x4C80] =	vst v63  }
0xad: {  	_ =	swait.ge [sflag:s11], $0x1000  }
0xae: {  	[sflag:s11] =	ssyncset.done $0x0  }
0xaf: {  	[sflag:s11] =	ssyncadd.s32 $0xFFFFF000  }
0xb0: {  	s16 =	sadd.s32 $0x1, s16  }
0xb1: {  	p0 =	sne.s32 s16, s8  }
.Ltmp2:
0xb2: {  	_ = 	snop;
	(pc) =	sbr.rel @p0 .LBB2_1-.Ltmp2, $1  }
0xb3: {  	_ =	sdelay $0x3  }
0xb4: {  	_ =	sfence.sel $0x180000  }
0xb5: {  	[bflag:$0x0] =	sbarrier.arrive $0xFFFF  }
0xb6: {  	p0 =	sne.s32 s0, $0x0;
	_ =	strace $0x9000004A  }
0xb7: {  	s0 =	sadd.s32 @!p0 $0x100000, s1;
	[bflag:$0x2] =	sbarrier.arrive $0xFFFF  }
0xb8: {  	[sflag:s0] =	ssyncadd.tile.s32 @!p0 $0x1;
	_ =	shalt  }
.Lfunc_end2:
_tile_overlayer_lowered:
.L_overlay_start_2:
0xb9: {  	(tag) =	ssettag $0x2  }
0xba: {  	s0 =	rddreg [dreg:$0x0];
	s2 =	stileid.u32  }
0xbb: {  	s1 =	rddreg [dreg:$0x1];
	p0 =	sne.s32 s2, $0x0  }
0xbc: {  	s3 =	rddreg [dreg:$0x2];
	[bflag:$0x3] =	sbarrier.arrive $0xFFFF;
	s2 =	simm.s32 @!p0 $0x1C02  }
0xbd: {  	[timem:s3], [sflag:s2] =	dma.local @!p0 [hbm:s0], s1  }
0xbe: {  	s0 =	simm.s32 @!p0 $0x2  }
0xbf: {  	_ =	swait.ge @!p0 [sflag:s0], s1  }
0xc0: {  	s1 =	ssub.s32 @!p0 $0x0, s1;
	[sflag:s0] =	ssyncset.done @!p0 $0x0  }
0xc1: {  	[sflag:s0] =	ssyncadd.s32 @!p0 s1  }
0xc2: {  	[bflag:$0x3] =	sbarrier.arrive $0xFFFF  }
0xc3: {  	_ =	shalt  }

// kernel: kernel.16.cloned.1.call-start
scs
__scs_entry_jumppad:
0x0: {  	(pc) =	sbr.rel $0x88, $3  }
0x1: {  	(tag) =	ssettag $0x0;
	lr =	simm.s32 $0x1  }
0x2: {  	[smem:$0x3F9F] =	sst lr;
	_ =	strace $0xD0000000  }
0x3: {  	_ = 	snop  }
0x4: {  	_ = 	snop  }
0x5: {  	_ = 	snop  }
0x6: {  	_ = 	snop  }
0x7: {  	_ = 	snop  }
__scs_overlays_trampoline_lowered:
0x8: {  	[smem:$0x3FAE] =	sst s0  }
0x9: {  	[smem:$0x3FAF] =	sst s1  }
0xa: {  	[smem:$0x3FB0] =	sst s2  }
0xb: {  	[smem:$0x3FB1] =	sst s3  }
0xc: {  	[smem:$0x3FB2] =	sst s4  }
0xd: {  	[smem:$0x3FB3] =	sst s5  }
0xe: {  	[smem:$0x3FB4] =	sst s6  }
0xf: {  	[smem:$0x3FB5] =	sst s7  }
0x10: {  	[smem:$0x3FB6] =	sst s8  }
0x11: {  	[smem:$0x3FB7] =	sst s9;
	s0 =	simm.s32 @!p0 $0x0  }
0x12: {  	s1 =	sld [smem:$0x3F9D];
	s0 =	simm.s32 @p0 $0x1  }
0x13: {  	[smem:$0x3FB8] =	sst s0;
	s0 =	simm.s32 @!p1 $0x0  }
0x14: {  	s2 =	sld [smem:$0x3F9C];
	s0 =	simm.s32 @p1 $0x1  }
0x15: {  	[smem:$0x3FB9] =	sst s0;
	s0 =	simm.s32 @!p2 $0x0  }
0x16: {  	s3 =	sld [smem:$0x3FDB];
	s0 =	simm.s32 @p2 $0x1  }
0x17: {  	s4 =	simm.s32 $0x1BF5;
	[smem:$0x3FBB] =	sst s0  }
0x18: {  	s0 =	sld [smem:$0x3F9E];
	_ =	swait.ge [sflag:s4], $0x0  }
0x19: {  	s7 =	sld [smem:$0x3F9F]  }
0x1a: {  	s8 =	sadd.s32 $0xFFFFE003, lr  }
0x1b: {  	s9 =	sadd.s32 $0xFFFFFEF7, lr;
	s5 =	simm.s32 $0xFFFFFFFF;
	p2 =	slt.u32 s8, $0xFFFFF086  }
0x1c: {  	p1 =	slt.u32 s9, $0xF7A;
	s5 =	simm.s32 @!p2 $0x0  }
0x1d: {  	s5 =	simm.s32 @p1 $0x1;
	p0 =	seq.s32 s7, s2  }
0x1e: {  	s7 =	smul.u32 @!p0 $0xF7A, s2;
	p2 =	seq.s32 @!p0 s5, $0x0  }
0x1f: {  	s9 =	smul.u32 $0xF7A, s1;
	s8 =	simm.s32 @!p0 $0x1BF5;
	p2 =	por !p2, p0  }
0x20: {  	[sflag:s8] =	ssyncset.s32 @!p0 $0xFFFFF086;
	s6 =	sadd.s32 @!p0 s3, s7;
	s7 =	simm.s32 @!p0 $0x108  }
0x21: {  	s3 =	sadd.s32 s3, s9;
	s6 =	sadd.s32 @!p0 $0x88, s6;
	s7 =	simm.s32 @p2 $0x1082  }
0x22: {  	[simem:s7], [sflag:s8] =	dma.local @!p0 [hbm:s6], $0xF7A  }
0x23: {  	s9 =	sor.u32 $0xD0000000, s2;
	s6 =	simm.s32 $0x108;
	_ =	swait.ge @!p0 [sflag:s8], $0x0  }
0x24: {  	s3 =	sadd.s32 $0x88, s3;
	s6 =	simm.s32 @!p1 $0x1082;
	[sflag:s4] =	ssyncset.s32 $0xFFFFF086  }
0x25: {  	[simem:s6], [sflag:s4] =	dma.local [hbm:s3], $0xF7A  }
0x26: {  	[smem:$0x3F9F] =	sst s1;
	(tag) =	ssettag s2;
	_ =	strace s9  }
0x27: {  	s1 =	sld [smem:$0x3FAF]  }
0x28: {  	s2 =	sld [smem:$0x3FB0]  }
0x29: {  	s4 =	sld [smem:$0x3FB2]  }
0x2a: {  	p0 =	seq.s32 s5, $0x0;
	s5 =	sld [smem:$0x3FB3]  }
0x2b: {  	s6 =	sld [smem:$0x3FB4]  }
0x2c: {  	s7 =	sld [smem:$0x3FB5]  }
0x2d: {  	s3 =	simm.s32 $0x108;
	s8 =	sld [smem:$0x3FB6]  }
0x2e: {  	s3 =	simm.s32 @!p0 $0x1082;
	s9 =	sld [smem:$0x3FB7]  }
0x2f: {  	lr =	sadd.s32 s0, s3;
	s0 =	sld [smem:$0x3FAE]  }
0x30: {  	s3 =	sld [smem:$0x3FB1]  }
0x31: {  	[smem:$0x3FBA] =	sst s10  }
0x32: {  	s10 =	sld [smem:$0x3FB8];
	_ =	sdelay $0x3  }
0x33: {  	p0 =	seq.s32 s10, $0x1;
	s10 =	sld [smem:$0x3FBA];
	_ =	sdelay $0x3  }
0x34: {  	[smem:$0x3FBA] =	sst s10  }
0x35: {  	s10 =	sld [smem:$0x3FB9];
	_ =	sdelay $0x3  }
0x36: {  	p1 =	seq.s32 s10, $0x1;
	s10 =	sld [smem:$0x3FBA];
	_ =	sdelay $0x3  }
0x37: {  	[smem:$0x3FBA] =	sst s10  }
0x38: {  	s10 =	sld [smem:$0x3FBB]  }
0x39: {  	_ = 	snop;
	(pc) =	sbr.ind lr, $3  }
0x3a: {  	_ = 	snop  }
0x3b: {  	_ = 	snop  }
0x3c: {  	p2 =	seq.s32 s10, $0x1;
	s10 =	sld [smem:$0x3FBA]  }
0x3d: {  	_ =	shalt  }
0x3e: {  	_ =	shalt  }
0x3f: {  	_ =	shalt  }
0x40: {  	_ =	shalt  }
0x41: {  	_ =	shalt  }
0x42: {  	_ =	shalt  }
0x43: {  	_ =	shalt  }
0x44: {  	_ =	shalt  }
0x45: {  	_ =	shalt  }
0x46: {  	_ =	shalt  }
0x47: {  	_ =	shalt  }
0x48: {  	_ =	shalt  }
0x49: {  	_ =	shalt  }
0x4a: {  	_ =	shalt  }
0x4b: {  	_ =	shalt  }
0x4c: {  	_ =	shalt  }
0x4d: {  	_ =	shalt  }
0x4e: {  	_ =	shalt  }
0x4f: {  	_ =	shalt  }
0x50: {  	_ =	shalt  }
0x51: {  	_ =	shalt  }
0x52: {  	_ =	shalt  }
0x53: {  	_ =	shalt  }
0x54: {  	_ =	shalt  }
0x55: {  	_ =	shalt  }
0x56: {  	_ =	shalt  }
0x57: {  	_ =	shalt  }
0x58: {  	_ =	shalt  }
0x59: {  	_ =	shalt  }
0x5a: {  	_ =	shalt  }
0x5b: {  	_ =	shalt  }
0x5c: {  	_ =	shalt  }
0x5d: {  	_ =	shalt  }
0x5e: {  	_ =	shalt  }
0x5f: {  	_ =	shalt  }
0x60: {  	_ =	shalt  }
0x61: {  	_ =	shalt  }
0x62: {  	_ =	shalt  }
0x63: {  	_ =	shalt  }
0x64: {  	_ =	shalt  }
0x65: {  	_ =	shalt  }
0x66: {  	_ =	shalt  }
0x67: {  	_ =	shalt  }
0x68: {  	_ =	shalt  }
0x69: {  	_ =	shalt  }
0x6a: {  	_ =	shalt  }
0x6b: {  	_ =	shalt  }
0x6c: {  	_ =	shalt  }
0x6d: {  	_ =	shalt  }
0x6e: {  	_ =	shalt  }
0x6f: {  	_ =	shalt  }
0x70: {  	_ =	shalt  }
0x71: {  	_ =	shalt  }
0x72: {  	_ =	shalt  }
0x73: {  	_ =	shalt  }
0x74: {  	_ =	shalt  }
0x75: {  	_ =	shalt  }
0x76: {  	_ =	shalt  }
0x77: {  	_ =	shalt  }
0x78: {  	_ =	shalt  }
0x79: {  	_ =	shalt  }
0x7a: {  	_ =	shalt  }
0x7b: {  	_ =	shalt  }
0x7c: {  	_ =	shalt  }
0x7d: {  	_ =	shalt  }
0x7e: {  	_ =	shalt  }
0x7f: {  	_ =	shalt  }
0x80: {  	_ =	shalt  }
0x81: {  	_ =	shalt  }
0x82: {  	_ =	shalt  }
0x83: {  	_ =	shalt  }
0x84: {  	_ =	shalt  }
0x85: {  	_ =	shalt  }
0x86: {  	_ =	shalt  }
0x87: {  	_ =	shalt  }
.Lfunc_end0:
.L_simem_size_0:
called_computation.2_lowered:
.L_overlay_start_0:
0x88: {  	s2 =	sld [smem:$0x3FD9]  }
0x89: {  	s3 =	sld [smem:$0x3FFE];
	_ =	sdelay $0x1  }
0x8a: {  	s1 =	srdreg.scid  }
0x8b: {  	s0 =	sand.u32 $0x1, s1  }
0x8c: {  	s17 =	sshll.u32 s0, $0xA;
	s2 =	sadd.s32 s3, s2  }
0x8d: {  	s2 =	sadd.s32 s2, s17  }
0x8e: {  	[smem:$0x3FC6] =	sst s2  }
0x8f: {  	_ = 	snop  }
0x90: {  	(tm) =	ssettm $0x1  }
0x91: {  	s18 =	sld [smem:$0x3FFB];
	_ =	sdelay $0x3  }
0x92: {  	_ =	strace s18  }
0x93: {  	s2 =	sld [smem:$0x3FFC];
	_ =	sdelay $0x3  }
0x94: {  	_ =	strace s2  }
0x95: {  	s2 =	sld [smem:$0x3FFD];
	_ =	sdelay $0x3  }
0x96: {  	_ =	strace s2  }
0x97: {  	_ =	strace $0x8FFFFFFF  }
0x98: {  	s19 =	sld [smem:$0x3FDB];
	_ =	sdelay $0x1  }
0x99: {  	s20 =	simm.s32 $_scs_section_size  }
0x9a: {  	s4 =	simm.s32 $_size__tile_overlayer_lowered;
	s5 =	simm.s32 $_tile_overlayer_lowered  }
0x9b: {  	s6 =	simm.s32 $0x1BFF;
	s21 =	sshll.u32 s5, $0x1;
	s3 =	sadd.s32 s20, s19  }
0x9c: {  	s22 =	simm.s32 $0x0;
	s4 =	sshll.u32 s4, $0x1;
	s5 =	sadd.s32 s21, s3  }
0x9d: {  	[timem:s22], [sflag:s6] =	dma.local [hbm:s5], s4  }
0x9e: {  	_ =	swait.ge [sflag:s6], s4  }
0x9f: {  	s4 =	ssub.s32 $0x0, s4;
	[sflag:s6] =	ssyncset.done $0x0  }
0xa0: {  	[sflag:s6] =	ssyncadd.s32 s4;
	_ =	sdelay $0x1  }
0xa1: {  	s23 =	simm.s32 $0x1B8B  }
0xa2: {  	_ =	swait.ge [sflag:s23], $0x1  }
0xa3: {  	[sflag:s23] =	ssyncset.done $0x0  }
0xa4: {  	[sflag:s23] =	ssyncadd.s32 $0xFFFFFFFF  }
0xa5: {  	s4 =	sld [smem:$0x0]  }
0xa6: {  	s5 =	sand.u32 $0xFFFFFFFE, s1  }
0xa7: {  	p0 =	sne.s32 s1, s5  }
0xa8: {  	s5 =	sshll.u32 @p0 s5, $0xE  }
0xa9: {  	s5 =	sadd.s32 @p0 $0x11B8D, s5;
	s6 =	sshll.u32 @p0 s4, $0x11  }
0xaa: {  	s5 =	sor.u32 @p0 s6, s5  }
0xab: {  	[sflag:s5] =	ssyncadd.remote.s32 @p0 $0x1;
	_ =	sdelay $0x1  }
0xac: {  	s5 =	simm.s32 @p0 $0x1B8D  }
0xad: {  	_ =	swait.eq @p0 [sflag:s5], $0x1  }
0xae: {  	[sflag:s5] =	ssyncadd.s32 @p0 $0xFFFFFFFF  }
0xaf: {  	s6 =	sshll.u32 @!p0 s1, $0xE  }
0xb0: {  	s6 =	sor.u32 @!p0 $0x4000, s6;
	s5 =	simm.s32 @!p0 $0x1B8D  }
0xb1: {  	s4 =	sshll.u32 @!p0 s4, $0x11;
	s6 =	sadd.s32 @!p0 $0x11B8D, s6;
	_ =	swait.eq @!p0 [sflag:s5], $0x1  }
0xb2: {  	s4 =	sor.u32 @!p0 s4, s6;
	[sflag:s5] =	ssyncadd.s32 @!p0 $0xFFFFFFFF  }
0xb3: {  	s25 =	simm.s32 $0x1B8E;
	s24 =	sld [smem:$0x3FFE];
	[sflag:s4] =	ssyncadd.remote.s32 @!p0 $0x1  }
0xb4: {  	s26 =	simm.s32 $execute0_lowered;
	[smem:$0x3FD2] =	sst s25  }
0xb5: {  	s5 =	sshll.u32 s26, $0x1;
	_ =	strace $0x8000004C;
	[dreg:$0x1] =	wrdreg $0xFFFFFFFF  }
0xb6: {  	s28 =	simm.s32 $_size_execute0_lowered;
	s3 =	sadd.s32 s3, s5;
	[dreg:$0x0] =	wrdreg $0x0  }
0xb7: {  	s5 =	sshll.u32 s28, $0x1;
	[dreg:$0x2] =	wrdreg s3  }
0xb8: {  	[dreg:$0x3] =	wrdreg s5  }
0xb9: {  	[dreg:$0x4] =	wrdreg $0xC0  }
0xba: {  	_ =	task [dreg:s22], $0x5FFFF  }
0xbb: {  	[dreg:$0x1] =	wrdreg $0xFFFFFFFF  }
0xbc: {  	[dreg:$0x0] =	wrdreg $0x60  }
0xbd: {  	[dreg:$0x2] =	wrdreg s24  }
0xbe: {  	[dreg:$0x3] =	wrdreg $0xA  }
0xbf: {  	_ =	task.clear_ibuf [dreg:s22], $0x4FFFF;
	_ =	strace $0x9000004C  }
0xc0: {  	s29 =	simm.s32 $0xA;
	_ =	strace $0x8000004E  }
0xc1: {  	_ =	swait.ge [sflag:s29], $0x1  }
0xc2: {  	[sflag:s29] =	ssyncadd.s32 $0xFFFFFFFF  }
0xc3: {  	_ =	strace $0x9000004E  }
0xc4: {  	_ =	sfence  }
0xc5: {  	s30 =	sld [smem:$0x0];
	_ =	sdelay $0x2  }
0xc6: {  	s31 =	sshll.u32 s1, $0xD;
	s1 =	sshrl.u32 s1, $0x2  }
0xc7: {  	s4 =	sand.u32 $0x4000, s31;
	s1 =	sadd.s32 s1, s30  }
0xc8: {  	s0 =	sor.u32 s4, s0;
	s1 =	sshll.u32 s1, $0x11  }
0xc9: {  	s0 =	sor.u32 s1, s0  }
0xca: {  	s0 =	sadd.s32 $0x8F2B, s0  }
0xcb: {  	[sflag:s0] =	ssyncadd.remote.s32 $0x1  }
0xcc: {  	_ =	sfence.sel $0xFFFF  }
0xcd: {  	[dreg:$0x0] =	wrdreg $0xFFFFFFFF;
	(pc) =	sbr.abs _section_cstart, $3  }
0xce: {  	[dreg:$0x1] =	wrdreg $0xFFFFFFFF  }
0xcf: {  	_ =	task.clear_ibuf [dreg:s22], $0x2FFFF;
	_ =	strace $0x9FFFFFFF  }
0xd0: {  	(tm) =	ssettm $0x7FFFFFFF  }
0xd1: {  	_ =	shalt  }
tec
execute0_lowered:
.L_overlay_start_1:
0x0: {  	(tag) =	ssettag $0x1  }
0x1: {  	s1 =	srdreg.scid;
	s0 =	stileid.u32  }
0x2: {  	s6 =	rddreg [dreg:$0x0];
	s2 =	simm.s32 $0x0;
	s10 =	simm.s32 $0x1000  }
0x3: {  	s11 =	simm.s32 $0x2;
	s12 =	simm.s32 $0xC80;
	s13 =	simm.s32 $0x1  }
0x4: {  	s14 =	simm.s32 $0x2C80;
	s15 =	simm.s32 $0x3C80;
	s16 =	simm.s32 $0x0  }
0x5: {  	v0 =	vlaneseq.u32;
	s4 =	sand.u32 $0x1, s1;
	s3 =	sshll.u32 s0, $0x8;
	s1 =	rddreg [dreg:$0x1]  }
0x6: {  	[smem:$0x7FF] =	sst s2;
	v0 =	vmul.u32 $0x40, v0;
	s5 =	sshll.u32 s4, $0x7;
	s8 =	ssub.s32 $0x2, s4  }
0x7: {  	_ =	strace $0x8000004D;
	s3 =	sor.u32 s5, s3;
	s9 =	sshrl.u32 s8, $0x1  }
0x8: {  	s4 =	sadd.s32 $0xF4AC00, s6;
	v1 =	vor.u32 $0x400, v0;
	s5 =	sshrl.u32 s3, $0x3;
	s8 =	ssub.s32 s8, s9  }
0x9: {  	v2 =	vor.u32 $0x800, v0;
	v3 =	vor.u32 $0xC00, v0;
	v4 =	vor.u32 $0x1000, v0;
	s9 =	simm.s32 $0x80;
	s7 =	sadd.s32 s5, s6;
	s5 =	sadd.s32 $0x84800, s6  }
0xa: {  	v5 =	vor.u32 $0x1400, v0;
	v6 =	vor.u32 $0x1800, v0;
	v7 =	vor.u32 $0x1C00, v0;
	s6 =	sadd.s32 $0x1B6C00, s6;
	s8 =	smax.u32 s8, $0x1;
	s7 =	sadd.s32 $0x8800, s7  }
.LBB2_1:
0xb: {  	[tilespmem:s2], [sflag:$0x2] =	stream.strided.gather [hbm4b:s7+s9], $0xC80, s10, s9, $0x38;
	[tilespmem:$0x4C80] =	vst v63  }
0xc: {  	_ =	swait.ge [sflag:s11], $0xC80  }
0xd: {  	[sflag:s11] =	ssyncset.done $0x0  }
0xe: {  	s17 =	simm.s32 $0x0;
	[sflag:s11] =	ssyncadd.s32 $0xFFFFF380  }
.LBB2_2:
0xf: {  	s18 =	simm.s32 $0x3  }
0x10: {  	s19 =	simm.s32 $0x1;
	v8 =	vmov s18  }
0x11: {  	s24 =	simm.s32 $0x2;
	v9 =	vmov s19;
	v8 =	vand.u32 $0x3F, v8  }
0x12: {  	v10 =	vmov s24;
	v9 =	vand.u32 $0x3D, v9;
	v14 =	vbroadcast v8, $0x0  }
0x13: {  	s25 =	sshll.u32 s17, $0x7;
	s26 =	simm.s32 $0x0;
	v17 =	vbroadcast v9, $0x0;
	v8 =	vand.u32 $0x3E, v10  }
0x14: {  	s18 =	sand.u32 $0x3FFFFF80, s25;
	v9 =	vmov s26;
	v16 =	vbroadcast v8, $0x0;
	v8 =	vor.u32 v0, v14  }
0x15: {  	[tilespmem:s12], [sflag:$0x1] =	stream.indirect.gather [hbm4b:s4+s9], $0x40, s18, s9, $0xb8;
	v9 =	vand.u32 $0x3C, v9;
	v10 =	vor.u32 v0, v17;
	[tilespmem:$0x4C80] =	vst v63  }
0x16: {  	_ =	swait.ge [sflag:s13], $0x2000;
	v12 =	vbroadcast v9, $0x0;
	v9 =	vor.u32 v0, v16  }
0x17: {  	[sflag:s13] =	ssyncset.done $0x0  }
0x18: {  	[sflag:s13] =	ssyncadd.s32 $0xFFFFE000;
	v11 =	vor.u32 v0, v12  }
0x19: {  	v8 =	vld.idx.msk [tilespmem:v8+s12+$0x0], $0xffff  }
0x1a: {  	v13 =	vor.u32 v1, v14;
	v10 =	vld.idx.msk [tilespmem:v10+s12+$0x0], $0xffff  }
0x1b: {  	v15 =	vor.u32 v1, v17;
	v9 =	vld.idx.msk [tilespmem:v9+s12+$0x0], $0xffff  }
0x1c: {  	v18 =	vor.u32 v1, v16  }
0x1d: {  	s19 =	simm.s32 $0x2D80;
	v11 =	vld.idx.msk [tilespmem:v11+s12+$0x0], $0xffff  }
0x1e: {  	v19 =	vor.u32 v1, v12;
	[tilespmem:s19+$0x80] =	vst v8  }
0x1f: {  	[tilespmem:s19+$0xFFFFFF80] =	vst v10;
	v8 =	vld.idx.msk [tilespmem:v13+s12+$0x0], $0xffff  }
0x20: {  	v10 =	vld.idx.msk [tilespmem:v15+s12+$0x0], $0xffff;
	[tilespmem:s19+$0x0] =	vst v9;
	v9 =	vor.u32 v2, v14  }
0x21: {  	v15 =	vor.u32 v2, v17;
	v13 =	vld.idx.msk [tilespmem:v18+s12+$0x0], $0xffff  }
0x22: {  	[tilespmem:s19+$0xFFFFFF00] =	vst v11;
	v11 =	vor.u32 v2, v16  }
0x23: {  	v18 =	vld.idx.msk [tilespmem:v19+s12+$0x0], $0xffff  }
0x24: {  	s28 =	simm.s32 $0x4;
	v19 =	vor.u32 v2, v12;
	[tilespmem:s19+$0x90] =	vst v8  }
0x25: {  	v8 =	vmov s28;
	[tilespmem:s19+$0xFFFFFF90] =	vst v10;
	v10 =	vld.idx.msk [tilespmem:v9+s12+$0x0], $0xffff  }
0x26: {  	s29 =	simm.s32 $0x5;
	v8 =	vand.u32 $0x3C, v8;
	v15 =	vld.idx.msk [tilespmem:v15+s12+$0x0], $0xffff;
	[tilespmem:s19+$0x10] =	vst v13;
	v13 =	vor.u32 v3, v14  }
0x27: {  	v20 =	vor.u32 v3, v17;
	v9 =	vmov s29;
	v8 =	vbroadcast v8, $0x0;
	v11 =	vld.idx.msk [tilespmem:v11+s12+$0x0], $0xffff  }
0x28: {  	v9 =	vand.u32 $0x3D, v9;
	[tilespmem:s19+$0xFFFFFF10] =	vst v18;
	v18 =	vor.u32 v3, v16  }
0x29: {  	v9 =	vbroadcast v9, $0x0;
	v19 =	vld.idx.msk [tilespmem:v19+s12+$0x0], $0xffff;
	v21 =	vor.u32 v0, v8  }
0x2a: {  	s30 =	simm.s32 $0x7;
	v22 =	vor.u32 v3, v12;
	[tilespmem:s19+$0xA0] =	vst v10  }
0x2b: {  	s31 =	simm.s32 $0x6;
	v23 =	vor.u32 v0, v9;
	[tilespmem:s19+$0xFFFFFFA0] =	vst v15;
	v10 =	vmov s30;
	v15 =	vld.idx.msk [tilespmem:v13+s12+$0x0], $0xffff  }
0x2c: {  	v25 =	vmov s31;
	v20 =	vld.idx.msk [tilespmem:v20+s12+$0x0], $0xffff;
	[tilespmem:s19+$0x20] =	vst v11;
	v11 =	vor.u32 v4, v14;
	v10 =	vand.u32 $0x3F, v10  }
0x2d: {  	v24 =	vor.u32 v4, v17;
	v18 =	vld.idx.msk [tilespmem:v18+s12+$0x0], $0xffff;
	v13 =	vbroadcast v10, $0x0;
	v10 =	vand.u32 $0x3E, v25  }
0x2e: {  	[tilespmem:s19+$0xFFFFFF20] =	vst v19;
	v19 =	vor.u32 v4, v16;
	v21 =	vld.idx.msk [tilespmem:v21+s12+$0x0], $0xffff;
	v10 =	vbroadcast v10, $0x0  }
0x2f: {  	v22 =	vld.idx.msk [tilespmem:v22+s12+$0x0], $0xffff;
	v25 =	vor.u32 v0, v13  }
0x30: {  	v23 =	vld.idx.msk [tilespmem:v23+s12+$0x0], $0xffff;
	v26 =	vor.u32 v0, v10;
	[tilespmem:s19+$0xB0] =	vst v15  }
0x31: {  	s20 =	simm.s32 $0x8;
	v15 =	vor.u32 v4, v12;
	[tilespmem:s19+$0xFFFFFFB0] =	vst v20;
	v20 =	vld.idx.msk [tilespmem:v11+s12+$0x0], $0xffff  }
0x32: {  	v11 =	vmov s20;
	v24 =	vld.idx.msk [tilespmem:v24+s12+$0x0], $0xffff;
	[tilespmem:s19+$0x30] =	vst v18;
	v18 =	vor.u32 v5, v14  }
0x33: {  	v27 =	vor.u32 v5, v17;
	v11 =	vand.u32 $0x3C, v11;
	v19 =	vld.idx.msk [tilespmem:v19+s12+$0x0], $0xffff  }
0x34: {  	[tilespmem:s19+$0xFFFFFF30] =	vst v22;
	v11 =	vbroadcast v11, $0x0;
	v22 =	vld.idx.msk [tilespmem:v25+s12+$0x0], $0xffff;
	v25 =	vor.u32 v5, v16  }
0x35: {  	v30 =	vor.u32 v1, v13;
	v26 =	vld.idx.msk [tilespmem:v26+s12+$0x0], $0xffff  }
0x36: {  	v28 =	vor.u32 v0, v11;
	v29 =	vld.idx.msk [tilespmem:v15+s12+$0x0], $0xffff;
	[tilespmem:s19+$0xC0] =	vst v20  }
0x37: {  	v20 =	vor.u32 v1, v9;
	[tilespmem:s19+$0xFFFFFFC0] =	vst v24;
	v18 =	vld.idx.msk [tilespmem:v18+s12+$0x0], $0xffff  }
0x38: {  	s18 =	simm.s32 $0x2F80;
	v24 =	vor.u32 v1, v10;
	v27 =	vld.idx.msk [tilespmem:v27+s12+$0x0], $0xffff;
	[tilespmem:s19+$0x40] =	vst v19  }
0x39: {  	v19 =	vld.idx.msk [tilespmem:v25+s12+$0x0], $0xffff;
	v25 =	vor.u32 v6, v14;
	[tilespmem:s18+$0x80] =	vst v22  }
0x3a: {  	[tilespmem:s18+$0xFFFFFF80] =	vst v23;
	v23 =	vor.u32 v5, v12;
	v22 =	vld.idx.msk [tilespmem:v30+s12+$0x0], $0xffff  }
0x3b: {  	[tilespmem:s18+$0xFFFFFF00] =	vst v21;
	v15 =	vld.idx.msk [tilespmem:v28+s12+$0x0], $0xffff;
	v28 =	vor.u32 v1, v8  }
0x3c: {  	[tilespmem:s18+$0x0] =	vst v26;
	v26 =	vor.u32 v6, v17;
	v20 =	vld.idx.msk [tilespmem:v20+s12+$0x0], $0xffff  }
0x3d: {  	v30 =	vor.u32 v2, v13;
	v24 =	vld.idx.msk [tilespmem:v24+s12+$0x0], $0xffff;
	[tilespmem:s19+$0xD0] =	vst v18  }
0x3e: {  	v21 =	vor.u32 v2, v9;
	[tilespmem:s19+$0xFFFFFF40] =	vst v29;
	v25 =	vld.idx.msk [tilespmem:v25+s12+$0x0], $0xffff  }
0x3f: {  	v14 =	vor.u32 v7, v14;
	v23 =	vld.idx.msk [tilespmem:v23+s12+$0x0], $0xffff;
	[tilespmem:s19+$0xFFFFFFD0] =	vst v27  }
0x40: {  	v31 =	vor.u32 v2, v10;
	[tilespmem:s18+$0x90] =	vst v22;
	v28 =	vld.idx.msk [tilespmem:v28+s12+$0x0], $0xffff  }
0x41: {  	v32 =	vor.u32 v6, v12;
	v18 =	vld.idx.msk [tilespmem:v26+s12+$0x0], $0xffff;
	[tilespmem:s18+$0xFFFFFF90] =	vst v20  }
0x42: {  	s21 =	simm.s32 $0x9;
	v27 =	vor.u32 v2, v8;
	v20 =	vld.idx.msk [tilespmem:v30+s12+$0x0], $0xffff;
	[tilespmem:s18+$0x10] =	vst v24  }
0x43: {  	v22 =	vor.u32 v6, v16;
	v30 =	vld.idx.msk [tilespmem:v21+s12+$0x0], $0xffff;
	v21 =	vmov s21;
	[tilespmem:s19+$0xE0] =	vst v25  }
0x44: {  	v33 =	vor.u32 v3, v13;
	[tilespmem:s19+$0xFFFFFF50] =	vst v23;
	v26 =	vld.idx.msk [tilespmem:v14+s12+$0x0], $0xffff;
	v14 =	vand.u32 $0x3D, v21  }
0x45: {  	v31 =	vld.idx.msk [tilespmem:v31+s12+$0x0], $0xffff;
	[tilespmem:s18+$0xFFFFFF10] =	vst v28;
	v28 =	vor.u32 v3, v9;
	v14 =	vbroadcast v14, $0x0  }
0x46: {  	v29 =	vor.u32 v3, v10;
	[tilespmem:s19+$0x50] =	vst v19;
	v19 =	vld.idx.msk [tilespmem:v32+s12+$0x0], $0xffff  }
0x47: {  	v24 =	vld.idx.msk [tilespmem:v27+s12+$0x0], $0xffff;
	[tilespmem:s18+$0xA0] =	vst v20;
	v20 =	vor.u32 v0, v14  }
0x48: {  	v21 =	vld.idx.msk [tilespmem:v22+s12+$0x0], $0xffff;
	v27 =	vor.u32 v3, v8  }
0x49: {  	v25 =	vor.u32 v7, v17;
	[tilespmem:s18+$0xFFFFFFA0] =	vst v30;
	v22 =	vld.idx.msk [tilespmem:v33+s12+$0x0], $0xffff  }
0x4a: {  	s22 =	simm.s32 $0xB;
	s21 =	simm.s32 $0xC;
	[tilespmem:s18+$0x20] =	vst v31;
	v23 =	vld.idx.msk [tilespmem:v28+s12+$0x0], $0xffff;
	v28 =	vor.u32 v7, v16  }
.LBB2_3:
0x4b: {  	p0 =	slt.u32 s21, $0x3C;
	v16 =	vmov s22;
	v17 =	vld.idx.msk [tilespmem:v29+s12+$0x0], $0xffff;
	v29 =	vor.u32 v4, v13;
	[tilespmem:s19+$0xF0] =	vst v26  }
0x4c: {  	s22 =	sadd.s32 $0x2, s20;
	s20 =	smov.u32 s21;
	v20 =	vld.idx.msk [tilespmem:v20+s12+$0x0], $0xffff;
	v16 =	vand.u32 $0x3F, v16;
	[tilespmem:s18+$0xFFFFFF20] =	vst v24;
	v24 =	vor.u32 v4, v9  }
0x4d: {  	v30 =	vor.u32 v4, v10;
	v26 =	vmov s22;
	v16 =	vbroadcast v16, $0x0;
	v27 =	vld.idx.msk [tilespmem:v27+s12+$0x0], $0xffff;
	[tilespmem:s19+$0xFFFFFFE0] =	vst v18  }
0x4e: {  	v18 =	vand.u32 $0x3E, v26;
	v26 =	vor.u32 v7, v12;
	v12 =	vmovc v8;
	v8 =	vmov v11;
	v25 =	vld.idx.msk [tilespmem:v25+s12+$0x0], $0xffff;
	[tilespmem:s19+$0x60] =	vst v21  }
0x4f: {  	v31 =	vbroadcast v18, $0x0;
	v18 =	vor.u32 v0, v16;
	[tilespmem:s18+$0xB0] =	vst v22;
	v21 =	vld.idx.msk [tilespmem:v28+s12+$0x0], $0xffff  }
0x50: {  	v22 =	vor.u32 v4, v12;
	[tilespmem:s18+$0xFFFFFFB0] =	vst v23;
	v23 =	vld.idx.msk [tilespmem:v29+s12+$0x0], $0xffff  }
0x51: {  	v11 =	vmov s21;
	v28 =	vor.u32 v0, v31;
	v24 =	vld.idx.msk [tilespmem:v24+s12+$0x0], $0xffff;
	[tilespmem:s18+$0x30] =	vst v17  }
0x52: {  	v11 =	vand.u32 $0x3C, v11;
	v29 =	vor.u32 v5, v13;
	v17 =	vld.idx.msk [tilespmem:v30+s12+$0x0], $0xffff;
	[tilespmem:s19+$0xFFFFFF60] =	vst v19  }
0x53: {  	v11 =	vbroadcast v11, $0x0;
	v19 =	vor.u32 v5, v9;
	[tilespmem:s18+$0xFFFFFF30] =	vst v27;
	v26 =	vld.idx.msk [tilespmem:v26+s12+$0x0], $0xffff  }
0x54: {  	v27 =	vor.u32 v5, v10;
	v18 =	vld.idx.msk [tilespmem:v18+s12+$0x0], $0xffff;
	[tilespmem:s19+$0xFFFFFFF0] =	vst v25  }
0x55: {  	v25 =	vor.u32 v0, v11;
	v22 =	vld.idx.msk [tilespmem:v22+s12+$0x0], $0xffff;
	[tilespmem:s19+$0x70] =	vst v21  }
0x56: {  	v21 =	vld.idx.msk [tilespmem:v28+s12+$0x0], $0xffff;
	v28 =	vor.u32 v1, v16;
	[tilespmem:s18+$0xC0] =	vst v23  }
0x57: {  	v23 =	vor.u32 v1, v14;
	[tilespmem:s18+$0xFFFFFFC0] =	vst v24;
	v24 =	vld.idx.msk [tilespmem:v29+s12+$0x0], $0xffff  }
0x58: {  	v29 =	vor.u32 v1, v31;
	v19 =	vld.idx.msk [tilespmem:v19+s12+$0x0], $0xffff;
	[tilespmem:s18+$0x40] =	vst v17  }
0x59: {  	v17 =	vld.idx.msk [tilespmem:v27+s12+$0x0], $0xffff;
	v27 =	vor.u32 v6, v13;
	[tilespmem:s19+$0xFFFFFF70] =	vst v26;
	s19 =	smov.u32 s18;
	s18 =	sadd.s32 $0x200, s18  }
0x5a: {  	v26 =	vor.u32 v1, v8;
	v25 =	vld.idx.msk [tilespmem:v25+s12+$0x0], $0xffff;
	[tilespmem:s18+$0x80] =	vst v18  }
0x5b: {  	[tilespmem:s18+$0xFFFFFF80] =	vst v20;
	v18 =	vld.idx.msk [tilespmem:v28+s12+$0x0], $0xffff;
	v20 =	vor.u32 v5, v12  }
0x5c: {  	v23 =	vld.idx.msk [tilespmem:v23+s12+$0x0], $0xffff;
	[tilespmem:s18+$0x0] =	vst v21;
	v21 =	vor.u32 v6, v9  }
0x5d: {  	v28 =	vld.idx.msk [tilespmem:v29+s12+$0x0], $0xffff;
	v29 =	vor.u32 v2, v16;
	[tilespmem:s19+$0xD0] =	vst v24  }
0x5e: {  	v24 =	vor.u32 v2, v14;
	[tilespmem:s18+$0xFFFFFF00] =	vst v15;
	v27 =	vld.idx.msk [tilespmem:v27+s12+$0x0], $0xffff  }
0x5f: {  	v30 =	vor.u32 v2, v31;
	v26 =	vld.idx.msk [tilespmem:v26+s12+$0x0], $0xffff;
	[tilespmem:s19+$0xFFFFFF40] =	vst v22  }
0x60: {  	v15 =	vmov v25;
	v22 =	vld.idx.msk [tilespmem:v20+s12+$0x0], $0xffff;
	[tilespmem:s19+$0xFFFFFFD0] =	vst v19;
	v19 =	vor.u32 v7, v13;
	v13 =	vmov v16  }
0x61: {  	v16 =	vor.u32 v2, v8;
	[tilespmem:s18+$0x90] =	vst v18;
	v18 =	vld.idx.msk [tilespmem:v21+s12+$0x0], $0xffff  }
0x62: {  	s22 =	sadd.s32 $0x1, s21;
	v21 =	vor.u32 v6, v10;
	[tilespmem:s18+$0xFFFFFF90] =	vst v23;
	v23 =	vld.idx.msk [tilespmem:v29+s12+$0x0], $0xffff  }
0x63: {  	v20 =	vmov s22;
	v25 =	vld.idx.msk [tilespmem:v24+s12+$0x0], $0xffff;
	[tilespmem:s18+$0x10] =	vst v28;
	v28 =	vor.u32 v6, v12  }
0x64: {  	v20 =	vand.u32 $0x3D, v20;
	v32 =	vor.u32 v3, v13;
	v30 =	vld.idx.msk [tilespmem:v30+s12+$0x0], $0xffff;
	[tilespmem:s19+$0xE0] =	vst v27  }
0x65: {  	v34 =	vor.u32 v3, v14;
	v33 =	vbroadcast v20, $0x0;
	[tilespmem:s18+$0xFFFFFF10] =	vst v26;
	v26 =	vld.idx.msk [tilespmem:v19+s12+$0x0], $0xffff  }
.Ltmp0:
0x66: {  	v29 =	vor.u32 v3, v31;
	v24 =	vld.idx.msk [tilespmem:v16+s12+$0x0], $0xffff;
	[tilespmem:s19+$0x50] =	vst v17;
	(pc) =	sbr.rel @p0 .LBB2_3-.Ltmp0, $4  }
0x67: {  	v20 =	vor.u32 v0, v33;
	[tilespmem:s19+$0xFFFFFF50] =	vst v22;
	v21 =	vld.idx.msk [tilespmem:v21+s12+$0x0], $0xffff  }
0x68: {  	v27 =	vor.u32 v3, v8;
	[tilespmem:s18+$0xA0] =	vst v23;
	v19 =	vld.idx.msk [tilespmem:v28+s12+$0x0], $0xffff  }
0x69: {  	[tilespmem:s18+$0xFFFFFFA0] =	vst v25;
	v22 =	vld.idx.msk [tilespmem:v32+s12+$0x0], $0xffff;
	v25 =	vor.u32 v7, v9;
	v9 =	vmov v14;
	v14 =	vmov v33  }
0x6a: {  	s21 =	sadd.s32 $0x4, s21;
	s22 =	sadd.s32 $0x3, s20;
	v28 =	vor.u32 v7, v10;
	v10 =	vmov v31;
	v23 =	vld.idx.msk [tilespmem:v34+s12+$0x0], $0xffff;
	[tilespmem:s18+$0x20] =	vst v30  }
0x6b: {  	_ = 	snop  }
0x6c: {  	[tilespmem:s19+$0xF0] =	vst v26  }
0x6d: {  	[tilespmem:s18+$0xFFFFFF20] =	vst v24  }
0x6e: {  	v16 =	vmov s22;
	s20 =	sadd.s32 $0x2, s20;
	[tilespmem:s19+$0xFFFFFFE0] =	vst v18  }
0x6f: {  	v63 =	vld.idx.msk [tilespmem:v29+s12+$0x0], $0xffff;
	v33 =	vor.u32 v4, v13;
	s29 =	sadd.s32 $0x200, s18;
	v16 =	vand.u32 $0x3F, v16;
	v30 =	vmov s20;
	[tilespmem:s19+$0x60] =	vst v21  }
0x70: {  	v34 =	vor.u32 v4, v9;
	v20 =	vld.idx.msk [tilespmem:v20+s12+$0x0], $0xffff;
	[tilespmem:s29+$0xFFFFFF00] =	vst v15;
	v17 =	vbroadcast v16, $0x0;
	v37 =	vand.u32 $0x3E, v30  }
0x71: {  	v12 =	vor.u32 v7, v12;
	v35 =	vld.idx.msk [tilespmem:v27+s12+$0x0], $0xffff;
	[tilespmem:s19+$0xFFFFFF60] =	vst v19;
	v16 =	vbroadcast v37, $0x0  }
0x72: {  	v38 =	vld.idx.msk [tilespmem:v25+s12+$0x0], $0xffff;
	[tilespmem:s18+$0xB0] =	vst v22;
	v39 =	vor.u32 v0, v17  }
0x73: {  	v40 =	vld.idx.msk [tilespmem:v28+s12+$0x0], $0xffff;
	[tilespmem:s18+$0xFFFFFFB0] =	vst v23;
	v42 =	vor.u32 v0, v16  }
0x74: {  	v49 =	vor.u32 v1, v11;
	v41 =	vld.idx.msk [tilespmem:v33+s12+$0x0], $0xffff;
	[tilespmem:s18+$0x30] =	vst v63  }
0x75: {  	v47 =	vor.u32 v1, v14;
	v24 =	vld.idx.msk [tilespmem:v34+s12+$0x0], $0xffff;
	[tilespmem:s29+$0xFFFFFF80] =	vst v20  }
0x76: {  	v36 =	vor.u32 v4, v10;
	v12 =	vld.idx.msk [tilespmem:v12+s12+$0x0], $0xffff;
	[tilespmem:s18+$0xFFFFFF30] =	vst v35  }
0x77: {  	v44 =	vor.u32 v5, v13;
	[tilespmem:s19+$0xFFFFFFF0] =	vst v38;
	v25 =	vld.idx.msk [tilespmem:v39+s12+$0x0], $0xffff  }
0x78: {  	v45 =	vor.u32 v1, v17;
	[tilespmem:s19+$0x70] =	vst v40;
	v46 =	vld.idx.msk [tilespmem:v42+s12+$0x0], $0xffff  }
0x79: {  	v48 =	vor.u32 v1, v16;
	v57 =	vld.idx.msk [tilespmem:v49+s12+$0x0], $0xffff;
	[tilespmem:s18+$0xC0] =	vst v41  }
0x7a: {  	v50 =	vor.u32 v4, v8;
	v53 =	vld.idx.msk [tilespmem:v47+s12+$0x0], $0xffff;
	[tilespmem:s18+$0xFFFFFFC0] =	vst v24  }
0x7b: {  	v56 =	vor.u32 v2, v14;
	v43 =	vld.idx.msk [tilespmem:v36+s12+$0x0], $0xffff;
	[tilespmem:s19+$0xFFFFFF70] =	vst v12  }
0x7c: {  	v62 =	vor.u32 v5, v10;
	v18 =	vld.idx.msk [tilespmem:v44+s12+$0x0], $0xffff;
	[tilespmem:s29+$0x80] =	vst v25  }
0x7d: {  	v60 =	vor.u32 v2, v11;
	v52 =	vld.idx.msk [tilespmem:v45+s12+$0x0], $0xffff;
	[tilespmem:s29+$0x0] =	vst v46  }
0x7e: {  	v54 =	vor.u32 v2, v17;
	[tilespmem:s29+$0xFFFFFF10] =	vst v57;
	v55 =	vld.idx.msk [tilespmem:v48+s12+$0x0], $0xffff  }
0x7f: {  	v58 =	vor.u32 v2, v16;
	v59 =	vld.idx.msk [tilespmem:v50+s12+$0x0], $0xffff;
	[tilespmem:s29+$0xFFFFFF90] =	vst v53  }
0x80: {  	v33 =	vor.u32 v5, v8;
	[tilespmem:s18+$0x40] =	vst v43;
	v15 =	vld.idx.msk [tilespmem:v56+s12+$0x0], $0xffff  }
0x81: {  	v61 =	vor.u32 v6, v13;
	v20 =	vld.idx.msk [tilespmem:v62+s12+$0x0], $0xffff;
	[tilespmem:s18+$0xD0] =	vst v18  }
0x82: {  	v29 =	vor.u32 v3, v14;
	v18 =	vld.idx.msk [tilespmem:v60+s12+$0x0], $0xffff;
	[tilespmem:s29+$0x90] =	vst v52  }
0x83: {  	v32 =	vor.u32 v3, v11;
	v63 =	vld.idx.msk [tilespmem:v54+s12+$0x0], $0xffff;
	[tilespmem:s29+$0x10] =	vst v55  }
0x84: {  	v28 =	vor.u32 v3, v17;
	[tilespmem:s18+$0xFFFFFF40] =	vst v59;
	v19 =	vld.idx.msk [tilespmem:v58+s12+$0x0], $0xffff  }
0x85: {  	v30 =	vor.u32 v3, v16;
	v41 =	vld.idx.msk [tilespmem:v33+s12+$0x0], $0xffff;
	[tilespmem:s29+$0xFFFFFFA0] =	vst v15  }
0x86: {  	v51 =	vor.u32 v5, v9;
	v31 =	vld.idx.msk [tilespmem:v61+s12+$0x0], $0xffff;
	[tilespmem:s18+$0x50] =	vst v20  }
0x87: {  	v34 =	vor.u32 v7, v13;
	v12 =	vld.idx.msk [tilespmem:v29+s12+$0x0], $0xffff;
	[tilespmem:s29+$0xFFFFFF20] =	vst v18  }
0x88: {  	v38 =	vor.u32 v4, v14;
	v39 =	vld.idx.msk [tilespmem:v32+s12+$0x0], $0xffff;
	[tilespmem:s29+$0xA0] =	vst v63  }
0x89: {  	v42 =	vor.u32 v4, v11;
	v35 =	vld.idx.msk [tilespmem:v28+s12+$0x0], $0xffff;
	[tilespmem:s29+$0x20] =	vst v19  }
0x8a: {  	v36 =	vor.u32 v4, v17;
	[tilespmem:s18+$0xFFFFFF50] =	vst v41;
	v37 =	vld.idx.msk [tilespmem:v30+s12+$0x0], $0xffff  }
0x8b: {  	v40 =	vor.u32 v4, v16;
	v25 =	vld.idx.msk [tilespmem:v51+s12+$0x0], $0xffff;
	[tilespmem:s18+$0xE0] =	vst v31  }
0x8c: {  	v44 =	vor.u32 v6, v10;
	v13 =	vld.idx.msk [tilespmem:v34+s12+$0x0], $0xffff;
	[tilespmem:s29+$0xFFFFFFB0] =	vst v12  }
0x8d: {  	v43 =	vor.u32 v6, v9;
	v18 =	vld.idx.msk [tilespmem:v38+s12+$0x0], $0xffff;
	[tilespmem:s29+$0xFFFFFF30] =	vst v39  }
0x8e: {  	v47 =	vor.u32 v5, v14;
	v20 =	vld.idx.msk [tilespmem:v42+s12+$0x0], $0xffff;
	[tilespmem:s29+$0xB0] =	vst v35  }
0x8f: {  	v50 =	vor.u32 v5, v11;
	v45 =	vld.idx.msk [tilespmem:v36+s12+$0x0], $0xffff;
	[tilespmem:s29+$0x30] =	vst v37  }
0x90: {  	v46 =	vor.u32 v5, v17;
	[tilespmem:s18+$0xFFFFFFD0] =	vst v25;
	v21 =	vld.idx.msk [tilespmem:v40+s12+$0x0], $0xffff  }
0x91: {  	v48 =	vor.u32 v5, v16;
	v15 =	vld.idx.msk [tilespmem:v44+s12+$0x0], $0xffff;
	[tilespmem:s18+$0xF0] =	vst v13  }
0x92: {  	v51 =	vor.u32 v6, v8;
	v49 =	vld.idx.msk [tilespmem:v43+s12+$0x0], $0xffff;
	[tilespmem:s29+$0xFFFFFFC0] =	vst v18  }
0x93: {  	v52 =	vor.u32 v7, v9;
	v18 =	vld.idx.msk [tilespmem:v47+s12+$0x0], $0xffff;
	[tilespmem:s29+$0xFFFFFF40] =	vst v20  }
0x94: {  	v54 =	vor.u32 v6, v14;
	v13 =	vld.idx.msk [tilespmem:v50+s12+$0x0], $0xffff;
	[tilespmem:s29+$0xC0] =	vst v45  }
0x95: {  	v57 =	vor.u32 v6, v11;
	v12 =	vld.idx.msk [tilespmem:v46+s12+$0x0], $0xffff;
	[tilespmem:s29+$0x40] =	vst v21  }
0x96: {  	v53 =	vor.u32 v6, v17;
	[tilespmem:s18+$0x60] =	vst v15;
	v21 =	vld.idx.msk [tilespmem:v48+s12+$0x0], $0xffff  }
0x97: {  	v56 =	vld.idx.msk [tilespmem:v51+s12+$0x0], $0xffff;
	v55 =	vor.u32 v6, v16;
	[tilespmem:s18+$0xFFFFFFE0] =	vst v49  }
0x98: {  	v8 =	vor.u32 v7, v8;
	v9 =	vld.idx.msk [tilespmem:v52+s12+$0x0], $0xffff;
	[tilespmem:s29+$0xFFFFFFD0] =	vst v18  }
0x99: {  	v58 =	vor.u32 v7, v10;
	v18 =	vld.idx.msk [tilespmem:v54+s12+$0x0], $0xffff;
	[tilespmem:s29+$0xFFFFFF50] =	vst v13  }
0x9a: {  	v60 =	vor.u32 v7, v14;
	v15 =	vld.idx.msk [tilespmem:v57+s12+$0x0], $0xffff;
	[tilespmem:s29+$0xD0] =	vst v12  }
0x9b: {  	v61 =	vor.u32 v7, v11;
	v12 =	vld.idx.msk [tilespmem:v53+s12+$0x0], $0xffff;
	[tilespmem:s29+$0x50] =	vst v21  }
0x9c: {  	v17 =	vor.u32 v7, v17;
	[tilespmem:s18+$0xFFFFFF60] =	vst v56;
	v59 =	vld.idx.msk [tilespmem:v55+s12+$0x0], $0xffff  }
0x9d: {  	v16 =	vor.u32 v7, v16;
	v8 =	vld.idx.msk [tilespmem:v8+s12+$0x0], $0xffff;
	[tilespmem:s18+$0xFFFFFFF0] =	vst v9  }
0x9e: {  	v10 =	vld.idx.msk [tilespmem:v58+s12+$0x0], $0xffff;
	[tilespmem:s29+$0xFFFFFFE0] =	vst v18  }
0x9f: {  	v63 =	vld.idx.msk [tilespmem:v60+s12+$0x0], $0xffff;
	[tilespmem:s29+$0xFFFFFF60] =	vst v15  }
0xa0: {  	v9 =	vld.idx.msk [tilespmem:v61+s12+$0x0], $0xffff;
	[tilespmem:s29+$0xE0] =	vst v12  }
0xa1: {  	v62 =	vld.idx.msk [tilespmem:v17+s12+$0x0], $0xffff;
	[tilespmem:s29+$0x60] =	vst v59  }
0xa2: {  	[tilespmem:s18+$0xFFFFFF70] =	vst v8;
	v13 =	vld.idx.msk [tilespmem:v16+s12+$0x0], $0xffff  }
0xa3: {  	[tilespmem:s18+$0x70] =	vst v10  }
0xa4: {  	s30 =	sshll.u32 s17, $0x11;
	[tilespmem:s29+$0xFFFFFFF0] =	vst v63  }
0xa5: {  	s18 =	sor.u32 s3, s30;
	[tilespmem:s29+$0xFFFFFF70] =	vst v9  }
0xa6: {  	s18 =	sshrl.u32 s18, $0x3;
	[tilespmem:s29+$0xF0] =	vst v62  }
0xa7: {  	s31 =	sadd.s32 s5, s18;
	[tilespmem:s29+$0x70] =	vst v13  }
0xa8: {  	[hbm4b:s31+s9] =	stream.strided.scatter [tilespmem:s14], [sflag:$0x2], $0x1000, s10, s9, $0x38;
	[tilespmem:$0x4C80] =	vst v63  }
0xa9: {  	s17 =	sadd.s32 $0x1, s17;
	_ =	swait.ge [sflag:s11], $0x1000  }
0xaa: {  	p0 =	sne.s32 s17, $0x19;
	[sflag:s11] =	ssyncset.done $0x0  }
.Ltmp1:
0xab: {  	s18 =	sadd.s32 s6, s18;
	[sflag:s11] =	ssyncadd.s32 $0xFFFFF000;
	(pc) =	sbr.rel @p0 .LBB2_2-.Ltmp1, $4  }
0xac: {  	[hbm4b:s18+s9] =	stream.strided.scatter [tilespmem:s15], [sflag:$0x2], $0x1000, s10, s9, $0x38;
	[tilespmem:$0x4C80] =	vst v63  }
0xad: {  	_ =	swait.ge [sflag:s11], $0x1000  }
0xae: {  	[sflag:s11] =	ssyncset.done $0x0  }
0xaf: {  	[sflag:s11] =	ssyncadd.s32 $0xFFFFF000  }
0xb0: {  	s16 =	sadd.s32 $0x1, s16  }
0xb1: {  	p0 =	sne.s32 s16, s8  }
.Ltmp2:
0xb2: {  	_ = 	snop;
	(pc) =	sbr.rel @p0 .LBB2_1-.Ltmp2, $1  }
0xb3: {  	_ =	sdelay $0x3  }
0xb4: {  	_ =	sfence.sel $0x180000  }
0xb5: {  	[bflag:$0x0] =	sbarrier.arrive $0xFFFF  }
0xb6: {  	p0 =	sne.s32 s0, $0x0;
	_ =	strace $0x9000004D  }
0xb7: {  	s0 =	sadd.s32 @!p0 $0x100000, s1;
	[bflag:$0x2] =	sbarrier.arrive $0xFFFF  }
0xb8: {  	[sflag:s0] =	ssyncadd.tile.s32 @!p0 $0x1;
	_ =	shalt  }
.Lfunc_end2:
_tile_overlayer_lowered:
.L_overlay_start_2:
0xb9: {  	(tag) =	ssettag $0x2  }
0xba: {  	s0 =	rddreg [dreg:$0x0];
	s2 =	stileid.u32  }
0xbb: {  	s1 =	rddreg [dreg:$0x1];
	p0 =	sne.s32 s2, $0x0  }
0xbc: {  	s3 =	rddreg [dreg:$0x2];
	[bflag:$0x3] =	sbarrier.arrive $0xFFFF;
	s2 =	simm.s32 @!p0 $0x1C02  }
0xbd: {  	[timem:s3], [sflag:s2] =	dma.local @!p0 [hbm:s0], s1  }
0xbe: {  	s0 =	simm.s32 @!p0 $0x2  }
0xbf: {  	_ =	swait.ge @!p0 [sflag:s0], s1  }
0xc0: {  	s1 =	ssub.s32 @!p0 $0x0, s1;
	[sflag:s0] =	ssyncset.done @!p0 $0x0  }
0xc1: {  	[sflag:s0] =	ssyncadd.s32 @!p0 s1  }
0xc2: {  	[bflag:$0x3] =	sbarrier.arrive $0xFFFF  }
0xc3: {  	_ =	shalt  }

// kernel: kernel.19.cloned.1.call-start
scs
__scs_entry_jumppad:
0x0: {  	(pc) =	sbr.rel $0x88, $3  }
0x1: {  	(tag) =	ssettag $0x0;
	lr =	simm.s32 $0x1  }
0x2: {  	[smem:$0x3F9F] =	sst lr;
	_ =	strace $0xD0000000  }
0x3: {  	_ = 	snop  }
0x4: {  	_ = 	snop  }
0x5: {  	_ = 	snop  }
0x6: {  	_ = 	snop  }
0x7: {  	_ = 	snop  }
__scs_overlays_trampoline_lowered:
0x8: {  	[smem:$0x3FAE] =	sst s0  }
0x9: {  	[smem:$0x3FAF] =	sst s1  }
0xa: {  	[smem:$0x3FB0] =	sst s2  }
0xb: {  	[smem:$0x3FB1] =	sst s3  }
0xc: {  	[smem:$0x3FB2] =	sst s4  }
0xd: {  	[smem:$0x3FB3] =	sst s5  }
0xe: {  	[smem:$0x3FB4] =	sst s6  }
0xf: {  	[smem:$0x3FB5] =	sst s7  }
0x10: {  	[smem:$0x3FB6] =	sst s8  }
0x11: {  	[smem:$0x3FB7] =	sst s9;
	s0 =	simm.s32 @!p0 $0x0  }
0x12: {  	s1 =	sld [smem:$0x3F9D];
	s0 =	simm.s32 @p0 $0x1  }
0x13: {  	[smem:$0x3FB8] =	sst s0;
	s0 =	simm.s32 @!p1 $0x0  }
0x14: {  	s2 =	sld [smem:$0x3F9C];
	s0 =	simm.s32 @p1 $0x1  }
0x15: {  	[smem:$0x3FB9] =	sst s0;
	s0 =	simm.s32 @!p2 $0x0  }
0x16: {  	s3 =	sld [smem:$0x3FDB];
	s0 =	simm.s32 @p2 $0x1  }
0x17: {  	s4 =	simm.s32 $0x1BF5;
	[smem:$0x3FBB] =	sst s0  }
0x18: {  	s0 =	sld [smem:$0x3F9E];
	_ =	swait.ge [sflag:s4], $0x0  }
0x19: {  	s7 =	sld [smem:$0x3F9F]  }
0x1a: {  	s8 =	sadd.s32 $0xFFFFE003, lr  }
0x1b: {  	s9 =	sadd.s32 $0xFFFFFEF7, lr;
	s5 =	simm.s32 $0xFFFFFFFF;
	p2 =	slt.u32 s8, $0xFFFFF086  }
0x1c: {  	p1 =	slt.u32 s9, $0xF7A;
	s5 =	simm.s32 @!p2 $0x0  }
0x1d: {  	s5 =	simm.s32 @p1 $0x1;
	p0 =	seq.s32 s7, s2  }
0x1e: {  	s7 =	smul.u32 @!p0 $0xF7A, s2;
	p2 =	seq.s32 @!p0 s5, $0x0  }
0x1f: {  	s9 =	smul.u32 $0xF7A, s1;
	s8 =	simm.s32 @!p0 $0x1BF5;
	p2 =	por !p2, p0  }
0x20: {  	[sflag:s8] =	ssyncset.s32 @!p0 $0xFFFFF086;
	s6 =	sadd.s32 @!p0 s3, s7;
	s7 =	simm.s32 @!p0 $0x108  }
0x21: {  	s3 =	sadd.s32 s3, s9;
	s6 =	sadd.s32 @!p0 $0x88, s6;
	s7 =	simm.s32 @p2 $0x1082  }
0x22: {  	[simem:s7], [sflag:s8] =	dma.local @!p0 [hbm:s6], $0xF7A  }
0x23: {  	s9 =	sor.u32 $0xD0000000, s2;
	s6 =	simm.s32 $0x108;
	_ =	swait.ge @!p0 [sflag:s8], $0x0  }
0x24: {  	s3 =	sadd.s32 $0x88, s3;
	s6 =	simm.s32 @!p1 $0x1082;
	[sflag:s4] =	ssyncset.s32 $0xFFFFF086  }
0x25: {  	[simem:s6], [sflag:s4] =	dma.local [hbm:s3], $0xF7A  }
0x26: {  	[smem:$0x3F9F] =	sst s1;
	(tag) =	ssettag s2;
	_ =	strace s9  }
0x27: {  	s1 =	sld [smem:$0x3FAF]  }
0x28: {  	s2 =	sld [smem:$0x3FB0]  }
0x29: {  	s4 =	sld [smem:$0x3FB2]  }
0x2a: {  	p0 =	seq.s32 s5, $0x0;
	s5 =	sld [smem:$0x3FB3]  }
0x2b: {  	s6 =	sld [smem:$0x3FB4]  }
0x2c: {  	s7 =	sld [smem:$0x3FB5]  }
0x2d: {  	s3 =	simm.s32 $0x108;
	s8 =	sld [smem:$0x3FB6]  }
0x2e: {  	s3 =	simm.s32 @!p0 $0x1082;
	s9 =	sld [smem:$0x3FB7]  }
0x2f: {  	lr =	sadd.s32 s0, s3;
	s0 =	sld [smem:$0x3FAE]  }
0x30: {  	s3 =	sld [smem:$0x3FB1]  }
0x31: {  	[smem:$0x3FBA] =	sst s10  }
0x32: {  	s10 =	sld [smem:$0x3FB8];
	_ =	sdelay $0x3  }
0x33: {  	p0 =	seq.s32 s10, $0x1;
	s10 =	sld [smem:$0x3FBA];
	_ =	sdelay $0x3  }
0x34: {  	[smem:$0x3FBA] =	sst s10  }
0x35: {  	s10 =	sld [smem:$0x3FB9];
	_ =	sdelay $0x3  }
0x36: {  	p1 =	seq.s32 s10, $0x1;
	s10 =	sld [smem:$0x3FBA];
	_ =	sdelay $0x3  }
0x37: {  	[smem:$0x3FBA] =	sst s10  }
0x38: {  	s10 =	sld [smem:$0x3FBB]  }
0x39: {  	_ = 	snop;
	(pc) =	sbr.ind lr, $3  }
0x3a: {  	_ = 	snop  }
0x3b: {  	_ = 	snop  }
0x3c: {  	p2 =	seq.s32 s10, $0x1;
	s10 =	sld [smem:$0x3FBA]  }
0x3d: {  	_ =	shalt  }
0x3e: {  	_ =	shalt  }
0x3f: {  	_ =	shalt  }
0x40: {  	_ =	shalt  }
0x41: {  	_ =	shalt  }
0x42: {  	_ =	shalt  }
0x43: {  	_ =	shalt  }
0x44: {  	_ =	shalt  }
0x45: {  	_ =	shalt  }
0x46: {  	_ =	shalt  }
0x47: {  	_ =	shalt  }
0x48: {  	_ =	shalt  }
0x49: {  	_ =	shalt  }
0x4a: {  	_ =	shalt  }
0x4b: {  	_ =	shalt  }
0x4c: {  	_ =	shalt  }
0x4d: {  	_ =	shalt  }
0x4e: {  	_ =	shalt  }
0x4f: {  	_ =	shalt  }
0x50: {  	_ =	shalt  }
0x51: {  	_ =	shalt  }
0x52: {  	_ =	shalt  }
0x53: {  	_ =	shalt  }
0x54: {  	_ =	shalt  }
0x55: {  	_ =	shalt  }
0x56: {  	_ =	shalt  }
0x57: {  	_ =	shalt  }
0x58: {  	_ =	shalt  }
0x59: {  	_ =	shalt  }
0x5a: {  	_ =	shalt  }
0x5b: {  	_ =	shalt  }
0x5c: {  	_ =	shalt  }
0x5d: {  	_ =	shalt  }
0x5e: {  	_ =	shalt  }
0x5f: {  	_ =	shalt  }
0x60: {  	_ =	shalt  }
0x61: {  	_ =	shalt  }
0x62: {  	_ =	shalt  }
0x63: {  	_ =	shalt  }
0x64: {  	_ =	shalt  }
0x65: {  	_ =	shalt  }
0x66: {  	_ =	shalt  }
0x67: {  	_ =	shalt  }
0x68: {  	_ =	shalt  }
0x69: {  	_ =	shalt  }
0x6a: {  	_ =	shalt  }
0x6b: {  	_ =	shalt  }
0x6c: {  	_ =	shalt  }
0x6d: {  	_ =	shalt  }
0x6e: {  	_ =	shalt  }
0x6f: {  	_ =	shalt  }
0x70: {  	_ =	shalt  }
0x71: {  	_ =	shalt  }
0x72: {  	_ =	shalt  }
0x73: {  	_ =	shalt  }
0x74: {  	_ =	shalt  }
0x75: {  	_ =	shalt  }
0x76: {  	_ =	shalt  }
0x77: {  	_ =	shalt  }
0x78: {  	_ =	shalt  }
0x79: {  	_ =	shalt  }
0x7a: {  	_ =	shalt  }
0x7b: {  	_ =	shalt  }
0x7c: {  	_ =	shalt  }
0x7d: {  	_ =	shalt  }
0x7e: {  	_ =	shalt  }
0x7f: {  	_ =	shalt  }
0x80: {  	_ =	shalt  }
0x81: {  	_ =	shalt  }
0x82: {  	_ =	shalt  }
0x83: {  	_ =	shalt  }
0x84: {  	_ =	shalt  }
0x85: {  	_ =	shalt  }
0x86: {  	_ =	shalt  }
0x87: {  	_ =	shalt  }
.Lfunc_end0:
.L_simem_size_0:
called_computation.3_lowered:
.L_overlay_start_0:
0x88: {  	s2 =	sld [smem:$0x3FD9]  }
0x89: {  	s3 =	sld [smem:$0x3FFE];
	_ =	sdelay $0x1  }
0x8a: {  	s1 =	srdreg.scid  }
0x8b: {  	s0 =	sand.u32 $0x1, s1  }
0x8c: {  	s17 =	sshll.u32 s0, $0xA;
	s2 =	sadd.s32 s3, s2  }
0x8d: {  	s2 =	sadd.s32 s2, s17  }
0x8e: {  	[smem:$0x3FC6] =	sst s2  }
0x8f: {  	_ = 	snop  }
0x90: {  	(tm) =	ssettm $0x1  }
0x91: {  	s18 =	sld [smem:$0x3FFB];
	_ =	sdelay $0x3  }
0x92: {  	_ =	strace s18  }
0x93: {  	s2 =	sld [smem:$0x3FFC];
	_ =	sdelay $0x3  }
0x94: {  	_ =	strace s2  }
0x95: {  	s2 =	sld [smem:$0x3FFD];
	_ =	sdelay $0x3  }
0x96: {  	_ =	strace s2  }
0x97: {  	_ =	strace $0x8FFFFFFF  }
0x98: {  	s19 =	sld [smem:$0x3FDB];
	_ =	sdelay $0x1  }
0x99: {  	s20 =	simm.s32 $_scs_section_size  }
0x9a: {  	s4 =	simm.s32 $_size__tile_overlayer_lowered;
	s5 =	simm.s32 $_tile_overlayer_lowered  }
0x9b: {  	s6 =	simm.s32 $0x1BFF;
	s21 =	sshll.u32 s5, $0x1;
	s3 =	sadd.s32 s20, s19  }
0x9c: {  	s22 =	simm.s32 $0x0;
	s4 =	sshll.u32 s4, $0x1;
	s5 =	sadd.s32 s21, s3  }
0x9d: {  	[timem:s22], [sflag:s6] =	dma.local [hbm:s5], s4  }
0x9e: {  	_ =	swait.ge [sflag:s6], s4  }
0x9f: {  	s4 =	ssub.s32 $0x0, s4;
	[sflag:s6] =	ssyncset.done $0x0  }
0xa0: {  	[sflag:s6] =	ssyncadd.s32 s4;
	_ =	sdelay $0x1  }
0xa1: {  	s23 =	simm.s32 $0x1B8B  }
0xa2: {  	_ =	swait.ge [sflag:s23], $0x1  }
0xa3: {  	[sflag:s23] =	ssyncset.done $0x0  }
0xa4: {  	[sflag:s23] =	ssyncadd.s32 $0xFFFFFFFF  }
0xa5: {  	s4 =	sld [smem:$0x0]  }
0xa6: {  	s5 =	sand.u32 $0xFFFFFFFE, s1  }
0xa7: {  	p0 =	sne.s32 s1, s5  }
0xa8: {  	s5 =	sshll.u32 @p0 s5, $0xE  }
0xa9: {  	s5 =	sadd.s32 @p0 $0x11B8D, s5;
	s6 =	sshll.u32 @p0 s4, $0x11  }
0xaa: {  	s5 =	sor.u32 @p0 s6, s5  }
0xab: {  	[sflag:s5] =	ssyncadd.remote.s32 @p0 $0x1;
	_ =	sdelay $0x1  }
0xac: {  	s5 =	simm.s32 @p0 $0x1B8D  }
0xad: {  	_ =	swait.eq @p0 [sflag:s5], $0x1  }
0xae: {  	[sflag:s5] =	ssyncadd.s32 @p0 $0xFFFFFFFF  }
0xaf: {  	s6 =	sshll.u32 @!p0 s1, $0xE  }
0xb0: {  	s6 =	sor.u32 @!p0 $0x4000, s6;
	s5 =	simm.s32 @!p0 $0x1B8D  }
0xb1: {  	s4 =	sshll.u32 @!p0 s4, $0x11;
	s6 =	sadd.s32 @!p0 $0x11B8D, s6;
	_ =	swait.eq @!p0 [sflag:s5], $0x1  }
0xb2: {  	s4 =	sor.u32 @!p0 s4, s6;
	[sflag:s5] =	ssyncadd.s32 @!p0 $0xFFFFFFFF  }
0xb3: {  	s25 =	simm.s32 $0x1B8E;
	s24 =	sld [smem:$0x3FFE];
	[sflag:s4] =	ssyncadd.remote.s32 @!p0 $0x1  }
0xb4: {  	s26 =	simm.s32 $execute0_lowered;
	[smem:$0x3FD2] =	sst s25  }
0xb5: {  	s5 =	sshll.u32 s26, $0x1;
	_ =	strace $0x8000004F;
	[dreg:$0x1] =	wrdreg $0xFFFFFFFF  }
0xb6: {  	s28 =	simm.s32 $_size_execute0_lowered;
	s3 =	sadd.s32 s3, s5;
	[dreg:$0x0] =	wrdreg $0x0  }
0xb7: {  	s5 =	sshll.u32 s28, $0x1;
	[dreg:$0x2] =	wrdreg s3  }
0xb8: {  	[dreg:$0x3] =	wrdreg s5  }
0xb9: {  	[dreg:$0x4] =	wrdreg $0xC0  }
0xba: {  	_ =	task [dreg:s22], $0x5FFFF  }
0xbb: {  	[dreg:$0x1] =	wrdreg $0xFFFFFFFF  }
0xbc: {  	[dreg:$0x0] =	wrdreg $0x60  }
0xbd: {  	[dreg:$0x2] =	wrdreg s24  }
0xbe: {  	[dreg:$0x3] =	wrdreg $0x9  }
0xbf: {  	_ =	task.clear_ibuf [dreg:s22], $0x4FFFF;
	_ =	strace $0x9000004F  }
0xc0: {  	s29 =	simm.s32 $0x9;
	_ =	strace $0x80000051  }
0xc1: {  	_ =	swait.ge [sflag:s29], $0x1  }
0xc2: {  	[sflag:s29] =	ssyncadd.s32 $0xFFFFFFFF  }
0xc3: {  	_ =	strace $0x90000051  }
0xc4: {  	_ =	sfence  }
0xc5: {  	s30 =	sld [smem:$0x0];
	_ =	sdelay $0x2  }
0xc6: {  	s31 =	sshll.u32 s1, $0xD;
	s1 =	sshrl.u32 s1, $0x2  }
0xc7: {  	s4 =	sand.u32 $0x4000, s31;
	s1 =	sadd.s32 s1, s30  }
0xc8: {  	s0 =	sor.u32 s4, s0;
	s1 =	sshll.u32 s1, $0x11  }
0xc9: {  	s0 =	sor.u32 s1, s0  }
0xca: {  	s0 =	sadd.s32 $0x8F2B, s0  }
0xcb: {  	[sflag:s0] =	ssyncadd.remote.s32 $0x1  }
0xcc: {  	_ =	sfence.sel $0xFFFF  }
0xcd: {  	[dreg:$0x0] =	wrdreg $0xFFFFFFFF;
	(pc) =	sbr.abs _section_cstart, $3  }
0xce: {  	[dreg:$0x1] =	wrdreg $0xFFFFFFFF  }
0xcf: {  	_ =	task.clear_ibuf [dreg:s22], $0x2FFFF;
	_ =	strace $0x9FFFFFFF  }
0xd0: {  	(tm) =	ssettm $0x7FFFFFFF  }
0xd1: {  	_ =	shalt  }
tec
execute0_lowered:
.L_overlay_start_1:
0x0: {  	(tag) =	ssettag $0x1  }
0x1: {  	s1 =	srdreg.scid;
	s0 =	stileid.u32  }
0x2: {  	s6 =	rddreg [dreg:$0x0];
	s2 =	simm.s32 $0x0;
	s10 =	simm.s32 $0x1000  }
0x3: {  	s11 =	simm.s32 $0x2;
	s12 =	simm.s32 $0xC80;
	s13 =	simm.s32 $0x1  }
0x4: {  	s14 =	simm.s32 $0x2C80;
	s15 =	simm.s32 $0x3C80;
	s16 =	simm.s32 $0x0  }
0x5: {  	v0 =	vlaneseq.u32;
	s4 =	sand.u32 $0x1, s1;
	s3 =	sshll.u32 s0, $0x8;
	s1 =	rddreg [dreg:$0x1]  }
0x6: {  	[smem:$0x7FF] =	sst s2;
	v0 =	vmul.u32 $0x40, v0;
	s5 =	sshll.u32 s4, $0x7;
	s8 =	ssub.s32 $0x2, s4  }
0x7: {  	_ =	strace $0x80000050;
	s3 =	sor.u32 s5, s3;
	s9 =	sshrl.u32 s8, $0x1  }
0x8: {  	s4 =	sadd.s32 $0xF4AC00, s6;
	v1 =	vor.u32 $0x400, v0;
	s5 =	sshrl.u32 s3, $0x3;
	s8 =	ssub.s32 s8, s9  }
0x9: {  	v2 =	vor.u32 $0x800, v0;
	v3 =	vor.u32 $0xC00, v0;
	v4 =	vor.u32 $0x1000, v0;
	s9 =	simm.s32 $0x80;
	s7 =	sadd.s32 s5, s6;
	s5 =	sadd.s32 $0x14C800, s6  }
0xa: {  	v5 =	vor.u32 $0x1400, v0;
	v6 =	vor.u32 $0x1800, v0;
	v7 =	vor.u32 $0x1C00, v0;
	s6 =	sadd.s32 $0x27EC00, s6;
	s8 =	smax.u32 s8, $0x1;
	s7 =	sadd.s32 $0xBA00, s7  }
.LBB2_1:
0xb: {  	[tilespmem:s2], [sflag:$0x2] =	stream.strided.gather [hbm4b:s7+s9], $0xC80, s10, s9, $0x38;
	[tilespmem:$0x4C80] =	vst v63  }
0xc: {  	_ =	swait.ge [sflag:s11], $0xC80  }
0xd: {  	[sflag:s11] =	ssyncset.done $0x0  }
0xe: {  	s17 =	simm.s32 $0x0;
	[sflag:s11] =	ssyncadd.s32 $0xFFFFF380  }
.LBB2_2:
0xf: {  	s18 =	simm.s32 $0x3  }
0x10: {  	s19 =	simm.s32 $0x1;
	v8 =	vmov s18  }
0x11: {  	s24 =	simm.s32 $0x2;
	v9 =	vmov s19;
	v8 =	vand.u32 $0x3F, v8  }
0x12: {  	v10 =	vmov s24;
	v9 =	vand.u32 $0x3D, v9;
	v14 =	vbroadcast v8, $0x0  }
0x13: {  	s25 =	sshll.u32 s17, $0x7;
	s26 =	simm.s32 $0x0;
	v17 =	vbroadcast v9, $0x0;
	v8 =	vand.u32 $0x3E, v10  }
0x14: {  	s18 =	sand.u32 $0x3FFFFF80, s25;
	v9 =	vmov s26;
	v16 =	vbroadcast v8, $0x0;
	v8 =	vor.u32 v0, v14  }
0x15: {  	[tilespmem:s12], [sflag:$0x1] =	stream.indirect.gather [hbm4b:s4+s9], $0x40, s18, s9, $0xb8;
	v9 =	vand.u32 $0x3C, v9;
	v10 =	vor.u32 v0, v17;
	[tilespmem:$0x4C80] =	vst v63  }
0x16: {  	_ =	swait.ge [sflag:s13], $0x2000;
	v12 =	vbroadcast v9, $0x0;
	v9 =	vor.u32 v0, v16  }
0x17: {  	[sflag:s13] =	ssyncset.done $0x0  }
0x18: {  	[sflag:s13] =	ssyncadd.s32 $0xFFFFE000;
	v11 =	vor.u32 v0, v12  }
0x19: {  	v8 =	vld.idx.msk [tilespmem:v8+s12+$0x0], $0xffff  }
0x1a: {  	v13 =	vor.u32 v1, v14;
	v10 =	vld.idx.msk [tilespmem:v10+s12+$0x0], $0xffff  }
0x1b: {  	v15 =	vor.u32 v1, v17;
	v9 =	vld.idx.msk [tilespmem:v9+s12+$0x0], $0xffff  }
0x1c: {  	v18 =	vor.u32 v1, v16  }
0x1d: {  	s19 =	simm.s32 $0x2D80;
	v11 =	vld.idx.msk [tilespmem:v11+s12+$0x0], $0xffff  }
0x1e: {  	v19 =	vor.u32 v1, v12;
	[tilespmem:s19+$0x80] =	vst v8  }
0x1f: {  	[tilespmem:s19+$0xFFFFFF80] =	vst v10;
	v8 =	vld.idx.msk [tilespmem:v13+s12+$0x0], $0xffff  }
0x20: {  	v10 =	vld.idx.msk [tilespmem:v15+s12+$0x0], $0xffff;
	[tilespmem:s19+$0x0] =	vst v9;
	v9 =	vor.u32 v2, v14  }
0x21: {  	v15 =	vor.u32 v2, v17;
	v13 =	vld.idx.msk [tilespmem:v18+s12+$0x0], $0xffff  }
0x22: {  	[tilespmem:s19+$0xFFFFFF00] =	vst v11;
	v11 =	vor.u32 v2, v16  }
0x23: {  	v18 =	vld.idx.msk [tilespmem:v19+s12+$0x0], $0xffff  }
0x24: {  	s28 =	simm.s32 $0x4;
	v19 =	vor.u32 v2, v12;
	[tilespmem:s19+$0x90] =	vst v8  }
0x25: {  	v8 =	vmov s28;
	[tilespmem:s19+$0xFFFFFF90] =	vst v10;
	v10 =	vld.idx.msk [tilespmem:v9+s12+$0x0], $0xffff  }
0x26: {  	s29 =	simm.s32 $0x5;
	v8 =	vand.u32 $0x3C, v8;
	v15 =	vld.idx.msk [tilespmem:v15+s12+$0x0], $0xffff;
	[tilespmem:s19+$0x10] =	vst v13;
	v13 =	vor.u32 v3, v14  }
0x27: {  	v20 =	vor.u32 v3, v17;
	v9 =	vmov s29;
	v8 =	vbroadcast v8, $0x0;
	v11 =	vld.idx.msk [tilespmem:v11+s12+$0x0], $0xffff  }
0x28: {  	v9 =	vand.u32 $0x3D, v9;
	[tilespmem:s19+$0xFFFFFF10] =	vst v18;
	v18 =	vor.u32 v3, v16  }
0x29: {  	v9 =	vbroadcast v9, $0x0;
	v19 =	vld.idx.msk [tilespmem:v19+s12+$0x0], $0xffff;
	v21 =	vor.u32 v0, v8  }
0x2a: {  	s30 =	simm.s32 $0x7;
	v22 =	vor.u32 v3, v12;
	[tilespmem:s19+$0xA0] =	vst v10  }
0x2b: {  	s31 =	simm.s32 $0x6;
	v23 =	vor.u32 v0, v9;
	[tilespmem:s19+$0xFFFFFFA0] =	vst v15;
	v10 =	vmov s30;
	v15 =	vld.idx.msk [tilespmem:v13+s12+$0x0], $0xffff  }
0x2c: {  	v25 =	vmov s31;
	v20 =	vld.idx.msk [tilespmem:v20+s12+$0x0], $0xffff;
	[tilespmem:s19+$0x20] =	vst v11;
	v11 =	vor.u32 v4, v14;
	v10 =	vand.u32 $0x3F, v10  }
0x2d: {  	v24 =	vor.u32 v4, v17;
	v18 =	vld.idx.msk [tilespmem:v18+s12+$0x0], $0xffff;
	v13 =	vbroadcast v10, $0x0;
	v10 =	vand.u32 $0x3E, v25  }
0x2e: {  	[tilespmem:s19+$0xFFFFFF20] =	vst v19;
	v19 =	vor.u32 v4, v16;
	v21 =	vld.idx.msk [tilespmem:v21+s12+$0x0], $0xffff;
	v10 =	vbroadcast v10, $0x0  }
0x2f: {  	v22 =	vld.idx.msk [tilespmem:v22+s12+$0x0], $0xffff;
	v25 =	vor.u32 v0, v13  }
0x30: {  	v23 =	vld.idx.msk [tilespmem:v23+s12+$0x0], $0xffff;
	v26 =	vor.u32 v0, v10;
	[tilespmem:s19+$0xB0] =	vst v15  }
0x31: {  	s20 =	simm.s32 $0x8;
	v15 =	vor.u32 v4, v12;
	[tilespmem:s19+$0xFFFFFFB0] =	vst v20;
	v20 =	vld.idx.msk [tilespmem:v11+s12+$0x0], $0xffff  }
0x32: {  	v11 =	vmov s20;
	v24 =	vld.idx.msk [tilespmem:v24+s12+$0x0], $0xffff;
	[tilespmem:s19+$0x30] =	vst v18;
	v18 =	vor.u32 v5, v14  }
0x33: {  	v27 =	vor.u32 v5, v17;
	v11 =	vand.u32 $0x3C, v11;
	v19 =	vld.idx.msk [tilespmem:v19+s12+$0x0], $0xffff  }
0x34: {  	[tilespmem:s19+$0xFFFFFF30] =	vst v22;
	v11 =	vbroadcast v11, $0x0;
	v22 =	vld.idx.msk [tilespmem:v25+s12+$0x0], $0xffff;
	v25 =	vor.u32 v5, v16  }
0x35: {  	v30 =	vor.u32 v1, v13;
	v26 =	vld.idx.msk [tilespmem:v26+s12+$0x0], $0xffff  }
0x36: {  	v28 =	vor.u32 v0, v11;
	v29 =	vld.idx.msk [tilespmem:v15+s12+$0x0], $0xffff;
	[tilespmem:s19+$0xC0] =	vst v20  }
0x37: {  	v20 =	vor.u32 v1, v9;
	[tilespmem:s19+$0xFFFFFFC0] =	vst v24;
	v18 =	vld.idx.msk [tilespmem:v18+s12+$0x0], $0xffff  }
0x38: {  	s18 =	simm.s32 $0x2F80;
	v24 =	vor.u32 v1, v10;
	v27 =	vld.idx.msk [tilespmem:v27+s12+$0x0], $0xffff;
	[tilespmem:s19+$0x40] =	vst v19  }
0x39: {  	v19 =	vld.idx.msk [tilespmem:v25+s12+$0x0], $0xffff;
	v25 =	vor.u32 v6, v14;
	[tilespmem:s18+$0x80] =	vst v22  }
0x3a: {  	[tilespmem:s18+$0xFFFFFF80] =	vst v23;
	v23 =	vor.u32 v5, v12;
	v22 =	vld.idx.msk [tilespmem:v30+s12+$0x0], $0xffff  }
0x3b: {  	[tilespmem:s18+$0xFFFFFF00] =	vst v21;
	v15 =	vld.idx.msk [tilespmem:v28+s12+$0x0], $0xffff;
	v28 =	vor.u32 v1, v8  }
0x3c: {  	[tilespmem:s18+$0x0] =	vst v26;
	v26 =	vor.u32 v6, v17;
	v20 =	vld.idx.msk [tilespmem:v20+s12+$0x0], $0xffff  }
0x3d: {  	v30 =	vor.u32 v2, v13;
	v24 =	vld.idx.msk [tilespmem:v24+s12+$0x0], $0xffff;
	[tilespmem:s19+$0xD0] =	vst v18  }
0x3e: {  	v21 =	vor.u32 v2, v9;
	[tilespmem:s19+$0xFFFFFF40] =	vst v29;
	v25 =	vld.idx.msk [tilespmem:v25+s12+$0x0], $0xffff  }
0x3f: {  	v14 =	vor.u32 v7, v14;
	v23 =	vld.idx.msk [tilespmem:v23+s12+$0x0], $0xffff;
	[tilespmem:s19+$0xFFFFFFD0] =	vst v27  }
0x40: {  	v31 =	vor.u32 v2, v10;
	[tilespmem:s18+$0x90] =	vst v22;
	v28 =	vld.idx.msk [tilespmem:v28+s12+$0x0], $0xffff  }
0x41: {  	v32 =	vor.u32 v6, v12;
	v18 =	vld.idx.msk [tilespmem:v26+s12+$0x0], $0xffff;
	[tilespmem:s18+$0xFFFFFF90] =	vst v20  }
0x42: {  	s21 =	simm.s32 $0x9;
	v27 =	vor.u32 v2, v8;
	v20 =	vld.idx.msk [tilespmem:v30+s12+$0x0], $0xffff;
	[tilespmem:s18+$0x10] =	vst v24  }
0x43: {  	v22 =	vor.u32 v6, v16;
	v30 =	vld.idx.msk [tilespmem:v21+s12+$0x0], $0xffff;
	v21 =	vmov s21;
	[tilespmem:s19+$0xE0] =	vst v25  }
0x44: {  	v33 =	vor.u32 v3, v13;
	[tilespmem:s19+$0xFFFFFF50] =	vst v23;
	v26 =	vld.idx.msk [tilespmem:v14+s12+$0x0], $0xffff;
	v14 =	vand.u32 $0x3D, v21  }
0x45: {  	v31 =	vld.idx.msk [tilespmem:v31+s12+$0x0], $0xffff;
	[tilespmem:s18+$0xFFFFFF10] =	vst v28;
	v28 =	vor.u32 v3, v9;
	v14 =	vbroadcast v14, $0x0  }
0x46: {  	v29 =	vor.u32 v3, v10;
	[tilespmem:s19+$0x50] =	vst v19;
	v19 =	vld.idx.msk [tilespmem:v32+s12+$0x0], $0xffff  }
0x47: {  	v24 =	vld.idx.msk [tilespmem:v27+s12+$0x0], $0xffff;
	[tilespmem:s18+$0xA0] =	vst v20;
	v20 =	vor.u32 v0, v14  }
0x48: {  	v21 =	vld.idx.msk [tilespmem:v22+s12+$0x0], $0xffff;
	v27 =	vor.u32 v3, v8  }
0x49: {  	v25 =	vor.u32 v7, v17;
	[tilespmem:s18+$0xFFFFFFA0] =	vst v30;
	v22 =	vld.idx.msk [tilespmem:v33+s12+$0x0], $0xffff  }
0x4a: {  	s22 =	simm.s32 $0xB;
	s21 =	simm.s32 $0xC;
	[tilespmem:s18+$0x20] =	vst v31;
	v23 =	vld.idx.msk [tilespmem:v28+s12+$0x0], $0xffff;
	v28 =	vor.u32 v7, v16  }
.LBB2_3:
0x4b: {  	p0 =	slt.u32 s21, $0x3C;
	v16 =	vmov s22;
	v17 =	vld.idx.msk [tilespmem:v29+s12+$0x0], $0xffff;
	v29 =	vor.u32 v4, v13;
	[tilespmem:s19+$0xF0] =	vst v26  }
0x4c: {  	s22 =	sadd.s32 $0x2, s20;
	s20 =	smov.u32 s21;
	v20 =	vld.idx.msk [tilespmem:v20+s12+$0x0], $0xffff;
	v16 =	vand.u32 $0x3F, v16;
	[tilespmem:s18+$0xFFFFFF20] =	vst v24;
	v24 =	vor.u32 v4, v9  }
0x4d: {  	v30 =	vor.u32 v4, v10;
	v26 =	vmov s22;
	v16 =	vbroadcast v16, $0x0;
	v27 =	vld.idx.msk [tilespmem:v27+s12+$0x0], $0xffff;
	[tilespmem:s19+$0xFFFFFFE0] =	vst v18  }
0x4e: {  	v18 =	vand.u32 $0x3E, v26;
	v26 =	vor.u32 v7, v12;
	v12 =	vmovc v8;
	v8 =	vmov v11;
	v25 =	vld.idx.msk [tilespmem:v25+s12+$0x0], $0xffff;
	[tilespmem:s19+$0x60] =	vst v21  }
0x4f: {  	v31 =	vbroadcast v18, $0x0;
	v18 =	vor.u32 v0, v16;
	[tilespmem:s18+$0xB0] =	vst v22;
	v21 =	vld.idx.msk [tilespmem:v28+s12+$0x0], $0xffff  }
0x50: {  	v22 =	vor.u32 v4, v12;
	[tilespmem:s18+$0xFFFFFFB0] =	vst v23;
	v23 =	vld.idx.msk [tilespmem:v29+s12+$0x0], $0xffff  }
0x51: {  	v11 =	vmov s21;
	v28 =	vor.u32 v0, v31;
	v24 =	vld.idx.msk [tilespmem:v24+s12+$0x0], $0xffff;
	[tilespmem:s18+$0x30] =	vst v17  }
0x52: {  	v11 =	vand.u32 $0x3C, v11;
	v29 =	vor.u32 v5, v13;
	v17 =	vld.idx.msk [tilespmem:v30+s12+$0x0], $0xffff;
	[tilespmem:s19+$0xFFFFFF60] =	vst v19  }
0x53: {  	v11 =	vbroadcast v11, $0x0;
	v19 =	vor.u32 v5, v9;
	[tilespmem:s18+$0xFFFFFF30] =	vst v27;
	v26 =	vld.idx.msk [tilespmem:v26+s12+$0x0], $0xffff  }
0x54: {  	v27 =	vor.u32 v5, v10;
	v18 =	vld.idx.msk [tilespmem:v18+s12+$0x0], $0xffff;
	[tilespmem:s19+$0xFFFFFFF0] =	vst v25  }
0x55: {  	v25 =	vor.u32 v0, v11;
	v22 =	vld.idx.msk [tilespmem:v22+s12+$0x0], $0xffff;
	[tilespmem:s19+$0x70] =	vst v21  }
0x56: {  	v21 =	vld.idx.msk [tilespmem:v28+s12+$0x0], $0xffff;
	v28 =	vor.u32 v1, v16;
	[tilespmem:s18+$0xC0] =	vst v23  }
0x57: {  	v23 =	vor.u32 v1, v14;
	[tilespmem:s18+$0xFFFFFFC0] =	vst v24;
	v24 =	vld.idx.msk [tilespmem:v29+s12+$0x0], $0xffff  }
0x58: {  	v29 =	vor.u32 v1, v31;
	v19 =	vld.idx.msk [tilespmem:v19+s12+$0x0], $0xffff;
	[tilespmem:s18+$0x40] =	vst v17  }
0x59: {  	v17 =	vld.idx.msk [tilespmem:v27+s12+$0x0], $0xffff;
	v27 =	vor.u32 v6, v13;
	[tilespmem:s19+$0xFFFFFF70] =	vst v26;
	s19 =	smov.u32 s18;
	s18 =	sadd.s32 $0x200, s18  }
0x5a: {  	v26 =	vor.u32 v1, v8;
	v25 =	vld.idx.msk [tilespmem:v25+s12+$0x0], $0xffff;
	[tilespmem:s18+$0x80] =	vst v18  }
0x5b: {  	[tilespmem:s18+$0xFFFFFF80] =	vst v20;
	v18 =	vld.idx.msk [tilespmem:v28+s12+$0x0], $0xffff;
	v20 =	vor.u32 v5, v12  }
0x5c: {  	v23 =	vld.idx.msk [tilespmem:v23+s12+$0x0], $0xffff;
	[tilespmem:s18+$0x0] =	vst v21;
	v21 =	vor.u32 v6, v9  }
0x5d: {  	v28 =	vld.idx.msk [tilespmem:v29+s12+$0x0], $0xffff;
	v29 =	vor.u32 v2, v16;
	[tilespmem:s19+$0xD0] =	vst v24  }
0x5e: {  	v24 =	vor.u32 v2, v14;
	[tilespmem:s18+$0xFFFFFF00] =	vst v15;
	v27 =	vld.idx.msk [tilespmem:v27+s12+$0x0], $0xffff  }
0x5f: {  	v30 =	vor.u32 v2, v31;
	v26 =	vld.idx.msk [tilespmem:v26+s12+$0x0], $0xffff;
	[tilespmem:s19+$0xFFFFFF40] =	vst v22  }
0x60: {  	v15 =	vmov v25;
	v22 =	vld.idx.msk [tilespmem:v20+s12+$0x0], $0xffff;
	[tilespmem:s19+$0xFFFFFFD0] =	vst v19;
	v19 =	vor.u32 v7, v13;
	v13 =	vmov v16  }
0x61: {  	v16 =	vor.u32 v2, v8;
	[tilespmem:s18+$0x90] =	vst v18;
	v18 =	vld.idx.msk [tilespmem:v21+s12+$0x0], $0xffff  }
0x62: {  	s22 =	sadd.s32 $0x1, s21;
	v21 =	vor.u32 v6, v10;
	[tilespmem:s18+$0xFFFFFF90] =	vst v23;
	v23 =	vld.idx.msk [tilespmem:v29+s12+$0x0], $0xffff  }
0x63: {  	v20 =	vmov s22;
	v25 =	vld.idx.msk [tilespmem:v24+s12+$0x0], $0xffff;
	[tilespmem:s18+$0x10] =	vst v28;
	v28 =	vor.u32 v6, v12  }
0x64: {  	v20 =	vand.u32 $0x3D, v20;
	v32 =	vor.u32 v3, v13;
	v30 =	vld.idx.msk [tilespmem:v30+s12+$0x0], $0xffff;
	[tilespmem:s19+$0xE0] =	vst v27  }
0x65: {  	v34 =	vor.u32 v3, v14;
	v33 =	vbroadcast v20, $0x0;
	[tilespmem:s18+$0xFFFFFF10] =	vst v26;
	v26 =	vld.idx.msk [tilespmem:v19+s12+$0x0], $0xffff  }
.Ltmp0:
0x66: {  	v29 =	vor.u32 v3, v31;
	v24 =	vld.idx.msk [tilespmem:v16+s12+$0x0], $0xffff;
	[tilespmem:s19+$0x50] =	vst v17;
	(pc) =	sbr.rel @p0 .LBB2_3-.Ltmp0, $4  }
0x67: {  	v20 =	vor.u32 v0, v33;
	[tilespmem:s19+$0xFFFFFF50] =	vst v22;
	v21 =	vld.idx.msk [tilespmem:v21+s12+$0x0], $0xffff  }
0x68: {  	v27 =	vor.u32 v3, v8;
	[tilespmem:s18+$0xA0] =	vst v23;
	v19 =	vld.idx.msk [tilespmem:v28+s12+$0x0], $0xffff  }
0x69: {  	[tilespmem:s18+$0xFFFFFFA0] =	vst v25;
	v22 =	vld.idx.msk [tilespmem:v32+s12+$0x0], $0xffff;
	v25 =	vor.u32 v7, v9;
	v9 =	vmov v14;
	v14 =	vmov v33  }
0x6a: {  	s21 =	sadd.s32 $0x4, s21;
	s22 =	sadd.s32 $0x3, s20;
	v28 =	vor.u32 v7, v10;
	v10 =	vmov v31;
	v23 =	vld.idx.msk [tilespmem:v34+s12+$0x0], $0xffff;
	[tilespmem:s18+$0x20] =	vst v30  }
0x6b: {  	_ = 	snop  }
0x6c: {  	[tilespmem:s19+$0xF0] =	vst v26  }
0x6d: {  	[tilespmem:s18+$0xFFFFFF20] =	vst v24  }
0x6e: {  	v16 =	vmov s22;
	s20 =	sadd.s32 $0x2, s20;
	[tilespmem:s19+$0xFFFFFFE0] =	vst v18  }
0x6f: {  	v63 =	vld.idx.msk [tilespmem:v29+s12+$0x0], $0xffff;
	v33 =	vor.u32 v4, v13;
	s29 =	sadd.s32 $0x200, s18;
	v16 =	vand.u32 $0x3F, v16;
	v30 =	vmov s20;
	[tilespmem:s19+$0x60] =	vst v21  }
0x70: {  	v34 =	vor.u32 v4, v9;
	v20 =	vld.idx.msk [tilespmem:v20+s12+$0x0], $0xffff;
	[tilespmem:s29+$0xFFFFFF00] =	vst v15;
	v17 =	vbroadcast v16, $0x0;
	v37 =	vand.u32 $0x3E, v30  }
0x71: {  	v12 =	vor.u32 v7, v12;
	v35 =	vld.idx.msk [tilespmem:v27+s12+$0x0], $0xffff;
	[tilespmem:s19+$0xFFFFFF60] =	vst v19;
	v16 =	vbroadcast v37, $0x0  }
0x72: {  	v38 =	vld.idx.msk [tilespmem:v25+s12+$0x0], $0xffff;
	[tilespmem:s18+$0xB0] =	vst v22;
	v39 =	vor.u32 v0, v17  }
0x73: {  	v40 =	vld.idx.msk [tilespmem:v28+s12+$0x0], $0xffff;
	[tilespmem:s18+$0xFFFFFFB0] =	vst v23;
	v42 =	vor.u32 v0, v16  }
0x74: {  	v49 =	vor.u32 v1, v11;
	v41 =	vld.idx.msk [tilespmem:v33+s12+$0x0], $0xffff;
	[tilespmem:s18+$0x30] =	vst v63  }
0x75: {  	v47 =	vor.u32 v1, v14;
	v24 =	vld.idx.msk [tilespmem:v34+s12+$0x0], $0xffff;
	[tilespmem:s29+$0xFFFFFF80] =	vst v20  }
0x76: {  	v36 =	vor.u32 v4, v10;
	v12 =	vld.idx.msk [tilespmem:v12+s12+$0x0], $0xffff;
	[tilespmem:s18+$0xFFFFFF30] =	vst v35  }
0x77: {  	v44 =	vor.u32 v5, v13;
	[tilespmem:s19+$0xFFFFFFF0] =	vst v38;
	v25 =	vld.idx.msk [tilespmem:v39+s12+$0x0], $0xffff  }
0x78: {  	v45 =	vor.u32 v1, v17;
	[tilespmem:s19+$0x70] =	vst v40;
	v46 =	vld.idx.msk [tilespmem:v42+s12+$0x0], $0xffff  }
0x79: {  	v48 =	vor.u32 v1, v16;
	v57 =	vld.idx.msk [tilespmem:v49+s12+$0x0], $0xffff;
	[tilespmem:s18+$0xC0] =	vst v41  }
0x7a: {  	v50 =	vor.u32 v4, v8;
	v53 =	vld.idx.msk [tilespmem:v47+s12+$0x0], $0xffff;
	[tilespmem:s18+$0xFFFFFFC0] =	vst v24  }
0x7b: {  	v56 =	vor.u32 v2, v14;
	v43 =	vld.idx.msk [tilespmem:v36+s12+$0x0], $0xffff;
	[tilespmem:s19+$0xFFFFFF70] =	vst v12  }
0x7c: {  	v62 =	vor.u32 v5, v10;
	v18 =	vld.idx.msk [tilespmem:v44+s12+$0x0], $0xffff;
	[tilespmem:s29+$0x80] =	vst v25  }
0x7d: {  	v60 =	vor.u32 v2, v11;
	v52 =	vld.idx.msk [tilespmem:v45+s12+$0x0], $0xffff;
	[tilespmem:s29+$0x0] =	vst v46  }
0x7e: {  	v54 =	vor.u32 v2, v17;
	[tilespmem:s29+$0xFFFFFF10] =	vst v57;
	v55 =	vld.idx.msk [tilespmem:v48+s12+$0x0], $0xffff  }
0x7f: {  	v58 =	vor.u32 v2, v16;
	v59 =	vld.idx.msk [tilespmem:v50+s12+$0x0], $0xffff;
	[tilespmem:s29+$0xFFFFFF90] =	vst v53  }
0x80: {  	v33 =	vor.u32 v5, v8;
	[tilespmem:s18+$0x40] =	vst v43;
	v15 =	vld.idx.msk [tilespmem:v56+s12+$0x0], $0xffff  }
0x81: {  	v61 =	vor.u32 v6, v13;
	v20 =	vld.idx.msk [tilespmem:v62+s12+$0x0], $0xffff;
	[tilespmem:s18+$0xD0] =	vst v18  }
0x82: {  	v29 =	vor.u32 v3, v14;
	v18 =	vld.idx.msk [tilespmem:v60+s12+$0x0], $0xffff;
	[tilespmem:s29+$0x90] =	vst v52  }
0x83: {  	v32 =	vor.u32 v3, v11;
	v63 =	vld.idx.msk [tilespmem:v54+s12+$0x0], $0xffff;
	[tilespmem:s29+$0x10] =	vst v55  }
0x84: {  	v28 =	vor.u32 v3, v17;
	[tilespmem:s18+$0xFFFFFF40] =	vst v59;
	v19 =	vld.idx.msk [tilespmem:v58+s12+$0x0], $0xffff  }
0x85: {  	v30 =	vor.u32 v3, v16;
	v41 =	vld.idx.msk [tilespmem:v33+s12+$0x0], $0xffff;
	[tilespmem:s29+$0xFFFFFFA0] =	vst v15  }
0x86: {  	v51 =	vor.u32 v5, v9;
	v31 =	vld.idx.msk [tilespmem:v61+s12+$0x0], $0xffff;
	[tilespmem:s18+$0x50] =	vst v20  }
0x87: {  	v34 =	vor.u32 v7, v13;
	v12 =	vld.idx.msk [tilespmem:v29+s12+$0x0], $0xffff;
	[tilespmem:s29+$0xFFFFFF20] =	vst v18  }
0x88: {  	v38 =	vor.u32 v4, v14;
	v39 =	vld.idx.msk [tilespmem:v32+s12+$0x0], $0xffff;
	[tilespmem:s29+$0xA0] =	vst v63  }
0x89: {  	v42 =	vor.u32 v4, v11;
	v35 =	vld.idx.msk [tilespmem:v28+s12+$0x0], $0xffff;
	[tilespmem:s29+$0x20] =	vst v19  }
0x8a: {  	v36 =	vor.u32 v4, v17;
	[tilespmem:s18+$0xFFFFFF50] =	vst v41;
	v37 =	vld.idx.msk [tilespmem:v30+s12+$0x0], $0xffff  }
0x8b: {  	v40 =	vor.u32 v4, v16;
	v25 =	vld.idx.msk [tilespmem:v51+s12+$0x0], $0xffff;
	[tilespmem:s18+$0xE0] =	vst v31  }
0x8c: {  	v44 =	vor.u32 v6, v10;
	v13 =	vld.idx.msk [tilespmem:v34+s12+$0x0], $0xffff;
	[tilespmem:s29+$0xFFFFFFB0] =	vst v12  }
0x8d: {  	v43 =	vor.u32 v6, v9;
	v18 =	vld.idx.msk [tilespmem:v38+s12+$0x0], $0xffff;
	[tilespmem:s29+$0xFFFFFF30] =	vst v39  }
0x8e: {  	v47 =	vor.u32 v5, v14;
	v20 =	vld.idx.msk [tilespmem:v42+s12+$0x0], $0xffff;
	[tilespmem:s29+$0xB0] =	vst v35  }
0x8f: {  	v50 =	vor.u32 v5, v11;
	v45 =	vld.idx.msk [tilespmem:v36+s12+$0x0], $0xffff;
	[tilespmem:s29+$0x30] =	vst v37  }
0x90: {  	v46 =	vor.u32 v5, v17;
	[tilespmem:s18+$0xFFFFFFD0] =	vst v25;
	v21 =	vld.idx.msk [tilespmem:v40+s12+$0x0], $0xffff  }
0x91: {  	v48 =	vor.u32 v5, v16;
	v15 =	vld.idx.msk [tilespmem:v44+s12+$0x0], $0xffff;
	[tilespmem:s18+$0xF0] =	vst v13  }
0x92: {  	v51 =	vor.u32 v6, v8;
	v49 =	vld.idx.msk [tilespmem:v43+s12+$0x0], $0xffff;
	[tilespmem:s29+$0xFFFFFFC0] =	vst v18  }
0x93: {  	v52 =	vor.u32 v7, v9;
	v18 =	vld.idx.msk [tilespmem:v47+s12+$0x0], $0xffff;
	[tilespmem:s29+$0xFFFFFF40] =	vst v20  }
0x94: {  	v54 =	vor.u32 v6, v14;
	v13 =	vld.idx.msk [tilespmem:v50+s12+$0x0], $0xffff;
	[tilespmem:s29+$0xC0] =	vst v45  }
0x95: {  	v57 =	vor.u32 v6, v11;
	v12 =	vld.idx.msk [tilespmem:v46+s12+$0x0], $0xffff;
	[tilespmem:s29+$0x40] =	vst v21  }
0x96: {  	v53 =	vor.u32 v6, v17;
	[tilespmem:s18+$0x60] =	vst v15;
	v21 =	vld.idx.msk [tilespmem:v48+s12+$0x0], $0xffff  }
0x97: {  	v56 =	vld.idx.msk [tilespmem:v51+s12+$0x0], $0xffff;
	v55 =	vor.u32 v6, v16;
	[tilespmem:s18+$0xFFFFFFE0] =	vst v49  }
0x98: {  	v8 =	vor.u32 v7, v8;
	v9 =	vld.idx.msk [tilespmem:v52+s12+$0x0], $0xffff;
	[tilespmem:s29+$0xFFFFFFD0] =	vst v18  }
0x99: {  	v58 =	vor.u32 v7, v10;
	v18 =	vld.idx.msk [tilespmem:v54+s12+$0x0], $0xffff;
	[tilespmem:s29+$0xFFFFFF50] =	vst v13  }
0x9a: {  	v60 =	vor.u32 v7, v14;
	v15 =	vld.idx.msk [tilespmem:v57+s12+$0x0], $0xffff;
	[tilespmem:s29+$0xD0] =	vst v12  }
0x9b: {  	v61 =	vor.u32 v7, v11;
	v12 =	vld.idx.msk [tilespmem:v53+s12+$0x0], $0xffff;
	[tilespmem:s29+$0x50] =	vst v21  }
0x9c: {  	v17 =	vor.u32 v7, v17;
	[tilespmem:s18+$0xFFFFFF60] =	vst v56;
	v59 =	vld.idx.msk [tilespmem:v55+s12+$0x0], $0xffff  }
0x9d: {  	v16 =	vor.u32 v7, v16;
	v8 =	vld.idx.msk [tilespmem:v8+s12+$0x0], $0xffff;
	[tilespmem:s18+$0xFFFFFFF0] =	vst v9  }
0x9e: {  	v10 =	vld.idx.msk [tilespmem:v58+s12+$0x0], $0xffff;
	[tilespmem:s29+$0xFFFFFFE0] =	vst v18  }
0x9f: {  	v63 =	vld.idx.msk [tilespmem:v60+s12+$0x0], $0xffff;
	[tilespmem:s29+$0xFFFFFF60] =	vst v15  }
0xa0: {  	v9 =	vld.idx.msk [tilespmem:v61+s12+$0x0], $0xffff;
	[tilespmem:s29+$0xE0] =	vst v12  }
0xa1: {  	v62 =	vld.idx.msk [tilespmem:v17+s12+$0x0], $0xffff;
	[tilespmem:s29+$0x60] =	vst v59  }
0xa2: {  	[tilespmem:s18+$0xFFFFFF70] =	vst v8;
	v13 =	vld.idx.msk [tilespmem:v16+s12+$0x0], $0xffff  }
0xa3: {  	[tilespmem:s18+$0x70] =	vst v10  }
0xa4: {  	s30 =	sshll.u32 s17, $0x11;
	[tilespmem:s29+$0xFFFFFFF0] =	vst v63  }
0xa5: {  	s18 =	sor.u32 s3, s30;
	[tilespmem:s29+$0xFFFFFF70] =	vst v9  }
0xa6: {  	s18 =	sshrl.u32 s18, $0x3;
	[tilespmem:s29+$0xF0] =	vst v62  }
0xa7: {  	s31 =	sadd.s32 s5, s18;
	[tilespmem:s29+$0x70] =	vst v13  }
0xa8: {  	[hbm4b:s31+s9] =	stream.strided.scatter [tilespmem:s14], [sflag:$0x2], $0x1000, s10, s9, $0x38;
	[tilespmem:$0x4C80] =	vst v63  }
0xa9: {  	s17 =	sadd.s32 $0x1, s17;
	_ =	swait.ge [sflag:s11], $0x1000  }
0xaa: {  	p0 =	sne.s32 s17, $0x19;
	[sflag:s11] =	ssyncset.done $0x0  }
.Ltmp1:
0xab: {  	s18 =	sadd.s32 s6, s18;
	[sflag:s11] =	ssyncadd.s32 $0xFFFFF000;
	(pc) =	sbr.rel @p0 .LBB2_2-.Ltmp1, $4  }
0xac: {  	[hbm4b:s18+s9] =	stream.strided.scatter [tilespmem:s15], [sflag:$0x2], $0x1000, s10, s9, $0x38;
	[tilespmem:$0x4C80] =	vst v63  }
0xad: {  	_ =	swait.ge [sflag:s11], $0x1000  }
0xae: {  	[sflag:s11] =	ssyncset.done $0x0  }
0xaf: {  	[sflag:s11] =	ssyncadd.s32 $0xFFFFF000  }
0xb0: {  	s16 =	sadd.s32 $0x1, s16  }
0xb1: {  	p0 =	sne.s32 s16, s8  }
.Ltmp2:
0xb2: {  	_ = 	snop;
	(pc) =	sbr.rel @p0 .LBB2_1-.Ltmp2, $1  }
0xb3: {  	_ =	sdelay $0x3  }
0xb4: {  	_ =	sfence.sel $0x180000  }
0xb5: {  	[bflag:$0x0] =	sbarrier.arrive $0xFFFF  }
0xb6: {  	p0 =	sne.s32 s0, $0x0;
	_ =	strace $0x90000050  }
0xb7: {  	s0 =	sadd.s32 @!p0 $0x100000, s1;
	[bflag:$0x2] =	sbarrier.arrive $0xFFFF  }
0xb8: {  	[sflag:s0] =	ssyncadd.tile.s32 @!p0 $0x1;
	_ =	shalt  }
.Lfunc_end2:
_tile_overlayer_lowered:
.L_overlay_start_2:
0xb9: {  	(tag) =	ssettag $0x2  }
0xba: {  	s0 =	rddreg [dreg:$0x0];
	s2 =	stileid.u32  }
0xbb: {  	s1 =	rddreg [dreg:$0x1];
	p0 =	sne.s32 s2, $0x0  }
0xbc: {  	s3 =	rddreg [dreg:$0x2];
	[bflag:$0x3] =	sbarrier.arrive $0xFFFF;
	s2 =	simm.s32 @!p0 $0x1C02  }
0xbd: {  	[timem:s3], [sflag:s2] =	dma.local @!p0 [hbm:s0], s1  }
0xbe: {  	s0 =	simm.s32 @!p0 $0x2  }
0xbf: {  	_ =	swait.ge @!p0 [sflag:s0], s1  }
0xc0: {  	s1 =	ssub.s32 @!p0 $0x0, s1;
	[sflag:s0] =	ssyncset.done @!p0 $0x0  }
0xc1: {  	[sflag:s0] =	ssyncadd.s32 @!p0 s1  }
0xc2: {  	[bflag:$0x3] =	sbarrier.arrive $0xFFFF  }
0xc3: {  	_ =	shalt  }

// kernel: kernel.22.cloned.1.call-start
scs
__scs_entry_jumppad:
0x0: {  	(pc) =	sbr.rel $0x88, $3  }
0x1: {  	(tag) =	ssettag $0x0;
	lr =	simm.s32 $0x1  }
0x2: {  	[smem:$0x3F9F] =	sst lr;
	_ =	strace $0xD0000000  }
0x3: {  	_ = 	snop  }
0x4: {  	_ = 	snop  }
0x5: {  	_ = 	snop  }
0x6: {  	_ = 	snop  }
0x7: {  	_ = 	snop  }
__scs_overlays_trampoline_lowered:
0x8: {  	[smem:$0x3FAE] =	sst s0  }
0x9: {  	[smem:$0x3FAF] =	sst s1  }
0xa: {  	[smem:$0x3FB0] =	sst s2  }
0xb: {  	[smem:$0x3FB1] =	sst s3  }
0xc: {  	[smem:$0x3FB2] =	sst s4  }
0xd: {  	[smem:$0x3FB3] =	sst s5  }
0xe: {  	[smem:$0x3FB4] =	sst s6  }
0xf: {  	[smem:$0x3FB5] =	sst s7  }
0x10: {  	[smem:$0x3FB6] =	sst s8  }
0x11: {  	[smem:$0x3FB7] =	sst s9;
	s0 =	simm.s32 @!p0 $0x0  }
0x12: {  	s1 =	sld [smem:$0x3F9D];
	s0 =	simm.s32 @p0 $0x1  }
0x13: {  	[smem:$0x3FB8] =	sst s0;
	s0 =	simm.s32 @!p1 $0x0  }
0x14: {  	s2 =	sld [smem:$0x3F9C];
	s0 =	simm.s32 @p1 $0x1  }
0x15: {  	[smem:$0x3FB9] =	sst s0;
	s0 =	simm.s32 @!p2 $0x0  }
0x16: {  	s3 =	sld [smem:$0x3FDB];
	s0 =	simm.s32 @p2 $0x1  }
0x17: {  	s4 =	simm.s32 $0x1BF5;
	[smem:$0x3FBB] =	sst s0  }
0x18: {  	s0 =	sld [smem:$0x3F9E];
	_ =	swait.ge [sflag:s4], $0x0  }
0x19: {  	s7 =	sld [smem:$0x3F9F]  }
0x1a: {  	s8 =	sadd.s32 $0xFFFFE003, lr  }
0x1b: {  	s9 =	sadd.s32 $0xFFFFFEF7, lr;
	s5 =	simm.s32 $0xFFFFFFFF;
	p2 =	slt.u32 s8, $0xFFFFF086  }
0x1c: {  	p1 =	slt.u32 s9, $0xF7A;
	s5 =	simm.s32 @!p2 $0x0  }
0x1d: {  	s5 =	simm.s32 @p1 $0x1;
	p0 =	seq.s32 s7, s2  }
0x1e: {  	s7 =	smul.u32 @!p0 $0xF7A, s2;
	p2 =	seq.s32 @!p0 s5, $0x0  }
0x1f: {  	s9 =	smul.u32 $0xF7A, s1;
	s8 =	simm.s32 @!p0 $0x1BF5;
	p2 =	por !p2, p0  }
0x20: {  	[sflag:s8] =	ssyncset.s32 @!p0 $0xFFFFF086;
	s6 =	sadd.s32 @!p0 s3, s7;
	s7 =	simm.s32 @!p0 $0x108  }
0x21: {  	s3 =	sadd.s32 s3, s9;
	s6 =	sadd.s32 @!p0 $0x88, s6;
	s7 =	simm.s32 @p2 $0x1082  }
0x22: {  	[simem:s7], [sflag:s8] =	dma.local @!p0 [hbm:s6], $0xF7A  }
0x23: {  	s9 =	sor.u32 $0xD0000000, s2;
	s6 =	simm.s32 $0x108;
	_ =	swait.ge @!p0 [sflag:s8], $0x0  }
0x24: {  	s3 =	sadd.s32 $0x88, s3;
	s6 =	simm.s32 @!p1 $0x1082;
	[sflag:s4] =	ssyncset.s32 $0xFFFFF086  }
0x25: {  	[simem:s6], [sflag:s4] =	dma.local [hbm:s3], $0xF7A  }
0x26: {  	[smem:$0x3F9F] =	sst s1;
	(tag) =	ssettag s2;
	_ =	strace s9  }
0x27: {  	s1 =	sld [smem:$0x3FAF]  }
0x28: {  	s2 =	sld [smem:$0x3FB0]  }
0x29: {  	s4 =	sld [smem:$0x3FB2]  }
0x2a: {  	p0 =	seq.s32 s5, $0x0;
	s5 =	sld [smem:$0x3FB3]  }
0x2b: {  	s6 =	sld [smem:$0x3FB4]  }
0x2c: {  	s7 =	sld [smem:$0x3FB5]  }
0x2d: {  	s3 =	simm.s32 $0x108;
	s8 =	sld [smem:$0x3FB6]  }
0x2e: {  	s3 =	simm.s32 @!p0 $0x1082;
	s9 =	sld [smem:$0x3FB7]  }
0x2f: {  	lr =	sadd.s32 s0, s3;
	s0 =	sld [smem:$0x3FAE]  }
0x30: {  	s3 =	sld [smem:$0x3FB1]  }
0x31: {  	[smem:$0x3FBA] =	sst s10  }
0x32: {  	s10 =	sld [smem:$0x3FB8];
	_ =	sdelay $0x3  }
0x33: {  	p0 =	seq.s32 s10, $0x1;
	s10 =	sld [smem:$0x3FBA];
	_ =	sdelay $0x3  }
0x34: {  	[smem:$0x3FBA] =	sst s10  }
0x35: {  	s10 =	sld [smem:$0x3FB9];
	_ =	sdelay $0x3  }
0x36: {  	p1 =	seq.s32 s10, $0x1;
	s10 =	sld [smem:$0x3FBA];
	_ =	sdelay $0x3  }
0x37: {  	[smem:$0x3FBA] =	sst s10  }
0x38: {  	s10 =	sld [smem:$0x3FBB]  }
0x39: {  	_ = 	snop;
	(pc) =	sbr.ind lr, $3  }
0x3a: {  	_ = 	snop  }
0x3b: {  	_ = 	snop  }
0x3c: {  	p2 =	seq.s32 s10, $0x1;
	s10 =	sld [smem:$0x3FBA]  }
0x3d: {  	_ =	shalt  }
0x3e: {  	_ =	shalt  }
0x3f: {  	_ =	shalt  }
0x40: {  	_ =	shalt  }
0x41: {  	_ =	shalt  }
0x42: {  	_ =	shalt  }
0x43: {  	_ =	shalt  }
0x44: {  	_ =	shalt  }
0x45: {  	_ =	shalt  }
0x46: {  	_ =	shalt  }
0x47: {  	_ =	shalt  }
0x48: {  	_ =	shalt  }
0x49: {  	_ =	shalt  }
0x4a: {  	_ =	shalt  }
0x4b: {  	_ =	shalt  }
0x4c: {  	_ =	shalt  }
0x4d: {  	_ =	shalt  }
0x4e: {  	_ =	shalt  }
0x4f: {  	_ =	shalt  }
0x50: {  	_ =	shalt  }
0x51: {  	_ =	shalt  }
0x52: {  	_ =	shalt  }
0x53: {  	_ =	shalt  }
0x54: {  	_ =	shalt  }
0x55: {  	_ =	shalt  }
0x56: {  	_ =	shalt  }
0x57: {  	_ =	shalt  }
0x58: {  	_ =	shalt  }
0x59: {  	_ =	shalt  }
0x5a: {  	_ =	shalt  }
0x5b: {  	_ =	shalt  }
0x5c: {  	_ =	shalt  }
0x5d: {  	_ =	shalt  }
0x5e: {  	_ =	shalt  }
0x5f: {  	_ =	shalt  }
0x60: {  	_ =	shalt  }
0x61: {  	_ =	shalt  }
0x62: {  	_ =	shalt  }
0x63: {  	_ =	shalt  }
0x64: {  	_ =	shalt  }
0x65: {  	_ =	shalt  }
0x66: {  	_ =	shalt  }
0x67: {  	_ =	shalt  }
0x68: {  	_ =	shalt  }
0x69: {  	_ =	shalt  }
0x6a: {  	_ =	shalt  }
0x6b: {  	_ =	shalt  }
0x6c: {  	_ =	shalt  }
0x6d: {  	_ =	shalt  }
0x6e: {  	_ =	shalt  }
0x6f: {  	_ =	shalt  }
0x70: {  	_ =	shalt  }
0x71: {  	_ =	shalt  }
0x72: {  	_ =	shalt  }
0x73: {  	_ =	shalt  }
0x74: {  	_ =	shalt  }
0x75: {  	_ =	shalt  }
0x76: {  	_ =	shalt  }
0x77: {  	_ =	shalt  }
0x78: {  	_ =	shalt  }
0x79: {  	_ =	shalt  }
0x7a: {  	_ =	shalt  }
0x7b: {  	_ =	shalt  }
0x7c: {  	_ =	shalt  }
0x7d: {  	_ =	shalt  }
0x7e: {  	_ =	shalt  }
0x7f: {  	_ =	shalt  }
0x80: {  	_ =	shalt  }
0x81: {  	_ =	shalt  }
0x82: {  	_ =	shalt  }
0x83: {  	_ =	shalt  }
0x84: {  	_ =	shalt  }
0x85: {  	_ =	shalt  }
0x86: {  	_ =	shalt  }
0x87: {  	_ =	shalt  }
.Lfunc_end0:
.L_simem_size_0:
called_computation.4_lowered:
.L_overlay_start_0:
0x88: {  	s2 =	sld [smem:$0x3FD9]  }
0x89: {  	s3 =	sld [smem:$0x3FFE];
	_ =	sdelay $0x1  }
0x8a: {  	s1 =	srdreg.scid  }
0x8b: {  	s0 =	sand.u32 $0x1, s1  }
0x8c: {  	s17 =	sshll.u32 s0, $0xA;
	s2 =	sadd.s32 s3, s2  }
0x8d: {  	s2 =	sadd.s32 s2, s17  }
0x8e: {  	[smem:$0x3FC6] =	sst s2  }
0x8f: {  	_ = 	snop  }
0x90: {  	(tm) =	ssettm $0x1  }
0x91: {  	s18 =	sld [smem:$0x3FFB];
	_ =	sdelay $0x3  }
0x92: {  	_ =	strace s18  }
0x93: {  	s2 =	sld [smem:$0x3FFC];
	_ =	sdelay $0x3  }
0x94: {  	_ =	strace s2  }
0x95: {  	s2 =	sld [smem:$0x3FFD];
	_ =	sdelay $0x3  }
0x96: {  	_ =	strace s2  }
0x97: {  	_ =	strace $0x8FFFFFFF  }
0x98: {  	s19 =	sld [smem:$0x3FDB];
	_ =	sdelay $0x1  }
0x99: {  	s20 =	simm.s32 $_scs_section_size  }
0x9a: {  	s4 =	simm.s32 $_size__tile_overlayer_lowered;
	s5 =	simm.s32 $_tile_overlayer_lowered  }
0x9b: {  	s6 =	simm.s32 $0x1BFF;
	s21 =	sshll.u32 s5, $0x1;
	s3 =	sadd.s32 s20, s19  }
0x9c: {  	s22 =	simm.s32 $0x0;
	s4 =	sshll.u32 s4, $0x1;
	s5 =	sadd.s32 s21, s3  }
0x9d: {  	[timem:s22], [sflag:s6] =	dma.local [hbm:s5], s4  }
0x9e: {  	_ =	swait.ge [sflag:s6], s4  }
0x9f: {  	s4 =	ssub.s32 $0x0, s4;
	[sflag:s6] =	ssyncset.done $0x0  }
0xa0: {  	[sflag:s6] =	ssyncadd.s32 s4;
	_ =	sdelay $0x1  }
0xa1: {  	s23 =	simm.s32 $0x1B8B  }
0xa2: {  	_ =	swait.ge [sflag:s23], $0x1  }
0xa3: {  	[sflag:s23] =	ssyncset.done $0x0  }
0xa4: {  	[sflag:s23] =	ssyncadd.s32 $0xFFFFFFFF  }
0xa5: {  	s4 =	sld [smem:$0x0]  }
0xa6: {  	s5 =	sand.u32 $0xFFFFFFFE, s1  }
0xa7: {  	p0 =	sne.s32 s1, s5  }
0xa8: {  	s5 =	sshll.u32 @p0 s5, $0xE  }
0xa9: {  	s5 =	sadd.s32 @p0 $0x11B8D, s5;
	s6 =	sshll.u32 @p0 s4, $0x11  }
0xaa: {  	s5 =	sor.u32 @p0 s6, s5  }
0xab: {  	[sflag:s5] =	ssyncadd.remote.s32 @p0 $0x1;
	_ =	sdelay $0x1  }
0xac: {  	s5 =	simm.s32 @p0 $0x1B8D  }
0xad: {  	_ =	swait.eq @p0 [sflag:s5], $0x1  }
0xae: {  	[sflag:s5] =	ssyncadd.s32 @p0 $0xFFFFFFFF  }
0xaf: {  	s6 =	sshll.u32 @!p0 s1, $0xE  }
0xb0: {  	s6 =	sor.u32 @!p0 $0x4000, s6;
	s5 =	simm.s32 @!p0 $0x1B8D  }
0xb1: {  	s4 =	sshll.u32 @!p0 s4, $0x11;
	s6 =	sadd.s32 @!p0 $0x11B8D, s6;
	_ =	swait.eq @!p0 [sflag:s5], $0x1  }
0xb2: {  	s4 =	sor.u32 @!p0 s4, s6;
	[sflag:s5] =	ssyncadd.s32 @!p0 $0xFFFFFFFF  }
0xb3: {  	s25 =	simm.s32 $0x1B8E;
	s24 =	sld [smem:$0x3FFE];
	[sflag:s4] =	ssyncadd.remote.s32 @!p0 $0x1  }
0xb4: {  	s26 =	simm.s32 $execute0_lowered;
	[smem:$0x3FD2] =	sst s25  }
0xb5: {  	s5 =	sshll.u32 s26, $0x1;
	_ =	strace $0x80000052;
	[dreg:$0x1] =	wrdreg $0xFFFFFFFF  }
0xb6: {  	s28 =	simm.s32 $_size_execute0_lowered;
	s3 =	sadd.s32 s3, s5;
	[dreg:$0x0] =	wrdreg $0x0  }
0xb7: {  	s5 =	sshll.u32 s28, $0x1;
	[dreg:$0x2] =	wrdreg s3  }
0xb8: {  	[dreg:$0x3] =	wrdreg s5  }
0xb9: {  	[dreg:$0x4] =	wrdreg $0xC0  }
0xba: {  	_ =	task [dreg:s22], $0x5FFFF  }
0xbb: {  	[dreg:$0x1] =	wrdreg $0xFFFFFFFF  }
0xbc: {  	[dreg:$0x0] =	wrdreg $0x60  }
0xbd: {  	[dreg:$0x2] =	wrdreg s24  }
0xbe: {  	[dreg:$0x3] =	wrdreg $0xA  }
0xbf: {  	_ =	task.clear_ibuf [dreg:s22], $0x4FFFF;
	_ =	strace $0x90000052  }
0xc0: {  	s29 =	simm.s32 $0xA;
	_ =	strace $0x80000054  }
0xc1: {  	_ =	swait.ge [sflag:s29], $0x1  }
0xc2: {  	[sflag:s29] =	ssyncadd.s32 $0xFFFFFFFF  }
0xc3: {  	_ =	strace $0x90000054  }
0xc4: {  	_ =	sfence  }
0xc5: {  	s30 =	sld [smem:$0x0];
	_ =	sdelay $0x2  }
0xc6: {  	s31 =	sshll.u32 s1, $0xD;
	s1 =	sshrl.u32 s1, $0x2  }
0xc7: {  	s4 =	sand.u32 $0x4000, s31;
	s1 =	sadd.s32 s1, s30  }
0xc8: {  	s0 =	sor.u32 s4, s0;
	s1 =	sshll.u32 s1, $0x11  }
0xc9: {  	s0 =	sor.u32 s1, s0  }
0xca: {  	s0 =	sadd.s32 $0x8F2B, s0  }
0xcb: {  	[sflag:s0] =	ssyncadd.remote.s32 $0x1  }
0xcc: {  	_ =	sfence.sel $0xFFFF  }
0xcd: {  	[dreg:$0x0] =	wrdreg $0xFFFFFFFF;
	(pc) =	sbr.abs _section_cstart, $3  }
0xce: {  	[dreg:$0x1] =	wrdreg $0xFFFFFFFF  }
0xcf: {  	_ =	task.clear_ibuf [dreg:s22], $0x2FFFF;
	_ =	strace $0x9FFFFFFF  }
0xd0: {  	(tm) =	ssettm $0x7FFFFFFF  }
0xd1: {  	_ =	shalt  }
tec
execute0_lowered:
.L_overlay_start_1:
0x0: {  	(tag) =	ssettag $0x1  }
0x1: {  	s1 =	srdreg.scid;
	s0 =	stileid.u32  }
0x2: {  	s6 =	rddreg [dreg:$0x0];
	s2 =	simm.s32 $0x0;
	s10 =	simm.s32 $0x1000  }
0x3: {  	s11 =	simm.s32 $0x2;
	s12 =	simm.s32 $0xC80;
	s13 =	simm.s32 $0x1  }
0x4: {  	s14 =	simm.s32 $0x2C80;
	s15 =	simm.s32 $0x3C80;
	s16 =	simm.s32 $0x0  }
0x5: {  	v0 =	vlaneseq.u32;
	s4 =	sand.u32 $0x1, s1;
	s3 =	sshll.u32 s0, $0x8;
	s1 =	rddreg [dreg:$0x1]  }
0x6: {  	[smem:$0x7FF] =	sst s2;
	v0 =	vmul.u32 $0x40, v0;
	s5 =	sshll.u32 s4, $0x7;
	s8 =	ssub.s32 $0x2, s4  }
0x7: {  	_ =	strace $0x80000053;
	s3 =	sor.u32 s5, s3;
	s9 =	sshrl.u32 s8, $0x1  }
0x8: {  	s4 =	sadd.s32 $0xF4AC00, s6;
	v1 =	vor.u32 $0x400, v0;
	s5 =	sshrl.u32 s3, $0x3;
	s8 =	ssub.s32 s8, s9  }
0x9: {  	v2 =	vor.u32 $0x800, v0;
	v3 =	vor.u32 $0xC00, v0;
	v4 =	vor.u32 $0x1000, v0;
	s9 =	simm.s32 $0x80;
	s7 =	sadd.s32 s5, s6;
	s5 =	sadd.s32 $0x1B0800, s6  }
0xa: {  	v5 =	vor.u32 $0x1400, v0;
	v6 =	vor.u32 $0x1800, v0;
	v7 =	vor.u32 $0x1C00, v0;
	s6 =	sadd.s32 $0x346C00, s6;
	s8 =	smax.u32 s8, $0x1;
	s7 =	sadd.s32 $0x8800, s7  }
.LBB2_1:
0xb: {  	[tilespmem:s2], [sflag:$0x2] =	stream.strided.gather [hbm4b:s7+s9], $0xC80, s10, s9, $0x38;
	[tilespmem:$0x4C80] =	vst v63  }
0xc: {  	_ =	swait.ge [sflag:s11], $0xC80  }
0xd: {  	[sflag:s11] =	ssyncset.done $0x0  }
0xe: {  	s17 =	simm.s32 $0x0;
	[sflag:s11] =	ssyncadd.s32 $0xFFFFF380  }
.LBB2_2:
0xf: {  	s18 =	simm.s32 $0x3  }
0x10: {  	s19 =	simm.s32 $0x1;
	v8 =	vmov s18  }
0x11: {  	s24 =	simm.s32 $0x2;
	v9 =	vmov s19;
	v8 =	vand.u32 $0x3F, v8  }
0x12: {  	v10 =	vmov s24;
	v9 =	vand.u32 $0x3D, v9;
	v14 =	vbroadcast v8, $0x0  }
0x13: {  	s25 =	sshll.u32 s17, $0x7;
	s26 =	simm.s32 $0x0;
	v17 =	vbroadcast v9, $0x0;
	v8 =	vand.u32 $0x3E, v10  }
0x14: {  	s18 =	sand.u32 $0x3FFFFF80, s25;
	v9 =	vmov s26;
	v16 =	vbroadcast v8, $0x0;
	v8 =	vor.u32 v0, v14  }
0x15: {  	[tilespmem:s12], [sflag:$0x1] =	stream.indirect.gather [hbm4b:s4+s9], $0x40, s18, s9, $0xb8;
	v9 =	vand.u32 $0x3C, v9;
	v10 =	vor.u32 v0, v17;
	[tilespmem:$0x4C80] =	vst v63  }
0x16: {  	_ =	swait.ge [sflag:s13], $0x2000;
	v12 =	vbroadcast v9, $0x0;
	v9 =	vor.u32 v0, v16  }
0x17: {  	[sflag:s13] =	ssyncset.done $0x0  }
0x18: {  	[sflag:s13] =	ssyncadd.s32 $0xFFFFE000;
	v11 =	vor.u32 v0, v12  }
0x19: {  	v8 =	vld.idx.msk [tilespmem:v8+s12+$0x0], $0xffff  }
0x1a: {  	v13 =	vor.u32 v1, v14;
	v10 =	vld.idx.msk [tilespmem:v10+s12+$0x0], $0xffff  }
0x1b: {  	v15 =	vor.u32 v1, v17;
	v9 =	vld.idx.msk [tilespmem:v9+s12+$0x0], $0xffff  }
0x1c: {  	v18 =	vor.u32 v1, v16  }
0x1d: {  	s19 =	simm.s32 $0x2D80;
	v11 =	vld.idx.msk [tilespmem:v11+s12+$0x0], $0xffff  }
0x1e: {  	v19 =	vor.u32 v1, v12;
	[tilespmem:s19+$0x80] =	vst v8  }
0x1f: {  	[tilespmem:s19+$0xFFFFFF80] =	vst v10;
	v8 =	vld.idx.msk [tilespmem:v13+s12+$0x0], $0xffff  }
0x20: {  	v10 =	vld.idx.msk [tilespmem:v15+s12+$0x0], $0xffff;
	[tilespmem:s19+$0x0] =	vst v9;
	v9 =	vor.u32 v2, v14  }
0x21: {  	v15 =	vor.u32 v2, v17;
	v13 =	vld.idx.msk [tilespmem:v18+s12+$0x0], $0xffff  }
0x22: {  	[tilespmem:s19+$0xFFFFFF00] =	vst v11;
	v11 =	vor.u32 v2, v16  }
0x23: {  	v18 =	vld.idx.msk [tilespmem:v19+s12+$0x0], $0xffff  }
0x24: {  	s28 =	simm.s32 $0x4;
	v19 =	vor.u32 v2, v12;
	[tilespmem:s19+$0x90] =	vst v8  }
0x25: {  	v8 =	vmov s28;
	[tilespmem:s19+$0xFFFFFF90] =	vst v10;
	v10 =	vld.idx.msk [tilespmem:v9+s12+$0x0], $0xffff  }
0x26: {  	s29 =	simm.s32 $0x5;
	v8 =	vand.u32 $0x3C, v8;
	v15 =	vld.idx.msk [tilespmem:v15+s12+$0x0], $0xffff;
	[tilespmem:s19+$0x10] =	vst v13;
	v13 =	vor.u32 v3, v14  }
0x27: {  	v20 =	vor.u32 v3, v17;
	v9 =	vmov s29;
	v8 =	vbroadcast v8, $0x0;
	v11 =	vld.idx.msk [tilespmem:v11+s12+$0x0], $0xffff  }
0x28: {  	v9 =	vand.u32 $0x3D, v9;
	[tilespmem:s19+$0xFFFFFF10] =	vst v18;
	v18 =	vor.u32 v3, v16  }
0x29: {  	v9 =	vbroadcast v9, $0x0;
	v19 =	vld.idx.msk [tilespmem:v19+s12+$0x0], $0xffff;
	v21 =	vor.u32 v0, v8  }
0x2a: {  	s30 =	simm.s32 $0x7;
	v22 =	vor.u32 v3, v12;
	[tilespmem:s19+$0xA0] =	vst v10  }
0x2b: {  	s31 =	simm.s32 $0x6;
	v23 =	vor.u32 v0, v9;
	[tilespmem:s19+$0xFFFFFFA0] =	vst v15;
	v10 =	vmov s30;
	v15 =	vld.idx.msk [tilespmem:v13+s12+$0x0], $0xffff  }
0x2c: {  	v25 =	vmov s31;
	v20 =	vld.idx.msk [tilespmem:v20+s12+$0x0], $0xffff;
	[tilespmem:s19+$0x20] =	vst v11;
	v11 =	vor.u32 v4, v14;
	v10 =	vand.u32 $0x3F, v10  }
0x2d: {  	v24 =	vor.u32 v4, v17;
	v18 =	vld.idx.msk [tilespmem:v18+s12+$0x0], $0xffff;
	v13 =	vbroadcast v10, $0x0;
	v10 =	vand.u32 $0x3E, v25  }
0x2e: {  	[tilespmem:s19+$0xFFFFFF20] =	vst v19;
	v19 =	vor.u32 v4, v16;
	v21 =	vld.idx.msk [tilespmem:v21+s12+$0x0], $0xffff;
	v10 =	vbroadcast v10, $0x0  }
0x2f: {  	v22 =	vld.idx.msk [tilespmem:v22+s12+$0x0], $0xffff;
	v25 =	vor.u32 v0, v13  }
0x30: {  	v23 =	vld.idx.msk [tilespmem:v23+s12+$0x0], $0xffff;
	v26 =	vor.u32 v0, v10;
	[tilespmem:s19+$0xB0] =	vst v15  }
0x31: {  	s20 =	simm.s32 $0x8;
	v15 =	vor.u32 v4, v12;
	[tilespmem:s19+$0xFFFFFFB0] =	vst v20;
	v20 =	vld.idx.msk [tilespmem:v11+s12+$0x0], $0xffff  }
0x32: {  	v11 =	vmov s20;
	v24 =	vld.idx.msk [tilespmem:v24+s12+$0x0], $0xffff;
	[tilespmem:s19+$0x30] =	vst v18;
	v18 =	vor.u32 v5, v14  }
0x33: {  	v27 =	vor.u32 v5, v17;
	v11 =	vand.u32 $0x3C, v11;
	v19 =	vld.idx.msk [tilespmem:v19+s12+$0x0], $0xffff  }
0x34: {  	[tilespmem:s19+$0xFFFFFF30] =	vst v22;
	v11 =	vbroadcast v11, $0x0;
	v22 =	vld.idx.msk [tilespmem:v25+s12+$0x0], $0xffff;
	v25 =	vor.u32 v5, v16  }
0x35: {  	v30 =	vor.u32 v1, v13;
	v26 =	vld.idx.msk [tilespmem:v26+s12+$0x0], $0xffff  }
0x36: {  	v28 =	vor.u32 v0, v11;
	v29 =	vld.idx.msk [tilespmem:v15+s12+$0x0], $0xffff;
	[tilespmem:s19+$0xC0] =	vst v20  }
0x37: {  	v20 =	vor.u32 v1, v9;
	[tilespmem:s19+$0xFFFFFFC0] =	vst v24;
	v18 =	vld.idx.msk [tilespmem:v18+s12+$0x0], $0xffff  }
0x38: {  	s18 =	simm.s32 $0x2F80;
	v24 =	vor.u32 v1, v10;
	v27 =	vld.idx.msk [tilespmem:v27+s12+$0x0], $0xffff;
	[tilespmem:s19+$0x40] =	vst v19  }
0x39: {  	v19 =	vld.idx.msk [tilespmem:v25+s12+$0x0], $0xffff;
	v25 =	vor.u32 v6, v14;
	[tilespmem:s18+$0x80] =	vst v22  }
0x3a: {  	[tilespmem:s18+$0xFFFFFF80] =	vst v23;
	v23 =	vor.u32 v5, v12;
	v22 =	vld.idx.msk [tilespmem:v30+s12+$0x0], $0xffff  }
0x3b: {  	[tilespmem:s18+$0xFFFFFF00] =	vst v21;
	v15 =	vld.idx.msk [tilespmem:v28+s12+$0x0], $0xffff;
	v28 =	vor.u32 v1, v8  }
0x3c: {  	[tilespmem:s18+$0x0] =	vst v26;
	v26 =	vor.u32 v6, v17;
	v20 =	vld.idx.msk [tilespmem:v20+s12+$0x0], $0xffff  }
0x3d: {  	v30 =	vor.u32 v2, v13;
	v24 =	vld.idx.msk [tilespmem:v24+s12+$0x0], $0xffff;
	[tilespmem:s19+$0xD0] =	vst v18  }
0x3e: {  	v21 =	vor.u32 v2, v9;
	[tilespmem:s19+$0xFFFFFF40] =	vst v29;
	v25 =	vld.idx.msk [tilespmem:v25+s12+$0x0], $0xffff  }
0x3f: {  	v14 =	vor.u32 v7, v14;
	v23 =	vld.idx.msk [tilespmem:v23+s12+$0x0], $0xffff;
	[tilespmem:s19+$0xFFFFFFD0] =	vst v27  }
0x40: {  	v31 =	vor.u32 v2, v10;
	[tilespmem:s18+$0x90] =	vst v22;
	v28 =	vld.idx.msk [tilespmem:v28+s12+$0x0], $0xffff  }
0x41: {  	v32 =	vor.u32 v6, v12;
	v18 =	vld.idx.msk [tilespmem:v26+s12+$0x0], $0xffff;
	[tilespmem:s18+$0xFFFFFF90] =	vst v20  }
0x42: {  	s21 =	simm.s32 $0x9;
	v27 =	vor.u32 v2, v8;
	v20 =	vld.idx.msk [tilespmem:v30+s12+$0x0], $0xffff;
	[tilespmem:s18+$0x10] =	vst v24  }
0x43: {  	v22 =	vor.u32 v6, v16;
	v30 =	vld.idx.msk [tilespmem:v21+s12+$0x0], $0xffff;
	v21 =	vmov s21;
	[tilespmem:s19+$0xE0] =	vst v25  }
0x44: {  	v33 =	vor.u32 v3, v13;
	[tilespmem:s19+$0xFFFFFF50] =	vst v23;
	v26 =	vld.idx.msk [tilespmem:v14+s12+$0x0], $0xffff;
	v14 =	vand.u32 $0x3D, v21  }
0x45: {  	v31 =	vld.idx.msk [tilespmem:v31+s12+$0x0], $0xffff;
	[tilespmem:s18+$0xFFFFFF10] =	vst v28;
	v28 =	vor.u32 v3, v9;
	v14 =	vbroadcast v14, $0x0  }
0x46: {  	v29 =	vor.u32 v3, v10;
	[tilespmem:s19+$0x50] =	vst v19;
	v19 =	vld.idx.msk [tilespmem:v32+s12+$0x0], $0xffff  }
0x47: {  	v24 =	vld.idx.msk [tilespmem:v27+s12+$0x0], $0xffff;
	[tilespmem:s18+$0xA0] =	vst v20;
	v20 =	vor.u32 v0, v14  }
0x48: {  	v21 =	vld.idx.msk [tilespmem:v22+s12+$0x0], $0xffff;
	v27 =	vor.u32 v3, v8  }
0x49: {  	v25 =	vor.u32 v7, v17;
	[tilespmem:s18+$0xFFFFFFA0] =	vst v30;
	v22 =	vld.idx.msk [tilespmem:v33+s12+$0x0], $0xffff  }
0x4a: {  	s22 =	simm.s32 $0xB;
	s21 =	simm.s32 $0xC;
	[tilespmem:s18+$0x20] =	vst v31;
	v23 =	vld.idx.msk [tilespmem:v28+s12+$0x0], $0xffff;
	v28 =	vor.u32 v7, v16  }
.LBB2_3:
0x4b: {  	p0 =	slt.u32 s21, $0x3C;
	v16 =	vmov s22;
	v17 =	vld.idx.msk [tilespmem:v29+s12+$0x0], $0xffff;
	v29 =	vor.u32 v4, v13;
	[tilespmem:s19+$0xF0] =	vst v26  }
0x4c: {  	s22 =	sadd.s32 $0x2, s20;
	s20 =	smov.u32 s21;
	v20 =	vld.idx.msk [tilespmem:v20+s12+$0x0], $0xffff;
	v16 =	vand.u32 $0x3F, v16;
	[tilespmem:s18+$0xFFFFFF20] =	vst v24;
	v24 =	vor.u32 v4, v9  }
0x4d: {  	v30 =	vor.u32 v4, v10;
	v26 =	vmov s22;
	v16 =	vbroadcast v16, $0x0;
	v27 =	vld.idx.msk [tilespmem:v27+s12+$0x0], $0xffff;
	[tilespmem:s19+$0xFFFFFFE0] =	vst v18  }
0x4e: {  	v18 =	vand.u32 $0x3E, v26;
	v26 =	vor.u32 v7, v12;
	v12 =	vmovc v8;
	v8 =	vmov v11;
	v25 =	vld.idx.msk [tilespmem:v25+s12+$0x0], $0xffff;
	[tilespmem:s19+$0x60] =	vst v21  }
0x4f: {  	v31 =	vbroadcast v18, $0x0;
	v18 =	vor.u32 v0, v16;
	[tilespmem:s18+$0xB0] =	vst v22;
	v21 =	vld.idx.msk [tilespmem:v28+s12+$0x0], $0xffff  }
0x50: {  	v22 =	vor.u32 v4, v12;
	[tilespmem:s18+$0xFFFFFFB0] =	vst v23;
	v23 =	vld.idx.msk [tilespmem:v29+s12+$0x0], $0xffff  }
0x51: {  	v11 =	vmov s21;
	v28 =	vor.u32 v0, v31;
	v24 =	vld.idx.msk [tilespmem:v24+s12+$0x0], $0xffff;
	[tilespmem:s18+$0x30] =	vst v17  }
0x52: {  	v11 =	vand.u32 $0x3C, v11;
	v29 =	vor.u32 v5, v13;
	v17 =	vld.idx.msk [tilespmem:v30+s12+$0x0], $0xffff;
	[tilespmem:s19+$0xFFFFFF60] =	vst v19  }
0x53: {  	v11 =	vbroadcast v11, $0x0;
	v19 =	vor.u32 v5, v9;
	[tilespmem:s18+$0xFFFFFF30] =	vst v27;
	v26 =	vld.idx.msk [tilespmem:v26+s12+$0x0], $0xffff  }
0x54: {  	v27 =	vor.u32 v5, v10;
	v18 =	vld.idx.msk [tilespmem:v18+s12+$0x0], $0xffff;
	[tilespmem:s19+$0xFFFFFFF0] =	vst v25  }
0x55: {  	v25 =	vor.u32 v0, v11;
	v22 =	vld.idx.msk [tilespmem:v22+s12+$0x0], $0xffff;
	[tilespmem:s19+$0x70] =	vst v21  }
0x56: {  	v21 =	vld.idx.msk [tilespmem:v28+s12+$0x0], $0xffff;
	v28 =	vor.u32 v1, v16;
	[tilespmem:s18+$0xC0] =	vst v23  }
0x57: {  	v23 =	vor.u32 v1, v14;
	[tilespmem:s18+$0xFFFFFFC0] =	vst v24;
	v24 =	vld.idx.msk [tilespmem:v29+s12+$0x0], $0xffff  }
0x58: {  	v29 =	vor.u32 v1, v31;
	v19 =	vld.idx.msk [tilespmem:v19+s12+$0x0], $0xffff;
	[tilespmem:s18+$0x40] =	vst v17  }
0x59: {  	v17 =	vld.idx.msk [tilespmem:v27+s12+$0x0], $0xffff;
	v27 =	vor.u32 v6, v13;
	[tilespmem:s19+$0xFFFFFF70] =	vst v26;
	s19 =	smov.u32 s18;
	s18 =	sadd.s32 $0x200, s18  }
0x5a: {  	v26 =	vor.u32 v1, v8;
	v25 =	vld.idx.msk [tilespmem:v25+s12+$0x0], $0xffff;
	[tilespmem:s18+$0x80] =	vst v18  }
0x5b: {  	[tilespmem:s18+$0xFFFFFF80] =	vst v20;
	v18 =	vld.idx.msk [tilespmem:v28+s12+$0x0], $0xffff;
	v20 =	vor.u32 v5, v12  }
0x5c: {  	v23 =	vld.idx.msk [tilespmem:v23+s12+$0x0], $0xffff;
	[tilespmem:s18+$0x0] =	vst v21;
	v21 =	vor.u32 v6, v9  }
0x5d: {  	v28 =	vld.idx.msk [tilespmem:v29+s12+$0x0], $0xffff;
	v29 =	vor.u32 v2, v16;
	[tilespmem:s19+$0xD0] =	vst v24  }
0x5e: {  	v24 =	vor.u32 v2, v14;
	[tilespmem:s18+$0xFFFFFF00] =	vst v15;
	v27 =	vld.idx.msk [tilespmem:v27+s12+$0x0], $0xffff  }
0x5f: {  	v30 =	vor.u32 v2, v31;
	v26 =	vld.idx.msk [tilespmem:v26+s12+$0x0], $0xffff;
	[tilespmem:s19+$0xFFFFFF40] =	vst v22  }
0x60: {  	v15 =	vmov v25;
	v22 =	vld.idx.msk [tilespmem:v20+s12+$0x0], $0xffff;
	[tilespmem:s19+$0xFFFFFFD0] =	vst v19;
	v19 =	vor.u32 v7, v13;
	v13 =	vmov v16  }
0x61: {  	v16 =	vor.u32 v2, v8;
	[tilespmem:s18+$0x90] =	vst v18;
	v18 =	vld.idx.msk [tilespmem:v21+s12+$0x0], $0xffff  }
0x62: {  	s22 =	sadd.s32 $0x1, s21;
	v21 =	vor.u32 v6, v10;
	[tilespmem:s18+$0xFFFFFF90] =	vst v23;
	v23 =	vld.idx.msk [tilespmem:v29+s12+$0x0], $0xffff  }
0x63: {  	v20 =	vmov s22;
	v25 =	vld.idx.msk [tilespmem:v24+s12+$0x0], $0xffff;
	[tilespmem:s18+$0x10] =	vst v28;
	v28 =	vor.u32 v6, v12  }
0x64: {  	v20 =	vand.u32 $0x3D, v20;
	v32 =	vor.u32 v3, v13;
	v30 =	vld.idx.msk [tilespmem:v30+s12+$0x0], $0xffff;
	[tilespmem:s19+$0xE0] =	vst v27  }
0x65: {  	v34 =	vor.u32 v3, v14;
	v33 =	vbroadcast v20, $0x0;
	[tilespmem:s18+$0xFFFFFF10] =	vst v26;
	v26 =	vld.idx.msk [tilespmem:v19+s12+$0x0], $0xffff  }
.Ltmp0:
0x66: {  	v29 =	vor.u32 v3, v31;
	v24 =	vld.idx.msk [tilespmem:v16+s12+$0x0], $0xffff;
	[tilespmem:s19+$0x50] =	vst v17;
	(pc) =	sbr.rel @p0 .LBB2_3-.Ltmp0, $4  }
0x67: {  	v20 =	vor.u32 v0, v33;
	[tilespmem:s19+$0xFFFFFF50] =	vst v22;
	v21 =	vld.idx.msk [tilespmem:v21+s12+$0x0], $0xffff  }
0x68: {  	v27 =	vor.u32 v3, v8;
	[tilespmem:s18+$0xA0] =	vst v23;
	v19 =	vld.idx.msk [tilespmem:v28+s12+$0x0], $0xffff  }
0x69: {  	[tilespmem:s18+$0xFFFFFFA0] =	vst v25;
	v22 =	vld.idx.msk [tilespmem:v32+s12+$0x0], $0xffff;
	v25 =	vor.u32 v7, v9;
	v9 =	vmov v14;
	v14 =	vmov v33  }
0x6a: {  	s21 =	sadd.s32 $0x4, s21;
	s22 =	sadd.s32 $0x3, s20;
	v28 =	vor.u32 v7, v10;
	v10 =	vmov v31;
	v23 =	vld.idx.msk [tilespmem:v34+s12+$0x0], $0xffff;
	[tilespmem:s18+$0x20] =	vst v30  }
0x6b: {  	_ = 	snop  }
0x6c: {  	[tilespmem:s19+$0xF0] =	vst v26  }
0x6d: {  	[tilespmem:s18+$0xFFFFFF20] =	vst v24  }
0x6e: {  	v16 =	vmov s22;
	s20 =	sadd.s32 $0x2, s20;
	[tilespmem:s19+$0xFFFFFFE0] =	vst v18  }
0x6f: {  	v63 =	vld.idx.msk [tilespmem:v29+s12+$0x0], $0xffff;
	v33 =	vor.u32 v4, v13;
	s29 =	sadd.s32 $0x200, s18;
	v16 =	vand.u32 $0x3F, v16;
	v30 =	vmov s20;
	[tilespmem:s19+$0x60] =	vst v21  }
0x70: {  	v34 =	vor.u32 v4, v9;
	v20 =	vld.idx.msk [tilespmem:v20+s12+$0x0], $0xffff;
	[tilespmem:s29+$0xFFFFFF00] =	vst v15;
	v17 =	vbroadcast v16, $0x0;
	v37 =	vand.u32 $0x3E, v30  }
0x71: {  	v12 =	vor.u32 v7, v12;
	v35 =	vld.idx.msk [tilespmem:v27+s12+$0x0], $0xffff;
	[tilespmem:s19+$0xFFFFFF60] =	vst v19;
	v16 =	vbroadcast v37, $0x0  }
0x72: {  	v38 =	vld.idx.msk [tilespmem:v25+s12+$0x0], $0xffff;
	[tilespmem:s18+$0xB0] =	vst v22;
	v39 =	vor.u32 v0, v17  }
0x73: {  	v40 =	vld.idx.msk [tilespmem:v28+s12+$0x0], $0xffff;
	[tilespmem:s18+$0xFFFFFFB0] =	vst v23;
	v42 =	vor.u32 v0, v16  }
0x74: {  	v49 =	vor.u32 v1, v11;
	v41 =	vld.idx.msk [tilespmem:v33+s12+$0x0], $0xffff;
	[tilespmem:s18+$0x30] =	vst v63  }
0x75: {  	v47 =	vor.u32 v1, v14;
	v24 =	vld.idx.msk [tilespmem:v34+s12+$0x0], $0xffff;
	[tilespmem:s29+$0xFFFFFF80] =	vst v20  }
0x76: {  	v36 =	vor.u32 v4, v10;
	v12 =	vld.idx.msk [tilespmem:v12+s12+$0x0], $0xffff;
	[tilespmem:s18+$0xFFFFFF30] =	vst v35  }
0x77: {  	v44 =	vor.u32 v5, v13;
	[tilespmem:s19+$0xFFFFFFF0] =	vst v38;
	v25 =	vld.idx.msk [tilespmem:v39+s12+$0x0], $0xffff  }
0x78: {  	v45 =	vor.u32 v1, v17;
	[tilespmem:s19+$0x70] =	vst v40;
	v46 =	vld.idx.msk [tilespmem:v42+s12+$0x0], $0xffff  }
0x79: {  	v48 =	vor.u32 v1, v16;
	v57 =	vld.idx.msk [tilespmem:v49+s12+$0x0], $0xffff;
	[tilespmem:s18+$0xC0] =	vst v41  }
0x7a: {  	v50 =	vor.u32 v4, v8;
	v53 =	vld.idx.msk [tilespmem:v47+s12+$0x0], $0xffff;
	[tilespmem:s18+$0xFFFFFFC0] =	vst v24  }
0x7b: {  	v56 =	vor.u32 v2, v14;
	v43 =	vld.idx.msk [tilespmem:v36+s12+$0x0], $0xffff;
	[tilespmem:s19+$0xFFFFFF70] =	vst v12  }
0x7c: {  	v62 =	vor.u32 v5, v10;
	v18 =	vld.idx.msk [tilespmem:v44+s12+$0x0], $0xffff;
	[tilespmem:s29+$0x80] =	vst v25  }
0x7d: {  	v60 =	vor.u32 v2, v11;
	v52 =	vld.idx.msk [tilespmem:v45+s12+$0x0], $0xffff;
	[tilespmem:s29+$0x0] =	vst v46  }
0x7e: {  	v54 =	vor.u32 v2, v17;
	[tilespmem:s29+$0xFFFFFF10] =	vst v57;
	v55 =	vld.idx.msk [tilespmem:v48+s12+$0x0], $0xffff  }
0x7f: {  	v58 =	vor.u32 v2, v16;
	v59 =	vld.idx.msk [tilespmem:v50+s12+$0x0], $0xffff;
	[tilespmem:s29+$0xFFFFFF90] =	vst v53  }
0x80: {  	v33 =	vor.u32 v5, v8;
	[tilespmem:s18+$0x40] =	vst v43;
	v15 =	vld.idx.msk [tilespmem:v56+s12+$0x0], $0xffff  }
0x81: {  	v61 =	vor.u32 v6, v13;
	v20 =	vld.idx.msk [tilespmem:v62+s12+$0x0], $0xffff;
	[tilespmem:s18+$0xD0] =	vst v18  }
0x82: {  	v29 =	vor.u32 v3, v14;
	v18 =	vld.idx.msk [tilespmem:v60+s12+$0x0], $0xffff;
	[tilespmem:s29+$0x90] =	vst v52  }
0x83: {  	v32 =	vor.u32 v3, v11;
	v63 =	vld.idx.msk [tilespmem:v54+s12+$0x0], $0xffff;
	[tilespmem:s29+$0x10] =	vst v55  }
0x84: {  	v28 =	vor.u32 v3, v17;
	[tilespmem:s18+$0xFFFFFF40] =	vst v59;
	v19 =	vld.idx.msk [tilespmem:v58+s12+$0x0], $0xffff  }
0x85: {  	v30 =	vor.u32 v3, v16;
	v41 =	vld.idx.msk [tilespmem:v33+s12+$0x0], $0xffff;
	[tilespmem:s29+$0xFFFFFFA0] =	vst v15  }
0x86: {  	v51 =	vor.u32 v5, v9;
	v31 =	vld.idx.msk [tilespmem:v61+s12+$0x0], $0xffff;
	[tilespmem:s18+$0x50] =	vst v20  }
0x87: {  	v34 =	vor.u32 v7, v13;
	v12 =	vld.idx.msk [tilespmem:v29+s12+$0x0], $0xffff;
	[tilespmem:s29+$0xFFFFFF20] =	vst v18  }
0x88: {  	v38 =	vor.u32 v4, v14;
	v39 =	vld.idx.msk [tilespmem:v32+s12+$0x0], $0xffff;
	[tilespmem:s29+$0xA0] =	vst v63  }
0x89: {  	v42 =	vor.u32 v4, v11;
	v35 =	vld.idx.msk [tilespmem:v28+s12+$0x0], $0xffff;
	[tilespmem:s29+$0x20] =	vst v19  }
0x8a: {  	v36 =	vor.u32 v4, v17;
	[tilespmem:s18+$0xFFFFFF50] =	vst v41;
	v37 =	vld.idx.msk [tilespmem:v30+s12+$0x0], $0xffff  }
0x8b: {  	v40 =	vor.u32 v4, v16;
	v25 =	vld.idx.msk [tilespmem:v51+s12+$0x0], $0xffff;
	[tilespmem:s18+$0xE0] =	vst v31  }
0x8c: {  	v44 =	vor.u32 v6, v10;
	v13 =	vld.idx.msk [tilespmem:v34+s12+$0x0], $0xffff;
	[tilespmem:s29+$0xFFFFFFB0] =	vst v12  }
0x8d: {  	v43 =	vor.u32 v6, v9;
	v18 =	vld.idx.msk [tilespmem:v38+s12+$0x0], $0xffff;
	[tilespmem:s29+$0xFFFFFF30] =	vst v39  }
0x8e: {  	v47 =	vor.u32 v5, v14;
	v20 =	vld.idx.msk [tilespmem:v42+s12+$0x0], $0xffff;
	[tilespmem:s29+$0xB0] =	vst v35  }
0x8f: {  	v50 =	vor.u32 v5, v11;
	v45 =	vld.idx.msk [tilespmem:v36+s12+$0x0], $0xffff;
	[tilespmem:s29+$0x30] =	vst v37  }
0x90: {  	v46 =	vor.u32 v5, v17;
	[tilespmem:s18+$0xFFFFFFD0] =	vst v25;
	v21 =	vld.idx.msk [tilespmem:v40+s12+$0x0], $0xffff  }
0x91: {  	v48 =	vor.u32 v5, v16;
	v15 =	vld.idx.msk [tilespmem:v44+s12+$0x0], $0xffff;
	[tilespmem:s18+$0xF0] =	vst v13  }
0x92: {  	v51 =	vor.u32 v6, v8;
	v49 =	vld.idx.msk [tilespmem:v43+s12+$0x0], $0xffff;
	[tilespmem:s29+$0xFFFFFFC0] =	vst v18  }
0x93: {  	v52 =	vor.u32 v7, v9;
	v18 =	vld.idx.msk [tilespmem:v47+s12+$0x0], $0xffff;
	[tilespmem:s29+$0xFFFFFF40] =	vst v20  }
0x94: {  	v54 =	vor.u32 v6, v14;
	v13 =	vld.idx.msk [tilespmem:v50+s12+$0x0], $0xffff;
	[tilespmem:s29+$0xC0] =	vst v45  }
0x95: {  	v57 =	vor.u32 v6, v11;
	v12 =	vld.idx.msk [tilespmem:v46+s12+$0x0], $0xffff;
	[tilespmem:s29+$0x40] =	vst v21  }
0x96: {  	v53 =	vor.u32 v6, v17;
	[tilespmem:s18+$0x60] =	vst v15;
	v21 =	vld.idx.msk [tilespmem:v48+s12+$0x0], $0xffff  }
0x97: {  	v56 =	vld.idx.msk [tilespmem:v51+s12+$0x0], $0xffff;
	v55 =	vor.u32 v6, v16;
	[tilespmem:s18+$0xFFFFFFE0] =	vst v49  }
0x98: {  	v8 =	vor.u32 v7, v8;
	v9 =	vld.idx.msk [tilespmem:v52+s12+$0x0], $0xffff;
	[tilespmem:s29+$0xFFFFFFD0] =	vst v18  }
0x99: {  	v58 =	vor.u32 v7, v10;
	v18 =	vld.idx.msk [tilespmem:v54+s12+$0x0], $0xffff;
	[tilespmem:s29+$0xFFFFFF50] =	vst v13  }
0x9a: {  	v60 =	vor.u32 v7, v14;
	v15 =	vld.idx.msk [tilespmem:v57+s12+$0x0], $0xffff;
	[tilespmem:s29+$0xD0] =	vst v12  }
0x9b: {  	v61 =	vor.u32 v7, v11;
	v12 =	vld.idx.msk [tilespmem:v53+s12+$0x0], $0xffff;
	[tilespmem:s29+$0x50] =	vst v21  }
0x9c: {  	v17 =	vor.u32 v7, v17;
	[tilespmem:s18+$0xFFFFFF60] =	vst v56;
	v59 =	vld.idx.msk [tilespmem:v55+s12+$0x0], $0xffff  }
0x9d: {  	v16 =	vor.u32 v7, v16;
	v8 =	vld.idx.msk [tilespmem:v8+s12+$0x0], $0xffff;
	[tilespmem:s18+$0xFFFFFFF0] =	vst v9  }
0x9e: {  	v10 =	vld.idx.msk [tilespmem:v58+s12+$0x0], $0xffff;
	[tilespmem:s29+$0xFFFFFFE0] =	vst v18  }
0x9f: {  	v63 =	vld.idx.msk [tilespmem:v60+s12+$0x0], $0xffff;
	[tilespmem:s29+$0xFFFFFF60] =	vst v15  }
0xa0: {  	v9 =	vld.idx.msk [tilespmem:v61+s12+$0x0], $0xffff;
	[tilespmem:s29+$0xE0] =	vst v12  }
0xa1: {  	v62 =	vld.idx.msk [tilespmem:v17+s12+$0x0], $0xffff;
	[tilespmem:s29+$0x60] =	vst v59  }
0xa2: {  	[tilespmem:s18+$0xFFFFFF70] =	vst v8;
	v13 =	vld.idx.msk [tilespmem:v16+s12+$0x0], $0xffff  }
0xa3: {  	[tilespmem:s18+$0x70] =	vst v10  }
0xa4: {  	s30 =	sshll.u32 s17, $0x11;
	[tilespmem:s29+$0xFFFFFFF0] =	vst v63  }
0xa5: {  	s18 =	sor.u32 s3, s30;
	[tilespmem:s29+$0xFFFFFF70] =	vst v9  }
0xa6: {  	s18 =	sshrl.u32 s18, $0x3;
	[tilespmem:s29+$0xF0] =	vst v62  }
0xa7: {  	s31 =	sadd.s32 s5, s18;
	[tilespmem:s29+$0x70] =	vst v13  }
0xa8: {  	[hbm4b:s31+s9] =	stream.strided.scatter [tilespmem:s14], [sflag:$0x2], $0x1000, s10, s9, $0x38;
	[tilespmem:$0x4C80] =	vst v63  }
0xa9: {  	s17 =	sadd.s32 $0x1, s17;
	_ =	swait.ge [sflag:s11], $0x1000  }
0xaa: {  	p0 =	sne.s32 s17, $0x19;
	[sflag:s11] =	ssyncset.done $0x0  }
.Ltmp1:
0xab: {  	s18 =	sadd.s32 s6, s18;
	[sflag:s11] =	ssyncadd.s32 $0xFFFFF000;
	(pc) =	sbr.rel @p0 .LBB2_2-.Ltmp1, $4  }
0xac: {  	[hbm4b:s18+s9] =	stream.strided.scatter [tilespmem:s15], [sflag:$0x2], $0x1000, s10, s9, $0x38;
	[tilespmem:$0x4C80] =	vst v63  }
0xad: {  	_ =	swait.ge [sflag:s11], $0x1000  }
0xae: {  	[sflag:s11] =	ssyncset.done $0x0  }
0xaf: {  	[sflag:s11] =	ssyncadd.s32 $0xFFFFF000  }
0xb0: {  	s16 =	sadd.s32 $0x1, s16  }
0xb1: {  	p0 =	sne.s32 s16, s8  }
.Ltmp2:
0xb2: {  	_ = 	snop;
	(pc) =	sbr.rel @p0 .LBB2_1-.Ltmp2, $1  }
0xb3: {  	_ =	sdelay $0x3  }
0xb4: {  	_ =	sfence.sel $0x180000  }
0xb5: {  	[bflag:$0x0] =	sbarrier.arrive $0xFFFF  }
0xb6: {  	p0 =	sne.s32 s0, $0x0;
	_ =	strace $0x90000053  }
0xb7: {  	s0 =	sadd.s32 @!p0 $0x100000, s1;
	[bflag:$0x2] =	sbarrier.arrive $0xFFFF  }
0xb8: {  	[sflag:s0] =	ssyncadd.tile.s32 @!p0 $0x1;
	_ =	shalt  }
.Lfunc_end2:
_tile_overlayer_lowered:
.L_overlay_start_2:
0xb9: {  	(tag) =	ssettag $0x2  }
0xba: {  	s0 =	rddreg [dreg:$0x0];
	s2 =	stileid.u32  }
0xbb: {  	s1 =	rddreg [dreg:$0x1];
	p0 =	sne.s32 s2, $0x0  }
0xbc: {  	s3 =	rddreg [dreg:$0x2];
	[bflag:$0x3] =	sbarrier.arrive $0xFFFF;
	s2 =	simm.s32 @!p0 $0x1C02  }
0xbd: {  	[timem:s3], [sflag:s2] =	dma.local @!p0 [hbm:s0], s1  }
0xbe: {  	s0 =	simm.s32 @!p0 $0x2  }
0xbf: {  	_ =	swait.ge @!p0 [sflag:s0], s1  }
0xc0: {  	s1 =	ssub.s32 @!p0 $0x0, s1;
	[sflag:s0] =	ssyncset.done @!p0 $0x0  }
0xc1: {  	[sflag:s0] =	ssyncadd.s32 @!p0 s1  }
0xc2: {  	[bflag:$0x3] =	sbarrier.arrive $0xFFFF  }
0xc3: {  	_ =	shalt  }

// kernel: kernel.25.cloned.1.call-start
scs
__scs_entry_jumppad:
0x0: {  	(pc) =	sbr.rel $0x88, $3  }
0x1: {  	(tag) =	ssettag $0x0;
	lr =	simm.s32 $0x1  }
0x2: {  	[smem:$0x3F9F] =	sst lr;
	_ =	strace $0xD0000000  }
0x3: {  	_ = 	snop  }
0x4: {  	_ = 	snop  }
0x5: {  	_ = 	snop  }
0x6: {  	_ = 	snop  }
0x7: {  	_ = 	snop  }
__scs_overlays_trampoline_lowered:
0x8: {  	[smem:$0x3FAE] =	sst s0  }
0x9: {  	[smem:$0x3FAF] =	sst s1  }
0xa: {  	[smem:$0x3FB0] =	sst s2  }
0xb: {  	[smem:$0x3FB1] =	sst s3  }
0xc: {  	[smem:$0x3FB2] =	sst s4  }
0xd: {  	[smem:$0x3FB3] =	sst s5  }
0xe: {  	[smem:$0x3FB4] =	sst s6  }
0xf: {  	[smem:$0x3FB5] =	sst s7  }
0x10: {  	[smem:$0x3FB6] =	sst s8  }
0x11: {  	[smem:$0x3FB7] =	sst s9;
	s0 =	simm.s32 @!p0 $0x0  }
0x12: {  	s1 =	sld [smem:$0x3F9D];
	s0 =	simm.s32 @p0 $0x1  }
0x13: {  	[smem:$0x3FB8] =	sst s0;
	s0 =	simm.s32 @!p1 $0x0  }
0x14: {  	s2 =	sld [smem:$0x3F9C];
	s0 =	simm.s32 @p1 $0x1  }
0x15: {  	[smem:$0x3FB9] =	sst s0;
	s0 =	simm.s32 @!p2 $0x0  }
0x16: {  	s3 =	sld [smem:$0x3FDB];
	s0 =	simm.s32 @p2 $0x1  }
0x17: {  	s4 =	simm.s32 $0x1BF5;
	[smem:$0x3FBB] =	sst s0  }
0x18: {  	s0 =	sld [smem:$0x3F9E];
	_ =	swait.ge [sflag:s4], $0x0  }
0x19: {  	s7 =	sld [smem:$0x3F9F]  }
0x1a: {  	s8 =	sadd.s32 $0xFFFFE003, lr  }
0x1b: {  	s9 =	sadd.s32 $0xFFFFFEF7, lr;
	s5 =	simm.s32 $0xFFFFFFFF;
	p2 =	slt.u32 s8, $0xFFFFF086  }
0x1c: {  	p1 =	slt.u32 s9, $0xF7A;
	s5 =	simm.s32 @!p2 $0x0  }
0x1d: {  	s5 =	simm.s32 @p1 $0x1;
	p0 =	seq.s32 s7, s2  }
0x1e: {  	s7 =	smul.u32 @!p0 $0xF7A, s2;
	p2 =	seq.s32 @!p0 s5, $0x0  }
0x1f: {  	s9 =	smul.u32 $0xF7A, s1;
	s8 =	simm.s32 @!p0 $0x1BF5;
	p2 =	por !p2, p0  }
0x20: {  	[sflag:s8] =	ssyncset.s32 @!p0 $0xFFFFF086;
	s6 =	sadd.s32 @!p0 s3, s7;
	s7 =	simm.s32 @!p0 $0x108  }
0x21: {  	s3 =	sadd.s32 s3, s9;
	s6 =	sadd.s32 @!p0 $0x88, s6;
	s7 =	simm.s32 @p2 $0x1082  }
0x22: {  	[simem:s7], [sflag:s8] =	dma.local @!p0 [hbm:s6], $0xF7A  }
0x23: {  	s9 =	sor.u32 $0xD0000000, s2;
	s6 =	simm.s32 $0x108;
	_ =	swait.ge @!p0 [sflag:s8], $0x0  }
0x24: {  	s3 =	sadd.s32 $0x88, s3;
	s6 =	simm.s32 @!p1 $0x1082;
	[sflag:s4] =	ssyncset.s32 $0xFFFFF086  }
0x25: {  	[simem:s6], [sflag:s4] =	dma.local [hbm:s3], $0xF7A  }
0x26: {  	[smem:$0x3F9F] =	sst s1;
	(tag) =	ssettag s2;
	_ =	strace s9  }
0x27: {  	s1 =	sld [smem:$0x3FAF]  }
0x28: {  	s2 =	sld [smem:$0x3FB0]  }
0x29: {  	s4 =	sld [smem:$0x3FB2]  }
0x2a: {  	p0 =	seq.s32 s5, $0x0;
	s5 =	sld [smem:$0x3FB3]  }
0x2b: {  	s6 =	sld [smem:$0x3FB4]  }
0x2c: {  	s7 =	sld [smem:$0x3FB5]  }
0x2d: {  	s3 =	simm.s32 $0x108;
	s8 =	sld [smem:$0x3FB6]  }
0x2e: {  	s3 =	simm.s32 @!p0 $0x1082;
	s9 =	sld [smem:$0x3FB7]  }
0x2f: {  	lr =	sadd.s32 s0, s3;
	s0 =	sld [smem:$0x3FAE]  }
0x30: {  	s3 =	sld [smem:$0x3FB1]  }
0x31: {  	[smem:$0x3FBA] =	sst s10  }
0x32: {  	s10 =	sld [smem:$0x3FB8];
	_ =	sdelay $0x3  }
0x33: {  	p0 =	seq.s32 s10, $0x1;
	s10 =	sld [smem:$0x3FBA];
	_ =	sdelay $0x3  }
0x34: {  	[smem:$0x3FBA] =	sst s10  }
0x35: {  	s10 =	sld [smem:$0x3FB9];
	_ =	sdelay $0x3  }
0x36: {  	p1 =	seq.s32 s10, $0x1;
	s10 =	sld [smem:$0x3FBA];
	_ =	sdelay $0x3  }
0x37: {  	[smem:$0x3FBA] =	sst s10  }
0x38: {  	s10 =	sld [smem:$0x3FBB]  }
0x39: {  	_ = 	snop;
	(pc) =	sbr.ind lr, $3  }
0x3a: {  	_ = 	snop  }
0x3b: {  	_ = 	snop  }
0x3c: {  	p2 =	seq.s32 s10, $0x1;
	s10 =	sld [smem:$0x3FBA]  }
0x3d: {  	_ =	shalt  }
0x3e: {  	_ =	shalt  }
0x3f: {  	_ =	shalt  }
0x40: {  	_ =	shalt  }
0x41: {  	_ =	shalt  }
0x42: {  	_ =	shalt  }
0x43: {  	_ =	shalt  }
0x44: {  	_ =	shalt  }
0x45: {  	_ =	shalt  }
0x46: {  	_ =	shalt  }
0x47: {  	_ =	shalt  }
0x48: {  	_ =	shalt  }
0x49: {  	_ =	shalt  }
0x4a: {  	_ =	shalt  }
0x4b: {  	_ =	shalt  }
0x4c: {  	_ =	shalt  }
0x4d: {  	_ =	shalt  }
0x4e: {  	_ =	shalt  }
0x4f: {  	_ =	shalt  }
0x50: {  	_ =	shalt  }
0x51: {  	_ =	shalt  }
0x52: {  	_ =	shalt  }
0x53: {  	_ =	shalt  }
0x54: {  	_ =	shalt  }
0x55: {  	_ =	shalt  }
0x56: {  	_ =	shalt  }
0x57: {  	_ =	shalt  }
0x58: {  	_ =	shalt  }
0x59: {  	_ =	shalt  }
0x5a: {  	_ =	shalt  }
0x5b: {  	_ =	shalt  }
0x5c: {  	_ =	shalt  }
0x5d: {  	_ =	shalt  }
0x5e: {  	_ =	shalt  }
0x5f: {  	_ =	shalt  }
0x60: {  	_ =	shalt  }
0x61: {  	_ =	shalt  }
0x62: {  	_ =	shalt  }
0x63: {  	_ =	shalt  }
0x64: {  	_ =	shalt  }
0x65: {  	_ =	shalt  }
0x66: {  	_ =	shalt  }
0x67: {  	_ =	shalt  }
0x68: {  	_ =	shalt  }
0x69: {  	_ =	shalt  }
0x6a: {  	_ =	shalt  }
0x6b: {  	_ =	shalt  }
0x6c: {  	_ =	shalt  }
0x6d: {  	_ =	shalt  }
0x6e: {  	_ =	shalt  }
0x6f: {  	_ =	shalt  }
0x70: {  	_ =	shalt  }
0x71: {  	_ =	shalt  }
0x72: {  	_ =	shalt  }
0x73: {  	_ =	shalt  }
0x74: {  	_ =	shalt  }
0x75: {  	_ =	shalt  }
0x76: {  	_ =	shalt  }
0x77: {  	_ =	shalt  }
0x78: {  	_ =	shalt  }
0x79: {  	_ =	shalt  }
0x7a: {  	_ =	shalt  }
0x7b: {  	_ =	shalt  }
0x7c: {  	_ =	shalt  }
0x7d: {  	_ =	shalt  }
0x7e: {  	_ =	shalt  }
0x7f: {  	_ =	shalt  }
0x80: {  	_ =	shalt  }
0x81: {  	_ =	shalt  }
0x82: {  	_ =	shalt  }
0x83: {  	_ =	shalt  }
0x84: {  	_ =	shalt  }
0x85: {  	_ =	shalt  }
0x86: {  	_ =	shalt  }
0x87: {  	_ =	shalt  }
.Lfunc_end0:
.L_simem_size_0:
called_computation.5_lowered:
.L_overlay_start_0:
0x88: {  	s2 =	sld [smem:$0x3FD9]  }
0x89: {  	s3 =	sld [smem:$0x3FFE];
	_ =	sdelay $0x1  }
0x8a: {  	s1 =	srdreg.scid  }
0x8b: {  	s0 =	sand.u32 $0x1, s1  }
0x8c: {  	s17 =	sshll.u32 s0, $0xA;
	s2 =	sadd.s32 s3, s2  }
0x8d: {  	s2 =	sadd.s32 s2, s17  }
0x8e: {  	[smem:$0x3FC6] =	sst s2  }
0x8f: {  	_ = 	snop  }
0x90: {  	(tm) =	ssettm $0x1  }
0x91: {  	s18 =	sld [smem:$0x3FFB];
	_ =	sdelay $0x3  }
0x92: {  	_ =	strace s18  }
0x93: {  	s2 =	sld [smem:$0x3FFC];
	_ =	sdelay $0x3  }
0x94: {  	_ =	strace s2  }
0x95: {  	s2 =	sld [smem:$0x3FFD];
	_ =	sdelay $0x3  }
0x96: {  	_ =	strace s2  }
0x97: {  	_ =	strace $0x8FFFFFFF  }
0x98: {  	s19 =	sld [smem:$0x3FDB];
	_ =	sdelay $0x1  }
0x99: {  	s20 =	simm.s32 $_scs_section_size  }
0x9a: {  	s4 =	simm.s32 $_size__tile_overlayer_lowered;
	s5 =	simm.s32 $_tile_overlayer_lowered  }
0x9b: {  	s6 =	simm.s32 $0x1BFF;
	s21 =	sshll.u32 s5, $0x1;
	s3 =	sadd.s32 s20, s19  }
0x9c: {  	s22 =	simm.s32 $0x0;
	s4 =	sshll.u32 s4, $0x1;
	s5 =	sadd.s32 s21, s3  }
0x9d: {  	[timem:s22], [sflag:s6] =	dma.local [hbm:s5], s4  }
0x9e: {  	_ =	swait.ge [sflag:s6], s4  }
0x9f: {  	s4 =	ssub.s32 $0x0, s4;
	[sflag:s6] =	ssyncset.done $0x0  }
0xa0: {  	[sflag:s6] =	ssyncadd.s32 s4;
	_ =	sdelay $0x1  }
0xa1: {  	s23 =	simm.s32 $0x1B8B  }
0xa2: {  	_ =	swait.ge [sflag:s23], $0x1  }
0xa3: {  	[sflag:s23] =	ssyncset.done $0x0  }
0xa4: {  	[sflag:s23] =	ssyncadd.s32 $0xFFFFFFFF  }
0xa5: {  	s4 =	sld [smem:$0x0]  }
0xa6: {  	s5 =	sand.u32 $0xFFFFFFFE, s1  }
0xa7: {  	p0 =	sne.s32 s1, s5  }
0xa8: {  	s5 =	sshll.u32 @p0 s5, $0xE  }
0xa9: {  	s5 =	sadd.s32 @p0 $0x11B8D, s5;
	s6 =	sshll.u32 @p0 s4, $0x11  }
0xaa: {  	s5 =	sor.u32 @p0 s6, s5  }
0xab: {  	[sflag:s5] =	ssyncadd.remote.s32 @p0 $0x1;
	_ =	sdelay $0x1  }
0xac: {  	s5 =	simm.s32 @p0 $0x1B8D  }
0xad: {  	_ =	swait.eq @p0 [sflag:s5], $0x1  }
0xae: {  	[sflag:s5] =	ssyncadd.s32 @p0 $0xFFFFFFFF  }
0xaf: {  	s6 =	sshll.u32 @!p0 s1, $0xE  }
0xb0: {  	s6 =	sor.u32 @!p0 $0x4000, s6;
	s5 =	simm.s32 @!p0 $0x1B8D  }
0xb1: {  	s4 =	sshll.u32 @!p0 s4, $0x11;
	s6 =	sadd.s32 @!p0 $0x11B8D, s6;
	_ =	swait.eq @!p0 [sflag:s5], $0x1  }
0xb2: {  	s4 =	sor.u32 @!p0 s4, s6;
	[sflag:s5] =	ssyncadd.s32 @!p0 $0xFFFFFFFF  }
0xb3: {  	s25 =	simm.s32 $0x1B8E;
	s24 =	sld [smem:$0x3FFE];
	[sflag:s4] =	ssyncadd.remote.s32 @!p0 $0x1  }
0xb4: {  	s26 =	simm.s32 $execute0_lowered;
	[smem:$0x3FD2] =	sst s25  }
0xb5: {  	s5 =	sshll.u32 s26, $0x1;
	_ =	strace $0x80000055;
	[dreg:$0x1] =	wrdreg $0xFFFFFFFF  }
0xb6: {  	s28 =	simm.s32 $_size_execute0_lowered;
	s3 =	sadd.s32 s3, s5;
	[dreg:$0x0] =	wrdreg $0x0  }
0xb7: {  	s5 =	sshll.u32 s28, $0x1;
	[dreg:$0x2] =	wrdreg s3  }
0xb8: {  	[dreg:$0x3] =	wrdreg s5  }
0xb9: {  	[dreg:$0x4] =	wrdreg $0xC0  }
0xba: {  	_ =	task [dreg:s22], $0x5FFFF  }
0xbb: {  	[dreg:$0x1] =	wrdreg $0xFFFFFFFF  }
0xbc: {  	[dreg:$0x0] =	wrdreg $0x60  }
0xbd: {  	[dreg:$0x2] =	wrdreg s24  }
0xbe: {  	[dreg:$0x3] =	wrdreg $0x9  }
0xbf: {  	_ =	task.clear_ibuf [dreg:s22], $0x4FFFF;
	_ =	strace $0x90000055  }
0xc0: {  	s29 =	simm.s32 $0x9;
	_ =	strace $0x80000057  }
0xc1: {  	_ =	swait.ge [sflag:s29], $0x1  }
0xc2: {  	[sflag:s29] =	ssyncadd.s32 $0xFFFFFFFF  }
0xc3: {  	_ =	strace $0x90000057  }
0xc4: {  	_ =	sfence  }
0xc5: {  	s30 =	sld [smem:$0x0];
	_ =	sdelay $0x2  }
0xc6: {  	s31 =	sshll.u32 s1, $0xD;
	s1 =	sshrl.u32 s1, $0x2  }
0xc7: {  	s4 =	sand.u32 $0x4000, s31;
	s1 =	sadd.s32 s1, s30  }
0xc8: {  	s0 =	sor.u32 s4, s0;
	s1 =	sshll.u32 s1, $0x11  }
0xc9: {  	s0 =	sor.u32 s1, s0  }
0xca: {  	s0 =	sadd.s32 $0x8F2B, s0  }
0xcb: {  	[sflag:s0] =	ssyncadd.remote.s32 $0x1  }
0xcc: {  	_ =	sfence.sel $0xFFFF  }
0xcd: {  	[dreg:$0x0] =	wrdreg $0xFFFFFFFF;
	(pc) =	sbr.abs _section_cstart, $3  }
0xce: {  	[dreg:$0x1] =	wrdreg $0xFFFFFFFF  }
0xcf: {  	_ =	task.clear_ibuf [dreg:s22], $0x2FFFF;
	_ =	strace $0x9FFFFFFF  }
0xd0: {  	(tm) =	ssettm $0x7FFFFFFF  }
0xd1: {  	_ =	shalt  }
tec
execute0_lowered:
.L_overlay_start_1:
0x0: {  	(tag) =	ssettag $0x1  }
0x1: {  	s1 =	srdreg.scid;
	s0 =	stileid.u32  }
0x2: {  	s6 =	rddreg [dreg:$0x0];
	s2 =	simm.s32 $0x0;
	s10 =	simm.s32 $0x1000  }
0x3: {  	s11 =	simm.s32 $0x2;
	s12 =	simm.s32 $0xC80;
	s13 =	simm.s32 $0x1  }
0x4: {  	s14 =	simm.s32 $0x2C80;
	s15 =	simm.s32 $0x3C80;
	s16 =	simm.s32 $0x0  }
0x5: {  	v0 =	vlaneseq.u32;
	s4 =	sand.u32 $0x1, s1;
	s3 =	sshll.u32 s0, $0x8;
	s1 =	rddreg [dreg:$0x1]  }
0x6: {  	[smem:$0x7FF] =	sst s2;
	v0 =	vmul.u32 $0x40, v0;
	s5 =	sshll.u32 s4, $0x7;
	s8 =	ssub.s32 $0x2, s4  }
0x7: {  	_ =	strace $0x80000056;
	s3 =	sor.u32 s5, s3;
	s9 =	sshrl.u32 s8, $0x1  }
0x8: {  	s4 =	sadd.s32 $0xF4AC00, s6;
	v1 =	vor.u32 $0x400, v0;
	v2 =	vor.u32 $0x800, v0;
	s5 =	sshrl.u32 s3, $0x3;
	s8 =	ssub.s32 s8, s9  }
0x9: {  	v3 =	vor.u32 $0xC00, v0;
	v4 =	vor.u32 $0x1000, v0;
	v5 =	vor.u32 $0x1400, v0;
	s9 =	simm.s32 $0x80;
	s7 =	sadd.s32 s5, s6;
	s5 =	sadd.s32 $0x27EC00, s6  }
0xa: {  	v6 =	vor.u32 $0x1800, v0;
	v7 =	vor.u32 $0x1C00, v0;
	s6 =	sadd.s32 $0x40EC00, s6;
	s8 =	smax.u32 s8, $0x1;
	s7 =	sadd.s32 $0x214800, s7  }
.LBB2_1:
0xb: {  	[tilespmem:s2], [sflag:$0x2] =	stream.strided.gather [hbm4b:s7+s9], $0xC80, s10, s9, $0x38;
	[tilespmem:$0x4C80] =	vst v63  }
0xc: {  	_ =	swait.ge [sflag:s11], $0xC80  }
0xd: {  	[sflag:s11] =	ssyncset.done $0x0  }
0xe: {  	s17 =	simm.s32 $0x0;
	[sflag:s11] =	ssyncadd.s32 $0xFFFFF380  }
.LBB2_2:
0xf: {  	s18 =	simm.s32 $0x3  }
0x10: {  	s19 =	simm.s32 $0x1;
	v8 =	vmov s18  }
0x11: {  	s24 =	simm.s32 $0x2;
	v9 =	vmov s19;
	v8 =	vand.u32 $0x3F, v8  }
0x12: {  	v10 =	vmov s24;
	v9 =	vand.u32 $0x3D, v9;
	v14 =	vbroadcast v8, $0x0  }
0x13: {  	s25 =	sshll.u32 s17, $0x7;
	s26 =	simm.s32 $0x0;
	v17 =	vbroadcast v9, $0x0;
	v8 =	vand.u32 $0x3E, v10  }
0x14: {  	s18 =	sand.u32 $0x3FFFFF80, s25;
	v9 =	vmov s26;
	v16 =	vbroadcast v8, $0x0;
	v8 =	vor.u32 v0, v14  }
0x15: {  	[tilespmem:s12], [sflag:$0x1] =	stream.indirect.gather [hbm4b:s4+s9], $0x40, s18, s9, $0xb8;
	v9 =	vand.u32 $0x3C, v9;
	v10 =	vor.u32 v0, v17;
	[tilespmem:$0x4C80] =	vst v63  }
0x16: {  	_ =	swait.ge [sflag:s13], $0x2000;
	v12 =	vbroadcast v9, $0x0;
	v9 =	vor.u32 v0, v16  }
0x17: {  	[sflag:s13] =	ssyncset.done $0x0  }
0x18: {  	[sflag:s13] =	ssyncadd.s32 $0xFFFFE000;
	v11 =	vor.u32 v0, v12  }
0x19: {  	v8 =	vld.idx.msk [tilespmem:v8+s12+$0x0], $0xffff  }
0x1a: {  	v13 =	vor.u32 v1, v14;
	v10 =	vld.idx.msk [tilespmem:v10+s12+$0x0], $0xffff  }
0x1b: {  	v15 =	vor.u32 v1, v17;
	v9 =	vld.idx.msk [tilespmem:v9+s12+$0x0], $0xffff  }
0x1c: {  	v18 =	vor.u32 v1, v16  }
0x1d: {  	s19 =	simm.s32 $0x2D80;
	v11 =	vld.idx.msk [tilespmem:v11+s12+$0x0], $0xffff  }
0x1e: {  	v19 =	vor.u32 v1, v12;
	[tilespmem:s19+$0x80] =	vst v8  }
0x1f: {  	[tilespmem:s19+$0xFFFFFF80] =	vst v10;
	v8 =	vld.idx.msk [tilespmem:v13+s12+$0x0], $0xffff  }
0x20: {  	v10 =	vld.idx.msk [tilespmem:v15+s12+$0x0], $0xffff;
	[tilespmem:s19+$0x0] =	vst v9;
	v9 =	vor.u32 v2, v14  }
0x21: {  	v15 =	vor.u32 v2, v17;
	v13 =	vld.idx.msk [tilespmem:v18+s12+$0x0], $0xffff  }
0x22: {  	[tilespmem:s19+$0xFFFFFF00] =	vst v11;
	v11 =	vor.u32 v2, v16  }
0x23: {  	v18 =	vld.idx.msk [tilespmem:v19+s12+$0x0], $0xffff  }
0x24: {  	s28 =	simm.s32 $0x4;
	v19 =	vor.u32 v2, v12;
	[tilespmem:s19+$0x90] =	vst v8  }
0x25: {  	v8 =	vmov s28;
	[tilespmem:s19+$0xFFFFFF90] =	vst v10;
	v10 =	vld.idx.msk [tilespmem:v9+s12+$0x0], $0xffff  }
0x26: {  	s29 =	simm.s32 $0x5;
	v8 =	vand.u32 $0x3C, v8;
	v15 =	vld.idx.msk [tilespmem:v15+s12+$0x0], $0xffff;
	[tilespmem:s19+$0x10] =	vst v13;
	v13 =	vor.u32 v3, v14  }
0x27: {  	v20 =	vor.u32 v3, v17;
	v9 =	vmov s29;
	v8 =	vbroadcast v8, $0x0;
	v11 =	vld.idx.msk [tilespmem:v11+s12+$0x0], $0xffff  }
0x28: {  	v9 =	vand.u32 $0x3D, v9;
	[tilespmem:s19+$0xFFFFFF10] =	vst v18;
	v18 =	vor.u32 v3, v16  }
0x29: {  	v9 =	vbroadcast v9, $0x0;
	v19 =	vld.idx.msk [tilespmem:v19+s12+$0x0], $0xffff;
	v21 =	vor.u32 v0, v8  }
0x2a: {  	s30 =	simm.s32 $0x7;
	v22 =	vor.u32 v3, v12;
	[tilespmem:s19+$0xA0] =	vst v10  }
0x2b: {  	s31 =	simm.s32 $0x6;
	v23 =	vor.u32 v0, v9;
	[tilespmem:s19+$0xFFFFFFA0] =	vst v15;
	v10 =	vmov s30;
	v15 =	vld.idx.msk [tilespmem:v13+s12+$0x0], $0xffff  }
0x2c: {  	v25 =	vmov s31;
	v20 =	vld.idx.msk [tilespmem:v20+s12+$0x0], $0xffff;
	[tilespmem:s19+$0x20] =	vst v11;
	v11 =	vor.u32 v4, v14;
	v10 =	vand.u32 $0x3F, v10  }
0x2d: {  	v24 =	vor.u32 v4, v17;
	v18 =	vld.idx.msk [tilespmem:v18+s12+$0x0], $0xffff;
	v13 =	vbroadcast v10, $0x0;
	v10 =	vand.u32 $0x3E, v25  }
0x2e: {  	[tilespmem:s19+$0xFFFFFF20] =	vst v19;
	v19 =	vor.u32 v4, v16;
	v21 =	vld.idx.msk [tilespmem:v21+s12+$0x0], $0xffff;
	v10 =	vbroadcast v10, $0x0  }
0x2f: {  	v22 =	vld.idx.msk [tilespmem:v22+s12+$0x0], $0xffff;
	v25 =	vor.u32 v0, v13  }
0x30: {  	v23 =	vld.idx.msk [tilespmem:v23+s12+$0x0], $0xffff;
	v26 =	vor.u32 v0, v10;
	[tilespmem:s19+$0xB0] =	vst v15  }
0x31: {  	s20 =	simm.s32 $0x8;
	v15 =	vor.u32 v4, v12;
	[tilespmem:s19+$0xFFFFFFB0] =	vst v20;
	v20 =	vld.idx.msk [tilespmem:v11+s12+$0x0], $0xffff  }
0x32: {  	v11 =	vmov s20;
	v24 =	vld.idx.msk [tilespmem:v24+s12+$0x0], $0xffff;
	[tilespmem:s19+$0x30] =	vst v18;
	v18 =	vor.u32 v5, v14  }
0x33: {  	v27 =	vor.u32 v5, v17;
	v11 =	vand.u32 $0x3C, v11;
	v19 =	vld.idx.msk [tilespmem:v19+s12+$0x0], $0xffff  }
0x34: {  	[tilespmem:s19+$0xFFFFFF30] =	vst v22;
	v11 =	vbroadcast v11, $0x0;
	v22 =	vld.idx.msk [tilespmem:v25+s12+$0x0], $0xffff;
	v25 =	vor.u32 v5, v16  }
0x35: {  	v30 =	vor.u32 v1, v13;
	v26 =	vld.idx.msk [tilespmem:v26+s12+$0x0], $0xffff  }
0x36: {  	v28 =	vor.u32 v0, v11;
	v29 =	vld.idx.msk [tilespmem:v15+s12+$0x0], $0xffff;
	[tilespmem:s19+$0xC0] =	vst v20  }
0x37: {  	v20 =	vor.u32 v1, v9;
	[tilespmem:s19+$0xFFFFFFC0] =	vst v24;
	v18 =	vld.idx.msk [tilespmem:v18+s12+$0x0], $0xffff  }
0x38: {  	s18 =	simm.s32 $0x2F80;
	v24 =	vor.u32 v1, v10;
	v27 =	vld.idx.msk [tilespmem:v27+s12+$0x0], $0xffff;
	[tilespmem:s19+$0x40] =	vst v19  }
0x39: {  	v19 =	vld.idx.msk [tilespmem:v25+s12+$0x0], $0xffff;
	v25 =	vor.u32 v6, v14;
	[tilespmem:s18+$0x80] =	vst v22  }
0x3a: {  	[tilespmem:s18+$0xFFFFFF80] =	vst v23;
	v23 =	vor.u32 v5, v12;
	v22 =	vld.idx.msk [tilespmem:v30+s12+$0x0], $0xffff  }
0x3b: {  	[tilespmem:s18+$0xFFFFFF00] =	vst v21;
	v15 =	vld.idx.msk [tilespmem:v28+s12+$0x0], $0xffff;
	v28 =	vor.u32 v1, v8  }
0x3c: {  	[tilespmem:s18+$0x0] =	vst v26;
	v26 =	vor.u32 v6, v17;
	v20 =	vld.idx.msk [tilespmem:v20+s12+$0x0], $0xffff  }
0x3d: {  	v30 =	vor.u32 v2, v13;
	v24 =	vld.idx.msk [tilespmem:v24+s12+$0x0], $0xffff;
	[tilespmem:s19+$0xD0] =	vst v18  }
0x3e: {  	v21 =	vor.u32 v2, v9;
	[tilespmem:s19+$0xFFFFFF40] =	vst v29;
	v25 =	vld.idx.msk [tilespmem:v25+s12+$0x0], $0xffff  }
0x3f: {  	v14 =	vor.u32 v7, v14;
	v23 =	vld.idx.msk [tilespmem:v23+s12+$0x0], $0xffff;
	[tilespmem:s19+$0xFFFFFFD0] =	vst v27  }
0x40: {  	v31 =	vor.u32 v2, v10;
	[tilespmem:s18+$0x90] =	vst v22;
	v28 =	vld.idx.msk [tilespmem:v28+s12+$0x0], $0xffff  }
0x41: {  	v32 =	vor.u32 v6, v12;
	v18 =	vld.idx.msk [tilespmem:v26+s12+$0x0], $0xffff;
	[tilespmem:s18+$0xFFFFFF90] =	vst v20  }
0x42: {  	s21 =	simm.s32 $0x9;
	v27 =	vor.u32 v2, v8;
	v20 =	vld.idx.msk [tilespmem:v30+s12+$0x0], $0xffff;
	[tilespmem:s18+$0x10] =	vst v24  }
0x43: {  	v22 =	vor.u32 v6, v16;
	v30 =	vld.idx.msk [tilespmem:v21+s12+$0x0], $0xffff;
	v21 =	vmov s21;
	[tilespmem:s19+$0xE0] =	vst v25  }
0x44: {  	v33 =	vor.u32 v3, v13;
	[tilespmem:s19+$0xFFFFFF50] =	vst v23;
	v26 =	vld.idx.msk [tilespmem:v14+s12+$0x0], $0xffff;
	v14 =	vand.u32 $0x3D, v21  }
0x45: {  	v31 =	vld.idx.msk [tilespmem:v31+s12+$0x0], $0xffff;
	[tilespmem:s18+$0xFFFFFF10] =	vst v28;
	v28 =	vor.u32 v3, v9;
	v14 =	vbroadcast v14, $0x0  }
0x46: {  	v29 =	vor.u32 v3, v10;
	[tilespmem:s19+$0x50] =	vst v19;
	v19 =	vld.idx.msk [tilespmem:v32+s12+$0x0], $0xffff  }
0x47: {  	v24 =	vld.idx.msk [tilespmem:v27+s12+$0x0], $0xffff;
	[tilespmem:s18+$0xA0] =	vst v20;
	v20 =	vor.u32 v0, v14  }
0x48: {  	v21 =	vld.idx.msk [tilespmem:v22+s12+$0x0], $0xffff;
	v27 =	vor.u32 v3, v8  }
0x49: {  	v25 =	vor.u32 v7, v17;
	[tilespmem:s18+$0xFFFFFFA0] =	vst v30;
	v22 =	vld.idx.msk [tilespmem:v33+s12+$0x0], $0xffff  }
0x4a: {  	s22 =	simm.s32 $0xB;
	s21 =	simm.s32 $0xC;
	[tilespmem:s18+$0x20] =	vst v31;
	v23 =	vld.idx.msk [tilespmem:v28+s12+$0x0], $0xffff;
	v28 =	vor.u32 v7, v16  }
.LBB2_3:
0x4b: {  	p0 =	slt.u32 s21, $0x3C;
	v16 =	vmov s22;
	v17 =	vld.idx.msk [tilespmem:v29+s12+$0x0], $0xffff;
	v29 =	vor.u32 v4, v13;
	[tilespmem:s19+$0xF0] =	vst v26  }
0x4c: {  	s22 =	sadd.s32 $0x2, s20;
	s20 =	smov.u32 s21;
	v20 =	vld.idx.msk [tilespmem:v20+s12+$0x0], $0xffff;
	v16 =	vand.u32 $0x3F, v16;
	[tilespmem:s18+$0xFFFFFF20] =	vst v24;
	v24 =	vor.u32 v4, v9  }
0x4d: {  	v30 =	vor.u32 v4, v10;
	v26 =	vmov s22;
	v16 =	vbroadcast v16, $0x0;
	v27 =	vld.idx.msk [tilespmem:v27+s12+$0x0], $0xffff;
	[tilespmem:s19+$0xFFFFFFE0] =	vst v18  }
0x4e: {  	v18 =	vand.u32 $0x3E, v26;
	v26 =	vor.u32 v7, v12;
	v12 =	vmovc v8;
	v8 =	vmov v11;
	v25 =	vld.idx.msk [tilespmem:v25+s12+$0x0], $0xffff;
	[tilespmem:s19+$0x60] =	vst v21  }
0x4f: {  	v31 =	vbroadcast v18, $0x0;
	v18 =	vor.u32 v0, v16;
	[tilespmem:s18+$0xB0] =	vst v22;
	v21 =	vld.idx.msk [tilespmem:v28+s12+$0x0], $0xffff  }
0x50: {  	v22 =	vor.u32 v4, v12;
	[tilespmem:s18+$0xFFFFFFB0] =	vst v23;
	v23 =	vld.idx.msk [tilespmem:v29+s12+$0x0], $0xffff  }
0x51: {  	v11 =	vmov s21;
	v28 =	vor.u32 v0, v31;
	v24 =	vld.idx.msk [tilespmem:v24+s12+$0x0], $0xffff;
	[tilespmem:s18+$0x30] =	vst v17  }
0x52: {  	v11 =	vand.u32 $0x3C, v11;
	v29 =	vor.u32 v5, v13;
	v17 =	vld.idx.msk [tilespmem:v30+s12+$0x0], $0xffff;
	[tilespmem:s19+$0xFFFFFF60] =	vst v19  }
0x53: {  	v11 =	vbroadcast v11, $0x0;
	v19 =	vor.u32 v5, v9;
	[tilespmem:s18+$0xFFFFFF30] =	vst v27;
	v26 =	vld.idx.msk [tilespmem:v26+s12+$0x0], $0xffff  }
0x54: {  	v27 =	vor.u32 v5, v10;
	v18 =	vld.idx.msk [tilespmem:v18+s12+$0x0], $0xffff;
	[tilespmem:s19+$0xFFFFFFF0] =	vst v25  }
0x55: {  	v25 =	vor.u32 v0, v11;
	v22 =	vld.idx.msk [tilespmem:v22+s12+$0x0], $0xffff;
	[tilespmem:s19+$0x70] =	vst v21  }
0x56: {  	v21 =	vld.idx.msk [tilespmem:v28+s12+$0x0], $0xffff;
	v28 =	vor.u32 v1, v16;
	[tilespmem:s18+$0xC0] =	vst v23  }
0x57: {  	v23 =	vor.u32 v1, v14;
	[tilespmem:s18+$0xFFFFFFC0] =	vst v24;
	v24 =	vld.idx.msk [tilespmem:v29+s12+$0x0], $0xffff  }
0x58: {  	v29 =	vor.u32 v1, v31;
	v19 =	vld.idx.msk [tilespmem:v19+s12+$0x0], $0xffff;
	[tilespmem:s18+$0x40] =	vst v17  }
0x59: {  	v17 =	vld.idx.msk [tilespmem:v27+s12+$0x0], $0xffff;
	v27 =	vor.u32 v6, v13;
	[tilespmem:s19+$0xFFFFFF70] =	vst v26;
	s19 =	smov.u32 s18;
	s18 =	sadd.s32 $0x200, s18  }
0x5a: {  	v26 =	vor.u32 v1, v8;
	v25 =	vld.idx.msk [tilespmem:v25+s12+$0x0], $0xffff;
	[tilespmem:s18+$0x80] =	vst v18  }
0x5b: {  	[tilespmem:s18+$0xFFFFFF80] =	vst v20;
	v18 =	vld.idx.msk [tilespmem:v28+s12+$0x0], $0xffff;
	v20 =	vor.u32 v5, v12  }
0x5c: {  	v23 =	vld.idx.msk [tilespmem:v23+s12+$0x0], $0xffff;
	[tilespmem:s18+$0x0] =	vst v21;
	v21 =	vor.u32 v6, v9  }
0x5d: {  	v28 =	vld.idx.msk [tilespmem:v29+s12+$0x0], $0xffff;
	v29 =	vor.u32 v2, v16;
	[tilespmem:s19+$0xD0] =	vst v24  }
0x5e: {  	v24 =	vor.u32 v2, v14;
	[tilespmem:s18+$0xFFFFFF00] =	vst v15;
	v27 =	vld.idx.msk [tilespmem:v27+s12+$0x0], $0xffff  }
0x5f: {  	v30 =	vor.u32 v2, v31;
	v26 =	vld.idx.msk [tilespmem:v26+s12+$0x0], $0xffff;
	[tilespmem:s19+$0xFFFFFF40] =	vst v22  }
0x60: {  	v15 =	vmov v25;
	v22 =	vld.idx.msk [tilespmem:v20+s12+$0x0], $0xffff;
	[tilespmem:s19+$0xFFFFFFD0] =	vst v19;
	v19 =	vor.u32 v7, v13;
	v13 =	vmov v16  }
0x61: {  	v16 =	vor.u32 v2, v8;
	[tilespmem:s18+$0x90] =	vst v18;
	v18 =	vld.idx.msk [tilespmem:v21+s12+$0x0], $0xffff  }
0x62: {  	s22 =	sadd.s32 $0x1, s21;
	v21 =	vor.u32 v6, v10;
	[tilespmem:s18+$0xFFFFFF90] =	vst v23;
	v23 =	vld.idx.msk [tilespmem:v29+s12+$0x0], $0xffff  }
0x63: {  	v20 =	vmov s22;
	v25 =	vld.idx.msk [tilespmem:v24+s12+$0x0], $0xffff;
	[tilespmem:s18+$0x10] =	vst v28;
	v28 =	vor.u32 v6, v12  }
0x64: {  	v20 =	vand.u32 $0x3D, v20;
	v32 =	vor.u32 v3, v13;
	v30 =	vld.idx.msk [tilespmem:v30+s12+$0x0], $0xffff;
	[tilespmem:s19+$0xE0] =	vst v27  }
0x65: {  	v34 =	vor.u32 v3, v14;
	v33 =	vbroadcast v20, $0x0;
	[tilespmem:s18+$0xFFFFFF10] =	vst v26;
	v26 =	vld.idx.msk [tilespmem:v19+s12+$0x0], $0xffff  }
.Ltmp0:
0x66: {  	v29 =	vor.u32 v3, v31;
	v24 =	vld.idx.msk [tilespmem:v16+s12+$0x0], $0xffff;
	[tilespmem:s19+$0x50] =	vst v17;
	(pc) =	sbr.rel @p0 .LBB2_3-.Ltmp0, $4  }
0x67: {  	v20 =	vor.u32 v0, v33;
	[tilespmem:s19+$0xFFFFFF50] =	vst v22;
	v21 =	vld.idx.msk [tilespmem:v21+s12+$0x0], $0xffff  }
0x68: {  	v27 =	vor.u32 v3, v8;
	[tilespmem:s18+$0xA0] =	vst v23;
	v19 =	vld.idx.msk [tilespmem:v28+s12+$0x0], $0xffff  }
0x69: {  	[tilespmem:s18+$0xFFFFFFA0] =	vst v25;
	v22 =	vld.idx.msk [tilespmem:v32+s12+$0x0], $0xffff;
	v25 =	vor.u32 v7, v9;
	v9 =	vmov v14;
	v14 =	vmov v33  }
0x6a: {  	s21 =	sadd.s32 $0x4, s21;
	s22 =	sadd.s32 $0x3, s20;
	v28 =	vor.u32 v7, v10;
	v10 =	vmov v31;
	v23 =	vld.idx.msk [tilespmem:v34+s12+$0x0], $0xffff;
	[tilespmem:s18+$0x20] =	vst v30  }
0x6b: {  	_ = 	snop  }
0x6c: {  	[tilespmem:s19+$0xF0] =	vst v26  }
0x6d: {  	[tilespmem:s18+$0xFFFFFF20] =	vst v24  }
0x6e: {  	v16 =	vmov s22;
	s20 =	sadd.s32 $0x2, s20;
	[tilespmem:s19+$0xFFFFFFE0] =	vst v18  }
0x6f: {  	v63 =	vld.idx.msk [tilespmem:v29+s12+$0x0], $0xffff;
	v33 =	vor.u32 v4, v13;
	s29 =	sadd.s32 $0x200, s18;
	v16 =	vand.u32 $0x3F, v16;
	v30 =	vmov s20;
	[tilespmem:s19+$0x60] =	vst v21  }
0x70: {  	v34 =	vor.u32 v4, v9;
	v20 =	vld.idx.msk [tilespmem:v20+s12+$0x0], $0xffff;
	[tilespmem:s29+$0xFFFFFF00] =	vst v15;
	v17 =	vbroadcast v16, $0x0;
	v37 =	vand.u32 $0x3E, v30  }
0x71: {  	v12 =	vor.u32 v7, v12;
	v35 =	vld.idx.msk [tilespmem:v27+s12+$0x0], $0xffff;
	[tilespmem:s19+$0xFFFFFF60] =	vst v19;
	v16 =	vbroadcast v37, $0x0  }
0x72: {  	v38 =	vld.idx.msk [tilespmem:v25+s12+$0x0], $0xffff;
	[tilespmem:s18+$0xB0] =	vst v22;
	v39 =	vor.u32 v0, v17  }
0x73: {  	v40 =	vld.idx.msk [tilespmem:v28+s12+$0x0], $0xffff;
	[tilespmem:s18+$0xFFFFFFB0] =	vst v23;
	v42 =	vor.u32 v0, v16  }
0x74: {  	v49 =	vor.u32 v1, v11;
	v41 =	vld.idx.msk [tilespmem:v33+s12+$0x0], $0xffff;
	[tilespmem:s18+$0x30] =	vst v63  }
0x75: {  	v47 =	vor.u32 v1, v14;
	v24 =	vld.idx.msk [tilespmem:v34+s12+$0x0], $0xffff;
	[tilespmem:s29+$0xFFFFFF80] =	vst v20  }
0x76: {  	v36 =	vor.u32 v4, v10;
	v12 =	vld.idx.msk [tilespmem:v12+s12+$0x0], $0xffff;
	[tilespmem:s18+$0xFFFFFF30] =	vst v35  }
0x77: {  	v44 =	vor.u32 v5, v13;
	[tilespmem:s19+$0xFFFFFFF0] =	vst v38;
	v25 =	vld.idx.msk [tilespmem:v39+s12+$0x0], $0xffff  }
0x78: {  	v45 =	vor.u32 v1, v17;
	[tilespmem:s19+$0x70] =	vst v40;
	v46 =	vld.idx.msk [tilespmem:v42+s12+$0x0], $0xffff  }
0x79: {  	v48 =	vor.u32 v1, v16;
	v57 =	vld.idx.msk [tilespmem:v49+s12+$0x0], $0xffff;
	[tilespmem:s18+$0xC0] =	vst v41  }
0x7a: {  	v50 =	vor.u32 v4, v8;
	v53 =	vld.idx.msk [tilespmem:v47+s12+$0x0], $0xffff;
	[tilespmem:s18+$0xFFFFFFC0] =	vst v24  }
0x7b: {  	v56 =	vor.u32 v2, v14;
	v43 =	vld.idx.msk [tilespmem:v36+s12+$0x0], $0xffff;
	[tilespmem:s19+$0xFFFFFF70] =	vst v12  }
0x7c: {  	v62 =	vor.u32 v5, v10;
	v18 =	vld.idx.msk [tilespmem:v44+s12+$0x0], $0xffff;
	[tilespmem:s29+$0x80] =	vst v25  }
0x7d: {  	v60 =	vor.u32 v2, v11;
	v52 =	vld.idx.msk [tilespmem:v45+s12+$0x0], $0xffff;
	[tilespmem:s29+$0x0] =	vst v46  }
0x7e: {  	v54 =	vor.u32 v2, v17;
	[tilespmem:s29+$0xFFFFFF10] =	vst v57;
	v55 =	vld.idx.msk [tilespmem:v48+s12+$0x0], $0xffff  }
0x7f: {  	v58 =	vor.u32 v2, v16;
	v59 =	vld.idx.msk [tilespmem:v50+s12+$0x0], $0xffff;
	[tilespmem:s29+$0xFFFFFF90] =	vst v53  }
0x80: {  	v33 =	vor.u32 v5, v8;
	[tilespmem:s18+$0x40] =	vst v43;
	v15 =	vld.idx.msk [tilespmem:v56+s12+$0x0], $0xffff  }
0x81: {  	v61 =	vor.u32 v6, v13;
	v20 =	vld.idx.msk [tilespmem:v62+s12+$0x0], $0xffff;
	[tilespmem:s18+$0xD0] =	vst v18  }
0x82: {  	v29 =	vor.u32 v3, v14;
	v18 =	vld.idx.msk [tilespmem:v60+s12+$0x0], $0xffff;
	[tilespmem:s29+$0x90] =	vst v52  }
0x83: {  	v32 =	vor.u32 v3, v11;
	v63 =	vld.idx.msk [tilespmem:v54+s12+$0x0], $0xffff;
	[tilespmem:s29+$0x10] =	vst v55  }
0x84: {  	v28 =	vor.u32 v3, v17;
	[tilespmem:s18+$0xFFFFFF40] =	vst v59;
	v19 =	vld.idx.msk [tilespmem:v58+s12+$0x0], $0xffff  }
0x85: {  	v30 =	vor.u32 v3, v16;
	v41 =	vld.idx.msk [tilespmem:v33+s12+$0x0], $0xffff;
	[tilespmem:s29+$0xFFFFFFA0] =	vst v15  }
0x86: {  	v51 =	vor.u32 v5, v9;
	v31 =	vld.idx.msk [tilespmem:v61+s12+$0x0], $0xffff;
	[tilespmem:s18+$0x50] =	vst v20  }
0x87: {  	v34 =	vor.u32 v7, v13;
	v12 =	vld.idx.msk [tilespmem:v29+s12+$0x0], $0xffff;
	[tilespmem:s29+$0xFFFFFF20] =	vst v18  }
0x88: {  	v38 =	vor.u32 v4, v14;
	v39 =	vld.idx.msk [tilespmem:v32+s12+$0x0], $0xffff;
	[tilespmem:s29+$0xA0] =	vst v63  }
0x89: {  	v42 =	vor.u32 v4, v11;
	v35 =	vld.idx.msk [tilespmem:v28+s12+$0x0], $0xffff;
	[tilespmem:s29+$0x20] =	vst v19  }
0x8a: {  	v36 =	vor.u32 v4, v17;
	[tilespmem:s18+$0xFFFFFF50] =	vst v41;
	v37 =	vld.idx.msk [tilespmem:v30+s12+$0x0], $0xffff  }
0x8b: {  	v40 =	vor.u32 v4, v16;
	v25 =	vld.idx.msk [tilespmem:v51+s12+$0x0], $0xffff;
	[tilespmem:s18+$0xE0] =	vst v31  }
0x8c: {  	v44 =	vor.u32 v6, v10;
	v13 =	vld.idx.msk [tilespmem:v34+s12+$0x0], $0xffff;
	[tilespmem:s29+$0xFFFFFFB0] =	vst v12  }
0x8d: {  	v43 =	vor.u32 v6, v9;
	v18 =	vld.idx.msk [tilespmem:v38+s12+$0x0], $0xffff;
	[tilespmem:s29+$0xFFFFFF30] =	vst v39  }
0x8e: {  	v47 =	vor.u32 v5, v14;
	v20 =	vld.idx.msk [tilespmem:v42+s12+$0x0], $0xffff;
	[tilespmem:s29+$0xB0] =	vst v35  }
0x8f: {  	v50 =	vor.u32 v5, v11;
	v45 =	vld.idx.msk [tilespmem:v36+s12+$0x0], $0xffff;
	[tilespmem:s29+$0x30] =	vst v37  }
0x90: {  	v46 =	vor.u32 v5, v17;
	[tilespmem:s18+$0xFFFFFFD0] =	vst v25;
	v21 =	vld.idx.msk [tilespmem:v40+s12+$0x0], $0xffff  }
0x91: {  	v48 =	vor.u32 v5, v16;
	v15 =	vld.idx.msk [tilespmem:v44+s12+$0x0], $0xffff;
	[tilespmem:s18+$0xF0] =	vst v13  }
0x92: {  	v51 =	vor.u32 v6, v8;
	v49 =	vld.idx.msk [tilespmem:v43+s12+$0x0], $0xffff;
	[tilespmem:s29+$0xFFFFFFC0] =	vst v18  }
0x93: {  	v52 =	vor.u32 v7, v9;
	v18 =	vld.idx.msk [tilespmem:v47+s12+$0x0], $0xffff;
	[tilespmem:s29+$0xFFFFFF40] =	vst v20  }
0x94: {  	v54 =	vor.u32 v6, v14;
	v13 =	vld.idx.msk [tilespmem:v50+s12+$0x0], $0xffff;
	[tilespmem:s29+$0xC0] =	vst v45  }
0x95: {  	v57 =	vor.u32 v6, v11;
	v12 =	vld.idx.msk [tilespmem:v46+s12+$0x0], $0xffff;
	[tilespmem:s29+$0x40] =	vst v21  }
0x96: {  	v53 =	vor.u32 v6, v17;
	[tilespmem:s18+$0x60] =	vst v15;
	v21 =	vld.idx.msk [tilespmem:v48+s12+$0x0], $0xffff  }
0x97: {  	v56 =	vld.idx.msk [tilespmem:v51+s12+$0x0], $0xffff;
	v55 =	vor.u32 v6, v16;
	[tilespmem:s18+$0xFFFFFFE0] =	vst v49  }
0x98: {  	v8 =	vor.u32 v7, v8;
	v9 =	vld.idx.msk [tilespmem:v52+s12+$0x0], $0xffff;
	[tilespmem:s29+$0xFFFFFFD0] =	vst v18  }
0x99: {  	v58 =	vor.u32 v7, v10;
	v18 =	vld.idx.msk [tilespmem:v54+s12+$0x0], $0xffff;
	[tilespmem:s29+$0xFFFFFF50] =	vst v13  }
0x9a: {  	v60 =	vor.u32 v7, v14;
	v15 =	vld.idx.msk [tilespmem:v57+s12+$0x0], $0xffff;
	[tilespmem:s29+$0xD0] =	vst v12  }
0x9b: {  	v61 =	vor.u32 v7, v11;
	v12 =	vld.idx.msk [tilespmem:v53+s12+$0x0], $0xffff;
	[tilespmem:s29+$0x50] =	vst v21  }
0x9c: {  	v17 =	vor.u32 v7, v17;
	[tilespmem:s18+$0xFFFFFF60] =	vst v56;
	v59 =	vld.idx.msk [tilespmem:v55+s12+$0x0], $0xffff  }
0x9d: {  	v16 =	vor.u32 v7, v16;
	v8 =	vld.idx.msk [tilespmem:v8+s12+$0x0], $0xffff;
	[tilespmem:s18+$0xFFFFFFF0] =	vst v9  }
0x9e: {  	v10 =	vld.idx.msk [tilespmem:v58+s12+$0x0], $0xffff;
	[tilespmem:s29+$0xFFFFFFE0] =	vst v18  }
0x9f: {  	v63 =	vld.idx.msk [tilespmem:v60+s12+$0x0], $0xffff;
	[tilespmem:s29+$0xFFFFFF60] =	vst v15  }
0xa0: {  	v9 =	vld.idx.msk [tilespmem:v61+s12+$0x0], $0xffff;
	[tilespmem:s29+$0xE0] =	vst v12  }
0xa1: {  	v62 =	vld.idx.msk [tilespmem:v17+s12+$0x0], $0xffff;
	[tilespmem:s29+$0x60] =	vst v59  }
0xa2: {  	[tilespmem:s18+$0xFFFFFF70] =	vst v8;
	v13 =	vld.idx.msk [tilespmem:v16+s12+$0x0], $0xffff  }
0xa3: {  	[tilespmem:s18+$0x70] =	vst v10  }
0xa4: {  	s30 =	sshll.u32 s17, $0x11;
	[tilespmem:s29+$0xFFFFFFF0] =	vst v63  }
0xa5: {  	s18 =	sor.u32 s3, s30;
	[tilespmem:s29+$0xFFFFFF70] =	vst v9  }
0xa6: {  	s18 =	sshrl.u32 s18, $0x3;
	[tilespmem:s29+$0xF0] =	vst v62  }
0xa7: {  	s31 =	sadd.s32 s5, s18;
	[tilespmem:s29+$0x70] =	vst v13  }
0xa8: {  	[hbm4b:s31+s9] =	stream.strided.scatter [tilespmem:s14], [sflag:$0x2], $0x1000, s10, s9, $0x38;
	[tilespmem:$0x4C80] =	vst v63  }
0xa9: {  	s17 =	sadd.s32 $0x1, s17;
	_ =	swait.ge [sflag:s11], $0x1000  }
0xaa: {  	p0 =	sne.s32 s17, $0x19;
	[sflag:s11] =	ssyncset.done $0x0  }
.Ltmp1:
0xab: {  	s18 =	sadd.s32 s6, s18;
	[sflag:s11] =	ssyncadd.s32 $0xFFFFF000;
	(pc) =	sbr.rel @p0 .LBB2_2-.Ltmp1, $4  }
0xac: {  	[hbm4b:s18+s9] =	stream.strided.scatter [tilespmem:s15], [sflag:$0x2], $0x1000, s10, s9, $0x38;
	[tilespmem:$0x4C80] =	vst v63  }
0xad: {  	_ =	swait.ge [sflag:s11], $0x1000  }
0xae: {  	[sflag:s11] =	ssyncset.done $0x0  }
0xaf: {  	[sflag:s11] =	ssyncadd.s32 $0xFFFFF000  }
0xb0: {  	s16 =	sadd.s32 $0x1, s16  }
0xb1: {  	p0 =	sne.s32 s16, s8  }
.Ltmp2:
0xb2: {  	_ = 	snop;
	(pc) =	sbr.rel @p0 .LBB2_1-.Ltmp2, $1  }
0xb3: {  	_ =	sdelay $0x3  }
0xb4: {  	_ =	sfence.sel $0x180000  }
0xb5: {  	[bflag:$0x0] =	sbarrier.arrive $0xFFFF  }
0xb6: {  	p0 =	sne.s32 s0, $0x0;
	_ =	strace $0x90000056  }
0xb7: {  	s0 =	sadd.s32 @!p0 $0x100000, s1;
	[bflag:$0x2] =	sbarrier.arrive $0xFFFF  }
0xb8: {  	[sflag:s0] =	ssyncadd.tile.s32 @!p0 $0x1;
	_ =	shalt  }
.Lfunc_end2:
_tile_overlayer_lowered:
.L_overlay_start_2:
0xb9: {  	(tag) =	ssettag $0x2  }
0xba: {  	s0 =	rddreg [dreg:$0x0];
	s2 =	stileid.u32  }
0xbb: {  	s1 =	rddreg [dreg:$0x1];
	p0 =	sne.s32 s2, $0x0  }
0xbc: {  	s3 =	rddreg [dreg:$0x2];
	[bflag:$0x3] =	sbarrier.arrive $0xFFFF;
	s2 =	simm.s32 @!p0 $0x1C02  }
0xbd: {  	[timem:s3], [sflag:s2] =	dma.local @!p0 [hbm:s0], s1  }
0xbe: {  	s0 =	simm.s32 @!p0 $0x2  }
0xbf: {  	_ =	swait.ge @!p0 [sflag:s0], s1  }
0xc0: {  	s1 =	ssub.s32 @!p0 $0x0, s1;
	[sflag:s0] =	ssyncset.done @!p0 $0x0  }
0xc1: {  	[sflag:s0] =	ssyncadd.s32 @!p0 s1  }
0xc2: {  	[bflag:$0x3] =	sbarrier.arrive $0xFFFF  }
0xc3: {  	_ =	shalt  }

// kernel: kernel.28.cloned.1.call-start
scs
__scs_entry_jumppad:
0x0: {  	(pc) =	sbr.rel $0x88, $3  }
0x1: {  	(tag) =	ssettag $0x0;
	lr =	simm.s32 $0x1  }
0x2: {  	[smem:$0x3F9F] =	sst lr;
	_ =	strace $0xD0000000  }
0x3: {  	_ = 	snop  }
0x4: {  	_ = 	snop  }
0x5: {  	_ = 	snop  }
0x6: {  	_ = 	snop  }
0x7: {  	_ = 	snop  }
__scs_overlays_trampoline_lowered:
0x8: {  	[smem:$0x3FAE] =	sst s0  }
0x9: {  	[smem:$0x3FAF] =	sst s1  }
0xa: {  	[smem:$0x3FB0] =	sst s2  }
0xb: {  	[smem:$0x3FB1] =	sst s3  }
0xc: {  	[smem:$0x3FB2] =	sst s4  }
0xd: {  	[smem:$0x3FB3] =	sst s5  }
0xe: {  	[smem:$0x3FB4] =	sst s6  }
0xf: {  	[smem:$0x3FB5] =	sst s7  }
0x10: {  	[smem:$0x3FB6] =	sst s8  }
0x11: {  	[smem:$0x3FB7] =	sst s9;
	s0 =	simm.s32 @!p0 $0x0  }
0x12: {  	s1 =	sld [smem:$0x3F9D];
	s0 =	simm.s32 @p0 $0x1  }
0x13: {  	[smem:$0x3FB8] =	sst s0;
	s0 =	simm.s32 @!p1 $0x0  }
0x14: {  	s2 =	sld [smem:$0x3F9C];
	s0 =	simm.s32 @p1 $0x1  }
0x15: {  	[smem:$0x3FB9] =	sst s0;
	s0 =	simm.s32 @!p2 $0x0  }
0x16: {  	s3 =	sld [smem:$0x3FDB];
	s0 =	simm.s32 @p2 $0x1  }
0x17: {  	s4 =	simm.s32 $0x1BF5;
	[smem:$0x3FBB] =	sst s0  }
0x18: {  	s0 =	sld [smem:$0x3F9E];
	_ =	swait.ge [sflag:s4], $0x0  }
0x19: {  	s7 =	sld [smem:$0x3F9F]  }
0x1a: {  	s8 =	sadd.s32 $0xFFFFE003, lr  }
0x1b: {  	s9 =	sadd.s32 $0xFFFFFEF7, lr;
	s5 =	simm.s32 $0xFFFFFFFF;
	p2 =	slt.u32 s8, $0xFFFFF086  }
0x1c: {  	p1 =	slt.u32 s9, $0xF7A;
	s5 =	simm.s32 @!p2 $0x0  }
0x1d: {  	s5 =	simm.s32 @p1 $0x1;
	p0 =	seq.s32 s7, s2  }
0x1e: {  	s7 =	smul.u32 @!p0 $0xF7A, s2;
	p2 =	seq.s32 @!p0 s5, $0x0  }
0x1f: {  	s9 =	smul.u32 $0xF7A, s1;
	s8 =	simm.s32 @!p0 $0x1BF5;
	p2 =	por !p2, p0  }
0x20: {  	[sflag:s8] =	ssyncset.s32 @!p0 $0xFFFFF086;
	s6 =	sadd.s32 @!p0 s3, s7;
	s7 =	simm.s32 @!p0 $0x108  }
0x21: {  	s3 =	sadd.s32 s3, s9;
	s6 =	sadd.s32 @!p0 $0x88, s6;
	s7 =	simm.s32 @p2 $0x1082  }
0x22: {  	[simem:s7], [sflag:s8] =	dma.local @!p0 [hbm:s6], $0xF7A  }
0x23: {  	s9 =	sor.u32 $0xD0000000, s2;
	s6 =	simm.s32 $0x108;
	_ =	swait.ge @!p0 [sflag:s8], $0x0  }
0x24: {  	s3 =	sadd.s32 $0x88, s3;
	s6 =	simm.s32 @!p1 $0x1082;
	[sflag:s4] =	ssyncset.s32 $0xFFFFF086  }
0x25: {  	[simem:s6], [sflag:s4] =	dma.local [hbm:s3], $0xF7A  }
0x26: {  	[smem:$0x3F9F] =	sst s1;
	(tag) =	ssettag s2;
	_ =	strace s9  }
0x27: {  	s1 =	sld [smem:$0x3FAF]  }
0x28: {  	s2 =	sld [smem:$0x3FB0]  }
0x29: {  	s4 =	sld [smem:$0x3FB2]  }
0x2a: {  	p0 =	seq.s32 s5, $0x0;
	s5 =	sld [smem:$0x3FB3]  }
0x2b: {  	s6 =	sld [smem:$0x3FB4]  }
0x2c: {  	s7 =	sld [smem:$0x3FB5]  }
0x2d: {  	s3 =	simm.s32 $0x108;
	s8 =	sld [smem:$0x3FB6]  }
0x2e: {  	s3 =	simm.s32 @!p0 $0x1082;
	s9 =	sld [smem:$0x3FB7]  }
0x2f: {  	lr =	sadd.s32 s0, s3;
	s0 =	sld [smem:$0x3FAE]  }
0x30: {  	s3 =	sld [smem:$0x3FB1]  }
0x31: {  	[smem:$0x3FBA] =	sst s10  }
0x32: {  	s10 =	sld [smem:$0x3FB8];
	_ =	sdelay $0x3  }
0x33: {  	p0 =	seq.s32 s10, $0x1;
	s10 =	sld [smem:$0x3FBA];
	_ =	sdelay $0x3  }
0x34: {  	[smem:$0x3FBA] =	sst s10  }
0x35: {  	s10 =	sld [smem:$0x3FB9];
	_ =	sdelay $0x3  }
0x36: {  	p1 =	seq.s32 s10, $0x1;
	s10 =	sld [smem:$0x3FBA];
	_ =	sdelay $0x3  }
0x37: {  	[smem:$0x3FBA] =	sst s10  }
0x38: {  	s10 =	sld [smem:$0x3FBB]  }
0x39: {  	_ = 	snop;
	(pc) =	sbr.ind lr, $3  }
0x3a: {  	_ = 	snop  }
0x3b: {  	_ = 	snop  }
0x3c: {  	p2 =	seq.s32 s10, $0x1;
	s10 =	sld [smem:$0x3FBA]  }
0x3d: {  	_ =	shalt  }
0x3e: {  	_ =	shalt  }
0x3f: {  	_ =	shalt  }
0x40: {  	_ =	shalt  }
0x41: {  	_ =	shalt  }
0x42: {  	_ =	shalt  }
0x43: {  	_ =	shalt  }
0x44: {  	_ =	shalt  }
0x45: {  	_ =	shalt  }
0x46: {  	_ =	shalt  }
0x47: {  	_ =	shalt  }
0x48: {  	_ =	shalt  }
0x49: {  	_ =	shalt  }
0x4a: {  	_ =	shalt  }
0x4b: {  	_ =	shalt  }
0x4c: {  	_ =	shalt  }
0x4d: {  	_ =	shalt  }
0x4e: {  	_ =	shalt  }
0x4f: {  	_ =	shalt  }
0x50: {  	_ =	shalt  }
0x51: {  	_ =	shalt  }
0x52: {  	_ =	shalt  }
0x53: {  	_ =	shalt  }
0x54: {  	_ =	shalt  }
0x55: {  	_ =	shalt  }
0x56: {  	_ =	shalt  }
0x57: {  	_ =	shalt  }
0x58: {  	_ =	shalt  }
0x59: {  	_ =	shalt  }
0x5a: {  	_ =	shalt  }
0x5b: {  	_ =	shalt  }
0x5c: {  	_ =	shalt  }
0x5d: {  	_ =	shalt  }
0x5e: {  	_ =	shalt  }
0x5f: {  	_ =	shalt  }
0x60: {  	_ =	shalt  }
0x61: {  	_ =	shalt  }
0x62: {  	_ =	shalt  }
0x63: {  	_ =	shalt  }
0x64: {  	_ =	shalt  }
0x65: {  	_ =	shalt  }
0x66: {  	_ =	shalt  }
0x67: {  	_ =	shalt  }
0x68: {  	_ =	shalt  }
0x69: {  	_ =	shalt  }
0x6a: {  	_ =	shalt  }
0x6b: {  	_ =	shalt  }
0x6c: {  	_ =	shalt  }
0x6d: {  	_ =	shalt  }
0x6e: {  	_ =	shalt  }
0x6f: {  	_ =	shalt  }
0x70: {  	_ =	shalt  }
0x71: {  	_ =	shalt  }
0x72: {  	_ =	shalt  }
0x73: {  	_ =	shalt  }
0x74: {  	_ =	shalt  }
0x75: {  	_ =	shalt  }
0x76: {  	_ =	shalt  }
0x77: {  	_ =	shalt  }
0x78: {  	_ =	shalt  }
0x79: {  	_ =	shalt  }
0x7a: {  	_ =	shalt  }
0x7b: {  	_ =	shalt  }
0x7c: {  	_ =	shalt  }
0x7d: {  	_ =	shalt  }
0x7e: {  	_ =	shalt  }
0x7f: {  	_ =	shalt  }
0x80: {  	_ =	shalt  }
0x81: {  	_ =	shalt  }
0x82: {  	_ =	shalt  }
0x83: {  	_ =	shalt  }
0x84: {  	_ =	shalt  }
0x85: {  	_ =	shalt  }
0x86: {  	_ =	shalt  }
0x87: {  	_ =	shalt  }
.Lfunc_end0:
.L_simem_size_0:
called_computation.6_lowered:
.L_overlay_start_0:
0x88: {  	s2 =	sld [smem:$0x3FD9]  }
0x89: {  	s3 =	sld [smem:$0x3FFE];
	_ =	sdelay $0x1  }
0x8a: {  	s1 =	srdreg.scid  }
0x8b: {  	s0 =	sand.u32 $0x1, s1  }
0x8c: {  	s17 =	sshll.u32 s0, $0xA;
	s2 =	sadd.s32 s3, s2  }
0x8d: {  	s2 =	sadd.s32 s2, s17  }
0x8e: {  	[smem:$0x3FC6] =	sst s2  }
0x8f: {  	_ = 	snop  }
0x90: {  	(tm) =	ssettm $0x1  }
0x91: {  	s18 =	sld [smem:$0x3FFB];
	_ =	sdelay $0x3  }
0x92: {  	_ =	strace s18  }
0x93: {  	s2 =	sld [smem:$0x3FFC];
	_ =	sdelay $0x3  }
0x94: {  	_ =	strace s2  }
0x95: {  	s2 =	sld [smem:$0x3FFD];
	_ =	sdelay $0x3  }
0x96: {  	_ =	strace s2  }
0x97: {  	_ =	strace $0x8FFFFFFF  }
0x98: {  	s19 =	sld [smem:$0x3FDB];
	_ =	sdelay $0x1  }
0x99: {  	s20 =	simm.s32 $_scs_section_size  }
0x9a: {  	s4 =	simm.s32 $_size__tile_overlayer_lowered;
	s5 =	simm.s32 $_tile_overlayer_lowered  }
0x9b: {  	s6 =	simm.s32 $0x1BFF;
	s21 =	sshll.u32 s5, $0x1;
	s3 =	sadd.s32 s20, s19  }
0x9c: {  	s22 =	simm.s32 $0x0;
	s4 =	sshll.u32 s4, $0x1;
	s5 =	sadd.s32 s21, s3  }
0x9d: {  	[timem:s22], [sflag:s6] =	dma.local [hbm:s5], s4  }
0x9e: {  	_ =	swait.ge [sflag:s6], s4  }
0x9f: {  	s4 =	ssub.s32 $0x0, s4;
	[sflag:s6] =	ssyncset.done $0x0  }
0xa0: {  	[sflag:s6] =	ssyncadd.s32 s4;
	_ =	sdelay $0x1  }
0xa1: {  	s23 =	simm.s32 $0x1B8B  }
0xa2: {  	_ =	swait.ge [sflag:s23], $0x1  }
0xa3: {  	[sflag:s23] =	ssyncset.done $0x0  }
0xa4: {  	[sflag:s23] =	ssyncadd.s32 $0xFFFFFFFF  }
0xa5: {  	s4 =	sld [smem:$0x0]  }
0xa6: {  	s5 =	sand.u32 $0xFFFFFFFE, s1  }
0xa7: {  	p0 =	sne.s32 s1, s5  }
0xa8: {  	s5 =	sshll.u32 @p0 s5, $0xE  }
0xa9: {  	s5 =	sadd.s32 @p0 $0x11B8D, s5;
	s6 =	sshll.u32 @p0 s4, $0x11  }
0xaa: {  	s5 =	sor.u32 @p0 s6, s5  }
0xab: {  	[sflag:s5] =	ssyncadd.remote.s32 @p0 $0x1;
	_ =	sdelay $0x1  }
0xac: {  	s5 =	simm.s32 @p0 $0x1B8D  }
0xad: {  	_ =	swait.eq @p0 [sflag:s5], $0x1  }
0xae: {  	[sflag:s5] =	ssyncadd.s32 @p0 $0xFFFFFFFF  }
0xaf: {  	s6 =	sshll.u32 @!p0 s1, $0xE  }
0xb0: {  	s6 =	sor.u32 @!p0 $0x4000, s6;
	s5 =	simm.s32 @!p0 $0x1B8D  }
0xb1: {  	s4 =	sshll.u32 @!p0 s4, $0x11;
	s6 =	sadd.s32 @!p0 $0x11B8D, s6;
	_ =	swait.eq @!p0 [sflag:s5], $0x1  }
0xb2: {  	s4 =	sor.u32 @!p0 s4, s6;
	[sflag:s5] =	ssyncadd.s32 @!p0 $0xFFFFFFFF  }
0xb3: {  	s25 =	simm.s32 $0x1B8E;
	s24 =	sld [smem:$0x3FFE];
	[sflag:s4] =	ssyncadd.remote.s32 @!p0 $0x1  }
0xb4: {  	s26 =	simm.s32 $execute0_lowered;
	[smem:$0x3FD2] =	sst s25  }
0xb5: {  	s5 =	sshll.u32 s26, $0x1;
	_ =	strace $0x80000058;
	[dreg:$0x1] =	wrdreg $0xFFFFFFFF  }
0xb6: {  	s28 =	simm.s32 $_size_execute0_lowered;
	s3 =	sadd.s32 s3, s5;
	[dreg:$0x0] =	wrdreg $0x0  }
0xb7: {  	s5 =	sshll.u32 s28, $0x1;
	[dreg:$0x2] =	wrdreg s3  }
0xb8: {  	[dreg:$0x3] =	wrdreg s5  }
0xb9: {  	[dreg:$0x4] =	wrdreg $0xC0  }
0xba: {  	_ =	task [dreg:s22], $0x5FFFF  }
0xbb: {  	[dreg:$0x1] =	wrdreg $0xFFFFFFFF  }
0xbc: {  	[dreg:$0x0] =	wrdreg $0x60  }
0xbd: {  	[dreg:$0x2] =	wrdreg s24  }
0xbe: {  	[dreg:$0x3] =	wrdreg $0xA  }
0xbf: {  	_ =	task.clear_ibuf [dreg:s22], $0x4FFFF;
	_ =	strace $0x90000058  }
0xc0: {  	s29 =	simm.s32 $0xA;
	_ =	strace $0x8000005A  }
0xc1: {  	_ =	swait.ge [sflag:s29], $0x1  }
0xc2: {  	[sflag:s29] =	ssyncadd.s32 $0xFFFFFFFF  }
0xc3: {  	_ =	strace $0x9000005A  }
0xc4: {  	_ =	sfence  }
0xc5: {  	s30 =	sld [smem:$0x0];
	_ =	sdelay $0x2  }
0xc6: {  	s31 =	sshll.u32 s1, $0xD;
	s1 =	sshrl.u32 s1, $0x2  }
0xc7: {  	s4 =	sand.u32 $0x4000, s31;
	s1 =	sadd.s32 s1, s30  }
0xc8: {  	s0 =	sor.u32 s4, s0;
	s1 =	sshll.u32 s1, $0x11  }
0xc9: {  	s0 =	sor.u32 s1, s0  }
0xca: {  	s0 =	sadd.s32 $0x8F2B, s0  }
0xcb: {  	[sflag:s0] =	ssyncadd.remote.s32 $0x1  }
0xcc: {  	_ =	sfence.sel $0xFFFF  }
0xcd: {  	[dreg:$0x0] =	wrdreg $0xFFFFFFFF;
	(pc) =	sbr.abs _section_cstart, $3  }
0xce: {  	[dreg:$0x1] =	wrdreg $0xFFFFFFFF  }
0xcf: {  	_ =	task.clear_ibuf [dreg:s22], $0x2FFFF;
	_ =	strace $0x9FFFFFFF  }
0xd0: {  	(tm) =	ssettm $0x7FFFFFFF  }
0xd1: {  	_ =	shalt  }
tec
execute0_lowered:
.L_overlay_start_1:
0x0: {  	(tag) =	ssettag $0x1  }
0x1: {  	s1 =	srdreg.scid;
	s0 =	stileid.u32  }
0x2: {  	s6 =	rddreg [dreg:$0x0];
	s2 =	simm.s32 $0x0;
	s10 =	simm.s32 $0x1000  }
0x3: {  	s11 =	simm.s32 $0x2;
	s12 =	simm.s32 $0xC80;
	s13 =	simm.s32 $0x1  }
0x4: {  	s14 =	simm.s32 $0x2C80;
	s15 =	simm.s32 $0x3C80;
	s16 =	simm.s32 $0x0  }
0x5: {  	v0 =	vlaneseq.u32;
	s4 =	sand.u32 $0x1, s1;
	s3 =	sshll.u32 s0, $0x8;
	s1 =	rddreg [dreg:$0x1]  }
0x6: {  	[smem:$0x7FF] =	sst s2;
	v0 =	vmul.u32 $0x40, v0;
	s5 =	sshll.u32 s4, $0x7;
	s8 =	ssub.s32 $0x2, s4  }
0x7: {  	_ =	strace $0x80000059;
	s3 =	sor.u32 s5, s3;
	s9 =	sshrl.u32 s8, $0x1  }
0x8: {  	s4 =	sadd.s32 $0xF4AC00, s6;
	v1 =	vor.u32 $0x400, v0;
	v2 =	vor.u32 $0x800, v0;
	s5 =	sshrl.u32 s3, $0x3;
	s8 =	ssub.s32 s8, s9  }
0x9: {  	v3 =	vor.u32 $0xC00, v0;
	v4 =	vor.u32 $0x1000, v0;
	v5 =	vor.u32 $0x1400, v0;
	s9 =	simm.s32 $0x80;
	s7 =	sadd.s32 s5, s6;
	s5 =	sadd.s32 $0x346C00, s6  }
0xa: {  	v6 =	vor.u32 $0x1800, v0;
	v7 =	vor.u32 $0x1C00, v0;
	s6 =	sadd.s32 $0x4D6C00, s6;
	s8 =	smax.u32 s8, $0x1;
	s7 =	sadd.s32 $0x217A00, s7  }
.LBB2_1:
0xb: {  	[tilespmem:s2], [sflag:$0x2] =	stream.strided.gather [hbm4b:s7+s9], $0xC80, s10, s9, $0x38;
	[tilespmem:$0x4C80] =	vst v63  }
0xc: {  	_ =	swait.ge [sflag:s11], $0xC80  }
0xd: {  	[sflag:s11] =	ssyncset.done $0x0  }
0xe: {  	s17 =	simm.s32 $0x0;
	[sflag:s11] =	ssyncadd.s32 $0xFFFFF380  }
.LBB2_2:
0xf: {  	s18 =	simm.s32 $0x3  }
0x10: {  	s19 =	simm.s32 $0x1;
	v8 =	vmov s18  }
0x11: {  	s24 =	simm.s32 $0x2;
	v9 =	vmov s19;
	v8 =	vand.u32 $0x3F, v8  }
0x12: {  	v10 =	vmov s24;
	v9 =	vand.u32 $0x3D, v9;
	v14 =	vbroadcast v8, $0x0  }
0x13: {  	s25 =	sshll.u32 s17, $0x7;
	s26 =	simm.s32 $0x0;
	v17 =	vbroadcast v9, $0x0;
	v8 =	vand.u32 $0x3E, v10  }
0x14: {  	s18 =	sand.u32 $0x3FFFFF80, s25;
	v9 =	vmov s26;
	v16 =	vbroadcast v8, $0x0;
	v8 =	vor.u32 v0, v14  }
0x15: {  	[tilespmem:s12], [sflag:$0x1] =	stream.indirect.gather [hbm4b:s4+s9], $0x40, s18, s9, $0xb8;
	v9 =	vand.u32 $0x3C, v9;
	v10 =	vor.u32 v0, v17;
	[tilespmem:$0x4C80] =	vst v63  }
0x16: {  	_ =	swait.ge [sflag:s13], $0x2000;
	v12 =	vbroadcast v9, $0x0;
	v9 =	vor.u32 v0, v16  }
0x17: {  	[sflag:s13] =	ssyncset.done $0x0  }
0x18: {  	[sflag:s13] =	ssyncadd.s32 $0xFFFFE000;
	v11 =	vor.u32 v0, v12  }
0x19: {  	v8 =	vld.idx.msk [tilespmem:v8+s12+$0x0], $0xffff  }
0x1a: {  	v13 =	vor.u32 v1, v14;
	v10 =	vld.idx.msk [tilespmem:v10+s12+$0x0], $0xffff  }
0x1b: {  	v15 =	vor.u32 v1, v17;
	v9 =	vld.idx.msk [tilespmem:v9+s12+$0x0], $0xffff  }
0x1c: {  	v18 =	vor.u32 v1, v16  }
0x1d: {  	s19 =	simm.s32 $0x2D80;
	v11 =	vld.idx.msk [tilespmem:v11+s12+$0x0], $0xffff  }
0x1e: {  	v19 =	vor.u32 v1, v12;
	[tilespmem:s19+$0x80] =	vst v8  }
0x1f: {  	[tilespmem:s19+$0xFFFFFF80] =	vst v10;
	v8 =	vld.idx.msk [tilespmem:v13+s12+$0x0], $0xffff  }
0x20: {  	v10 =	vld.idx.msk [tilespmem:v15+s12+$0x0], $0xffff;
	[tilespmem:s19+$0x0] =	vst v9;
	v9 =	vor.u32 v2, v14  }
0x21: {  	v15 =	vor.u32 v2, v17;
	v13 =	vld.idx.msk [tilespmem:v18+s12+$0x0], $0xffff  }
0x22: {  	[tilespmem:s19+$0xFFFFFF00] =	vst v11;
	v11 =	vor.u32 v2, v16  }
0x23: {  	v18 =	vld.idx.msk [tilespmem:v19+s12+$0x0], $0xffff  }
0x24: {  	s28 =	simm.s32 $0x4;
	v19 =	vor.u32 v2, v12;
	[tilespmem:s19+$0x90] =	vst v8  }
0x25: {  	v8 =	vmov s28;
	[tilespmem:s19+$0xFFFFFF90] =	vst v10;
	v10 =	vld.idx.msk [tilespmem:v9+s12+$0x0], $0xffff  }
0x26: {  	s29 =	simm.s32 $0x5;
	v8 =	vand.u32 $0x3C, v8;
	v15 =	vld.idx.msk [tilespmem:v15+s12+$0x0], $0xffff;
	[tilespmem:s19+$0x10] =	vst v13;
	v13 =	vor.u32 v3, v14  }
0x27: {  	v20 =	vor.u32 v3, v17;
	v9 =	vmov s29;
	v8 =	vbroadcast v8, $0x0;
	v11 =	vld.idx.msk [tilespmem:v11+s12+$0x0], $0xffff  }
0x28: {  	v9 =	vand.u32 $0x3D, v9;
	[tilespmem:s19+$0xFFFFFF10] =	vst v18;
	v18 =	vor.u32 v3, v16  }
0x29: {  	v9 =	vbroadcast v9, $0x0;
	v19 =	vld.idx.msk [tilespmem:v19+s12+$0x0], $0xffff;
	v21 =	vor.u32 v0, v8  }
0x2a: {  	s30 =	simm.s32 $0x7;
	v22 =	vor.u32 v3, v12;
	[tilespmem:s19+$0xA0] =	vst v10  }
0x2b: {  	s31 =	simm.s32 $0x6;
	v23 =	vor.u32 v0, v9;
	[tilespmem:s19+$0xFFFFFFA0] =	vst v15;
	v10 =	vmov s30;
	v15 =	vld.idx.msk [tilespmem:v13+s12+$0x0], $0xffff  }
0x2c: {  	v25 =	vmov s31;
	v20 =	vld.idx.msk [tilespmem:v20+s12+$0x0], $0xffff;
	[tilespmem:s19+$0x20] =	vst v11;
	v11 =	vor.u32 v4, v14;
	v10 =	vand.u32 $0x3F, v10  }
0x2d: {  	v24 =	vor.u32 v4, v17;
	v18 =	vld.idx.msk [tilespmem:v18+s12+$0x0], $0xffff;
	v13 =	vbroadcast v10, $0x0;
	v10 =	vand.u32 $0x3E, v25  }
0x2e: {  	[tilespmem:s19+$0xFFFFFF20] =	vst v19;
	v19 =	vor.u32 v4, v16;
	v21 =	vld.idx.msk [tilespmem:v21+s12+$0x0], $0xffff;
	v10 =	vbroadcast v10, $0x0  }
0x2f: {  	v22 =	vld.idx.msk [tilespmem:v22+s12+$0x0], $0xffff;
	v25 =	vor.u32 v0, v13  }
0x30: {  	v23 =	vld.idx.msk [tilespmem:v23+s12+$0x0], $0xffff;
	v26 =	vor.u32 v0, v10;
	[tilespmem:s19+$0xB0] =	vst v15  }
0x31: {  	s20 =	simm.s32 $0x8;
	v15 =	vor.u32 v4, v12;
	[tilespmem:s19+$0xFFFFFFB0] =	vst v20;
	v20 =	vld.idx.msk [tilespmem:v11+s12+$0x0], $0xffff  }
0x32: {  	v11 =	vmov s20;
	v24 =	vld.idx.msk [tilespmem:v24+s12+$0x0], $0xffff;
	[tilespmem:s19+$0x30] =	vst v18;
	v18 =	vor.u32 v5, v14  }
0x33: {  	v27 =	vor.u32 v5, v17;
	v11 =	vand.u32 $0x3C, v11;
	v19 =	vld.idx.msk [tilespmem:v19+s12+$0x0], $0xffff  }
0x34: {  	[tilespmem:s19+$0xFFFFFF30] =	vst v22;
	v11 =	vbroadcast v11, $0x0;
	v22 =	vld.idx.msk [tilespmem:v25+s12+$0x0], $0xffff;
	v25 =	vor.u32 v5, v16  }
0x35: {  	v30 =	vor.u32 v1, v13;
	v26 =	vld.idx.msk [tilespmem:v26+s12+$0x0], $0xffff  }
0x36: {  	v28 =	vor.u32 v0, v11;
	v29 =	vld.idx.msk [tilespmem:v15+s12+$0x0], $0xffff;
	[tilespmem:s19+$0xC0] =	vst v20  }
0x37: {  	v20 =	vor.u32 v1, v9;
	[tilespmem:s19+$0xFFFFFFC0] =	vst v24;
	v18 =	vld.idx.msk [tilespmem:v18+s12+$0x0], $0xffff  }
0x38: {  	s18 =	simm.s32 $0x2F80;
	v24 =	vor.u32 v1, v10;
	v27 =	vld.idx.msk [tilespmem:v27+s12+$0x0], $0xffff;
	[tilespmem:s19+$0x40] =	vst v19  }
0x39: {  	v19 =	vld.idx.msk [tilespmem:v25+s12+$0x0], $0xffff;
	v25 =	vor.u32 v6, v14;
	[tilespmem:s18+$0x80] =	vst v22  }
0x3a: {  	[tilespmem:s18+$0xFFFFFF80] =	vst v23;
	v23 =	vor.u32 v5, v12;
	v22 =	vld.idx.msk [tilespmem:v30+s12+$0x0], $0xffff  }
0x3b: {  	[tilespmem:s18+$0xFFFFFF00] =	vst v21;
	v15 =	vld.idx.msk [tilespmem:v28+s12+$0x0], $0xffff;
	v28 =	vor.u32 v1, v8  }
0x3c: {  	[tilespmem:s18+$0x0] =	vst v26;
	v26 =	vor.u32 v6, v17;
	v20 =	vld.idx.msk [tilespmem:v20+s12+$0x0], $0xffff  }
0x3d: {  	v30 =	vor.u32 v2, v13;
	v24 =	vld.idx.msk [tilespmem:v24+s12+$0x0], $0xffff;
	[tilespmem:s19+$0xD0] =	vst v18  }
0x3e: {  	v21 =	vor.u32 v2, v9;
	[tilespmem:s19+$0xFFFFFF40] =	vst v29;
	v25 =	vld.idx.msk [tilespmem:v25+s12+$0x0], $0xffff  }
0x3f: {  	v14 =	vor.u32 v7, v14;
	v23 =	vld.idx.msk [tilespmem:v23+s12+$0x0], $0xffff;
	[tilespmem:s19+$0xFFFFFFD0] =	vst v27  }
0x40: {  	v31 =	vor.u32 v2, v10;
	[tilespmem:s18+$0x90] =	vst v22;
	v28 =	vld.idx.msk [tilespmem:v28+s12+$0x0], $0xffff  }
0x41: {  	v32 =	vor.u32 v6, v12;
	v18 =	vld.idx.msk [tilespmem:v26+s12+$0x0], $0xffff;
	[tilespmem:s18+$0xFFFFFF90] =	vst v20  }
0x42: {  	s21 =	simm.s32 $0x9;
	v27 =	vor.u32 v2, v8;
	v20 =	vld.idx.msk [tilespmem:v30+s12+$0x0], $0xffff;
	[tilespmem:s18+$0x10] =	vst v24  }
0x43: {  	v22 =	vor.u32 v6, v16;
	v30 =	vld.idx.msk [tilespmem:v21+s12+$0x0], $0xffff;
	v21 =	vmov s21;
	[tilespmem:s19+$0xE0] =	vst v25  }
0x44: {  	v33 =	vor.u32 v3, v13;
	[tilespmem:s19+$0xFFFFFF50] =	vst v23;
	v26 =	vld.idx.msk [tilespmem:v14+s12+$0x0], $0xffff;
	v14 =	vand.u32 $0x3D, v21  }
0x45: {  	v31 =	vld.idx.msk [tilespmem:v31+s12+$0x0], $0xffff;
	[tilespmem:s18+$0xFFFFFF10] =	vst v28;
	v28 =	vor.u32 v3, v9;
	v14 =	vbroadcast v14, $0x0  }
0x46: {  	v29 =	vor.u32 v3, v10;
	[tilespmem:s19+$0x50] =	vst v19;
	v19 =	vld.idx.msk [tilespmem:v32+s12+$0x0], $0xffff  }
0x47: {  	v24 =	vld.idx.msk [tilespmem:v27+s12+$0x0], $0xffff;
	[tilespmem:s18+$0xA0] =	vst v20;
	v20 =	vor.u32 v0, v14  }
0x48: {  	v21 =	vld.idx.msk [tilespmem:v22+s12+$0x0], $0xffff;
	v27 =	vor.u32 v3, v8  }
0x49: {  	v25 =	vor.u32 v7, v17;
	[tilespmem:s18+$0xFFFFFFA0] =	vst v30;
	v22 =	vld.idx.msk [tilespmem:v33+s12+$0x0], $0xffff  }
0x4a: {  	s22 =	simm.s32 $0xB;
	s21 =	simm.s32 $0xC;
	[tilespmem:s18+$0x20] =	vst v31;
	v23 =	vld.idx.msk [tilespmem:v28+s12+$0x0], $0xffff;
	v28 =	vor.u32 v7, v16  }
.LBB2_3:
0x4b: {  	p0 =	slt.u32 s21, $0x3C;
	v16 =	vmov s22;
	v17 =	vld.idx.msk [tilespmem:v29+s12+$0x0], $0xffff;
	v29 =	vor.u32 v4, v13;
	[tilespmem:s19+$0xF0] =	vst v26  }
0x4c: {  	s22 =	sadd.s32 $0x2, s20;
	s20 =	smov.u32 s21;
	v20 =	vld.idx.msk [tilespmem:v20+s12+$0x0], $0xffff;
	v16 =	vand.u32 $0x3F, v16;
	[tilespmem:s18+$0xFFFFFF20] =	vst v24;
	v24 =	vor.u32 v4, v9  }
0x4d: {  	v30 =	vor.u32 v4, v10;
	v26 =	vmov s22;
	v16 =	vbroadcast v16, $0x0;
	v27 =	vld.idx.msk [tilespmem:v27+s12+$0x0], $0xffff;
	[tilespmem:s19+$0xFFFFFFE0] =	vst v18  }
0x4e: {  	v18 =	vand.u32 $0x3E, v26;
	v26 =	vor.u32 v7, v12;
	v12 =	vmovc v8;
	v8 =	vmov v11;
	v25 =	vld.idx.msk [tilespmem:v25+s12+$0x0], $0xffff;
	[tilespmem:s19+$0x60] =	vst v21  }
0x4f: {  	v31 =	vbroadcast v18, $0x0;
	v18 =	vor.u32 v0, v16;
	[tilespmem:s18+$0xB0] =	vst v22;
	v21 =	vld.idx.msk [tilespmem:v28+s12+$0x0], $0xffff  }
0x50: {  	v22 =	vor.u32 v4, v12;
	[tilespmem:s18+$0xFFFFFFB0] =	vst v23;
	v23 =	vld.idx.msk [tilespmem:v29+s12+$0x0], $0xffff  }
0x51: {  	v11 =	vmov s21;
	v28 =	vor.u32 v0, v31;
	v24 =	vld.idx.msk [tilespmem:v24+s12+$0x0], $0xffff;
	[tilespmem:s18+$0x30] =	vst v17  }
0x52: {  	v11 =	vand.u32 $0x3C, v11;
	v29 =	vor.u32 v5, v13;
	v17 =	vld.idx.msk [tilespmem:v30+s12+$0x0], $0xffff;
	[tilespmem:s19+$0xFFFFFF60] =	vst v19  }
0x53: {  	v11 =	vbroadcast v11, $0x0;
	v19 =	vor.u32 v5, v9;
	[tilespmem:s18+$0xFFFFFF30] =	vst v27;
	v26 =	vld.idx.msk [tilespmem:v26+s12+$0x0], $0xffff  }
0x54: {  	v27 =	vor.u32 v5, v10;
	v18 =	vld.idx.msk [tilespmem:v18+s12+$0x0], $0xffff;
	[tilespmem:s19+$0xFFFFFFF0] =	vst v25  }
0x55: {  	v25 =	vor.u32 v0, v11;
	v22 =	vld.idx.msk [tilespmem:v22+s12+$0x0], $0xffff;
	[tilespmem:s19+$0x70] =	vst v21  }
0x56: {  	v21 =	vld.idx.msk [tilespmem:v28+s12+$0x0], $0xffff;
	v28 =	vor.u32 v1, v16;
	[tilespmem:s18+$0xC0] =	vst v23  }
0x57: {  	v23 =	vor.u32 v1, v14;
	[tilespmem:s18+$0xFFFFFFC0] =	vst v24;
	v24 =	vld.idx.msk [tilespmem:v29+s12+$0x0], $0xffff  }
0x58: {  	v29 =	vor.u32 v1, v31;
	v19 =	vld.idx.msk [tilespmem:v19+s12+$0x0], $0xffff;
	[tilespmem:s18+$0x40] =	vst v17  }
0x59: {  	v17 =	vld.idx.msk [tilespmem:v27+s12+$0x0], $0xffff;
	v27 =	vor.u32 v6, v13;
	[tilespmem:s19+$0xFFFFFF70] =	vst v26;
	s19 =	smov.u32 s18;
	s18 =	sadd.s32 $0x200, s18  }
0x5a: {  	v26 =	vor.u32 v1, v8;
	v25 =	vld.idx.msk [tilespmem:v25+s12+$0x0], $0xffff;
	[tilespmem:s18+$0x80] =	vst v18  }
0x5b: {  	[tilespmem:s18+$0xFFFFFF80] =	vst v20;
	v18 =	vld.idx.msk [tilespmem:v28+s12+$0x0], $0xffff;
	v20 =	vor.u32 v5, v12  }
0x5c: {  	v23 =	vld.idx.msk [tilespmem:v23+s12+$0x0], $0xffff;
	[tilespmem:s18+$0x0] =	vst v21;
	v21 =	vor.u32 v6, v9  }
0x5d: {  	v28 =	vld.idx.msk [tilespmem:v29+s12+$0x0], $0xffff;
	v29 =	vor.u32 v2, v16;
	[tilespmem:s19+$0xD0] =	vst v24  }
0x5e: {  	v24 =	vor.u32 v2, v14;
	[tilespmem:s18+$0xFFFFFF00] =	vst v15;
	v27 =	vld.idx.msk [tilespmem:v27+s12+$0x0], $0xffff  }
0x5f: {  	v30 =	vor.u32 v2, v31;
	v26 =	vld.idx.msk [tilespmem:v26+s12+$0x0], $0xffff;
	[tilespmem:s19+$0xFFFFFF40] =	vst v22  }
0x60: {  	v15 =	vmov v25;
	v22 =	vld.idx.msk [tilespmem:v20+s12+$0x0], $0xffff;
	[tilespmem:s19+$0xFFFFFFD0] =	vst v19;
	v19 =	vor.u32 v7, v13;
	v13 =	vmov v16  }
0x61: {  	v16 =	vor.u32 v2, v8;
	[tilespmem:s18+$0x90] =	vst v18;
	v18 =	vld.idx.msk [tilespmem:v21+s12+$0x0], $0xffff  }
0x62: {  	s22 =	sadd.s32 $0x1, s21;
	v21 =	vor.u32 v6, v10;
	[tilespmem:s18+$0xFFFFFF90] =	vst v23;
	v23 =	vld.idx.msk [tilespmem:v29+s12+$0x0], $0xffff  }
0x63: {  	v20 =	vmov s22;
	v25 =	vld.idx.msk [tilespmem:v24+s12+$0x0], $0xffff;
	[tilespmem:s18+$0x10] =	vst v28;
	v28 =	vor.u32 v6, v12  }
0x64: {  	v20 =	vand.u32 $0x3D, v20;
	v32 =	vor.u32 v3, v13;
	v30 =	vld.idx.msk [tilespmem:v30+s12+$0x0], $0xffff;
	[tilespmem:s19+$0xE0] =	vst v27  }
0x65: {  	v34 =	vor.u32 v3, v14;
	v33 =	vbroadcast v20, $0x0;
	[tilespmem:s18+$0xFFFFFF10] =	vst v26;
	v26 =	vld.idx.msk [tilespmem:v19+s12+$0x0], $0xffff  }
.Ltmp0:
0x66: {  	v29 =	vor.u32 v3, v31;
	v24 =	vld.idx.msk [tilespmem:v16+s12+$0x0], $0xffff;
	[tilespmem:s19+$0x50] =	vst v17;
	(pc) =	sbr.rel @p0 .LBB2_3-.Ltmp0, $4  }
0x67: {  	v20 =	vor.u32 v0, v33;
	[tilespmem:s19+$0xFFFFFF50] =	vst v22;
	v21 =	vld.idx.msk [tilespmem:v21+s12+$0x0], $0xffff  }
0x68: {  	v27 =	vor.u32 v3, v8;
	[tilespmem:s18+$0xA0] =	vst v23;
	v19 =	vld.idx.msk [tilespmem:v28+s12+$0x0], $0xffff  }
0x69: {  	[tilespmem:s18+$0xFFFFFFA0] =	vst v25;
	v22 =	vld.idx.msk [tilespmem:v32+s12+$0x0], $0xffff;
	v25 =	vor.u32 v7, v9;
	v9 =	vmov v14;
	v14 =	vmov v33  }
0x6a: {  	s21 =	sadd.s32 $0x4, s21;
	s22 =	sadd.s32 $0x3, s20;
	v28 =	vor.u32 v7, v10;
	v10 =	vmov v31;
	v23 =	vld.idx.msk [tilespmem:v34+s12+$0x0], $0xffff;
	[tilespmem:s18+$0x20] =	vst v30  }
0x6b: {  	_ = 	snop  }
0x6c: {  	[tilespmem:s19+$0xF0] =	vst v26  }
0x6d: {  	[tilespmem:s18+$0xFFFFFF20] =	vst v24  }
0x6e: {  	v16 =	vmov s22;
	s20 =	sadd.s32 $0x2, s20;
	[tilespmem:s19+$0xFFFFFFE0] =	vst v18  }
0x6f: {  	v63 =	vld.idx.msk [tilespmem:v29+s12+$0x0], $0xffff;
	v33 =	vor.u32 v4, v13;
	s29 =	sadd.s32 $0x200, s18;
	v16 =	vand.u32 $0x3F, v16;
	v30 =	vmov s20;
	[tilespmem:s19+$0x60] =	vst v21  }
0x70: {  	v34 =	vor.u32 v4, v9;
	v20 =	vld.idx.msk [tilespmem:v20+s12+$0x0], $0xffff;
	[tilespmem:s29+$0xFFFFFF00] =	vst v15;
	v17 =	vbroadcast v16, $0x0;
	v37 =	vand.u32 $0x3E, v30  }
0x71: {  	v12 =	vor.u32 v7, v12;
	v35 =	vld.idx.msk [tilespmem:v27+s12+$0x0], $0xffff;
	[tilespmem:s19+$0xFFFFFF60] =	vst v19;
	v16 =	vbroadcast v37, $0x0  }
0x72: {  	v38 =	vld.idx.msk [tilespmem:v25+s12+$0x0], $0xffff;
	[tilespmem:s18+$0xB0] =	vst v22;
	v39 =	vor.u32 v0, v17  }
0x73: {  	v40 =	vld.idx.msk [tilespmem:v28+s12+$0x0], $0xffff;
	[tilespmem:s18+$0xFFFFFFB0] =	vst v23;
	v42 =	vor.u32 v0, v16  }
0x74: {  	v49 =	vor.u32 v1, v11;
	v41 =	vld.idx.msk [tilespmem:v33+s12+$0x0], $0xffff;
	[tilespmem:s18+$0x30] =	vst v63  }
0x75: {  	v47 =	vor.u32 v1, v14;
	v24 =	vld.idx.msk [tilespmem:v34+s12+$0x0], $0xffff;
	[tilespmem:s29+$0xFFFFFF80] =	vst v20  }
0x76: {  	v36 =	vor.u32 v4, v10;
	v12 =	vld.idx.msk [tilespmem:v12+s12+$0x0], $0xffff;
	[tilespmem:s18+$0xFFFFFF30] =	vst v35  }
0x77: {  	v44 =	vor.u32 v5, v13;
	[tilespmem:s19+$0xFFFFFFF0] =	vst v38;
	v25 =	vld.idx.msk [tilespmem:v39+s12+$0x0], $0xffff  }
0x78: {  	v45 =	vor.u32 v1, v17;
	[tilespmem:s19+$0x70] =	vst v40;
	v46 =	vld.idx.msk [tilespmem:v42+s12+$0x0], $0xffff  }
0x79: {  	v48 =	vor.u32 v1, v16;
	v57 =	vld.idx.msk [tilespmem:v49+s12+$0x0], $0xffff;
	[tilespmem:s18+$0xC0] =	vst v41  }
0x7a: {  	v50 =	vor.u32 v4, v8;
	v53 =	vld.idx.msk [tilespmem:v47+s12+$0x0], $0xffff;
	[tilespmem:s18+$0xFFFFFFC0] =	vst v24  }
0x7b: {  	v56 =	vor.u32 v2, v14;
	v43 =	vld.idx.msk [tilespmem:v36+s12+$0x0], $0xffff;
	[tilespmem:s19+$0xFFFFFF70] =	vst v12  }
0x7c: {  	v62 =	vor.u32 v5, v10;
	v18 =	vld.idx.msk [tilespmem:v44+s12+$0x0], $0xffff;
	[tilespmem:s29+$0x80] =	vst v25  }
0x7d: {  	v60 =	vor.u32 v2, v11;
	v52 =	vld.idx.msk [tilespmem:v45+s12+$0x0], $0xffff;
	[tilespmem:s29+$0x0] =	vst v46  }
0x7e: {  	v54 =	vor.u32 v2, v17;
	[tilespmem:s29+$0xFFFFFF10] =	vst v57;
	v55 =	vld.idx.msk [tilespmem:v48+s12+$0x0], $0xffff  }
0x7f: {  	v58 =	vor.u32 v2, v16;
	v59 =	vld.idx.msk [tilespmem:v50+s12+$0x0], $0xffff;
	[tilespmem:s29+$0xFFFFFF90] =	vst v53  }
0x80: {  	v33 =	vor.u32 v5, v8;
	[tilespmem:s18+$0x40] =	vst v43;
	v15 =	vld.idx.msk [tilespmem:v56+s12+$0x0], $0xffff  }
0x81: {  	v61 =	vor.u32 v6, v13;
	v20 =	vld.idx.msk [tilespmem:v62+s12+$0x0], $0xffff;
	[tilespmem:s18+$0xD0] =	vst v18  }
0x82: {  	v29 =	vor.u32 v3, v14;
	v18 =	vld.idx.msk [tilespmem:v60+s12+$0x0], $0xffff;
	[tilespmem:s29+$0x90] =	vst v52  }
0x83: {  	v32 =	vor.u32 v3, v11;
	v63 =	vld.idx.msk [tilespmem:v54+s12+$0x0], $0xffff;
	[tilespmem:s29+$0x10] =	vst v55  }
0x84: {  	v28 =	vor.u32 v3, v17;
	[tilespmem:s18+$0xFFFFFF40] =	vst v59;
	v19 =	vld.idx.msk [tilespmem:v58+s12+$0x0], $0xffff  }
0x85: {  	v30 =	vor.u32 v3, v16;
	v41 =	vld.idx.msk [tilespmem:v33+s12+$0x0], $0xffff;
	[tilespmem:s29+$0xFFFFFFA0] =	vst v15  }
0x86: {  	v51 =	vor.u32 v5, v9;
	v31 =	vld.idx.msk [tilespmem:v61+s12+$0x0], $0xffff;
	[tilespmem:s18+$0x50] =	vst v20  }
0x87: {  	v34 =	vor.u32 v7, v13;
	v12 =	vld.idx.msk [tilespmem:v29+s12+$0x0], $0xffff;
	[tilespmem:s29+$0xFFFFFF20] =	vst v18  }
0x88: {  	v38 =	vor.u32 v4, v14;
	v39 =	vld.idx.msk [tilespmem:v32+s12+$0x0], $0xffff;
	[tilespmem:s29+$0xA0] =	vst v63  }
0x89: {  	v42 =	vor.u32 v4, v11;
	v35 =	vld.idx.msk [tilespmem:v28+s12+$0x0], $0xffff;
	[tilespmem:s29+$0x20] =	vst v19  }
0x8a: {  	v36 =	vor.u32 v4, v17;
	[tilespmem:s18+$0xFFFFFF50] =	vst v41;
	v37 =	vld.idx.msk [tilespmem:v30+s12+$0x0], $0xffff  }
0x8b: {  	v40 =	vor.u32 v4, v16;
	v25 =	vld.idx.msk [tilespmem:v51+s12+$0x0], $0xffff;
	[tilespmem:s18+$0xE0] =	vst v31  }
0x8c: {  	v44 =	vor.u32 v6, v10;
	v13 =	vld.idx.msk [tilespmem:v34+s12+$0x0], $0xffff;
	[tilespmem:s29+$0xFFFFFFB0] =	vst v12  }
0x8d: {  	v43 =	vor.u32 v6, v9;
	v18 =	vld.idx.msk [tilespmem:v38+s12+$0x0], $0xffff;
	[tilespmem:s29+$0xFFFFFF30] =	vst v39  }
0x8e: {  	v47 =	vor.u32 v5, v14;
	v20 =	vld.idx.msk [tilespmem:v42+s12+$0x0], $0xffff;
	[tilespmem:s29+$0xB0] =	vst v35  }
0x8f: {  	v50 =	vor.u32 v5, v11;
	v45 =	vld.idx.msk [tilespmem:v36+s12+$0x0], $0xffff;
	[tilespmem:s29+$0x30] =	vst v37  }
0x90: {  	v46 =	vor.u32 v5, v17;
	[tilespmem:s18+$0xFFFFFFD0] =	vst v25;
	v21 =	vld.idx.msk [tilespmem:v40+s12+$0x0], $0xffff  }
0x91: {  	v48 =	vor.u32 v5, v16;
	v15 =	vld.idx.msk [tilespmem:v44+s12+$0x0], $0xffff;
	[tilespmem:s18+$0xF0] =	vst v13  }
0x92: {  	v51 =	vor.u32 v6, v8;
	v49 =	vld.idx.msk [tilespmem:v43+s12+$0x0], $0xffff;
	[tilespmem:s29+$0xFFFFFFC0] =	vst v18  }
0x93: {  	v52 =	vor.u32 v7, v9;
	v18 =	vld.idx.msk [tilespmem:v47+s12+$0x0], $0xffff;
	[tilespmem:s29+$0xFFFFFF40] =	vst v20  }
0x94: {  	v54 =	vor.u32 v6, v14;
	v13 =	vld.idx.msk [tilespmem:v50+s12+$0x0], $0xffff;
	[tilespmem:s29+$0xC0] =	vst v45  }
0x95: {  	v57 =	vor.u32 v6, v11;
	v12 =	vld.idx.msk [tilespmem:v46+s12+$0x0], $0xffff;
	[tilespmem:s29+$0x40] =	vst v21  }
0x96: {  	v53 =	vor.u32 v6, v17;
	[tilespmem:s18+$0x60] =	vst v15;
	v21 =	vld.idx.msk [tilespmem:v48+s12+$0x0], $0xffff  }
0x97: {  	v56 =	vld.idx.msk [tilespmem:v51+s12+$0x0], $0xffff;
	v55 =	vor.u32 v6, v16;
	[tilespmem:s18+$0xFFFFFFE0] =	vst v49  }
0x98: {  	v8 =	vor.u32 v7, v8;
	v9 =	vld.idx.msk [tilespmem:v52+s12+$0x0], $0xffff;
	[tilespmem:s29+$0xFFFFFFD0] =	vst v18  }
0x99: {  	v58 =	vor.u32 v7, v10;
	v18 =	vld.idx.msk [tilespmem:v54+s12+$0x0], $0xffff;
	[tilespmem:s29+$0xFFFFFF50] =	vst v13  }
0x9a: {  	v60 =	vor.u32 v7, v14;
	v15 =	vld.idx.msk [tilespmem:v57+s12+$0x0], $0xffff;
	[tilespmem:s29+$0xD0] =	vst v12  }
0x9b: {  	v61 =	vor.u32 v7, v11;
	v12 =	vld.idx.msk [tilespmem:v53+s12+$0x0], $0xffff;
	[tilespmem:s29+$0x50] =	vst v21  }
0x9c: {  	v17 =	vor.u32 v7, v17;
	[tilespmem:s18+$0xFFFFFF60] =	vst v56;
	v59 =	vld.idx.msk [tilespmem:v55+s12+$0x0], $0xffff  }
0x9d: {  	v16 =	vor.u32 v7, v16;
	v8 =	vld.idx.msk [tilespmem:v8+s12+$0x0], $0xffff;
	[tilespmem:s18+$0xFFFFFFF0] =	vst v9  }
0x9e: {  	v10 =	vld.idx.msk [tilespmem:v58+s12+$0x0], $0xffff;
	[tilespmem:s29+$0xFFFFFFE0] =	vst v18  }
0x9f: {  	v63 =	vld.idx.msk [tilespmem:v60+s12+$0x0], $0xffff;
	[tilespmem:s29+$0xFFFFFF60] =	vst v15  }
0xa0: {  	v9 =	vld.idx.msk [tilespmem:v61+s12+$0x0], $0xffff;
	[tilespmem:s29+$0xE0] =	vst v12  }
0xa1: {  	v62 =	vld.idx.msk [tilespmem:v17+s12+$0x0], $0xffff;
	[tilespmem:s29+$0x60] =	vst v59  }
0xa2: {  	[tilespmem:s18+$0xFFFFFF70] =	vst v8;
	v13 =	vld.idx.msk [tilespmem:v16+s12+$0x0], $0xffff  }
0xa3: {  	[tilespmem:s18+$0x70] =	vst v10  }
0xa4: {  	s30 =	sshll.u32 s17, $0x11;
	[tilespmem:s29+$0xFFFFFFF0] =	vst v63  }
0xa5: {  	s18 =	sor.u32 s3, s30;
	[tilespmem:s29+$0xFFFFFF70] =	vst v9  }
0xa6: {  	s18 =	sshrl.u32 s18, $0x3;
	[tilespmem:s29+$0xF0] =	vst v62  }
0xa7: {  	s31 =	sadd.s32 s5, s18;
	[tilespmem:s29+$0x70] =	vst v13  }
0xa8: {  	[hbm4b:s31+s9] =	stream.strided.scatter [tilespmem:s14], [sflag:$0x2], $0x1000, s10, s9, $0x38;
	[tilespmem:$0x4C80] =	vst v63  }
0xa9: {  	s17 =	sadd.s32 $0x1, s17;
	_ =	swait.ge [sflag:s11], $0x1000  }
0xaa: {  	p0 =	sne.s32 s17, $0x19;
	[sflag:s11] =	ssyncset.done $0x0  }
.Ltmp1:
0xab: {  	s18 =	sadd.s32 s6, s18;
	[sflag:s11] =	ssyncadd.s32 $0xFFFFF000;
	(pc) =	sbr.rel @p0 .LBB2_2-.Ltmp1, $4  }
0xac: {  	[hbm4b:s18+s9] =	stream.strided.scatter [tilespmem:s15], [sflag:$0x2], $0x1000, s10, s9, $0x38;
	[tilespmem:$0x4C80] =	vst v63  }
0xad: {  	_ =	swait.ge [sflag:s11], $0x1000  }
0xae: {  	[sflag:s11] =	ssyncset.done $0x0  }
0xaf: {  	[sflag:s11] =	ssyncadd.s32 $0xFFFFF000  }
0xb0: {  	s16 =	sadd.s32 $0x1, s16  }
0xb1: {  	p0 =	sne.s32 s16, s8  }
.Ltmp2:
0xb2: {  	_ = 	snop;
	(pc) =	sbr.rel @p0 .LBB2_1-.Ltmp2, $1  }
0xb3: {  	_ =	sdelay $0x3  }
0xb4: {  	_ =	sfence.sel $0x180000  }
0xb5: {  	[bflag:$0x0] =	sbarrier.arrive $0xFFFF  }
0xb6: {  	p0 =	sne.s32 s0, $0x0;
	_ =	strace $0x90000059  }
0xb7: {  	s0 =	sadd.s32 @!p0 $0x100000, s1;
	[bflag:$0x2] =	sbarrier.arrive $0xFFFF  }
0xb8: {  	[sflag:s0] =	ssyncadd.tile.s32 @!p0 $0x1;
	_ =	shalt  }
.Lfunc_end2:
_tile_overlayer_lowered:
.L_overlay_start_2:
0xb9: {  	(tag) =	ssettag $0x2  }
0xba: {  	s0 =	rddreg [dreg:$0x0];
	s2 =	stileid.u32  }
0xbb: {  	s1 =	rddreg [dreg:$0x1];
	p0 =	sne.s32 s2, $0x0  }
0xbc: {  	s3 =	rddreg [dreg:$0x2];
	[bflag:$0x3] =	sbarrier.arrive $0xFFFF;
	s2 =	simm.s32 @!p0 $0x1C02  }
0xbd: {  	[timem:s3], [sflag:s2] =	dma.local @!p0 [hbm:s0], s1  }
0xbe: {  	s0 =	simm.s32 @!p0 $0x2  }
0xbf: {  	_ =	swait.ge @!p0 [sflag:s0], s1  }
0xc0: {  	s1 =	ssub.s32 @!p0 $0x0, s1;
	[sflag:s0] =	ssyncset.done @!p0 $0x0  }
0xc1: {  	[sflag:s0] =	ssyncadd.s32 @!p0 s1  }
0xc2: {  	[bflag:$0x3] =	sbarrier.arrive $0xFFFF  }
0xc3: {  	_ =	shalt  }

// kernel: kernel.31.cloned.1.call-start
scs
__scs_entry_jumppad:
0x0: {  	(pc) =	sbr.rel $0x88, $3  }
0x1: {  	(tag) =	ssettag $0x0;
	lr =	simm.s32 $0x1  }
0x2: {  	[smem:$0x3F9F] =	sst lr;
	_ =	strace $0xD0000000  }
0x3: {  	_ = 	snop  }
0x4: {  	_ = 	snop  }
0x5: {  	_ = 	snop  }
0x6: {  	_ = 	snop  }
0x7: {  	_ = 	snop  }
__scs_overlays_trampoline_lowered:
0x8: {  	[smem:$0x3FAE] =	sst s0  }
0x9: {  	[smem:$0x3FAF] =	sst s1  }
0xa: {  	[smem:$0x3FB0] =	sst s2  }
0xb: {  	[smem:$0x3FB1] =	sst s3  }
0xc: {  	[smem:$0x3FB2] =	sst s4  }
0xd: {  	[smem:$0x3FB3] =	sst s5  }
0xe: {  	[smem:$0x3FB4] =	sst s6  }
0xf: {  	[smem:$0x3FB5] =	sst s7  }
0x10: {  	[smem:$0x3FB6] =	sst s8  }
0x11: {  	[smem:$0x3FB7] =	sst s9;
	s0 =	simm.s32 @!p0 $0x0  }
0x12: {  	s1 =	sld [smem:$0x3F9D];
	s0 =	simm.s32 @p0 $0x1  }
0x13: {  	[smem:$0x3FB8] =	sst s0;
	s0 =	simm.s32 @!p1 $0x0  }
0x14: {  	s2 =	sld [smem:$0x3F9C];
	s0 =	simm.s32 @p1 $0x1  }
0x15: {  	[smem:$0x3FB9] =	sst s0;
	s0 =	simm.s32 @!p2 $0x0  }
0x16: {  	s3 =	sld [smem:$0x3FDB];
	s0 =	simm.s32 @p2 $0x1  }
0x17: {  	s4 =	simm.s32 $0x1BF5;
	[smem:$0x3FBB] =	sst s0  }
0x18: {  	s0 =	sld [smem:$0x3F9E];
	_ =	swait.ge [sflag:s4], $0x0  }
0x19: {  	s7 =	sld [smem:$0x3F9F]  }
0x1a: {  	s8 =	sadd.s32 $0xFFFFE003, lr  }
0x1b: {  	s9 =	sadd.s32 $0xFFFFFEF7, lr;
	s5 =	simm.s32 $0xFFFFFFFF;
	p2 =	slt.u32 s8, $0xFFFFF086  }
0x1c: {  	p1 =	slt.u32 s9, $0xF7A;
	s5 =	simm.s32 @!p2 $0x0  }
0x1d: {  	s5 =	simm.s32 @p1 $0x1;
	p0 =	seq.s32 s7, s2  }
0x1e: {  	s7 =	smul.u32 @!p0 $0xF7A, s2;
	p2 =	seq.s32 @!p0 s5, $0x0  }
0x1f: {  	s9 =	smul.u32 $0xF7A, s1;
	s8 =	simm.s32 @!p0 $0x1BF5;
	p2 =	por !p2, p0  }
0x20: {  	[sflag:s8] =	ssyncset.s32 @!p0 $0xFFFFF086;
	s6 =	sadd.s32 @!p0 s3, s7;
	s7 =	simm.s32 @!p0 $0x108  }
0x21: {  	s3 =	sadd.s32 s3, s9;
	s6 =	sadd.s32 @!p0 $0x88, s6;
	s7 =	simm.s32 @p2 $0x1082  }
0x22: {  	[simem:s7], [sflag:s8] =	dma.local @!p0 [hbm:s6], $0xF7A  }
0x23: {  	s9 =	sor.u32 $0xD0000000, s2;
	s6 =	simm.s32 $0x108;
	_ =	swait.ge @!p0 [sflag:s8], $0x0  }
0x24: {  	s3 =	sadd.s32 $0x88, s3;
	s6 =	simm.s32 @!p1 $0x1082;
	[sflag:s4] =	ssyncset.s32 $0xFFFFF086  }
0x25: {  	[simem:s6], [sflag:s4] =	dma.local [hbm:s3], $0xF7A  }
0x26: {  	[smem:$0x3F9F] =	sst s1;
	(tag) =	ssettag s2;
	_ =	strace s9  }
0x27: {  	s1 =	sld [smem:$0x3FAF]  }
0x28: {  	s2 =	sld [smem:$0x3FB0]  }
0x29: {  	s4 =	sld [smem:$0x3FB2]  }
0x2a: {  	p0 =	seq.s32 s5, $0x0;
	s5 =	sld [smem:$0x3FB3]  }
0x2b: {  	s6 =	sld [smem:$0x3FB4]  }
0x2c: {  	s7 =	sld [smem:$0x3FB5]  }
0x2d: {  	s3 =	simm.s32 $0x108;
	s8 =	sld [smem:$0x3FB6]  }
0x2e: {  	s3 =	simm.s32 @!p0 $0x1082;
	s9 =	sld [smem:$0x3FB7]  }
0x2f: {  	lr =	sadd.s32 s0, s3;
	s0 =	sld [smem:$0x3FAE]  }
0x30: {  	s3 =	sld [smem:$0x3FB1]  }
0x31: {  	[smem:$0x3FBA] =	sst s10  }
0x32: {  	s10 =	sld [smem:$0x3FB8];
	_ =	sdelay $0x3  }
0x33: {  	p0 =	seq.s32 s10, $0x1;
	s10 =	sld [smem:$0x3FBA];
	_ =	sdelay $0x3  }
0x34: {  	[smem:$0x3FBA] =	sst s10  }
0x35: {  	s10 =	sld [smem:$0x3FB9];
	_ =	sdelay $0x3  }
0x36: {  	p1 =	seq.s32 s10, $0x1;
	s10 =	sld [smem:$0x3FBA];
	_ =	sdelay $0x3  }
0x37: {  	[smem:$0x3FBA] =	sst s10  }
0x38: {  	s10 =	sld [smem:$0x3FBB]  }
0x39: {  	_ = 	snop;
	(pc) =	sbr.ind lr, $3  }
0x3a: {  	_ = 	snop  }
0x3b: {  	_ = 	snop  }
0x3c: {  	p2 =	seq.s32 s10, $0x1;
	s10 =	sld [smem:$0x3FBA]  }
0x3d: {  	_ =	shalt  }
0x3e: {  	_ =	shalt  }
0x3f: {  	_ =	shalt  }
0x40: {  	_ =	shalt  }
0x41: {  	_ =	shalt  }
0x42: {  	_ =	shalt  }
0x43: {  	_ =	shalt  }
0x44: {  	_ =	shalt  }
0x45: {  	_ =	shalt  }
0x46: {  	_ =	shalt  }
0x47: {  	_ =	shalt  }
0x48: {  	_ =	shalt  }
0x49: {  	_ =	shalt  }
0x4a: {  	_ =	shalt  }
0x4b: {  	_ =	shalt  }
0x4c: {  	_ =	shalt  }
0x4d: {  	_ =	shalt  }
0x4e: {  	_ =	shalt  }
0x4f: {  	_ =	shalt  }
0x50: {  	_ =	shalt  }
0x51: {  	_ =	shalt  }
0x52: {  	_ =	shalt  }
0x53: {  	_ =	shalt  }
0x54: {  	_ =	shalt  }
0x55: {  	_ =	shalt  }
0x56: {  	_ =	shalt  }
0x57: {  	_ =	shalt  }
0x58: {  	_ =	shalt  }
0x59: {  	_ =	shalt  }
0x5a: {  	_ =	shalt  }
0x5b: {  	_ =	shalt  }
0x5c: {  	_ =	shalt  }
0x5d: {  	_ =	shalt  }
0x5e: {  	_ =	shalt  }
0x5f: {  	_ =	shalt  }
0x60: {  	_ =	shalt  }
0x61: {  	_ =	shalt  }
0x62: {  	_ =	shalt  }
0x63: {  	_ =	shalt  }
0x64: {  	_ =	shalt  }
0x65: {  	_ =	shalt  }
0x66: {  	_ =	shalt  }
0x67: {  	_ =	shalt  }
0x68: {  	_ =	shalt  }
0x69: {  	_ =	shalt  }
0x6a: {  	_ =	shalt  }
0x6b: {  	_ =	shalt  }
0x6c: {  	_ =	shalt  }
0x6d: {  	_ =	shalt  }
0x6e: {  	_ =	shalt  }
0x6f: {  	_ =	shalt  }
0x70: {  	_ =	shalt  }
0x71: {  	_ =	shalt  }
0x72: {  	_ =	shalt  }
0x73: {  	_ =	shalt  }
0x74: {  	_ =	shalt  }
0x75: {  	_ =	shalt  }
0x76: {  	_ =	shalt  }
0x77: {  	_ =	shalt  }
0x78: {  	_ =	shalt  }
0x79: {  	_ =	shalt  }
0x7a: {  	_ =	shalt  }
0x7b: {  	_ =	shalt  }
0x7c: {  	_ =	shalt  }
0x7d: {  	_ =	shalt  }
0x7e: {  	_ =	shalt  }
0x7f: {  	_ =	shalt  }
0x80: {  	_ =	shalt  }
0x81: {  	_ =	shalt  }
0x82: {  	_ =	shalt  }
0x83: {  	_ =	shalt  }
0x84: {  	_ =	shalt  }
0x85: {  	_ =	shalt  }
0x86: {  	_ =	shalt  }
0x87: {  	_ =	shalt  }
.Lfunc_end0:
.L_simem_size_0:
called_computation.7_lowered:
.L_overlay_start_0:
0x88: {  	s2 =	sld [smem:$0x3FD9]  }
0x89: {  	s3 =	sld [smem:$0x3FFE];
	_ =	sdelay $0x1  }
0x8a: {  	s1 =	srdreg.scid  }
0x8b: {  	s0 =	sand.u32 $0x1, s1  }
0x8c: {  	s17 =	sshll.u32 s0, $0xA;
	s2 =	sadd.s32 s3, s2  }
0x8d: {  	s2 =	sadd.s32 s2, s17  }
0x8e: {  	[smem:$0x3FC6] =	sst s2  }
0x8f: {  	_ = 	snop  }
0x90: {  	(tm) =	ssettm $0x1  }
0x91: {  	s18 =	sld [smem:$0x3FFB];
	_ =	sdelay $0x3  }
0x92: {  	_ =	strace s18  }
0x93: {  	s2 =	sld [smem:$0x3FFC];
	_ =	sdelay $0x3  }
0x94: {  	_ =	strace s2  }
0x95: {  	s2 =	sld [smem:$0x3FFD];
	_ =	sdelay $0x3  }
0x96: {  	_ =	strace s2  }
0x97: {  	_ =	strace $0x8FFFFFFF  }
0x98: {  	s19 =	sld [smem:$0x3FDB];
	_ =	sdelay $0x1  }
0x99: {  	s20 =	simm.s32 $_scs_section_size  }
0x9a: {  	s4 =	simm.s32 $_size__tile_overlayer_lowered;
	s5 =	simm.s32 $_tile_overlayer_lowered  }
0x9b: {  	s6 =	simm.s32 $0x1BFF;
	s21 =	sshll.u32 s5, $0x1;
	s3 =	sadd.s32 s20, s19  }
0x9c: {  	s22 =	simm.s32 $0x0;
	s4 =	sshll.u32 s4, $0x1;
	s5 =	sadd.s32 s21, s3  }
0x9d: {  	[timem:s22], [sflag:s6] =	dma.local [hbm:s5], s4  }
0x9e: {  	_ =	swait.ge [sflag:s6], s4  }
0x9f: {  	s4 =	ssub.s32 $0x0, s4;
	[sflag:s6] =	ssyncset.done $0x0  }
0xa0: {  	[sflag:s6] =	ssyncadd.s32 s4;
	_ =	sdelay $0x1  }
0xa1: {  	s23 =	simm.s32 $0x1B8B  }
0xa2: {  	_ =	swait.ge [sflag:s23], $0x1  }
0xa3: {  	[sflag:s23] =	ssyncset.done $0x0  }
0xa4: {  	[sflag:s23] =	ssyncadd.s32 $0xFFFFFFFF  }
0xa5: {  	s4 =	sld [smem:$0x0]  }
0xa6: {  	s5 =	sand.u32 $0xFFFFFFFE, s1  }
0xa7: {  	p0 =	sne.s32 s1, s5  }
0xa8: {  	s5 =	sshll.u32 @p0 s5, $0xE  }
0xa9: {  	s5 =	sadd.s32 @p0 $0x11B8D, s5;
	s6 =	sshll.u32 @p0 s4, $0x11  }
0xaa: {  	s5 =	sor.u32 @p0 s6, s5  }
0xab: {  	[sflag:s5] =	ssyncadd.remote.s32 @p0 $0x1;
	_ =	sdelay $0x1  }
0xac: {  	s5 =	simm.s32 @p0 $0x1B8D  }
0xad: {  	_ =	swait.eq @p0 [sflag:s5], $0x1  }
0xae: {  	[sflag:s5] =	ssyncadd.s32 @p0 $0xFFFFFFFF  }
0xaf: {  	s6 =	sshll.u32 @!p0 s1, $0xE  }
0xb0: {  	s6 =	sor.u32 @!p0 $0x4000, s6;
	s5 =	simm.s32 @!p0 $0x1B8D  }
0xb1: {  	s4 =	sshll.u32 @!p0 s4, $0x11;
	s6 =	sadd.s32 @!p0 $0x11B8D, s6;
	_ =	swait.eq @!p0 [sflag:s5], $0x1  }
0xb2: {  	s4 =	sor.u32 @!p0 s4, s6;
	[sflag:s5] =	ssyncadd.s32 @!p0 $0xFFFFFFFF  }
0xb3: {  	s25 =	simm.s32 $0x1B8E;
	s24 =	sld [smem:$0x3FFE];
	[sflag:s4] =	ssyncadd.remote.s32 @!p0 $0x1  }
0xb4: {  	s26 =	simm.s32 $execute0_lowered;
	[smem:$0x3FD2] =	sst s25  }
0xb5: {  	s5 =	sshll.u32 s26, $0x1;
	_ =	strace $0x8000005B;
	[dreg:$0x1] =	wrdreg $0xFFFFFFFF  }
0xb6: {  	s28 =	simm.s32 $_size_execute0_lowered;
	s3 =	sadd.s32 s3, s5;
	[dreg:$0x0] =	wrdreg $0x0  }
0xb7: {  	s5 =	sshll.u32 s28, $0x1;
	[dreg:$0x2] =	wrdreg s3  }
0xb8: {  	[dreg:$0x3] =	wrdreg s5  }
0xb9: {  	[dreg:$0x4] =	wrdreg $0xC0  }
0xba: {  	_ =	task [dreg:s22], $0x5FFFF  }
0xbb: {  	[dreg:$0x1] =	wrdreg $0xFFFFFFFF  }
0xbc: {  	[dreg:$0x0] =	wrdreg $0x60  }
0xbd: {  	[dreg:$0x2] =	wrdreg s24  }
0xbe: {  	[dreg:$0x3] =	wrdreg $0x9  }
0xbf: {  	_ =	task.clear_ibuf [dreg:s22], $0x4FFFF;
	_ =	strace $0x9000005B  }
0xc0: {  	s29 =	simm.s32 $0x9;
	_ =	strace $0x8000005D  }
0xc1: {  	_ =	swait.ge [sflag:s29], $0x1  }
0xc2: {  	[sflag:s29] =	ssyncadd.s32 $0xFFFFFFFF  }
0xc3: {  	_ =	strace $0x9000005D  }
0xc4: {  	_ =	sfence  }
0xc5: {  	s30 =	sld [smem:$0x0];
	_ =	sdelay $0x2  }
0xc6: {  	s31 =	sshll.u32 s1, $0xD;
	s1 =	sshrl.u32 s1, $0x2  }
0xc7: {  	s4 =	sand.u32 $0x4000, s31;
	s1 =	sadd.s32 s1, s30  }
0xc8: {  	s0 =	sor.u32 s4, s0;
	s1 =	sshll.u32 s1, $0x11  }
0xc9: {  	s0 =	sor.u32 s1, s0  }
0xca: {  	s0 =	sadd.s32 $0x8F2B, s0  }
0xcb: {  	[sflag:s0] =	ssyncadd.remote.s32 $0x1  }
0xcc: {  	_ =	sfence.sel $0xFFFF  }
0xcd: {  	[dreg:$0x0] =	wrdreg $0xFFFFFFFF;
	(pc) =	sbr.abs _section_cstart, $3  }
0xce: {  	[dreg:$0x1] =	wrdreg $0xFFFFFFFF  }
0xcf: {  	_ =	task.clear_ibuf [dreg:s22], $0x2FFFF;
	_ =	strace $0x9FFFFFFF  }
0xd0: {  	(tm) =	ssettm $0x7FFFFFFF  }
0xd1: {  	_ =	shalt  }
tec
execute0_lowered:
.L_overlay_start_1:
0x0: {  	(tag) =	ssettag $0x1  }
0x1: {  	s1 =	srdreg.scid;
	s0 =	stileid.u32  }
0x2: {  	s6 =	rddreg [dreg:$0x0];
	s2 =	simm.s32 $0x0;
	s10 =	simm.s32 $0x1000  }
0x3: {  	s11 =	simm.s32 $0x2;
	s12 =	simm.s32 $0xC80;
	s13 =	simm.s32 $0x1  }
0x4: {  	s14 =	simm.s32 $0x2C80;
	s15 =	simm.s32 $0x3C80;
	s16 =	simm.s32 $0x0  }
0x5: {  	v0 =	vlaneseq.u32;
	s4 =	sand.u32 $0x1, s1;
	s3 =	sshll.u32 s0, $0x8;
	s1 =	rddreg [dreg:$0x1]  }
0x6: {  	[smem:$0x7FF] =	sst s2;
	v0 =	vmul.u32 $0x40, v0;
	s5 =	sshll.u32 s4, $0x7;
	s8 =	ssub.s32 $0x2, s4  }
0x7: {  	_ =	strace $0x8000005C;
	s3 =	sor.u32 s5, s3;
	s9 =	sshrl.u32 s8, $0x1  }
0x8: {  	s4 =	sadd.s32 $0xF4AC00, s6;
	v1 =	vor.u32 $0x400, v0;
	v2 =	vor.u32 $0x800, v0;
	s5 =	sshrl.u32 s3, $0x3;
	s8 =	ssub.s32 s8, s9  }
0x9: {  	v3 =	vor.u32 $0xC00, v0;
	v4 =	vor.u32 $0x1000, v0;
	v5 =	vor.u32 $0x1400, v0;
	s9 =	simm.s32 $0x80;
	s7 =	sadd.s32 s5, s6;
	s5 =	sadd.s32 $0x40EC00, s6  }
0xa: {  	v6 =	vor.u32 $0x1800, v0;
	v7 =	vor.u32 $0x1C00, v0;
	s6 =	sadd.s32 $0x59EC00, s6;
	s8 =	smax.u32 s8, $0x1;
	s7 =	sadd.s32 $0x214800, s7  }
.LBB2_1:
0xb: {  	[tilespmem:s2], [sflag:$0x2] =	stream.strided.gather [hbm4b:s7+s9], $0xC80, s10, s9, $0x38;
	[tilespmem:$0x4C80] =	vst v63  }
0xc: {  	_ =	swait.ge [sflag:s11], $0xC80  }
0xd: {  	[sflag:s11] =	ssyncset.done $0x0  }
0xe: {  	s17 =	simm.s32 $0x0;
	[sflag:s11] =	ssyncadd.s32 $0xFFFFF380  }
.LBB2_2:
0xf: {  	s18 =	simm.s32 $0x3  }
0x10: {  	s19 =	simm.s32 $0x1;
	v8 =	vmov s18  }
0x11: {  	s24 =	simm.s32 $0x2;
	v9 =	vmov s19;
	v8 =	vand.u32 $0x3F, v8  }
0x12: {  	v10 =	vmov s24;
	v9 =	vand.u32 $0x3D, v9;
	v14 =	vbroadcast v8, $0x0  }
0x13: {  	s25 =	sshll.u32 s17, $0x7;
	s26 =	simm.s32 $0x0;
	v17 =	vbroadcast v9, $0x0;
	v8 =	vand.u32 $0x3E, v10  }
0x14: {  	s18 =	sand.u32 $0x3FFFFF80, s25;
	v9 =	vmov s26;
	v16 =	vbroadcast v8, $0x0;
	v8 =	vor.u32 v0, v14  }
0x15: {  	[tilespmem:s12], [sflag:$0x1] =	stream.indirect.gather [hbm4b:s4+s9], $0x40, s18, s9, $0xb8;
	v9 =	vand.u32 $0x3C, v9;
	v10 =	vor.u32 v0, v17;
	[tilespmem:$0x4C80] =	vst v63  }
0x16: {  	_ =	swait.ge [sflag:s13], $0x2000;
	v12 =	vbroadcast v9, $0x0;
	v9 =	vor.u32 v0, v16  }
0x17: {  	[sflag:s13] =	ssyncset.done $0x0  }
0x18: {  	[sflag:s13] =	ssyncadd.s32 $0xFFFFE000;
	v11 =	vor.u32 v0, v12  }
0x19: {  	v8 =	vld.idx.msk [tilespmem:v8+s12+$0x0], $0xffff  }
0x1a: {  	v13 =	vor.u32 v1, v14;
	v10 =	vld.idx.msk [tilespmem:v10+s12+$0x0], $0xffff  }
0x1b: {  	v15 =	vor.u32 v1, v17;
	v9 =	vld.idx.msk [tilespmem:v9+s12+$0x0], $0xffff  }
0x1c: {  	v18 =	vor.u32 v1, v16  }
0x1d: {  	s19 =	simm.s32 $0x2D80;
	v11 =	vld.idx.msk [tilespmem:v11+s12+$0x0], $0xffff  }
0x1e: {  	v19 =	vor.u32 v1, v12;
	[tilespmem:s19+$0x80] =	vst v8  }
0x1f: {  	[tilespmem:s19+$0xFFFFFF80] =	vst v10;
	v8 =	vld.idx.msk [tilespmem:v13+s12+$0x0], $0xffff  }
0x20: {  	v10 =	vld.idx.msk [tilespmem:v15+s12+$0x0], $0xffff;
	[tilespmem:s19+$0x0] =	vst v9;
	v9 =	vor.u32 v2, v14  }
0x21: {  	v15 =	vor.u32 v2, v17;
	v13 =	vld.idx.msk [tilespmem:v18+s12+$0x0], $0xffff  }
0x22: {  	[tilespmem:s19+$0xFFFFFF00] =	vst v11;
	v11 =	vor.u32 v2, v16  }
0x23: {  	v18 =	vld.idx.msk [tilespmem:v19+s12+$0x0], $0xffff  }
0x24: {  	s28 =	simm.s32 $0x4;
	v19 =	vor.u32 v2, v12;
	[tilespmem:s19+$0x90] =	vst v8  }
0x25: {  	v8 =	vmov s28;
	[tilespmem:s19+$0xFFFFFF90] =	vst v10;
	v10 =	vld.idx.msk [tilespmem:v9+s12+$0x0], $0xffff  }
0x26: {  	s29 =	simm.s32 $0x5;
	v8 =	vand.u32 $0x3C, v8;
	v15 =	vld.idx.msk [tilespmem:v15+s12+$0x0], $0xffff;
	[tilespmem:s19+$0x10] =	vst v13;
	v13 =	vor.u32 v3, v14  }
0x27: {  	v20 =	vor.u32 v3, v17;
	v9 =	vmov s29;
	v8 =	vbroadcast v8, $0x0;
	v11 =	vld.idx.msk [tilespmem:v11+s12+$0x0], $0xffff  }
0x28: {  	v9 =	vand.u32 $0x3D, v9;
	[tilespmem:s19+$0xFFFFFF10] =	vst v18;
	v18 =	vor.u32 v3, v16  }
0x29: {  	v9 =	vbroadcast v9, $0x0;
	v19 =	vld.idx.msk [tilespmem:v19+s12+$0x0], $0xffff;
	v21 =	vor.u32 v0, v8  }
0x2a: {  	s30 =	simm.s32 $0x7;
	v22 =	vor.u32 v3, v12;
	[tilespmem:s19+$0xA0] =	vst v10  }
0x2b: {  	s31 =	simm.s32 $0x6;
	v23 =	vor.u32 v0, v9;
	[tilespmem:s19+$0xFFFFFFA0] =	vst v15;
	v10 =	vmov s30;
	v15 =	vld.idx.msk [tilespmem:v13+s12+$0x0], $0xffff  }
0x2c: {  	v25 =	vmov s31;
	v20 =	vld.idx.msk [tilespmem:v20+s12+$0x0], $0xffff;
	[tilespmem:s19+$0x20] =	vst v11;
	v11 =	vor.u32 v4, v14;
	v10 =	vand.u32 $0x3F, v10  }
0x2d: {  	v24 =	vor.u32 v4, v17;
	v18 =	vld.idx.msk [tilespmem:v18+s12+$0x0], $0xffff;
	v13 =	vbroadcast v10, $0x0;
	v10 =	vand.u32 $0x3E, v25  }
0x2e: {  	[tilespmem:s19+$0xFFFFFF20] =	vst v19;
	v19 =	vor.u32 v4, v16;
	v21 =	vld.idx.msk [tilespmem:v21+s12+$0x0], $0xffff;
	v10 =	vbroadcast v10, $0x0  }
0x2f: {  	v22 =	vld.idx.msk [tilespmem:v22+s12+$0x0], $0xffff;
	v25 =	vor.u32 v0, v13  }
0x30: {  	v23 =	vld.idx.msk [tilespmem:v23+s12+$0x0], $0xffff;
	v26 =	vor.u32 v0, v10;
	[tilespmem:s19+$0xB0] =	vst v15  }
0x31: {  	s20 =	simm.s32 $0x8;
	v15 =	vor.u32 v4, v12;
	[tilespmem:s19+$0xFFFFFFB0] =	vst v20;
	v20 =	vld.idx.msk [tilespmem:v11+s12+$0x0], $0xffff  }
0x32: {  	v11 =	vmov s20;
	v24 =	vld.idx.msk [tilespmem:v24+s12+$0x0], $0xffff;
	[tilespmem:s19+$0x30] =	vst v18;
	v18 =	vor.u32 v5, v14  }
0x33: {  	v27 =	vor.u32 v5, v17;
	v11 =	vand.u32 $0x3C, v11;
	v19 =	vld.idx.msk [tilespmem:v19+s12+$0x0], $0xffff  }
0x34: {  	[tilespmem:s19+$0xFFFFFF30] =	vst v22;
	v11 =	vbroadcast v11, $0x0;
	v22 =	vld.idx.msk [tilespmem:v25+s12+$0x0], $0xffff;
	v25 =	vor.u32 v5, v16  }
0x35: {  	v30 =	vor.u32 v1, v13;
	v26 =	vld.idx.msk [tilespmem:v26+s12+$0x0], $0xffff  }
0x36: {  	v28 =	vor.u32 v0, v11;
	v29 =	vld.idx.msk [tilespmem:v15+s12+$0x0], $0xffff;
	[tilespmem:s19+$0xC0] =	vst v20  }
0x37: {  	v20 =	vor.u32 v1, v9;
	[tilespmem:s19+$0xFFFFFFC0] =	vst v24;
	v18 =	vld.idx.msk [tilespmem:v18+s12+$0x0], $0xffff  }
0x38: {  	s18 =	simm.s32 $0x2F80;
	v24 =	vor.u32 v1, v10;
	v27 =	vld.idx.msk [tilespmem:v27+s12+$0x0], $0xffff;
	[tilespmem:s19+$0x40] =	vst v19  }
0x39: {  	v19 =	vld.idx.msk [tilespmem:v25+s12+$0x0], $0xffff;
	v25 =	vor.u32 v6, v14;
	[tilespmem:s18+$0x80] =	vst v22  }
0x3a: {  	[tilespmem:s18+$0xFFFFFF80] =	vst v23;
	v23 =	vor.u32 v5, v12;
	v22 =	vld.idx.msk [tilespmem:v30+s12+$0x0], $0xffff  }
0x3b: {  	[tilespmem:s18+$0xFFFFFF00] =	vst v21;
	v15 =	vld.idx.msk [tilespmem:v28+s12+$0x0], $0xffff;
	v28 =	vor.u32 v1, v8  }
0x3c: {  	[tilespmem:s18+$0x0] =	vst v26;
	v26 =	vor.u32 v6, v17;
	v20 =	vld.idx.msk [tilespmem:v20+s12+$0x0], $0xffff  }
0x3d: {  	v30 =	vor.u32 v2, v13;
	v24 =	vld.idx.msk [tilespmem:v24+s12+$0x0], $0xffff;
	[tilespmem:s19+$0xD0] =	vst v18  }
0x3e: {  	v21 =	vor.u32 v2, v9;
	[tilespmem:s19+$0xFFFFFF40] =	vst v29;
	v25 =	vld.idx.msk [tilespmem:v25+s12+$0x0], $0xffff  }
0x3f: {  	v14 =	vor.u32 v7, v14;
	v23 =	vld.idx.msk [tilespmem:v23+s12+$0x0], $0xffff;
	[tilespmem:s19+$0xFFFFFFD0] =	vst v27  }
0x40: {  	v31 =	vor.u32 v2, v10;
	[tilespmem:s18+$0x90] =	vst v22;
	v28 =	vld.idx.msk [tilespmem:v28+s12+$0x0], $0xffff  }
0x41: {  	v32 =	vor.u32 v6, v12;
	v18 =	vld.idx.msk [tilespmem:v26+s12+$0x0], $0xffff;
	[tilespmem:s18+$0xFFFFFF90] =	vst v20  }
0x42: {  	s21 =	simm.s32 $0x9;
	v27 =	vor.u32 v2, v8;
	v20 =	vld.idx.msk [tilespmem:v30+s12+$0x0], $0xffff;
	[tilespmem:s18+$0x10] =	vst v24  }
0x43: {  	v22 =	vor.u32 v6, v16;
	v30 =	vld.idx.msk [tilespmem:v21+s12+$0x0], $0xffff;
	v21 =	vmov s21;
	[tilespmem:s19+$0xE0] =	vst v25  }
0x44: {  	v33 =	vor.u32 v3, v13;
	[tilespmem:s19+$0xFFFFFF50] =	vst v23;
	v26 =	vld.idx.msk [tilespmem:v14+s12+$0x0], $0xffff;
	v14 =	vand.u32 $0x3D, v21  }
0x45: {  	v31 =	vld.idx.msk [tilespmem:v31+s12+$0x0], $0xffff;
	[tilespmem:s18+$0xFFFFFF10] =	vst v28;
	v28 =	vor.u32 v3, v9;
	v14 =	vbroadcast v14, $0x0  }
0x46: {  	v29 =	vor.u32 v3, v10;
	[tilespmem:s19+$0x50] =	vst v19;
	v19 =	vld.idx.msk [tilespmem:v32+s12+$0x0], $0xffff  }
0x47: {  	v24 =	vld.idx.msk [tilespmem:v27+s12+$0x0], $0xffff;
	[tilespmem:s18+$0xA0] =	vst v20;
	v20 =	vor.u32 v0, v14  }
0x48: {  	v21 =	vld.idx.msk [tilespmem:v22+s12+$0x0], $0xffff;
	v27 =	vor.u32 v3, v8  }
0x49: {  	v25 =	vor.u32 v7, v17;
	[tilespmem:s18+$0xFFFFFFA0] =	vst v30;
	v22 =	vld.idx.msk [tilespmem:v33+s12+$0x0], $0xffff  }
0x4a: {  	s22 =	simm.s32 $0xB;
	s21 =	simm.s32 $0xC;
	[tilespmem:s18+$0x20] =	vst v31;
	v23 =	vld.idx.msk [tilespmem:v28+s12+$0x0], $0xffff;
	v28 =	vor.u32 v7, v16  }
.LBB2_3:
0x4b: {  	p0 =	slt.u32 s21, $0x3C;
	v16 =	vmov s22;
	v17 =	vld.idx.msk [tilespmem:v29+s12+$0x0], $0xffff;
	v29 =	vor.u32 v4, v13;
	[tilespmem:s19+$0xF0] =	vst v26  }
0x4c: {  	s22 =	sadd.s32 $0x2, s20;
	s20 =	smov.u32 s21;
	v20 =	vld.idx.msk [tilespmem:v20+s12+$0x0], $0xffff;
	v16 =	vand.u32 $0x3F, v16;
	[tilespmem:s18+$0xFFFFFF20] =	vst v24;
	v24 =	vor.u32 v4, v9  }
0x4d: {  	v30 =	vor.u32 v4, v10;
	v26 =	vmov s22;
	v16 =	vbroadcast v16, $0x0;
	v27 =	vld.idx.msk [tilespmem:v27+s12+$0x0], $0xffff;
	[tilespmem:s19+$0xFFFFFFE0] =	vst v18  }
0x4e: {  	v18 =	vand.u32 $0x3E, v26;
	v26 =	vor.u32 v7, v12;
	v12 =	vmovc v8;
	v8 =	vmov v11;
	v25 =	vld.idx.msk [tilespmem:v25+s12+$0x0], $0xffff;
	[tilespmem:s19+$0x60] =	vst v21  }
0x4f: {  	v31 =	vbroadcast v18, $0x0;
	v18 =	vor.u32 v0, v16;
	[tilespmem:s18+$0xB0] =	vst v22;
	v21 =	vld.idx.msk [tilespmem:v28+s12+$0x0], $0xffff  }
0x50: {  	v22 =	vor.u32 v4, v12;
	[tilespmem:s18+$0xFFFFFFB0] =	vst v23;
	v23 =	vld.idx.msk [tilespmem:v29+s12+$0x0], $0xffff  }
0x51: {  	v11 =	vmov s21;
	v28 =	vor.u32 v0, v31;
	v24 =	vld.idx.msk [tilespmem:v24+s12+$0x0], $0xffff;
	[tilespmem:s18+$0x30] =	vst v17  }
0x52: {  	v11 =	vand.u32 $0x3C, v11;
	v29 =	vor.u32 v5, v13;
	v17 =	vld.idx.msk [tilespmem:v30+s12+$0x0], $0xffff;
	[tilespmem:s19+$0xFFFFFF60] =	vst v19  }
0x53: {  	v11 =	vbroadcast v11, $0x0;
	v19 =	vor.u32 v5, v9;
	[tilespmem:s18+$0xFFFFFF30] =	vst v27;
	v26 =	vld.idx.msk [tilespmem:v26+s12+$0x0], $0xffff  }
0x54: {  	v27 =	vor.u32 v5, v10;
	v18 =	vld.idx.msk [tilespmem:v18+s12+$0x0], $0xffff;
	[tilespmem:s19+$0xFFFFFFF0] =	vst v25  }
0x55: {  	v25 =	vor.u32 v0, v11;
	v22 =	vld.idx.msk [tilespmem:v22+s12+$0x0], $0xffff;
	[tilespmem:s19+$0x70] =	vst v21  }
0x56: {  	v21 =	vld.idx.msk [tilespmem:v28+s12+$0x0], $0xffff;
	v28 =	vor.u32 v1, v16;
	[tilespmem:s18+$0xC0] =	vst v23  }
0x57: {  	v23 =	vor.u32 v1, v14;
	[tilespmem:s18+$0xFFFFFFC0] =	vst v24;
	v24 =	vld.idx.msk [tilespmem:v29+s12+$0x0], $0xffff  }
0x58: {  	v29 =	vor.u32 v1, v31;
	v19 =	vld.idx.msk [tilespmem:v19+s12+$0x0], $0xffff;
	[tilespmem:s18+$0x40] =	vst v17  }
0x59: {  	v17 =	vld.idx.msk [tilespmem:v27+s12+$0x0], $0xffff;
	v27 =	vor.u32 v6, v13;
	[tilespmem:s19+$0xFFFFFF70] =	vst v26;
	s19 =	smov.u32 s18;
	s18 =	sadd.s32 $0x200, s18  }
0x5a: {  	v26 =	vor.u32 v1, v8;
	v25 =	vld.idx.msk [tilespmem:v25+s12+$0x0], $0xffff;
	[tilespmem:s18+$0x80] =	vst v18  }
0x5b: {  	[tilespmem:s18+$0xFFFFFF80] =	vst v20;
	v18 =	vld.idx.msk [tilespmem:v28+s12+$0x0], $0xffff;
	v20 =	vor.u32 v5, v12  }
0x5c: {  	v23 =	vld.idx.msk [tilespmem:v23+s12+$0x0], $0xffff;
	[tilespmem:s18+$0x0] =	vst v21;
	v21 =	vor.u32 v6, v9  }
0x5d: {  	v28 =	vld.idx.msk [tilespmem:v29+s12+$0x0], $0xffff;
	v29 =	vor.u32 v2, v16;
	[tilespmem:s19+$0xD0] =	vst v24  }
0x5e: {  	v24 =	vor.u32 v2, v14;
	[tilespmem:s18+$0xFFFFFF00] =	vst v15;
	v27 =	vld.idx.msk [tilespmem:v27+s12+$0x0], $0xffff  }
0x5f: {  	v30 =	vor.u32 v2, v31;
	v26 =	vld.idx.msk [tilespmem:v26+s12+$0x0], $0xffff;
	[tilespmem:s19+$0xFFFFFF40] =	vst v22  }
0x60: {  	v15 =	vmov v25;
	v22 =	vld.idx.msk [tilespmem:v20+s12+$0x0], $0xffff;
	[tilespmem:s19+$0xFFFFFFD0] =	vst v19;
	v19 =	vor.u32 v7, v13;
	v13 =	vmov v16  }
0x61: {  	v16 =	vor.u32 v2, v8;
	[tilespmem:s18+$0x90] =	vst v18;
	v18 =	vld.idx.msk [tilespmem:v21+s12+$0x0], $0xffff  }
0x62: {  	s22 =	sadd.s32 $0x1, s21;
	v21 =	vor.u32 v6, v10;
	[tilespmem:s18+$0xFFFFFF90] =	vst v23;
	v23 =	vld.idx.msk [tilespmem:v29+s12+$0x0], $0xffff  }
0x63: {  	v20 =	vmov s22;
	v25 =	vld.idx.msk [tilespmem:v24+s12+$0x0], $0xffff;
	[tilespmem:s18+$0x10] =	vst v28;
	v28 =	vor.u32 v6, v12  }
0x64: {  	v20 =	vand.u32 $0x3D, v20;
	v32 =	vor.u32 v3, v13;
	v30 =	vld.idx.msk [tilespmem:v30+s12+$0x0], $0xffff;
	[tilespmem:s19+$0xE0] =	vst v27  }
0x65: {  	v34 =	vor.u32 v3, v14;
	v33 =	vbroadcast v20, $0x0;
	[tilespmem:s18+$0xFFFFFF10] =	vst v26;
	v26 =	vld.idx.msk [tilespmem:v19+s12+$0x0], $0xffff  }
.Ltmp0:
0x66: {  	v29 =	vor.u32 v3, v31;
	v24 =	vld.idx.msk [tilespmem:v16+s12+$0x0], $0xffff;
	[tilespmem:s19+$0x50] =	vst v17;
	(pc) =	sbr.rel @p0 .LBB2_3-.Ltmp0, $4  }
0x67: {  	v20 =	vor.u32 v0, v33;
	[tilespmem:s19+$0xFFFFFF50] =	vst v22;
	v21 =	vld.idx.msk [tilespmem:v21+s12+$0x0], $0xffff  }
0x68: {  	v27 =	vor.u32 v3, v8;
	[tilespmem:s18+$0xA0] =	vst v23;
	v19 =	vld.idx.msk [tilespmem:v28+s12+$0x0], $0xffff  }
0x69: {  	[tilespmem:s18+$0xFFFFFFA0] =	vst v25;
	v22 =	vld.idx.msk [tilespmem:v32+s12+$0x0], $0xffff;
	v25 =	vor.u32 v7, v9;
	v9 =	vmov v14;
	v14 =	vmov v33  }
0x6a: {  	s21 =	sadd.s32 $0x4, s21;
	s22 =	sadd.s32 $0x3, s20;
	v28 =	vor.u32 v7, v10;
	v10 =	vmov v31;
	v23 =	vld.idx.msk [tilespmem:v34+s12+$0x0], $0xffff;
	[tilespmem:s18+$0x20] =	vst v30  }
0x6b: {  	_ = 	snop  }
0x6c: {  	[tilespmem:s19+$0xF0] =	vst v26  }
0x6d: {  	[tilespmem:s18+$0xFFFFFF20] =	vst v24  }
0x6e: {  	v16 =	vmov s22;
	s20 =	sadd.s32 $0x2, s20;
	[tilespmem:s19+$0xFFFFFFE0] =	vst v18  }
0x6f: {  	v63 =	vld.idx.msk [tilespmem:v29+s12+$0x0], $0xffff;
	v33 =	vor.u32 v4, v13;
	s29 =	sadd.s32 $0x200, s18;
	v16 =	vand.u32 $0x3F, v16;
	v30 =	vmov s20;
	[tilespmem:s19+$0x60] =	vst v21  }
0x70: {  	v34 =	vor.u32 v4, v9;
	v20 =	vld.idx.msk [tilespmem:v20+s12+$0x0], $0xffff;
	[tilespmem:s29+$0xFFFFFF00] =	vst v15;
	v17 =	vbroadcast v16, $0x0;
	v37 =	vand.u32 $0x3E, v30  }
0x71: {  	v12 =	vor.u32 v7, v12;
	v35 =	vld.idx.msk [tilespmem:v27+s12+$0x0], $0xffff;
	[tilespmem:s19+$0xFFFFFF60] =	vst v19;
	v16 =	vbroadcast v37, $0x0  }
0x72: {  	v38 =	vld.idx.msk [tilespmem:v25+s12+$0x0], $0xffff;
	[tilespmem:s18+$0xB0] =	vst v22;
	v39 =	vor.u32 v0, v17  }
0x73: {  	v40 =	vld.idx.msk [tilespmem:v28+s12+$0x0], $0xffff;
	[tilespmem:s18+$0xFFFFFFB0] =	vst v23;
	v42 =	vor.u32 v0, v16  }
0x74: {  	v49 =	vor.u32 v1, v11;
	v41 =	vld.idx.msk [tilespmem:v33+s12+$0x0], $0xffff;
	[tilespmem:s18+$0x30] =	vst v63  }
0x75: {  	v47 =	vor.u32 v1, v14;
	v24 =	vld.idx.msk [tilespmem:v34+s12+$0x0], $0xffff;
	[tilespmem:s29+$0xFFFFFF80] =	vst v20  }
0x76: {  	v36 =	vor.u32 v4, v10;
	v12 =	vld.idx.msk [tilespmem:v12+s12+$0x0], $0xffff;
	[tilespmem:s18+$0xFFFFFF30] =	vst v35  }
0x77: {  	v44 =	vor.u32 v5, v13;
	[tilespmem:s19+$0xFFFFFFF0] =	vst v38;
	v25 =	vld.idx.msk [tilespmem:v39+s12+$0x0], $0xffff  }
0x78: {  	v45 =	vor.u32 v1, v17;
	[tilespmem:s19+$0x70] =	vst v40;
	v46 =	vld.idx.msk [tilespmem:v42+s12+$0x0], $0xffff  }
0x79: {  	v48 =	vor.u32 v1, v16;
	v57 =	vld.idx.msk [tilespmem:v49+s12+$0x0], $0xffff;
	[tilespmem:s18+$0xC0] =	vst v41  }
0x7a: {  	v50 =	vor.u32 v4, v8;
	v53 =	vld.idx.msk [tilespmem:v47+s12+$0x0], $0xffff;
	[tilespmem:s18+$0xFFFFFFC0] =	vst v24  }
0x7b: {  	v56 =	vor.u32 v2, v14;
	v43 =	vld.idx.msk [tilespmem:v36+s12+$0x0], $0xffff;
	[tilespmem:s19+$0xFFFFFF70] =	vst v12  }
0x7c: {  	v62 =	vor.u32 v5, v10;
	v18 =	vld.idx.msk [tilespmem:v44+s12+$0x0], $0xffff;
	[tilespmem:s29+$0x80] =	vst v25  }
0x7d: {  	v60 =	vor.u32 v2, v11;
	v52 =	vld.idx.msk [tilespmem:v45+s12+$0x0], $0xffff;
	[tilespmem:s29+$0x0] =	vst v46  }
0x7e: {  	v54 =	vor.u32 v2, v17;
	[tilespmem:s29+$0xFFFFFF10] =	vst v57;
	v55 =	vld.idx.msk [tilespmem:v48+s12+$0x0], $0xffff  }
0x7f: {  	v58 =	vor.u32 v2, v16;
	v59 =	vld.idx.msk [tilespmem:v50+s12+$0x0], $0xffff;
	[tilespmem:s29+$0xFFFFFF90] =	vst v53  }
0x80: {  	v33 =	vor.u32 v5, v8;
	[tilespmem:s18+$0x40] =	vst v43;
	v15 =	vld.idx.msk [tilespmem:v56+s12+$0x0], $0xffff  }
0x81: {  	v61 =	vor.u32 v6, v13;
	v20 =	vld.idx.msk [tilespmem:v62+s12+$0x0], $0xffff;
	[tilespmem:s18+$0xD0] =	vst v18  }
0x82: {  	v29 =	vor.u32 v3, v14;
	v18 =	vld.idx.msk [tilespmem:v60+s12+$0x0], $0xffff;
	[tilespmem:s29+$0x90] =	vst v52  }
0x83: {  	v32 =	vor.u32 v3, v11;
	v63 =	vld.idx.msk [tilespmem:v54+s12+$0x0], $0xffff;
	[tilespmem:s29+$0x10] =	vst v55  }
0x84: {  	v28 =	vor.u32 v3, v17;
	[tilespmem:s18+$0xFFFFFF40] =	vst v59;
	v19 =	vld.idx.msk [tilespmem:v58+s12+$0x0], $0xffff  }
0x85: {  	v30 =	vor.u32 v3, v16;
	v41 =	vld.idx.msk [tilespmem:v33+s12+$0x0], $0xffff;
	[tilespmem:s29+$0xFFFFFFA0] =	vst v15  }
0x86: {  	v51 =	vor.u32 v5, v9;
	v31 =	vld.idx.msk [tilespmem:v61+s12+$0x0], $0xffff;
	[tilespmem:s18+$0x50] =	vst v20  }
0x87: {  	v34 =	vor.u32 v7, v13;
	v12 =	vld.idx.msk [tilespmem:v29+s12+$0x0], $0xffff;
	[tilespmem:s29+$0xFFFFFF20] =	vst v18  }
0x88: {  	v38 =	vor.u32 v4, v14;
	v39 =	vld.idx.msk [tilespmem:v32+s12+$0x0], $0xffff;
	[tilespmem:s29+$0xA0] =	vst v63  }
0x89: {  	v42 =	vor.u32 v4, v11;
	v35 =	vld.idx.msk [tilespmem:v28+s12+$0x0], $0xffff;
	[tilespmem:s29+$0x20] =	vst v19  }
0x8a: {  	v36 =	vor.u32 v4, v17;
	[tilespmem:s18+$0xFFFFFF50] =	vst v41;
	v37 =	vld.idx.msk [tilespmem:v30+s12+$0x0], $0xffff  }
0x8b: {  	v40 =	vor.u32 v4, v16;
	v25 =	vld.idx.msk [tilespmem:v51+s12+$0x0], $0xffff;
	[tilespmem:s18+$0xE0] =	vst v31  }
0x8c: {  	v44 =	vor.u32 v6, v10;
	v13 =	vld.idx.msk [tilespmem:v34+s12+$0x0], $0xffff;
	[tilespmem:s29+$0xFFFFFFB0] =	vst v12  }
0x8d: {  	v43 =	vor.u32 v6, v9;
	v18 =	vld.idx.msk [tilespmem:v38+s12+$0x0], $0xffff;
	[tilespmem:s29+$0xFFFFFF30] =	vst v39  }
0x8e: {  	v47 =	vor.u32 v5, v14;
	v20 =	vld.idx.msk [tilespmem:v42+s12+$0x0], $0xffff;
	[tilespmem:s29+$0xB0] =	vst v35  }
0x8f: {  	v50 =	vor.u32 v5, v11;
	v45 =	vld.idx.msk [tilespmem:v36+s12+$0x0], $0xffff;
	[tilespmem:s29+$0x30] =	vst v37  }
0x90: {  	v46 =	vor.u32 v5, v17;
	[tilespmem:s18+$0xFFFFFFD0] =	vst v25;
	v21 =	vld.idx.msk [tilespmem:v40+s12+$0x0], $0xffff  }
0x91: {  	v48 =	vor.u32 v5, v16;
	v15 =	vld.idx.msk [tilespmem:v44+s12+$0x0], $0xffff;
	[tilespmem:s18+$0xF0] =	vst v13  }
0x92: {  	v51 =	vor.u32 v6, v8;
	v49 =	vld.idx.msk [tilespmem:v43+s12+$0x0], $0xffff;
	[tilespmem:s29+$0xFFFFFFC0] =	vst v18  }
0x93: {  	v52 =	vor.u32 v7, v9;
	v18 =	vld.idx.msk [tilespmem:v47+s12+$0x0], $0xffff;
	[tilespmem:s29+$0xFFFFFF40] =	vst v20  }
0x94: {  	v54 =	vor.u32 v6, v14;
	v13 =	vld.idx.msk [tilespmem:v50+s12+$0x0], $0xffff;
	[tilespmem:s29+$0xC0] =	vst v45  }
0x95: {  	v57 =	vor.u32 v6, v11;
	v12 =	vld.idx.msk [tilespmem:v46+s12+$0x0], $0xffff;
	[tilespmem:s29+$0x40] =	vst v21  }
0x96: {  	v53 =	vor.u32 v6, v17;
	[tilespmem:s18+$0x60] =	vst v15;
	v21 =	vld.idx.msk [tilespmem:v48+s12+$0x0], $0xffff  }
0x97: {  	v56 =	vld.idx.msk [tilespmem:v51+s12+$0x0], $0xffff;
	v55 =	vor.u32 v6, v16;
	[tilespmem:s18+$0xFFFFFFE0] =	vst v49  }
0x98: {  	v8 =	vor.u32 v7, v8;
	v9 =	vld.idx.msk [tilespmem:v52+s12+$0x0], $0xffff;
	[tilespmem:s29+$0xFFFFFFD0] =	vst v18  }
0x99: {  	v58 =	vor.u32 v7, v10;
	v18 =	vld.idx.msk [tilespmem:v54+s12+$0x0], $0xffff;
	[tilespmem:s29+$0xFFFFFF50] =	vst v13  }
0x9a: {  	v60 =	vor.u32 v7, v14;
	v15 =	vld.idx.msk [tilespmem:v57+s12+$0x0], $0xffff;
	[tilespmem:s29+$0xD0] =	vst v12  }
0x9b: {  	v61 =	vor.u32 v7, v11;
	v12 =	vld.idx.msk [tilespmem:v53+s12+$0x0], $0xffff;
	[tilespmem:s29+$0x50] =	vst v21  }
0x9c: {  	v17 =	vor.u32 v7, v17;
	[tilespmem:s18+$0xFFFFFF60] =	vst v56;
	v59 =	vld.idx.msk [tilespmem:v55+s12+$0x0], $0xffff  }
0x9d: {  	v16 =	vor.u32 v7, v16;
	v8 =	vld.idx.msk [tilespmem:v8+s12+$0x0], $0xffff;
	[tilespmem:s18+$0xFFFFFFF0] =	vst v9  }
0x9e: {  	v10 =	vld.idx.msk [tilespmem:v58+s12+$0x0], $0xffff;
	[tilespmem:s29+$0xFFFFFFE0] =	vst v18  }
0x9f: {  	v63 =	vld.idx.msk [tilespmem:v60+s12+$0x0], $0xffff;
	[tilespmem:s29+$0xFFFFFF60] =	vst v15  }
0xa0: {  	v9 =	vld.idx.msk [tilespmem:v61+s12+$0x0], $0xffff;
	[tilespmem:s29+$0xE0] =	vst v12  }
0xa1: {  	v62 =	vld.idx.msk [tilespmem:v17+s12+$0x0], $0xffff;
	[tilespmem:s29+$0x60] =	vst v59  }
0xa2: {  	[tilespmem:s18+$0xFFFFFF70] =	vst v8;
	v13 =	vld.idx.msk [tilespmem:v16+s12+$0x0], $0xffff  }
0xa3: {  	[tilespmem:s18+$0x70] =	vst v10  }
0xa4: {  	s30 =	sshll.u32 s17, $0x11;
	[tilespmem:s29+$0xFFFFFFF0] =	vst v63  }
0xa5: {  	s18 =	sor.u32 s3, s30;
	[tilespmem:s29+$0xFFFFFF70] =	vst v9  }
0xa6: {  	s18 =	sshrl.u32 s18, $0x3;
	[tilespmem:s29+$0xF0] =	vst v62  }
0xa7: {  	s31 =	sadd.s32 s5, s18;
	[tilespmem:s29+$0x70] =	vst v13  }
0xa8: {  	[hbm4b:s31+s9] =	stream.strided.scatter [tilespmem:s14], [sflag:$0x2], $0x1000, s10, s9, $0x38;
	[tilespmem:$0x4C80] =	vst v63  }
0xa9: {  	s17 =	sadd.s32 $0x1, s17;
	_ =	swait.ge [sflag:s11], $0x1000  }
0xaa: {  	p0 =	sne.s32 s17, $0x19;
	[sflag:s11] =	ssyncset.done $0x0  }
.Ltmp1:
0xab: {  	s18 =	sadd.s32 s6, s18;
	[sflag:s11] =	ssyncadd.s32 $0xFFFFF000;
	(pc) =	sbr.rel @p0 .LBB2_2-.Ltmp1, $4  }
0xac: {  	[hbm4b:s18+s9] =	stream.strided.scatter [tilespmem:s15], [sflag:$0x2], $0x1000, s10, s9, $0x38;
	[tilespmem:$0x4C80] =	vst v63  }
0xad: {  	_ =	swait.ge [sflag:s11], $0x1000  }
0xae: {  	[sflag:s11] =	ssyncset.done $0x0  }
0xaf: {  	[sflag:s11] =	ssyncadd.s32 $0xFFFFF000  }
0xb0: {  	s16 =	sadd.s32 $0x1, s16  }
0xb1: {  	p0 =	sne.s32 s16, s8  }
.Ltmp2:
0xb2: {  	_ = 	snop;
	(pc) =	sbr.rel @p0 .LBB2_1-.Ltmp2, $1  }
0xb3: {  	_ =	sdelay $0x3  }
0xb4: {  	_ =	sfence.sel $0x180000  }
0xb5: {  	[bflag:$0x0] =	sbarrier.arrive $0xFFFF  }
0xb6: {  	p0 =	sne.s32 s0, $0x0;
	_ =	strace $0x9000005C  }
0xb7: {  	s0 =	sadd.s32 @!p0 $0x100000, s1;
	[bflag:$0x2] =	sbarrier.arrive $0xFFFF  }
0xb8: {  	[sflag:s0] =	ssyncadd.tile.s32 @!p0 $0x1;
	_ =	shalt  }
.Lfunc_end2:
_tile_overlayer_lowered:
.L_overlay_start_2:
0xb9: {  	(tag) =	ssettag $0x2  }
0xba: {  	s0 =	rddreg [dreg:$0x0];
	s2 =	stileid.u32  }
0xbb: {  	s1 =	rddreg [dreg:$0x1];
	p0 =	sne.s32 s2, $0x0  }
0xbc: {  	s3 =	rddreg [dreg:$0x2];
	[bflag:$0x3] =	sbarrier.arrive $0xFFFF;
	s2 =	simm.s32 @!p0 $0x1C02  }
0xbd: {  	[timem:s3], [sflag:s2] =	dma.local @!p0 [hbm:s0], s1  }
0xbe: {  	s0 =	simm.s32 @!p0 $0x2  }
0xbf: {  	_ =	swait.ge @!p0 [sflag:s0], s1  }
0xc0: {  	s1 =	ssub.s32 @!p0 $0x0, s1;
	[sflag:s0] =	ssyncset.done @!p0 $0x0  }
0xc1: {  	[sflag:s0] =	ssyncadd.s32 @!p0 s1  }
0xc2: {  	[bflag:$0x3] =	sbarrier.arrive $0xFFFF  }
0xc3: {  	_ =	shalt  }

</sc_bundles>
